<compile_context>
chip_gen: v7x
topology: tpu7x:2x2x1
jax: 0.10.2.dev20260603
libtpu: 0.0.44.dev20260713+nightly
codegen_flags: <defaults>
</compile_context>

<pallas_src>
import functools

import jax
import jax.numpy as jnp
from jax import lax
from jax.experimental import pallas as pl
from jax.experimental.pallas import tpu as pltpu
from jax.experimental.pallas import tpu_sc as plsc

NC, NS = 2, 16
NW = NC * NS
CHUNK = 128
BLK = 5000


def _npad(n):
    return ((n + 16 + NS * 8 - 1) // (NS * 8)) * (NS * 8)


def _sc_mesh():
    return plsc.VectorSubcoreMesh(
        core_axis_name="c", subcore_axis_name="s",
        num_cores=NC, num_subcores=NS)



def _make_propagate(npad, n_chunks, grp, colsplit):
    d = 64
    assert n_chunks % grp == 0
    rows_per_tile = npad // NS

    @functools.partial(
        pl.kernel,
        out_type=jax.ShapeDtypeStruct((npad, 2 * d), jnp.float32),
        mesh=_sc_mesh(),
        compiler_params=pltpu.CompilerParams(use_tc_tiling_on_sc=False),
        scratch_types=[
            pltpu.VMEM((n_chunks, CHUNK), jnp.int32),
            pltpu.VMEM((n_chunks, CHUNK), jnp.int32),
            pltpu.VMEM((grp, CHUNK, d), jnp.float32),
            pltpu.VMEM_SHARED((npad, d), jnp.float32),
            pltpu.SemaphoreType.DMA,
            pltpu.SemaphoreType.DMA,
        ],
    )
    def prop(y2_hbm, src_hbm, dst_hbm, zeros_hbm, out_hbm,
             src_v, dst_v, rows_v, acc, sem, ssem):
        c = lax.axis_index("c")
        s = lax.axis_index("s")
        base = s * rows_per_tile
        pltpu.sync_copy(zeros_hbm.at[pl.ds(base, rows_per_tile)],
                        acc.at[pl.ds(base, rows_per_tile)])
        if colsplit:
            pltpu.sync_copy(src_hbm.at[c, s], src_v)
            pltpu.sync_copy(dst_hbm.at[s], dst_v)
        else:
            wid = c * NS + s
            pltpu.sync_copy(src_hbm.at[wid], src_v)
            pltpu.sync_copy(dst_hbm.at[wid], dst_v)
        plsc.subcore_barrier()

        def body(g, carry):
            ch = g * grp
            descs = [
                pltpu.async_copy(y2_hbm.at[src_v.at[ch + b]], rows_v.at[b],
                                 sem)
                for b in range(grp)
            ]
            sdescs = []
            for b in range(grp):
                descs[b].wait()
                sdescs.append(pltpu.async_copy(
                    rows_v.at[b], acc.at[dst_v.at[ch + b]], ssem, add=True))
            for sd in sdescs:
                sd.wait()
            return carry

        lax.fori_loop(0, n_chunks // grp, body, 0)
        plsc.subcore_barrier()
        pltpu.sync_copy(acc.at[pl.ds(base, rows_per_tile)],
                        out_hbm.at[pl.ds(base, rows_per_tile),
                                   pl.ds(pl.multiple_of(c * d, d), d)])

    return prop


def _make_degree(npad, n_chunks):
    d = 16
    rows_per_tile = npad // NS

    @functools.partial(
        pl.kernel,
        out_type=jax.ShapeDtypeStruct((npad, 128), jnp.float32),
        mesh=_sc_mesh(),
        compiler_params=pltpu.CompilerParams(use_tc_tiling_on_sc=False),
        scratch_types=[
            pltpu.VMEM((n_chunks, CHUNK), jnp.int32),
            pltpu.VMEM((CHUNK, d), jnp.float32),
            pltpu.VMEM_SHARED((npad, d), jnp.float32),
            pltpu.SemaphoreType.DMA,
        ],
    )
    def degk(dst_hbm, ones_hbm, zeros_hbm, out_hbm, dst_v, ones_v, acc, ssem):
        c = lax.axis_index("c")
        s = lax.axis_index("s")
        wid = c * NS + s
        base = s * rows_per_tile
        pltpu.sync_copy(zeros_hbm.at[pl.ds(base, rows_per_tile)],
                        acc.at[pl.ds(base, rows_per_tile)])
        pltpu.sync_copy(dst_hbm.at[wid], dst_v)
        pltpu.sync_copy(ones_hbm, ones_v)
        plsc.subcore_barrier()

        def body(g, carry):
            ch = g * 8
            sdescs = [
                pltpu.async_copy(ones_v, acc.at[dst_v.at[ch + b]], ssem,
                                 add=True)
                for b in range(8)
            ]
            for sd in sdescs:
                sd.wait()
            return carry

        lax.fori_loop(0, n_chunks // 8, body, 0)
        plsc.subcore_barrier()
        pltpu.sync_copy(acc.at[pl.ds(base, rows_per_tile)],
                        out_hbm.at[pl.ds(base, rows_per_tile),
                                   pl.ds(pl.multiple_of(c * 64, 64), d)])

    return degk



def _make_idx_body(n, e, cap, nw, nch):
    pad = cap - e

    def body(ei_ref, srco_ref, src2_ref, dstp_ref):
        ei = ei_ref[...]
        pad_i = lax.broadcasted_iota(jnp.int32, (pad,), 0)
        srcf = jnp.concatenate([ei[0], pad_i % n])
        dstf = jnp.concatenate([ei[1], n + (pad_i % 16)])
        so = 2 * srcf + 1
        srco_ref[...] = so.reshape(nw, nch, CHUNK)
        src2_ref[...] = jnp.stack([
            (2 * srcf).reshape(NS, 2 * nch, CHUNK),
            so.reshape(NS, 2 * nch, CHUNK),
        ])
        dstp_ref[...] = dstf.reshape(nw, nch, CHUNK)

    return body


def _tca_body(x_ref, w_ref, degpk_ref, y0_ref, ys_ref, dinv_ref):
    xw = jnp.dot(x_ref[...], w_ref[...], preferred_element_type=jnp.float32)
    deg = degpk_ref[...][:, 0:1] + degpk_ref[...][:, 64:65] + 1.0
    dc = 1.0 / jnp.sqrt(deg)
    y0_ref[...] = xw[:, 0:64]
    ys_ref[...] = xw[:, 64:192] * dc
    dinv_ref[...] = jnp.broadcast_to(dc, (dc.shape[0], 16))


def _tcc_body(scpk_ref, zz_ref, y0_ref, dinv_ref, b1_ref, w2_ref, hvp_ref):
    dc = dinv_ref[...][:, 0:1]
    zz = zz_ref[...]
    pp = (scpk_ref[...][:, 0:64] + scpk_ref[...][:, 64:128]
          + zz[:, 64:128]) * dc
    h = jnp.concatenate([y0_ref[...], zz[:, 0:64], pp], axis=1)
    h = jnp.maximum(h + b1_ref[...], 0.0)
    hw = jnp.dot(h, w2_ref[...], preferred_element_type=jnp.float32)
    zpad = jnp.zeros((hw.shape[0], 24), jnp.float32)
    hvp_ref[...] = jnp.concatenate(
        [hw[:, 0:40], zpad, hw[:, 40:80] * dc, zpad], axis=1)


def _tcd_body(sdpk_ref, hvp_ref, dinv_ref, b2_ref, out_ref):
    dc = dinv_ref[...][:, 0:1]
    hvp = hvp_ref[...]
    pv = (sdpk_ref[...][:, 0:40] + sdpk_ref[...][:, 64:104]
          + hvp[:, 64:104]) * dc
    logits = jnp.concatenate([hvp[:, 0:40], pv], axis=1) + b2_ref[...]
    m = jnp.max(logits, axis=1, keepdims=True)
    e = jnp.exp(logits - m)
    lse = jnp.log(jnp.sum(e, axis=1, keepdims=True))
    out_ref[...] = logits - m - lse


def _row_spec(d):
    return pl.BlockSpec((BLK, d), lambda i: (i, 0))


def _full_spec(r, c):
    return pl.BlockSpec((r, c), lambda i: (0, 0))


def _sds(r, c):
    return jax.ShapeDtypeStruct((r, c), jnp.float32)



def kernel(x, edge_index, W1_0, W1_1, W1_2, b1, W2_0, W2_1, b2):
    n = x.shape[0]
    e = edge_index.shape[1]
    npad = _npad(n)
    grid = (n + BLK - 1) // BLK

    ei32 = edge_index.astype(jnp.int32)
    per_tile = -(-e // NW)
    n_chunks = -(-per_tile // CHUNK)
    n_chunks = -(-n_chunks // 8) * 8
    cap = NW * n_chunks * CHUNK
    nch16 = 2 * n_chunks

    src_o32, src2, dst_p = pl.pallas_call(
        _make_idx_body(n, e, cap, NW, n_chunks),
        grid=(1,),
        in_specs=[_full_spec(2, e)],
        out_specs=[
            pl.BlockSpec((NW, n_chunks, CHUNK), lambda i: (0, 0, 0)),
            pl.BlockSpec((2, NS, nch16, CHUNK), lambda i: (0, 0, 0, 0)),
            pl.BlockSpec((NW, n_chunks, CHUNK), lambda i: (0, 0, 0)),
        ],
        out_shape=[
            jax.ShapeDtypeStruct((NW, n_chunks, CHUNK), jnp.int32),
            jax.ShapeDtypeStruct((2, NS, nch16, CHUNK), jnp.int32),
            jax.ShapeDtypeStruct((NW, n_chunks, CHUNK), jnp.int32),
        ],
    )(ei32)
    dst16 = dst_p.reshape(NS, nch16, CHUNK)

    ones16 = jnp.ones((CHUNK, 16), jnp.float32)
    zeros64 = jnp.zeros((npad, 64), jnp.float32)
    zeros16 = jnp.zeros((npad, 16), jnp.float32)

    w1cat = jnp.concatenate([W1_0, W1_1, W1_2], axis=1)
    w2cat = jnp.concatenate([W2_0, W2_1], axis=1)
    b1r = b1.reshape(1, -1)
    b2r = b2.reshape(1, -1)

    degpk = _make_degree(npad, n_chunks)(dst_p, ones16, zeros16)

    y0, ys, dinv16 = pl.pallas_call(
        _tca_body,
        grid=(grid,),
        in_specs=[_row_spec(128), _full_spec(128, 192), _row_spec(128)],
        out_specs=[_row_spec(64), _row_spec(128), _row_spec(16)],
        out_shape=[_sds(n, 64), _sds(n, 128), _sds(n, 16)],
    )(x, w1cat, degpk)
    ysv = ys.reshape(2 * n, 64)

    sb = _make_propagate(npad, nch16, 5, True)(ysv, src2, dst16, zeros64)

    dc = dinv16[:, 0:1]
    zz = jnp.concatenate([
        (sb[:n, 0:64] + ys[:, 0:64]) * dc,
        (sb[:n, 64:128] + ys[:, 64:128]) * (dc * dc),
    ], axis=1)

    scpk = _make_propagate(npad, n_chunks, 8, False)(
        zz.reshape(2 * n, 64), src_o32, dst_p, zeros64)

    hvp = pl.pallas_call(
        _tcc_body,
        grid=(grid,),
        in_specs=[_row_spec(128), _row_spec(128), _row_spec(64), _row_spec(16),
                  _full_spec(1, 192), _full_spec(192, 80)],
        out_specs=_row_spec(128),
        out_shape=_sds(n, 128),
    )(scpk, zz, y0, dinv16, b1r, w2cat)

    sdpk = _make_propagate(npad, n_chunks, 8, False)(
        hvp.reshape(2 * n, 64), src_o32, dst_p, zeros64)

    out = pl.pallas_call(
        _tcd_body,
        grid=(grid,),
        in_specs=[_row_spec(128), _row_spec(128), _row_spec(16),
                  _full_spec(1, 80)],
        out_specs=_row_spec(80),
        out_shape=_sds(n, 80),
    )(sdpk, hvp, dinv16, b2r)

    return out

# --- scband reference (transcript-rebuilt; emitter-appended) ---
"""Pipeline reference for scband-mix-hop-net-84507776516697 (READ-ONLY COPY).

The authoritative reference and input builder live on the scoring server;
editing this copy changes nothing except your own understanding.
"""

import jax, jax.numpy as jnp
import numpy as np

N_NODES = 10000
N_EDGES = 320000
D_FEAT = 128
HIDDEN = 64
N_CLASSES = 40


def setup_inputs(seed: int = 0) -> dict:
    key = jax.random.key(seed)
    ks = jax.random.split(key, 10)
    x = jax.random.normal(ks[0], (N_NODES, D_FEAT), dtype=jnp.float32)
    edge_index = jax.random.randint(ks[1], (2, N_EDGES), 0, N_NODES, dtype=jnp.int64)
    s1 = 1.0 / np.sqrt(D_FEAT)
    W1_0 = jax.random.uniform(ks[2], (D_FEAT, HIDDEN), jnp.float32, -s1, s1)
    W1_1 = jax.random.uniform(ks[3], (D_FEAT, HIDDEN), jnp.float32, -s1, s1)
    W1_2 = jax.random.uniform(ks[4], (D_FEAT, HIDDEN), jnp.float32, -s1, s1)
    b1 = jnp.zeros((3 * HIDDEN,), jnp.float32)
    s2 = 1.0 / np.sqrt(3 * HIDDEN)
    W2_0 = jax.random.uniform(ks[5], (3 * HIDDEN, N_CLASSES), jnp.float32, -s2, s2)
    W2_1 = jax.random.uniform(ks[6], (3 * HIDDEN, N_CLASSES), jnp.float32, -s2, s2)
    b2 = jnp.zeros((2 * N_CLASSES,), jnp.float32)
    return {"x": x, "edge_index": edge_index, "W1_0": W1_0, "W1_1": W1_1, "W1_2": W1_2, "b1": b1, "W2_0": W2_0, "W2_1": W2_1, "b2": b2}


def _gcn_norm(src, dst, num_nodes):
    loop = jnp.arange(num_nodes, dtype=src.dtype)
    src = jnp.concatenate([src, loop])
    dst = jnp.concatenate([dst, loop])
    ew = jnp.ones(src.shape[0], dtype=jnp.float32)
    deg = jnp.zeros((num_nodes,), jnp.float32).at[dst].add(ew)
    dinv = jnp.where(deg > 0.0, 1.0 / jnp.sqrt(deg), 0.0)
    norm = dinv[src] * ew * dinv[dst]
    return src, dst, norm


def _propagate(x, src, dst, norm, num_nodes):
    msgs = norm[:, None] * x[src]
    return jnp.zeros((num_nodes, x.shape[1]), x.dtype).at[dst].add(msgs)


def _mixhop(x, src, dst, norm, Ws, bias, num_nodes):
    outs = [x @ Ws[0]]
    h = x
    for W in Ws[1:]:
        h = _propagate(h, src, dst, norm, num_nodes)
        outs.append(h @ W)
    return jnp.concatenate(outs, axis=-1) + bias


def reference(x, edge_index, W1_0, W1_1, W1_2, b1, W2_0, W2_1, b2):
    num_nodes = x.shape[0]
    src, dst, norm = _gcn_norm(edge_index[0], edge_index[1], num_nodes)
    h = _mixhop(x, src, dst, norm, [W1_0, W1_1, W1_2], b1, num_nodes)
    h = jax.nn.relu(h)
    # dropout is identity in eval mode
    h = _mixhop(h, src, dst, norm, [W2_0, W2_1], b2, num_nodes)
    return jax.nn.log_softmax(h, axis=1)

if __name__ == "__main__":
    import jax
    _d = setup_inputs()
    print(jax.jit(kernel)(*tuple(_d.values())))

</pallas_src>

<mosaic_0001>
#map = affine_map<(d0, d1) -> (0, 0)>
#map1 = affine_map<(d0, d1) -> (0, 0, 0)>
module attributes {stable_mosaic.version = 14 : i64} {
  func.func @prop(%arg0: i32, %arg1: i32, %arg2: memref<20000x64xf32, #tpu.memory_space<hbm>>, %arg3: memref<32x80x128xi32, #tpu.memory_space<hbm>>, %arg4: memref<32x80x128xi32, #tpu.memory_space<hbm>>, %arg5: memref<10112x64xf32, #tpu.memory_space<hbm>>, %arg6: memref<10112x128xf32, #tpu.memory_space<hbm>>, %arg7: memref<80x128xi32, #tpu.memory_space<vmem>>, %arg8: memref<80x128xi32, #tpu.memory_space<vmem>>, %arg9: memref<8x128x64xf32, #tpu.memory_space<vmem>>, %arg10: memref<10112x64xf32, #tpu.memory_space<vmem_shared>>, %arg11: memref<!tpu.dma_semaphore, #tpu.memory_space<semaphore_mem>>, %arg12: memref<!tpu.dma_semaphore, #tpu.memory_space<semaphore_mem>>) attributes {dimension_semantics = [#tpu.dimension_semantics<core_parallel>, #tpu.dimension_semantics<subcore_parallel>], iteration_bounds = array<i64: 2, 16>, scalar_prefetch = 0 : i64, scratch_operands = 6 : i64, tpu.core_type = #tpu.core_type<sc_vector_subcore>, window_params = [{transform_indices = #map}, {transform_indices = #map1}, {transform_indices = #map1}, {transform_indices = #map}, {transform_indices = #map}]} {
    %mul3A = arith.constant 632 : i32
    %mul3A_0 = arith.muli %arg1, %mul3A : i32
    "tpu.region"() ({
      %run_scoped3A = tpu.sem_alloc : memref<!tpu.dma_semaphore, #tpu.memory_space<semaphore_mem>>
      %dma_start3A = arith.constant 0 : i32
      %dma_start3A_11 = tpu.memref_slice %arg10[%mul3A_0, %dma_start3A] : memref<10112x64xf32, #tpu.memory_space<vmem_shared>> -> memref<632x64xf32, #tpu.memory_space<vmem_shared>>
      %dma_start3A_12 = arith.constant 0 : i32
      %dma_start3A_13 = tpu.memref_slice %arg5[%mul3A_0, %dma_start3A_12] : memref<10112x64xf32, #tpu.memory_space<hbm>> -> memref<632x64xf32, #tpu.memory_space<hbm>>
      tpu.enqueue_dma source(%dma_start3A_13 : memref<632x64xf32, #tpu.memory_space<hbm>>) target(%dma_start3A_11 : memref<632x64xf32, #tpu.memory_space<vmem_shared>>) target_semaphore(%run_scoped3A : memref<!tpu.dma_semaphore, #tpu.memory_space<semaphore_mem>>)
      %dma_wait3A = arith.constant 0 : i32
      %dma_wait3A_14 = tpu.memref_slice %arg10[%mul3A_0, %dma_wait3A] : memref<10112x64xf32, #tpu.memory_space<vmem_shared>> -> memref<632x64xf32, #tpu.memory_space<vmem_shared>>
      %dma_wait3A_15 = arith.constant 0 : i32
      %dma_wait3A_16 = tpu.memref_slice %arg5[%mul3A_0, %dma_wait3A_15] : memref<10112x64xf32, #tpu.memory_space<hbm>> -> memref<632x64xf32, #tpu.memory_space<hbm>>
      tpu.wait_dma2 semaphore(%run_scoped3A : memref<!tpu.dma_semaphore, #tpu.memory_space<semaphore_mem>>) src(%dma_wait3A_16 : memref<632x64xf32, #tpu.memory_space<hbm>>) dst(%dma_wait3A_14 : memref<632x64xf32, #tpu.memory_space<vmem_shared>>)
      tpu.yield
    }) : () -> ()
    %mul3A_1 = arith.constant 16 : i32
    %mul3A_2 = arith.muli %arg0, %mul3A_1 : i32
    %add3A = arith.addi %mul3A_2, %arg1 : i32
    "tpu.region"() ({
      %run_scoped3A = tpu.sem_alloc : memref<!tpu.dma_semaphore, #tpu.memory_space<semaphore_mem>>
      %dma_start3A = arith.constant 0 : i32
      %dma_start3A_11 = arith.constant 0 : i32
      %dma_start3A_12 = tpu.memref_slice %arg3[%add3A, %dma_start3A, %dma_start3A_11] : memref<32x80x128xi32, #tpu.memory_space<hbm>> -> memref<1x80x128xi32, #tpu.memory_space<hbm>>
      %dma_start3A_13 = tpu.memref_squeeze %dma_start3A_12 : memref<1x80x128xi32, #tpu.memory_space<hbm>> -> memref<80x128xi32, #tpu.memory_space<hbm>>
      %dma_start3A_14 = arith.constant 0 : i32
      %dma_start3A_15 = arith.constant 0 : i32
      %dma_start3A_16 = tpu.memref_slice %arg3[%add3A, %dma_start3A_14, %dma_start3A_15] : memref<32x80x128xi32, #tpu.memory_space<hbm>> -> memref<1x80x128xi32, #tpu.memory_space<hbm>>
      %dma_start3A_17 = tpu.memref_squeeze %dma_start3A_16 : memref<1x80x128xi32, #tpu.memory_space<hbm>> -> memref<80x128xi32, #tpu.memory_space<hbm>>
      tpu.enqueue_dma source(%dma_start3A_17 : memref<80x128xi32, #tpu.memory_space<hbm>>) target(%arg7 : memref<80x128xi32, #tpu.memory_space<vmem>>) target_semaphore(%run_scoped3A : memref<!tpu.dma_semaphore, #tpu.memory_space<semaphore_mem>>)
      %dma_wait3A = arith.constant 0 : i32
      %dma_wait3A_18 = arith.constant 0 : i32
      %dma_wait3A_19 = tpu.memref_slice %arg3[%add3A, %dma_wait3A, %dma_wait3A_18] : memref<32x80x128xi32, #tpu.memory_space<hbm>> -> memref<1x80x128xi32, #tpu.memory_space<hbm>>
      %dma_wait3A_20 = tpu.memref_squeeze %dma_wait3A_19 : memref<1x80x128xi32, #tpu.memory_space<hbm>> -> memref<80x128xi32, #tpu.memory_space<hbm>>
      %dma_wait3A_21 = arith.constant 0 : i32
      %dma_wait3A_22 = arith.constant 0 : i32
      %dma_wait3A_23 = tpu.memref_slice %arg3[%add3A, %dma_wait3A_21, %dma_wait3A_22] : memref<32x80x128xi32, #tpu.memory_space<hbm>> -> memref<1x80x128xi32, #tpu.memory_space<hbm>>
      %dma_wait3A_24 = tpu.memref_squeeze %dma_wait3A_23 : memref<1x80x128xi32, #tpu.memory_space<hbm>> -> memref<80x128xi32, #tpu.memory_space<hbm>>
      tpu.wait_dma2 semaphore(%run_scoped3A : memref<!tpu.dma_semaphore, #tpu.memory_space<semaphore_mem>>) src(%dma_wait3A_24 : memref<80x128xi32, #tpu.memory_space<hbm>>) dst(%arg7 : memref<80x128xi32, #tpu.memory_space<vmem>>)
      tpu.yield
    }) : () -> ()
    "tpu.region"() ({
      %run_scoped3A = tpu.sem_alloc : memref<!tpu.dma_semaphore, #tpu.memory_space<semaphore_mem>>
      %dma_start3A = arith.constant 0 : i32
      %dma_start3A_11 = arith.constant 0 : i32
      %dma_start3A_12 = tpu.memref_slice %arg4[%add3A, %dma_start3A, %dma_start3A_11] : memref<32x80x128xi32, #tpu.memory_space<hbm>> -> memref<1x80x128xi32, #tpu.memory_space<hbm>>
      %dma_start3A_13 = tpu.memref_squeeze %dma_start3A_12 : memref<1x80x128xi32, #tpu.memory_space<hbm>> -> memref<80x128xi32, #tpu.memory_space<hbm>>
      %dma_start3A_14 = arith.constant 0 : i32
      %dma_start3A_15 = arith.constant 0 : i32
      %dma_start3A_16 = tpu.memref_slice %arg4[%add3A, %dma_start3A_14, %dma_start3A_15] : memref<32x80x128xi32, #tpu.memory_space<hbm>> -> memref<1x80x128xi32, #tpu.memory_space<hbm>>
      %dma_start3A_17 = tpu.memref_squeeze %dma_start3A_16 : memref<1x80x128xi32, #tpu.memory_space<hbm>> -> memref<80x128xi32, #tpu.memory_space<hbm>>
      tpu.enqueue_dma source(%dma_start3A_17 : memref<80x128xi32, #tpu.memory_space<hbm>>) target(%arg8 : memref<80x128xi32, #tpu.memory_space<vmem>>) target_semaphore(%run_scoped3A : memref<!tpu.dma_semaphore, #tpu.memory_space<semaphore_mem>>)
      %dma_wait3A = arith.constant 0 : i32
      %dma_wait3A_18 = arith.constant 0 : i32
      %dma_wait3A_19 = tpu.memref_slice %arg4[%add3A, %dma_wait3A, %dma_wait3A_18] : memref<32x80x128xi32, #tpu.memory_space<hbm>> -> memref<1x80x128xi32, #tpu.memory_space<hbm>>
      %dma_wait3A_20 = tpu.memref_squeeze %dma_wait3A_19 : memref<1x80x128xi32, #tpu.memory_space<hbm>> -> memref<80x128xi32, #tpu.memory_space<hbm>>
      %dma_wait3A_21 = arith.constant 0 : i32
      %dma_wait3A_22 = arith.constant 0 : i32
      %dma_wait3A_23 = tpu.memref_slice %arg4[%add3A, %dma_wait3A_21, %dma_wait3A_22] : memref<32x80x128xi32, #tpu.memory_space<hbm>> -> memref<1x80x128xi32, #tpu.memory_space<hbm>>
      %dma_wait3A_24 = tpu.memref_squeeze %dma_wait3A_23 : memref<1x80x128xi32, #tpu.memory_space<hbm>> -> memref<80x128xi32, #tpu.memory_space<hbm>>
      tpu.wait_dma2 semaphore(%run_scoped3A : memref<!tpu.dma_semaphore, #tpu.memory_space<semaphore_mem>>) src(%dma_wait3A_24 : memref<80x128xi32, #tpu.memory_space<hbm>>) dst(%arg8 : memref<80x128xi32, #tpu.memory_space<vmem>>)
      tpu.yield
    }) : () -> ()
    %barrier3A = arith.constant 0 : index
    tpu.barrier barrier_id(%barrier3A)
    %scan3A = arith.constant 0 : i32
    %scan3A_3 = arith.constant 0 : i32
    %scan3A_4 = arith.constant 10 : i32
    %scan3A_5 = arith.addi %scan3A_3, %scan3A_4 : i32
    %scan3A_6 = arith.constant 1 : i32
    scf.for %scan3A_11 = %scan3A_3 to %scan3A_5 step %scan3A_6  : i32 {
      %mul3A_12 = arith.constant 8 : i32
      %mul3A_13 = arith.muli %scan3A_11, %mul3A_12 : i32
      %add3A_14 = arith.constant 0 : i32
      %add3A_15 = arith.addi %mul3A_13, %add3A_14 : i32
      %dma_start3A = arith.constant 0 : i32
      %dma_start3A_16 = arith.constant 0 : i32
      %dma_start3A_17 = arith.constant 0 : i32
      %dma_start3A_18 = tpu.memref_slice %arg9[%dma_start3A, %dma_start3A_16, %dma_start3A_17] : memref<8x128x64xf32, #tpu.memory_space<vmem>> -> memref<1x128x64xf32, #tpu.memory_space<vmem>>
      %dma_start3A_19 = tpu.memref_squeeze %dma_start3A_18 : memref<1x128x64xf32, #tpu.memory_space<vmem>> -> memref<128x64xf32, #tpu.memory_space<vmem>>
      %dma_start3A_20 = arith.constant 0 : i32
      %dma_start3A_21 = tpu.memref_slice %arg7[%add3A_15, %dma_start3A_20] : memref<80x128xi32, #tpu.memory_space<vmem>> -> memref<1x128xi32, #tpu.memory_space<vmem>>
      %dma_start3A_22 = tpu.memref_squeeze %dma_start3A_21 : memref<1x128xi32, #tpu.memory_space<vmem>> -> memref<128xi32, #tpu.memory_space<vmem>>
      %dma_start3A_23 = arith.constant 0 : i32
      %dma_start3A_24 = arith.constant 0 : i32
      %dma_start3A_25 = tpu.memref_slice %arg2[%dma_start3A_23, %dma_start3A_24] : memref<20000x64xf32, #tpu.memory_space<hbm>> -> memref<20000x64xf32, #tpu.memory_space<hbm>>
      tpu.enqueue_indirect_dma source(%dma_start3A_25 : memref<20000x64xf32, #tpu.memory_space<hbm>>) target(%dma_start3A_19 : memref<128x64xf32, #tpu.memory_space<vmem>>) offsets(%dma_start3A_22 : memref<128xi32, #tpu.memory_space<vmem>>) semaphore(%arg11 : memref<!tpu.dma_semaphore, #tpu.memory_space<semaphore_mem>>)
      %add3A_26 = arith.constant 1 : i32
      %add3A_27 = arith.addi %mul3A_13, %add3A_26 : i32
      %dma_start3A_28 = arith.constant 1 : i32
      %dma_start3A_29 = arith.constant 0 : i32
      %dma_start3A_30 = arith.constant 0 : i32
      %dma_start3A_31 = tpu.memref_slice %arg9[%dma_start3A_28, %dma_start3A_29, %dma_start3A_30] : memref<8x128x64xf32, #tpu.memory_space<vmem>> -> memref<1x128x64xf32, #tpu.memory_space<vmem>>
      %dma_start3A_32 = tpu.memref_squeeze %dma_start3A_31 : memref<1x128x64xf32, #tpu.memory_space<vmem>> -> memref<128x64xf32, #tpu.memory_space<vmem>>
      %dma_start3A_33 = arith.constant 0 : i32
      %dma_start3A_34 = tpu.memref_slice %arg7[%add3A_27, %dma_start3A_33] : memref<80x128xi32, #tpu.memory_space<vmem>> -> memref<1x128xi32, #tpu.memory_space<vmem>>
      %dma_start3A_35 = tpu.memref_squeeze %dma_start3A_34 : memref<1x128xi32, #tpu.memory_space<vmem>> -> memref<128xi32, #tpu.memory_space<vmem>>
      %dma_start3A_36 = arith.constant 0 : i32
      %dma_start3A_37 = arith.constant 0 : i32
      %dma_start3A_38 = tpu.memref_slice %arg2[%dma_start3A_36, %dma_start3A_37] : memref<20000x64xf32, #tpu.memory_space<hbm>> -> memref<20000x64xf32, #tpu.memory_space<hbm>>
      tpu.enqueue_indirect_dma source(%dma_start3A_38 : memref<20000x64xf32, #tpu.memory_space<hbm>>) target(%dma_start3A_32 : memref<128x64xf32, #tpu.memory_space<vmem>>) offsets(%dma_start3A_35 : memref<128xi32, #tpu.memory_space<vmem>>) semaphore(%arg11 : memref<!tpu.dma_semaphore, #tpu.memory_space<semaphore_mem>>)
      %add3A_39 = arith.constant 2 : i32
      %add3A_40 = arith.addi %mul3A_13, %add3A_39 : i32
      %dma_start3A_41 = arith.constant 2 : i32
      %dma_start3A_42 = arith.constant 0 : i32
      %dma_start3A_43 = arith.constant 0 : i32
      %dma_start3A_44 = tpu.memref_slice %arg9[%dma_start3A_41, %dma_start3A_42, %dma_start3A_43] : memref<8x128x64xf32, #tpu.memory_space<vmem>> -> memref<1x128x64xf32, #tpu.memory_space<vmem>>
      %dma_start3A_45 = tpu.memref_squeeze %dma_start3A_44 : memref<1x128x64xf32, #tpu.memory_space<vmem>> -> memref<128x64xf32, #tpu.memory_space<vmem>>
      %dma_start3A_46 = arith.constant 0 : i32
      %dma_start3A_47 = tpu.memref_slice %arg7[%add3A_40, %dma_start3A_46] : memref<80x128xi32, #tpu.memory_space<vmem>> -> memref<1x128xi32, #tpu.memory_space<vmem>>
      %dma_start3A_48 = tpu.memref_squeeze %dma_start3A_47 : memref<1x128xi32, #tpu.memory_space<vmem>> -> memref<128xi32, #tpu.memory_space<vmem>>
      %dma_start3A_49 = arith.constant 0 : i32
      %dma_start3A_50 = arith.constant 0 : i32
      %dma_start3A_51 = tpu.memref_slice %arg2[%dma_start3A_49, %dma_start3A_50] : memref<20000x64xf32, #tpu.memory_space<hbm>> -> memref<20000x64xf32, #tpu.memory_space<hbm>>
      tpu.enqueue_indirect_dma source(%dma_start3A_51 : memref<20000x64xf32, #tpu.memory_space<hbm>>) target(%dma_start3A_45 : memref<128x64xf32, #tpu.memory_space<vmem>>) offsets(%dma_start3A_48 : memref<128xi32, #tpu.memory_space<vmem>>) semaphore(%arg11 : memref<!tpu.dma_semaphore, #tpu.memory_space<semaphore_mem>>)
      %add3A_52 = arith.constant 3 : i32
      %add3A_53 = arith.addi %mul3A_13, %add3A_52 : i32
      %dma_start3A_54 = arith.constant 3 : i32
      %dma_start3A_55 = arith.constant 0 : i32
      %dma_start3A_56 = arith.constant 0 : i32
      %dma_start3A_57 = tpu.memref_slice %arg9[%dma_start3A_54, %dma_start3A_55, %dma_start3A_56] : memref<8x128x64xf32, #tpu.memory_space<vmem>> -> memref<1x128x64xf32, #tpu.memory_space<vmem>>
      %dma_start3A_58 = tpu.memref_squeeze %dma_start3A_57 : memref<1x128x64xf32, #tpu.memory_space<vmem>> -> memref<128x64xf32, #tpu.memory_space<vmem>>
      %dma_start3A_59 = arith.constant 0 : i32
      %dma_start3A_60 = tpu.memref_slice %arg7[%add3A_53, %dma_start3A_59] : memref<80x128xi32, #tpu.memory_space<vmem>> -> memref<1x128xi32, #tpu.memory_space<vmem>>
      %dma_start3A_61 = tpu.memref_squeeze %dma_start3A_60 : memref<1x128xi32, #tpu.memory_space<vmem>> -> memref<128xi32, #tpu.memory_space<vmem>>
      %dma_start3A_62 = arith.constant 0 : i32
      %dma_start3A_63 = arith.constant 0 : i32
      %dma_start3A_64 = tpu.memref_slice %arg2[%dma_start3A_62, %dma_start3A_63] : memref<20000x64xf32, #tpu.memory_space<hbm>> -> memref<20000x64xf32, #tpu.memory_space<hbm>>
      tpu.enqueue_indirect_dma source(%dma_start3A_64 : memref<20000x64xf32, #tpu.memory_space<hbm>>) target(%dma_start3A_58 : memref<128x64xf32, #tpu.memory_space<vmem>>) offsets(%dma_start3A_61 : memref<128xi32, #tpu.memory_space<vmem>>) semaphore(%arg11 : memref<!tpu.dma_semaphore, #tpu.memory_space<semaphore_mem>>)
      %add3A_65 = arith.constant 4 : i32
      %add3A_66 = arith.addi %mul3A_13, %add3A_65 : i32
      %dma_start3A_67 = arith.constant 4 : i32
      %dma_start3A_68 = arith.constant 0 : i32
      %dma_start3A_69 = arith.constant 0 : i32
      %dma_start3A_70 = tpu.memref_slice %arg9[%dma_start3A_67, %dma_start3A_68, %dma_start3A_69] : memref<8x128x64xf32, #tpu.memory_space<vmem>> -> memref<1x128x64xf32, #tpu.memory_space<vmem>>
      %dma_start3A_71 = tpu.memref_squeeze %dma_start3A_70 : memref<1x128x64xf32, #tpu.memory_space<vmem>> -> memref<128x64xf32, #tpu.memory_space<vmem>>
      %dma_start3A_72 = arith.constant 0 : i32
      %dma_start3A_73 = tpu.memref_slice %arg7[%add3A_66, %dma_start3A_72] : memref<80x128xi32, #tpu.memory_space<vmem>> -> memref<1x128xi32, #tpu.memory_space<vmem>>
      %dma_start3A_74 = tpu.memref_squeeze %dma_start3A_73 : memref<1x128xi32, #tpu.memory_space<vmem>> -> memref<128xi32, #tpu.memory_space<vmem>>
      %dma_start3A_75 = arith.constant 0 : i32
      %dma_start3A_76 = arith.constant 0 : i32
      %dma_start3A_77 = tpu.memref_slice %arg2[%dma_start3A_75, %dma_start3A_76] : memref<20000x64xf32, #tpu.memory_space<hbm>> -> memref<20000x64xf32, #tpu.memory_space<hbm>>
      tpu.enqueue_indirect_dma source(%dma_start3A_77 : memref<20000x64xf32, #tpu.memory_space<hbm>>) target(%dma_start3A_71 : memref<128x64xf32, #tpu.memory_space<vmem>>) offsets(%dma_start3A_74 : memref<128xi32, #tpu.memory_space<vmem>>) semaphore(%arg11 : memref<!tpu.dma_semaphore, #tpu.memory_space<semaphore_mem>>)
      %add3A_78 = arith.constant 5 : i32
      %add3A_79 = arith.addi %mul3A_13, %add3A_78 : i32
      %dma_start3A_80 = arith.constant 5 : i32
      %dma_start3A_81 = arith.constant 0 : i32
      %dma_start3A_82 = arith.constant 0 : i32
      %dma_start3A_83 = tpu.memref_slice %arg9[%dma_start3A_80, %dma_start3A_81, %dma_start3A_82] : memref<8x128x64xf32, #tpu.memory_space<vmem>> -> memref<1x128x64xf32, #tpu.memory_space<vmem>>
      %dma_start3A_84 = tpu.memref_squeeze %dma_start3A_83 : memref<1x128x64xf32, #tpu.memory_space<vmem>> -> memref<128x64xf32, #tpu.memory_space<vmem>>
      %dma_start3A_85 = arith.constant 0 : i32
      %dma_start3A_86 = tpu.memref_slice %arg7[%add3A_79, %dma_start3A_85] : memref<80x128xi32, #tpu.memory_space<vmem>> -> memref<1x128xi32, #tpu.memory_space<vmem>>
      %dma_start3A_87 = tpu.memref_squeeze %dma_start3A_86 : memref<1x128xi32, #tpu.memory_space<vmem>> -> memref<128xi32, #tpu.memory_space<vmem>>
      %dma_start3A_88 = arith.constant 0 : i32
      %dma_start3A_89 = arith.constant 0 : i32
      %dma_start3A_90 = tpu.memref_slice %arg2[%dma_start3A_88, %dma_start3A_89] : memref<20000x64xf32, #tpu.memory_space<hbm>> -> memref<20000x64xf32, #tpu.memory_space<hbm>>
      tpu.enqueue_indirect_dma source(%dma_start3A_90 : memref<20000x64xf32, #tpu.memory_space<hbm>>) target(%dma_start3A_84 : memref<128x64xf32, #tpu.memory_space<vmem>>) offsets(%dma_start3A_87 : memref<128xi32, #tpu.memory_space<vmem>>) semaphore(%arg11 : memref<!tpu.dma_semaphore, #tpu.memory_space<semaphore_mem>>)
      %add3A_91 = arith.constant 6 : i32
      %add3A_92 = arith.addi %mul3A_13, %add3A_91 : i32
      %dma_start3A_93 = arith.constant 6 : i32
      %dma_start3A_94 = arith.constant 0 : i32
      %dma_start3A_95 = arith.constant 0 : i32
      %dma_start3A_96 = tpu.memref_slice %arg9[%dma_start3A_93, %dma_start3A_94, %dma_start3A_95] : memref<8x128x64xf32, #tpu.memory_space<vmem>> -> memref<1x128x64xf32, #tpu.memory_space<vmem>>
      %dma_start3A_97 = tpu.memref_squeeze %dma_start3A_96 : memref<1x128x64xf32, #tpu.memory_space<vmem>> -> memref<128x64xf32, #tpu.memory_space<vmem>>
      %dma_start3A_98 = arith.constant 0 : i32
      %dma_start3A_99 = tpu.memref_slice %arg7[%add3A_92, %dma_start3A_98] : memref<80x128xi32, #tpu.memory_space<vmem>> -> memref<1x128xi32, #tpu.memory_space<vmem>>
      %dma_start3A_100 = tpu.memref_squeeze %dma_start3A_99 : memref<1x128xi32, #tpu.memory_space<vmem>> -> memref<128xi32, #tpu.memory_space<vmem>>
      %dma_start3A_101 = arith.constant 0 : i32
      %dma_start3A_102 = arith.constant 0 : i32
      %dma_start3A_103 = tpu.memref_slice %arg2[%dma_start3A_101, %dma_start3A_102] : memref<20000x64xf32, #tpu.memory_space<hbm>> -> memref<20000x64xf32, #tpu.memory_space<hbm>>
      tpu.enqueue_indirect_dma source(%dma_start3A_103 : memref<20000x64xf32, #tpu.memory_space<hbm>>) target(%dma_start3A_97 : memref<128x64xf32, #tpu.memory_space<vmem>>) offsets(%dma_start3A_100 : memref<128xi32, #tpu.memory_space<vmem>>) semaphore(%arg11 : memref<!tpu.dma_semaphore, #tpu.memory_space<semaphore_mem>>)
      %add3A_104 = arith.constant 7 : i32
      %add3A_105 = arith.addi %mul3A_13, %add3A_104 : i32
      %dma_start3A_106 = arith.constant 7 : i32
      %dma_start3A_107 = arith.constant 0 : i32
      %dma_start3A_108 = arith.constant 0 : i32
      %dma_start3A_109 = tpu.memref_slice %arg9[%dma_start3A_106, %dma_start3A_107, %dma_start3A_108] : memref<8x128x64xf32, #tpu.memory_space<vmem>> -> memref<1x128x64xf32, #tpu.memory_space<vmem>>
      %dma_start3A_110 = tpu.memref_squeeze %dma_start3A_109 : memref<1x128x64xf32, #tpu.memory_space<vmem>> -> memref<128x64xf32, #tpu.memory_space<vmem>>
      %dma_start3A_111 = arith.constant 0 : i32
      %dma_start3A_112 = tpu.memref_slice %arg7[%add3A_105, %dma_start3A_111] : memref<80x128xi32, #tpu.memory_space<vmem>> -> memref<1x128xi32, #tpu.memory_space<vmem>>
      %dma_start3A_113 = tpu.memref_squeeze %dma_start3A_112 : memref<1x128xi32, #tpu.memory_space<vmem>> -> memref<128xi32, #tpu.memory_space<vmem>>
      %dma_start3A_114 = arith.constant 0 : i32
      %dma_start3A_115 = arith.constant 0 : i32
      %dma_start3A_116 = tpu.memref_slice %arg2[%dma_start3A_114, %dma_start3A_115] : memref<20000x64xf32, #tpu.memory_space<hbm>> -> memref<20000x64xf32, #tpu.memory_space<hbm>>
      tpu.enqueue_indirect_dma source(%dma_start3A_116 : memref<20000x64xf32, #tpu.memory_space<hbm>>) target(%dma_start3A_110 : memref<128x64xf32, #tpu.memory_space<vmem>>) offsets(%dma_start3A_113 : memref<128xi32, #tpu.memory_space<vmem>>) semaphore(%arg11 : memref<!tpu.dma_semaphore, #tpu.memory_space<semaphore_mem>>)
      %dma_wait3A = arith.constant 0 : i32
      %dma_wait3A_117 = arith.constant 0 : i32
      %dma_wait3A_118 = arith.constant 0 : i32
      %dma_wait3A_119 = tpu.memref_slice %arg9[%dma_wait3A, %dma_wait3A_117, %dma_wait3A_118] : memref<8x128x64xf32, #tpu.memory_space<vmem>> -> memref<1x128x64xf32, #tpu.memory_space<vmem>>
      %dma_wait3A_120 = tpu.memref_squeeze %dma_wait3A_119 : memref<1x128x64xf32, #tpu.memory_space<vmem>> -> memref<128x64xf32, #tpu.memory_space<vmem>>
      %dma_wait3A_121 = arith.constant 0 : i32
      %dma_wait3A_122 = tpu.memref_slice %arg7[%add3A_15, %dma_wait3A_121] : memref<80x128xi32, #tpu.memory_space<vmem>> -> memref<1x128xi32, #tpu.memory_space<vmem>>
      %dma_wait3A_123 = tpu.memref_squeeze %dma_wait3A_122 : memref<1x128xi32, #tpu.memory_space<vmem>> -> memref<128xi32, #tpu.memory_space<vmem>>
      %dma_wait3A_124 = arith.constant 0 : i32
      %dma_wait3A_125 = arith.constant 0 : i32
      %dma_wait3A_126 = tpu.memref_slice %arg2[%dma_wait3A_124, %dma_wait3A_125] : memref<20000x64xf32, #tpu.memory_space<hbm>> -> memref<20000x64xf32, #tpu.memory_space<hbm>>
      tpu.wait_indirect_dma semaphore(%arg11 : memref<!tpu.dma_semaphore, #tpu.memory_space<semaphore_mem>>) src(%dma_wait3A_126 : memref<20000x64xf32, #tpu.memory_space<hbm>>) dst(%dma_wait3A_120 : memref<128x64xf32, #tpu.memory_space<vmem>>)
      %add3A_127 = arith.constant 0 : i32
      %add3A_128 = arith.addi %mul3A_13, %add3A_127 : i32
      %dma_start3A_129 = arith.constant 0 : i32
      %dma_start3A_130 = arith.constant 0 : i32
      %dma_start3A_131 = arith.constant 0 : i32
      %dma_start3A_132 = tpu.memref_slice %arg9[%dma_start3A_129, %dma_start3A_130, %dma_start3A_131] : memref<8x128x64xf32, #tpu.memory_space<vmem>> -> memref<1x128x64xf32, #tpu.memory_space<vmem>>
      %dma_start3A_133 = tpu.memref_squeeze %dma_start3A_132 : memref<1x128x64xf32, #tpu.memory_space<vmem>> -> memref<128x64xf32, #tpu.memory_space<vmem>>
      %dma_start3A_134 = arith.constant 0 : i32
      %dma_start3A_135 = tpu.memref_slice %arg8[%add3A_128, %dma_start3A_134] : memref<80x128xi32, #tpu.memory_space<vmem>> -> memref<1x128xi32, #tpu.memory_space<vmem>>
      %dma_start3A_136 = tpu.memref_squeeze %dma_start3A_135 : memref<1x128xi32, #tpu.memory_space<vmem>> -> memref<128xi32, #tpu.memory_space<vmem>>
      %dma_start3A_137 = arith.constant 0 : i32
      %dma_start3A_138 = arith.constant 0 : i32
      %dma_start3A_139 = tpu.memref_slice %arg10[%dma_start3A_137, %dma_start3A_138] : memref<10112x64xf32, #tpu.memory_space<vmem_shared>> -> memref<10112x64xf32, #tpu.memory_space<vmem_shared>>
      tpu.enqueue_indirect_dma source(%dma_start3A_133 : memref<128x64xf32, #tpu.memory_space<vmem>>) target(%dma_start3A_139 : memref<10112x64xf32, #tpu.memory_space<vmem_shared>>) offsets(%dma_start3A_136 : memref<128xi32, #tpu.memory_space<vmem>>) semaphore(%arg12 : memref<!tpu.dma_semaphore, #tpu.memory_space<semaphore_mem>>) {add = true}
      %dma_wait3A_140 = arith.constant 1 : i32
      %dma_wait3A_141 = arith.constant 0 : i32
      %dma_wait3A_142 = arith.constant 0 : i32
      %dma_wait3A_143 = tpu.memref_slice %arg9[%dma_wait3A_140, %dma_wait3A_141, %dma_wait3A_142] : memref<8x128x64xf32, #tpu.memory_space<vmem>> -> memref<1x128x64xf32, #tpu.memory_space<vmem>>
      %dma_wait3A_144 = tpu.memref_squeeze %dma_wait3A_143 : memref<1x128x64xf32, #tpu.memory_space<vmem>> -> memref<128x64xf32, #tpu.memory_space<vmem>>
      %dma_wait3A_145 = arith.constant 0 : i32
      %dma_wait3A_146 = tpu.memref_slice %arg7[%add3A_27, %dma_wait3A_145] : memref<80x128xi32, #tpu.memory_space<vmem>> -> memref<1x128xi32, #tpu.memory_space<vmem>>
      %dma_wait3A_147 = tpu.memref_squeeze %dma_wait3A_146 : memref<1x128xi32, #tpu.memory_space<vmem>> -> memref<128xi32, #tpu.memory_space<vmem>>
      %dma_wait3A_148 = arith.constant 0 : i32
      %dma_wait3A_149 = arith.constant 0 : i32
      %dma_wait3A_150 = tpu.memref_slice %arg2[%dma_wait3A_148, %dma_wait3A_149] : memref<20000x64xf32, #tpu.memory_space<hbm>> -> memref<20000x64xf32, #tpu.memory_space<hbm>>
      tpu.wait_indirect_dma semaphore(%arg11 : memref<!tpu.dma_semaphore, #tpu.memory_space<semaphore_mem>>) src(%dma_wait3A_150 : memref<20000x64xf32, #tpu.memory_space<hbm>>) dst(%dma_wait3A_144 : memref<128x64xf32, #tpu.memory_space<vmem>>)
      %add3A_151 = arith.constant 1 : i32
      %add3A_152 = arith.addi %mul3A_13, %add3A_151 : i32
      %dma_start3A_153 = arith.constant 1 : i32
      %dma_start3A_154 = arith.constant 0 : i32
      %dma_start3A_155 = arith.constant 0 : i32
      %dma_start3A_156 = tpu.memref_slice %arg9[%dma_start3A_153, %dma_start3A_154, %dma_start3A_155] : memref<8x128x64xf32, #tpu.memory_space<vmem>> -> memref<1x128x64xf32, #tpu.memory_space<vmem>>
      %dma_start3A_157 = tpu.memref_squeeze %dma_start3A_156 : memref<1x128x64xf32, #tpu.memory_space<vmem>> -> memref<128x64xf32, #tpu.memory_space<vmem>>
      %dma_start3A_158 = arith.constant 0 : i32
      %dma_start3A_159 = tpu.memref_slice %arg8[%add3A_152, %dma_start3A_158] : memref<80x128xi32, #tpu.memory_space<vmem>> -> memref<1x128xi32, #tpu.memory_space<vmem>>
      %dma_start3A_160 = tpu.memref_squeeze %dma_start3A_159 : memref<1x128xi32, #tpu.memory_space<vmem>> -> memref<128xi32, #tpu.memory_space<vmem>>
      %dma_start3A_161 = arith.constant 0 : i32
      %dma_start3A_162 = arith.constant 0 : i32
      %dma_start3A_163 = tpu.memref_slice %arg10[%dma_start3A_161, %dma_start3A_162] : memref<10112x64xf32, #tpu.memory_space<vmem_shared>> -> memref<10112x64xf32, #tpu.memory_space<vmem_shared>>
      tpu.enqueue_indirect_dma source(%dma_start3A_157 : memref<128x64xf32, #tpu.memory_space<vmem>>) target(%dma_start3A_163 : memref<10112x64xf32, #tpu.memory_space<vmem_shared>>) offsets(%dma_start3A_160 : memref<128xi32, #tpu.memory_space<vmem>>) semaphore(%arg12 : memref<!tpu.dma_semaphore, #tpu.memory_space<semaphore_mem>>) {add = true}
      %dma_wait3A_164 = arith.constant 2 : i32
      %dma_wait3A_165 = arith.constant 0 : i32
      %dma_wait3A_166 = arith.constant 0 : i32
      %dma_wait3A_167 = tpu.memref_slice %arg9[%dma_wait3A_164, %dma_wait3A_165, %dma_wait3A_166] : memref<8x128x64xf32, #tpu.memory_space<vmem>> -> memref<1x128x64xf32, #tpu.memory_space<vmem>>
      %dma_wait3A_168 = tpu.memref_squeeze %dma_wait3A_167 : memref<1x128x64xf32, #tpu.memory_space<vmem>> -> memref<128x64xf32, #tpu.memory_space<vmem>>
      %dma_wait3A_169 = arith.constant 0 : i32
      %dma_wait3A_170 = tpu.memref_slice %arg7[%add3A_40, %dma_wait3A_169] : memref<80x128xi32, #tpu.memory_space<vmem>> -> memref<1x128xi32, #tpu.memory_space<vmem>>
      %dma_wait3A_171 = tpu.memref_squeeze %dma_wait3A_170 : memref<1x128xi32, #tpu.memory_space<vmem>> -> memref<128xi32, #tpu.memory_space<vmem>>
      %dma_wait3A_172 = arith.constant 0 : i32
      %dma_wait3A_173 = arith.constant 0 : i32
      %dma_wait3A_174 = tpu.memref_slice %arg2[%dma_wait3A_172, %dma_wait3A_173] : memref<20000x64xf32, #tpu.memory_space<hbm>> -> memref<20000x64xf32, #tpu.memory_space<hbm>>
      tpu.wait_indirect_dma semaphore(%arg11 : memref<!tpu.dma_semaphore, #tpu.memory_space<semaphore_mem>>) src(%dma_wait3A_174 : memref<20000x64xf32, #tpu.memory_space<hbm>>) dst(%dma_wait3A_168 : memref<128x64xf32, #tpu.memory_space<vmem>>)
      %add3A_175 = arith.constant 2 : i32
      %add3A_176 = arith.addi %mul3A_13, %add3A_175 : i32
      %dma_start3A_177 = arith.constant 2 : i32
      %dma_start3A_178 = arith.constant 0 : i32
      %dma_start3A_179 = arith.constant 0 : i32
      %dma_start3A_180 = tpu.memref_slice %arg9[%dma_start3A_177, %dma_start3A_178, %dma_start3A_179] : memref<8x128x64xf32, #tpu.memory_space<vmem>> -> memref<1x128x64xf32, #tpu.memory_space<vmem>>
      %dma_start3A_181 = tpu.memref_squeeze %dma_start3A_180 : memref<1x128x64xf32, #tpu.memory_space<vmem>> -> memref<128x64xf32, #tpu.memory_space<vmem>>
      %dma_start3A_182 = arith.constant 0 : i32
      %dma_start3A_183 = tpu.memref_slice %arg8[%add3A_176, %dma_start3A_182] : memref<80x128xi32, #tpu.memory_space<vmem>> -> memref<1x128xi32, #tpu.memory_space<vmem>>
      %dma_start3A_184 = tpu.memref_squeeze %dma_start3A_183 : memref<1x128xi32, #tpu.memory_space<vmem>> -> memref<128xi32, #tpu.memory_space<vmem>>
      %dma_start3A_185 = arith.constant 0 : i32
      %dma_start3A_186 = arith.constant 0 : i32
      %dma_start3A_187 = tpu.memref_slice %arg10[%dma_start3A_185, %dma_start3A_186] : memref<10112x64xf32, #tpu.memory_space<vmem_shared>> -> memref<10112x64xf32, #tpu.memory_space<vmem_shared>>
      tpu.enqueue_indirect_dma source(%dma_start3A_181 : memref<128x64xf32, #tpu.memory_space<vmem>>) target(%dma_start3A_187 : memref<10112x64xf32, #tpu.memory_space<vmem_shared>>) offsets(%dma_start3A_184 : memref<128xi32, #tpu.memory_space<vmem>>) semaphore(%arg12 : memref<!tpu.dma_semaphore, #tpu.memory_space<semaphore_mem>>) {add = true}
      %dma_wait3A_188 = arith.constant 3 : i32
      %dma_wait3A_189 = arith.constant 0 : i32
      %dma_wait3A_190 = arith.constant 0 : i32
      %dma_wait3A_191 = tpu.memref_slice %arg9[%dma_wait3A_188, %dma_wait3A_189, %dma_wait3A_190] : memref<8x128x64xf32, #tpu.memory_space<vmem>> -> memref<1x128x64xf32, #tpu.memory_space<vmem>>
      %dma_wait3A_192 = tpu.memref_squeeze %dma_wait3A_191 : memref<1x128x64xf32, #tpu.memory_space<vmem>> -> memref<128x64xf32, #tpu.memory_space<vmem>>
      %dma_wait3A_193 = arith.constant 0 : i32
      %dma_wait3A_194 = tpu.memref_slice %arg7[%add3A_53, %dma_wait3A_193] : memref<80x128xi32, #tpu.memory_space<vmem>> -> memref<1x128xi32, #tpu.memory_space<vmem>>
      %dma_wait3A_195 = tpu.memref_squeeze %dma_wait3A_194 : memref<1x128xi32, #tpu.memory_space<vmem>> -> memref<128xi32, #tpu.memory_space<vmem>>
      %dma_wait3A_196 = arith.constant 0 : i32
      %dma_wait3A_197 = arith.constant 0 : i32
      %dma_wait3A_198 = tpu.memref_slice %arg2[%dma_wait3A_196, %dma_wait3A_197] : memref<20000x64xf32, #tpu.memory_space<hbm>> -> memref<20000x64xf32, #tpu.memory_space<hbm>>
      tpu.wait_indirect_dma semaphore(%arg11 : memref<!tpu.dma_semaphore, #tpu.memory_space<semaphore_mem>>) src(%dma_wait3A_198 : memref<20000x64xf32, #tpu.memory_space<hbm>>) dst(%dma_wait3A_192 : memref<128x64xf32, #tpu.memory_space<vmem>>)
      %add3A_199 = arith.constant 3 : i32
      %add3A_200 = arith.addi %mul3A_13, %add3A_199 : i32
      %dma_start3A_201 = arith.constant 3 : i32
      %dma_start3A_202 = arith.constant 0 : i32
      %dma_start3A_203 = arith.constant 0 : i32
      %dma_start3A_204 = tpu.memref_slice %arg9[%dma_start3A_201, %dma_start3A_202, %dma_start3A_203] : memref<8x128x64xf32, #tpu.memory_space<vmem>> -> memref<1x128x64xf32, #tpu.memory_space<vmem>>
      %dma_start3A_205 = tpu.memref_squeeze %dma_start3A_204 : memref<1x128x64xf32, #tpu.memory_space<vmem>> -> memref<128x64xf32, #tpu.memory_space<vmem>>
      %dma_start3A_206 = arith.constant 0 : i32
      %dma_start3A_207 = tpu.memref_slice %arg8[%add3A_200, %dma_start3A_206] : memref<80x128xi32, #tpu.memory_space<vmem>> -> memref<1x128xi32, #tpu.memory_space<vmem>>
      %dma_start3A_208 = tpu.memref_squeeze %dma_start3A_207 : memref<1x128xi32, #tpu.memory_space<vmem>> -> memref<128xi32, #tpu.memory_space<vmem>>
      %dma_start3A_209 = arith.constant 0 : i32
      %dma_start3A_210 = arith.constant 0 : i32
      %dma_start3A_211 = tpu.memref_slice %arg10[%dma_start3A_209, %dma_start3A_210] : memref<10112x64xf32, #tpu.memory_space<vmem_shared>> -> memref<10112x64xf32, #tpu.memory_space<vmem_shared>>
      tpu.enqueue_indirect_dma source(%dma_start3A_205 : memref<128x64xf32, #tpu.memory_space<vmem>>) target(%dma_start3A_211 : memref<10112x64xf32, #tpu.memory_space<vmem_shared>>) offsets(%dma_start3A_208 : memref<128xi32, #tpu.memory_space<vmem>>) semaphore(%arg12 : memref<!tpu.dma_semaphore, #tpu.memory_space<semaphore_mem>>) {add = true}
      %dma_wait3A_212 = arith.constant 4 : i32
      %dma_wait3A_213 = arith.constant 0 : i32
      %dma_wait3A_214 = arith.constant 0 : i32
      %dma_wait3A_215 = tpu.memref_slice %arg9[%dma_wait3A_212, %dma_wait3A_213, %dma_wait3A_214] : memref<8x128x64xf32, #tpu.memory_space<vmem>> -> memref<1x128x64xf32, #tpu.memory_space<vmem>>
      %dma_wait3A_216 = tpu.memref_squeeze %dma_wait3A_215 : memref<1x128x64xf32, #tpu.memory_space<vmem>> -> memref<128x64xf32, #tpu.memory_space<vmem>>
      %dma_wait3A_217 = arith.constant 0 : i32
      %dma_wait3A_218 = tpu.memref_slice %arg7[%add3A_66, %dma_wait3A_217] : memref<80x128xi32, #tpu.memory_space<vmem>> -> memref<1x128xi32, #tpu.memory_space<vmem>>
      %dma_wait3A_219 = tpu.memref_squeeze %dma_wait3A_218 : memref<1x128xi32, #tpu.memory_space<vmem>> -> memref<128xi32, #tpu.memory_space<vmem>>
      %dma_wait3A_220 = arith.constant 0 : i32
      %dma_wait3A_221 = arith.constant 0 : i32
      %dma_wait3A_222 = tpu.memref_slice %arg2[%dma_wait3A_220, %dma_wait3A_221] : memref<20000x64xf32, #tpu.memory_space<hbm>> -> memref<20000x64xf32, #tpu.memory_space<hbm>>
      tpu.wait_indirect_dma semaphore(%arg11 : memref<!tpu.dma_semaphore, #tpu.memory_space<semaphore_mem>>) src(%dma_wait3A_222 : memref<20000x64xf32, #tpu.memory_space<hbm>>) dst(%dma_wait3A_216 : memref<128x64xf32, #tpu.memory_space<vmem>>)
      %add3A_223 = arith.constant 4 : i32
      %add3A_224 = arith.addi %mul3A_13, %add3A_223 : i32
      %dma_start3A_225 = arith.constant 4 : i32
      %dma_start3A_226 = arith.constant 0 : i32
      %dma_start3A_227 = arith.constant 0 : i32
      %dma_start3A_228 = tpu.memref_slice %arg9[%dma_start3A_225, %dma_start3A_226, %dma_start3A_227] : memref<8x128x64xf32, #tpu.memory_space<vmem>> -> memref<1x128x64xf32, #tpu.memory_space<vmem>>
      %dma_start3A_229 = tpu.memref_squeeze %dma_start3A_228 : memref<1x128x64xf32, #tpu.memory_space<vmem>> -> memref<128x64xf32, #tpu.memory_space<vmem>>
      %dma_start3A_230 = arith.constant 0 : i32
      %dma_start3A_231 = tpu.memref_slice %arg8[%add3A_224, %dma_start3A_230] : memref<80x128xi32, #tpu.memory_space<vmem>> -> memref<1x128xi32, #tpu.memory_space<vmem>>
      %dma_start3A_232 = tpu.memref_squeeze %dma_start3A_231 : memref<1x128xi32, #tpu.memory_space<vmem>> -> memref<128xi32, #tpu.memory_space<vmem>>
      %dma_start3A_233 = arith.constant 0 : i32
      %dma_start3A_234 = arith.constant 0 : i32
      %dma_start3A_235 = tpu.memref_slice %arg10[%dma_start3A_233, %dma_start3A_234] : memref<10112x64xf32, #tpu.memory_space<vmem_shared>> -> memref<10112x64xf32, #tpu.memory_space<vmem_shared>>
      tpu.enqueue_indirect_dma source(%dma_start3A_229 : memref<128x64xf32, #tpu.memory_space<vmem>>) target(%dma_start3A_235 : memref<10112x64xf32, #tpu.memory_space<vmem_shared>>) offsets(%dma_start3A_232 : memref<128xi32, #tpu.memory_space<vmem>>) semaphore(%arg12 : memref<!tpu.dma_semaphore, #tpu.memory_space<semaphore_mem>>) {add = true}
      %dma_wait3A_236 = arith.constant 5 : i32
      %dma_wait3A_237 = arith.constant 0 : i32
      %dma_wait3A_238 = arith.constant 0 : i32
      %dma_wait3A_239 = tpu.memref_slice %arg9[%dma_wait3A_236, %dma_wait3A_237, %dma_wait3A_238] : memref<8x128x64xf32, #tpu.memory_space<vmem>> -> memref<1x128x64xf32, #tpu.memory_space<vmem>>
      %dma_wait3A_240 = tpu.memref_squeeze %dma_wait3A_239 : memref<1x128x64xf32, #tpu.memory_space<vmem>> -> memref<128x64xf32, #tpu.memory_space<vmem>>
      %dma_wait3A_241 = arith.constant 0 : i32
      %dma_wait3A_242 = tpu.memref_slice %arg7[%add3A_79, %dma_wait3A_241] : memref<80x128xi32, #tpu.memory_space<vmem>> -> memref<1x128xi32, #tpu.memory_space<vmem>>
      %dma_wait3A_243 = tpu.memref_squeeze %dma_wait3A_242 : memref<1x128xi32, #tpu.memory_space<vmem>> -> memref<128xi32, #tpu.memory_space<vmem>>
      %dma_wait3A_244 = arith.constant 0 : i32
      %dma_wait3A_245 = arith.constant 0 : i32
      %dma_wait3A_246 = tpu.memref_slice %arg2[%dma_wait3A_244, %dma_wait3A_245] : memref<20000x64xf32, #tpu.memory_space<hbm>> -> memref<20000x64xf32, #tpu.memory_space<hbm>>
      tpu.wait_indirect_dma semaphore(%arg11 : memref<!tpu.dma_semaphore, #tpu.memory_space<semaphore_mem>>) src(%dma_wait3A_246 : memref<20000x64xf32, #tpu.memory_space<hbm>>) dst(%dma_wait3A_240 : memref<128x64xf32, #tpu.memory_space<vmem>>)
      %add3A_247 = arith.constant 5 : i32
      %add3A_248 = arith.addi %mul3A_13, %add3A_247 : i32
      %dma_start3A_249 = arith.constant 5 : i32
      %dma_start3A_250 = arith.constant 0 : i32
      %dma_start3A_251 = arith.constant 0 : i32
      %dma_start3A_252 = tpu.memref_slice %arg9[%dma_start3A_249, %dma_start3A_250, %dma_start3A_251] : memref<8x128x64xf32, #tpu.memory_space<vmem>> -> memref<1x128x64xf32, #tpu.memory_space<vmem>>
      %dma_start3A_253 = tpu.memref_squeeze %dma_start3A_252 : memref<1x128x64xf32, #tpu.memory_space<vmem>> -> memref<128x64xf32, #tpu.memory_space<vmem>>
      %dma_start3A_254 = arith.constant 0 : i32
      %dma_start3A_255 = tpu.memref_slice %arg8[%add3A_248, %dma_start3A_254] : memref<80x128xi32, #tpu.memory_space<vmem>> -> memref<1x128xi32, #tpu.memory_space<vmem>>
      %dma_start3A_256 = tpu.memref_squeeze %dma_start3A_255 : memref<1x128xi32, #tpu.memory_space<vmem>> -> memref<128xi32, #tpu.memory_space<vmem>>
      %dma_start3A_257 = arith.constant 0 : i32
      %dma_start3A_258 = arith.constant 0 : i32
      %dma_start3A_259 = tpu.memref_slice %arg10[%dma_start3A_257, %dma_start3A_258] : memref<10112x64xf32, #tpu.memory_space<vmem_shared>> -> memref<10112x64xf32, #tpu.memory_space<vmem_shared>>
      tpu.enqueue_indirect_dma source(%dma_start3A_253 : memref<128x64xf32, #tpu.memory_space<vmem>>) target(%dma_start3A_259 : memref<10112x64xf32, #tpu.memory_space<vmem_shared>>) offsets(%dma_start3A_256 : memref<128xi32, #tpu.memory_space<vmem>>) semaphore(%arg12 : memref<!tpu.dma_semaphore, #tpu.memory_space<semaphore_mem>>) {add = true}
      %dma_wait3A_260 = arith.constant 6 : i32
      %dma_wait3A_261 = arith.constant 0 : i32
      %dma_wait3A_262 = arith.constant 0 : i32
      %dma_wait3A_263 = tpu.memref_slice %arg9[%dma_wait3A_260, %dma_wait3A_261, %dma_wait3A_262] : memref<8x128x64xf32, #tpu.memory_space<vmem>> -> memref<1x128x64xf32, #tpu.memory_space<vmem>>
      %dma_wait3A_264 = tpu.memref_squeeze %dma_wait3A_263 : memref<1x128x64xf32, #tpu.memory_space<vmem>> -> memref<128x64xf32, #tpu.memory_space<vmem>>
      %dma_wait3A_265 = arith.constant 0 : i32
      %dma_wait3A_266 = tpu.memref_slice %arg7[%add3A_92, %dma_wait3A_265] : memref<80x128xi32, #tpu.memory_space<vmem>> -> memref<1x128xi32, #tpu.memory_space<vmem>>
      %dma_wait3A_267 = tpu.memref_squeeze %dma_wait3A_266 : memref<1x128xi32, #tpu.memory_space<vmem>> -> memref<128xi32, #tpu.memory_space<vmem>>
      %dma_wait3A_268 = arith.constant 0 : i32
      %dma_wait3A_269 = arith.constant 0 : i32
      %dma_wait3A_270 = tpu.memref_slice %arg2[%dma_wait3A_268, %dma_wait3A_269] : memref<20000x64xf32, #tpu.memory_space<hbm>> -> memref<20000x64xf32, #tpu.memory_space<hbm>>
      tpu.wait_indirect_dma semaphore(%arg11 : memref<!tpu.dma_semaphore, #tpu.memory_space<semaphore_mem>>) src(%dma_wait3A_270 : memref<20000x64xf32, #tpu.memory_space<hbm>>) dst(%dma_wait3A_264 : memref<128x64xf32, #tpu.memory_space<vmem>>)
      %add3A_271 = arith.constant 6 : i32
      %add3A_272 = arith.addi %mul3A_13, %add3A_271 : i32
      %dma_start3A_273 = arith.constant 6 : i32
      %dma_start3A_274 = arith.constant 0 : i32
      %dma_start3A_275 = arith.constant 0 : i32
      %dma_start3A_276 = tpu.memref_slice %arg9[%dma_start3A_273, %dma_start3A_274, %dma_start3A_275] : memref<8x128x64xf32, #tpu.memory_space<vmem>> -> memref<1x128x64xf32, #tpu.memory_space<vmem>>
      %dma_start3A_277 = tpu.memref_squeeze %dma_start3A_276 : memref<1x128x64xf32, #tpu.memory_space<vmem>> -> memref<128x64xf32, #tpu.memory_space<vmem>>
      %dma_start3A_278 = arith.constant 0 : i32
      %dma_start3A_279 = tpu.memref_slice %arg8[%add3A_272, %dma_start3A_278] : memref<80x128xi32, #tpu.memory_space<vmem>> -> memref<1x128xi32, #tpu.memory_space<vmem>>
      %dma_start3A_280 = tpu.memref_squeeze %dma_start3A_279 : memref<1x128xi32, #tpu.memory_space<vmem>> -> memref<128xi32, #tpu.memory_space<vmem>>
      %dma_start3A_281 = arith.constant 0 : i32
      %dma_start3A_282 = arith.constant 0 : i32
      %dma_start3A_283 = tpu.memref_slice %arg10[%dma_start3A_281, %dma_start3A_282] : memref<10112x64xf32, #tpu.memory_space<vmem_shared>> -> memref<10112x64xf32, #tpu.memory_space<vmem_shared>>
      tpu.enqueue_indirect_dma source(%dma_start3A_277 : memref<128x64xf32, #tpu.memory_space<vmem>>) target(%dma_start3A_283 : memref<10112x64xf32, #tpu.memory_space<vmem_shared>>) offsets(%dma_start3A_280 : memref<128xi32, #tpu.memory_space<vmem>>) semaphore(%arg12 : memref<!tpu.dma_semaphore, #tpu.memory_space<semaphore_mem>>) {add = true}
      %dma_wait3A_284 = arith.constant 7 : i32
      %dma_wait3A_285 = arith.constant 0 : i32
      %dma_wait3A_286 = arith.constant 0 : i32
      %dma_wait3A_287 = tpu.memref_slice %arg9[%dma_wait3A_284, %dma_wait3A_285, %dma_wait3A_286] : memref<8x128x64xf32, #tpu.memory_space<vmem>> -> memref<1x128x64xf32, #tpu.memory_space<vmem>>
      %dma_wait3A_288 = tpu.memref_squeeze %dma_wait3A_287 : memref<1x128x64xf32, #tpu.memory_space<vmem>> -> memref<128x64xf32, #tpu.memory_space<vmem>>
      %dma_wait3A_289 = arith.constant 0 : i32
      %dma_wait3A_290 = tpu.memref_slice %arg7[%add3A_105, %dma_wait3A_289] : memref<80x128xi32, #tpu.memory_space<vmem>> -> memref<1x128xi32, #tpu.memory_space<vmem>>
      %dma_wait3A_291 = tpu.memref_squeeze %dma_wait3A_290 : memref<1x128xi32, #tpu.memory_space<vmem>> -> memref<128xi32, #tpu.memory_space<vmem>>
      %dma_wait3A_292 = arith.constant 0 : i32
      %dma_wait3A_293 = arith.constant 0 : i32
      %dma_wait3A_294 = tpu.memref_slice %arg2[%dma_wait3A_292, %dma_wait3A_293] : memref<20000x64xf32, #tpu.memory_space<hbm>> -> memref<20000x64xf32, #tpu.memory_space<hbm>>
      tpu.wait_indirect_dma semaphore(%arg11 : memref<!tpu.dma_semaphore, #tpu.memory_space<semaphore_mem>>) src(%dma_wait3A_294 : memref<20000x64xf32, #tpu.memory_space<hbm>>) dst(%dma_wait3A_288 : memref<128x64xf32, #tpu.memory_space<vmem>>)
      %add3A_295 = arith.constant 7 : i32
      %add3A_296 = arith.addi %mul3A_13, %add3A_295 : i32
      %dma_start3A_297 = arith.constant 7 : i32
      %dma_start3A_298 = arith.constant 0 : i32
      %dma_start3A_299 = arith.constant 0 : i32
      %dma_start3A_300 = tpu.memref_slice %arg9[%dma_start3A_297, %dma_start3A_298, %dma_start3A_299] : memref<8x128x64xf32, #tpu.memory_space<vmem>> -> memref<1x128x64xf32, #tpu.memory_space<vmem>>
      %dma_start3A_301 = tpu.memref_squeeze %dma_start3A_300 : memref<1x128x64xf32, #tpu.memory_space<vmem>> -> memref<128x64xf32, #tpu.memory_space<vmem>>
      %dma_start3A_302 = arith.constant 0 : i32
      %dma_start3A_303 = tpu.memref_slice %arg8[%add3A_296, %dma_start3A_302] : memref<80x128xi32, #tpu.memory_space<vmem>> -> memref<1x128xi32, #tpu.memory_space<vmem>>
      %dma_start3A_304 = tpu.memref_squeeze %dma_start3A_303 : memref<1x128xi32, #tpu.memory_space<vmem>> -> memref<128xi32, #tpu.memory_space<vmem>>
      %dma_start3A_305 = arith.constant 0 : i32
      %dma_start3A_306 = arith.constant 0 : i32
      %dma_start3A_307 = tpu.memref_slice %arg10[%dma_start3A_305, %dma_start3A_306] : memref<10112x64xf32, #tpu.memory_space<vmem_shared>> -> memref<10112x64xf32, #tpu.memory_space<vmem_shared>>
      tpu.enqueue_indirect_dma source(%dma_start3A_301 : memref<128x64xf32, #tpu.memory_space<vmem>>) target(%dma_start3A_307 : memref<10112x64xf32, #tpu.memory_space<vmem_shared>>) offsets(%dma_start3A_304 : memref<128xi32, #tpu.memory_space<vmem>>) semaphore(%arg12 : memref<!tpu.dma_semaphore, #tpu.memory_space<semaphore_mem>>) {add = true}
      %dma_wait3A_308 = arith.constant 0 : i32
      %dma_wait3A_309 = arith.constant 0 : i32
      %dma_wait3A_310 = arith.constant 0 : i32
      %dma_wait3A_311 = tpu.memref_slice %arg9[%dma_wait3A_308, %dma_wait3A_309, %dma_wait3A_310] : memref<8x128x64xf32, #tpu.memory_space<vmem>> -> memref<1x128x64xf32, #tpu.memory_space<vmem>>
      %dma_wait3A_312 = tpu.memref_squeeze %dma_wait3A_311 : memref<1x128x64xf32, #tpu.memory_space<vmem>> -> memref<128x64xf32, #tpu.memory_space<vmem>>
      %dma_wait3A_313 = arith.constant 0 : i32
      %dma_wait3A_314 = tpu.memref_slice %arg8[%add3A_128, %dma_wait3A_313] : memref<80x128xi32, #tpu.memory_space<vmem>> -> memref<1x128xi32, #tpu.memory_space<vmem>>
      %dma_wait3A_315 = tpu.memref_squeeze %dma_wait3A_314 : memref<1x128xi32, #tpu.memory_space<vmem>> -> memref<128xi32, #tpu.memory_space<vmem>>
      %dma_wait3A_316 = arith.constant 0 : i32
      %dma_wait3A_317 = arith.constant 0 : i32
      %dma_wait3A_318 = tpu.memref_slice %arg10[%dma_wait3A_316, %dma_wait3A_317] : memref<10112x64xf32, #tpu.memory_space<vmem_shared>> -> memref<10112x64xf32, #tpu.memory_space<vmem_shared>>
      tpu.wait_indirect_dma semaphore(%arg12 : memref<!tpu.dma_semaphore, #tpu.memory_space<semaphore_mem>>) src(%dma_wait3A_312 : memref<128x64xf32, #tpu.memory_space<vmem>>) dst(%dma_wait3A_318 : memref<10112x64xf32, #tpu.memory_space<vmem_shared>>)
      %dma_wait3A_319 = arith.constant 1 : i32
      %dma_wait3A_320 = arith.constant 0 : i32
      %dma_wait3A_321 = arith.constant 0 : i32
      %dma_wait3A_322 = tpu.memref_slice %arg9[%dma_wait3A_319, %dma_wait3A_320, %dma_wait3A_321] : memref<8x128x64xf32, #tpu.memory_space<vmem>> -> memref<1x128x64xf32, #tpu.memory_space<vmem>>
      %dma_wait3A_323 = tpu.memref_squeeze %dma_wait3A_322 : memref<1x128x64xf32, #tpu.memory_space<vmem>> -> memref<128x64xf32, #tpu.memory_space<vmem>>
      %dma_wait3A_324 = arith.constant 0 : i32
      %dma_wait3A_325 = tpu.memref_slice %arg8[%add3A_152, %dma_wait3A_324] : memref<80x128xi32, #tpu.memory_space<vmem>> -> memref<1x128xi32, #tpu.memory_space<vmem>>
      %dma_wait3A_326 = tpu.memref_squeeze %dma_wait3A_325 : memref<1x128xi32, #tpu.memory_space<vmem>> -> memref<128xi32, #tpu.memory_space<vmem>>
      %dma_wait3A_327 = arith.constant 0 : i32
      %dma_wait3A_328 = arith.constant 0 : i32
      %dma_wait3A_329 = tpu.memref_slice %arg10[%dma_wait3A_327, %dma_wait3A_328] : memref<10112x64xf32, #tpu.memory_space<vmem_shared>> -> memref<10112x64xf32, #tpu.memory_space<vmem_shared>>
      tpu.wait_indirect_dma semaphore(%arg12 : memref<!tpu.dma_semaphore, #tpu.memory_space<semaphore_mem>>) src(%dma_wait3A_323 : memref<128x64xf32, #tpu.memory_space<vmem>>) dst(%dma_wait3A_329 : memref<10112x64xf32, #tpu.memory_space<vmem_shared>>)
      %dma_wait3A_330 = arith.constant 2 : i32
      %dma_wait3A_331 = arith.constant 0 : i32
      %dma_wait3A_332 = arith.constant 0 : i32
      %dma_wait3A_333 = tpu.memref_slice %arg9[%dma_wait3A_330, %dma_wait3A_331, %dma_wait3A_332] : memref<8x128x64xf32, #tpu.memory_space<vmem>> -> memref<1x128x64xf32, #tpu.memory_space<vmem>>
      %dma_wait3A_334 = tpu.memref_squeeze %dma_wait3A_333 : memref<1x128x64xf32, #tpu.memory_space<vmem>> -> memref<128x64xf32, #tpu.memory_space<vmem>>
      %dma_wait3A_335 = arith.constant 0 : i32
      %dma_wait3A_336 = tpu.memref_slice %arg8[%add3A_176, %dma_wait3A_335] : memref<80x128xi32, #tpu.memory_space<vmem>> -> memref<1x128xi32, #tpu.memory_space<vmem>>
      %dma_wait3A_337 = tpu.memref_squeeze %dma_wait3A_336 : memref<1x128xi32, #tpu.memory_space<vmem>> -> memref<128xi32, #tpu.memory_space<vmem>>
      %dma_wait3A_338 = arith.constant 0 : i32
      %dma_wait3A_339 = arith.constant 0 : i32
      %dma_wait3A_340 = tpu.memref_slice %arg10[%dma_wait3A_338, %dma_wait3A_339] : memref<10112x64xf32, #tpu.memory_space<vmem_shared>> -> memref<10112x64xf32, #tpu.memory_space<vmem_shared>>
      tpu.wait_indirect_dma semaphore(%arg12 : memref<!tpu.dma_semaphore, #tpu.memory_space<semaphore_mem>>) src(%dma_wait3A_334 : memref<128x64xf32, #tpu.memory_space<vmem>>) dst(%dma_wait3A_340 : memref<10112x64xf32, #tpu.memory_space<vmem_shared>>)
      %dma_wait3A_341 = arith.constant 3 : i32
      %dma_wait3A_342 = arith.constant 0 : i32
      %dma_wait3A_343 = arith.constant 0 : i32
      %dma_wait3A_344 = tpu.memref_slice %arg9[%dma_wait3A_341, %dma_wait3A_342, %dma_wait3A_343] : memref<8x128x64xf32, #tpu.memory_space<vmem>> -> memref<1x128x64xf32, #tpu.memory_space<vmem>>
      %dma_wait3A_345 = tpu.memref_squeeze %dma_wait3A_344 : memref<1x128x64xf32, #tpu.memory_space<vmem>> -> memref<128x64xf32, #tpu.memory_space<vmem>>
      %dma_wait3A_346 = arith.constant 0 : i32
      %dma_wait3A_347 = tpu.memref_slice %arg8[%add3A_200, %dma_wait3A_346] : memref<80x128xi32, #tpu.memory_space<vmem>> -> memref<1x128xi32, #tpu.memory_space<vmem>>
      %dma_wait3A_348 = tpu.memref_squeeze %dma_wait3A_347 : memref<1x128xi32, #tpu.memory_space<vmem>> -> memref<128xi32, #tpu.memory_space<vmem>>
      %dma_wait3A_349 = arith.constant 0 : i32
      %dma_wait3A_350 = arith.constant 0 : i32
      %dma_wait3A_351 = tpu.memref_slice %arg10[%dma_wait3A_349, %dma_wait3A_350] : memref<10112x64xf32, #tpu.memory_space<vmem_shared>> -> memref<10112x64xf32, #tpu.memory_space<vmem_shared>>
      tpu.wait_indirect_dma semaphore(%arg12 : memref<!tpu.dma_semaphore, #tpu.memory_space<semaphore_mem>>) src(%dma_wait3A_345 : memref<128x64xf32, #tpu.memory_space<vmem>>) dst(%dma_wait3A_351 : memref<10112x64xf32, #tpu.memory_space<vmem_shared>>)
      %dma_wait3A_352 = arith.constant 4 : i32
      %dma_wait3A_353 = arith.constant 0 : i32
      %dma_wait3A_354 = arith.constant 0 : i32
      %dma_wait3A_355 = tpu.memref_slice %arg9[%dma_wait3A_352, %dma_wait3A_353, %dma_wait3A_354] : memref<8x128x64xf32, #tpu.memory_space<vmem>> -> memref<1x128x64xf32, #tpu.memory_space<vmem>>
      %dma_wait3A_356 = tpu.memref_squeeze %dma_wait3A_355 : memref<1x128x64xf32, #tpu.memory_space<vmem>> -> memref<128x64xf32, #tpu.memory_space<vmem>>
      %dma_wait3A_357 = arith.constant 0 : i32
      %dma_wait3A_358 = tpu.memref_slice %arg8[%add3A_224, %dma_wait3A_357] : memref<80x128xi32, #tpu.memory_space<vmem>> -> memref<1x128xi32, #tpu.memory_space<vmem>>
      %dma_wait3A_359 = tpu.memref_squeeze %dma_wait3A_358 : memref<1x128xi32, #tpu.memory_space<vmem>> -> memref<128xi32, #tpu.memory_space<vmem>>
      %dma_wait3A_360 = arith.constant 0 : i32
      %dma_wait3A_361 = arith.constant 0 : i32
      %dma_wait3A_362 = tpu.memref_slice %arg10[%dma_wait3A_360, %dma_wait3A_361] : memref<10112x64xf32, #tpu.memory_space<vmem_shared>> -> memref<10112x64xf32, #tpu.memory_space<vmem_shared>>
      tpu.wait_indirect_dma semaphore(%arg12 : memref<!tpu.dma_semaphore, #tpu.memory_space<semaphore_mem>>) src(%dma_wait3A_356 : memref<128x64xf32, #tpu.memory_space<vmem>>) dst(%dma_wait3A_362 : memref<10112x64xf32, #tpu.memory_space<vmem_shared>>)
      %dma_wait3A_363 = arith.constant 5 : i32
      %dma_wait3A_364 = arith.constant 0 : i32
      %dma_wait3A_365 = arith.constant 0 : i32
      %dma_wait3A_366 = tpu.memref_slice %arg9[%dma_wait3A_363, %dma_wait3A_364, %dma_wait3A_365] : memref<8x128x64xf32, #tpu.memory_space<vmem>> -> memref<1x128x64xf32, #tpu.memory_space<vmem>>
      %dma_wait3A_367 = tpu.memref_squeeze %dma_wait3A_366 : memref<1x128x64xf32, #tpu.memory_space<vmem>> -> memref<128x64xf32, #tpu.memory_space<vmem>>
      %dma_wait3A_368 = arith.constant 0 : i32
      %dma_wait3A_369 = tpu.memref_slice %arg8[%add3A_248, %dma_wait3A_368] : memref<80x128xi32, #tpu.memory_space<vmem>> -> memref<1x128xi32, #tpu.memory_space<vmem>>
      %dma_wait3A_370 = tpu.memref_squeeze %dma_wait3A_369 : memref<1x128xi32, #tpu.memory_space<vmem>> -> memref<128xi32, #tpu.memory_space<vmem>>
      %dma_wait3A_371 = arith.constant 0 : i32
      %dma_wait3A_372 = arith.constant 0 : i32
      %dma_wait3A_373 = tpu.memref_slice %arg10[%dma_wait3A_371, %dma_wait3A_372] : memref<10112x64xf32, #tpu.memory_space<vmem_shared>> -> memref<10112x64xf32, #tpu.memory_space<vmem_shared>>
      tpu.wait_indirect_dma semaphore(%arg12 : memref<!tpu.dma_semaphore, #tpu.memory_space<semaphore_mem>>) src(%dma_wait3A_367 : memref<128x64xf32, #tpu.memory_space<vmem>>) dst(%dma_wait3A_373 : memref<10112x64xf32, #tpu.memory_space<vmem_shared>>)
      %dma_wait3A_374 = arith.constant 6 : i32
      %dma_wait3A_375 = arith.constant 0 : i32
      %dma_wait3A_376 = arith.constant 0 : i32
      %dma_wait3A_377 = tpu.memref_slice %arg9[%dma_wait3A_374, %dma_wait3A_375, %dma_wait3A_376] : memref<8x128x64xf32, #tpu.memory_space<vmem>> -> memref<1x128x64xf32, #tpu.memory_space<vmem>>
      %dma_wait3A_378 = tpu.memref_squeeze %dma_wait3A_377 : memref<1x128x64xf32, #tpu.memory_space<vmem>> -> memref<128x64xf32, #tpu.memory_space<vmem>>
      %dma_wait3A_379 = arith.constant 0 : i32
      %dma_wait3A_380 = tpu.memref_slice %arg8[%add3A_272, %dma_wait3A_379] : memref<80x128xi32, #tpu.memory_space<vmem>> -> memref<1x128xi32, #tpu.memory_space<vmem>>
      %dma_wait3A_381 = tpu.memref_squeeze %dma_wait3A_380 : memref<1x128xi32, #tpu.memory_space<vmem>> -> memref<128xi32, #tpu.memory_space<vmem>>
      %dma_wait3A_382 = arith.constant 0 : i32
      %dma_wait3A_383 = arith.constant 0 : i32
      %dma_wait3A_384 = tpu.memref_slice %arg10[%dma_wait3A_382, %dma_wait3A_383] : memref<10112x64xf32, #tpu.memory_space<vmem_shared>> -> memref<10112x64xf32, #tpu.memory_space<vmem_shared>>
      tpu.wait_indirect_dma semaphore(%arg12 : memref<!tpu.dma_semaphore, #tpu.memory_space<semaphore_mem>>) src(%dma_wait3A_378 : memref<128x64xf32, #tpu.memory_space<vmem>>) dst(%dma_wait3A_384 : memref<10112x64xf32, #tpu.memory_space<vmem_shared>>)
      %dma_wait3A_385 = arith.constant 7 : i32
      %dma_wait3A_386 = arith.constant 0 : i32
      %dma_wait3A_387 = arith.constant 0 : i32
      %dma_wait3A_388 = tpu.memref_slice %arg9[%dma_wait3A_385, %dma_wait3A_386, %dma_wait3A_387] : memref<8x128x64xf32, #tpu.memory_space<vmem>> -> memref<1x128x64xf32, #tpu.memory_space<vmem>>
      %dma_wait3A_389 = tpu.memref_squeeze %dma_wait3A_388 : memref<1x128x64xf32, #tpu.memory_space<vmem>> -> memref<128x64xf32, #tpu.memory_space<vmem>>
      %dma_wait3A_390 = arith.constant 0 : i32
      %dma_wait3A_391 = tpu.memref_slice %arg8[%add3A_296, %dma_wait3A_390] : memref<80x128xi32, #tpu.memory_space<vmem>> -> memref<1x128xi32, #tpu.memory_space<vmem>>
      %dma_wait3A_392 = tpu.memref_squeeze %dma_wait3A_391 : memref<1x128xi32, #tpu.memory_space<vmem>> -> memref<128xi32, #tpu.memory_space<vmem>>
      %dma_wait3A_393 = arith.constant 0 : i32
      %dma_wait3A_394 = arith.constant 0 : i32
      %dma_wait3A_395 = tpu.memref_slice %arg10[%dma_wait3A_393, %dma_wait3A_394] : memref<10112x64xf32, #tpu.memory_space<vmem_shared>> -> memref<10112x64xf32, #tpu.memory_space<vmem_shared>>
      tpu.wait_indirect_dma semaphore(%arg12 : memref<!tpu.dma_semaphore, #tpu.memory_space<semaphore_mem>>) src(%dma_wait3A_389 : memref<128x64xf32, #tpu.memory_space<vmem>>) dst(%dma_wait3A_395 : memref<10112x64xf32, #tpu.memory_space<vmem_shared>>)
    }
    %scan3A_7 = arith.constant 10 : i32
    %barrier3A_8 = arith.constant 0 : index
    tpu.barrier barrier_id(%barrier3A_8)
    %mul3A_9 = arith.constant 64 : i32
    %mul3A_10 = arith.muli %arg0, %mul3A_9 : i32
    %multiple_of3A = tpu.assume_multiple %mul3A_10, 64 : i32
    "tpu.region"() ({
      %run_scoped3A = tpu.sem_alloc : memref<!tpu.dma_semaphore, #tpu.memory_space<semaphore_mem>>
      %dma_start3A = tpu.memref_slice %arg6[%mul3A_0, %multiple_of3A] : memref<10112x128xf32, #tpu.memory_space<hbm>> -> memref<632x64xf32, #tpu.memory_space<hbm>>
      %dma_start3A_11 = arith.constant 0 : i32
      %dma_start3A_12 = tpu.memref_slice %arg10[%mul3A_0, %dma_start3A_11] : memref<10112x64xf32, #tpu.memory_space<vmem_shared>> -> memref<632x64xf32, #tpu.memory_space<vmem_shared>>
      tpu.enqueue_dma source(%dma_start3A_12 : memref<632x64xf32, #tpu.memory_space<vmem_shared>>) target(%dma_start3A : memref<632x64xf32, #tpu.memory_space<hbm>>) target_semaphore(%run_scoped3A : memref<!tpu.dma_semaphore, #tpu.memory_space<semaphore_mem>>)
      %dma_wait3A = tpu.memref_slice %arg6[%mul3A_0, %multiple_of3A] : memref<10112x128xf32, #tpu.memory_space<hbm>> -> memref<632x64xf32, #tpu.memory_space<hbm>>
      %dma_wait3A_13 = arith.constant 0 : i32
      %dma_wait3A_14 = tpu.memref_slice %arg10[%mul3A_0, %dma_wait3A_13] : memref<10112x64xf32, #tpu.memory_space<vmem_shared>> -> memref<632x64xf32, #tpu.memory_space<vmem_shared>>
      tpu.wait_dma2 semaphore(%run_scoped3A : memref<!tpu.dma_semaphore, #tpu.memory_space<semaphore_mem>>) src(%dma_wait3A_14 : memref<632x64xf32, #tpu.memory_space<vmem_shared>>) dst(%dma_wait3A : memref<632x64xf32, #tpu.memory_space<hbm>>)
      tpu.yield
    }) : () -> ()
    return
  }
}

#map = affine_map<(d0, d1) -> (0, 0, 0)>
#map1 = affine_map<(d0, d1) -> (0, 0)>
module attributes {stable_mosaic.version = 14 : i64} {
  func.func @degk(%arg0: i32, %arg1: i32, %arg2: memref<32x80x128xi32, #tpu.memory_space<hbm>>, %arg3: memref<128x16xf32, #tpu.memory_space<hbm>>, %arg4: memref<10112x16xf32, #tpu.memory_space<hbm>>, %arg5: memref<10112x128xf32, #tpu.memory_space<hbm>>, %arg6: memref<80x128xi32, #tpu.memory_space<vmem>>, %arg7: memref<128x16xf32, #tpu.memory_space<vmem>>, %arg8: memref<10112x16xf32, #tpu.memory_space<vmem_shared>>, %arg9: memref<!tpu.dma_semaphore, #tpu.memory_space<semaphore_mem>>) attributes {dimension_semantics = [#tpu.dimension_semantics<core_parallel>, #tpu.dimension_semantics<subcore_parallel>], iteration_bounds = array<i64: 2, 16>, scalar_prefetch = 0 : i64, scratch_operands = 4 : i64, tpu.core_type = #tpu.core_type<sc_vector_subcore>, window_params = [{transform_indices = #map}, {transform_indices = #map1}, {transform_indices = #map1}, {transform_indices = #map1}]} {
    %mul3A = arith.constant 16 : i32
    %mul3A_0 = arith.muli %arg0, %mul3A : i32
    %add3A = arith.addi %mul3A_0, %arg1 : i32
    %mul3A_1 = arith.constant 632 : i32
    %mul3A_2 = arith.muli %arg1, %mul3A_1 : i32
    "tpu.region"() ({
      %run_scoped3A = tpu.sem_alloc : memref<!tpu.dma_semaphore, #tpu.memory_space<semaphore_mem>>
      %dma_start3A = arith.constant 0 : i32
      %dma_start3A_11 = tpu.memref_slice %arg8[%mul3A_2, %dma_start3A] : memref<10112x16xf32, #tpu.memory_space<vmem_shared>> -> memref<632x16xf32, #tpu.memory_space<vmem_shared>>
      %dma_start3A_12 = arith.constant 0 : i32
      %dma_start3A_13 = tpu.memref_slice %arg4[%mul3A_2, %dma_start3A_12] : memref<10112x16xf32, #tpu.memory_space<hbm>> -> memref<632x16xf32, #tpu.memory_space<hbm>>
      tpu.enqueue_dma source(%dma_start3A_13 : memref<632x16xf32, #tpu.memory_space<hbm>>) target(%dma_start3A_11 : memref<632x16xf32, #tpu.memory_space<vmem_shared>>) target_semaphore(%run_scoped3A : memref<!tpu.dma_semaphore, #tpu.memory_space<semaphore_mem>>)
      %dma_wait3A = arith.constant 0 : i32
      %dma_wait3A_14 = tpu.memref_slice %arg8[%mul3A_2, %dma_wait3A] : memref<10112x16xf32, #tpu.memory_space<vmem_shared>> -> memref<632x16xf32, #tpu.memory_space<vmem_shared>>
      %dma_wait3A_15 = arith.constant 0 : i32
      %dma_wait3A_16 = tpu.memref_slice %arg4[%mul3A_2, %dma_wait3A_15] : memref<10112x16xf32, #tpu.memory_space<hbm>> -> memref<632x16xf32, #tpu.memory_space<hbm>>
      tpu.wait_dma2 semaphore(%run_scoped3A : memref<!tpu.dma_semaphore, #tpu.memory_space<semaphore_mem>>) src(%dma_wait3A_16 : memref<632x16xf32, #tpu.memory_space<hbm>>) dst(%dma_wait3A_14 : memref<632x16xf32, #tpu.memory_space<vmem_shared>>)
      tpu.yield
    }) : () -> ()
    "tpu.region"() ({
      %run_scoped3A = tpu.sem_alloc : memref<!tpu.dma_semaphore, #tpu.memory_space<semaphore_mem>>
      %dma_start3A = arith.constant 0 : i32
      %dma_start3A_11 = arith.constant 0 : i32
      %dma_start3A_12 = tpu.memref_slice %arg2[%add3A, %dma_start3A, %dma_start3A_11] : memref<32x80x128xi32, #tpu.memory_space<hbm>> -> memref<1x80x128xi32, #tpu.memory_space<hbm>>
      %dma_start3A_13 = tpu.memref_squeeze %dma_start3A_12 : memref<1x80x128xi32, #tpu.memory_space<hbm>> -> memref<80x128xi32, #tpu.memory_space<hbm>>
      %dma_start3A_14 = arith.constant 0 : i32
      %dma_start3A_15 = arith.constant 0 : i32
      %dma_start3A_16 = tpu.memref_slice %arg2[%add3A, %dma_start3A_14, %dma_start3A_15] : memref<32x80x128xi32, #tpu.memory_space<hbm>> -> memref<1x80x128xi32, #tpu.memory_space<hbm>>
      %dma_start3A_17 = tpu.memref_squeeze %dma_start3A_16 : memref<1x80x128xi32, #tpu.memory_space<hbm>> -> memref<80x128xi32, #tpu.memory_space<hbm>>
      tpu.enqueue_dma source(%dma_start3A_17 : memref<80x128xi32, #tpu.memory_space<hbm>>) target(%arg6 : memref<80x128xi32, #tpu.memory_space<vmem>>) target_semaphore(%run_scoped3A : memref<!tpu.dma_semaphore, #tpu.memory_space<semaphore_mem>>)
      %dma_wait3A = arith.constant 0 : i32
      %dma_wait3A_18 = arith.constant 0 : i32
      %dma_wait3A_19 = tpu.memref_slice %arg2[%add3A, %dma_wait3A, %dma_wait3A_18] : memref<32x80x128xi32, #tpu.memory_space<hbm>> -> memref<1x80x128xi32, #tpu.memory_space<hbm>>
      %dma_wait3A_20 = tpu.memref_squeeze %dma_wait3A_19 : memref<1x80x128xi32, #tpu.memory_space<hbm>> -> memref<80x128xi32, #tpu.memory_space<hbm>>
      %dma_wait3A_21 = arith.constant 0 : i32
      %dma_wait3A_22 = arith.constant 0 : i32
      %dma_wait3A_23 = tpu.memref_slice %arg2[%add3A, %dma_wait3A_21, %dma_wait3A_22] : memref<32x80x128xi32, #tpu.memory_space<hbm>> -> memref<1x80x128xi32, #tpu.memory_space<hbm>>
      %dma_wait3A_24 = tpu.memref_squeeze %dma_wait3A_23 : memref<1x80x128xi32, #tpu.memory_space<hbm>> -> memref<80x128xi32, #tpu.memory_space<hbm>>
      tpu.wait_dma2 semaphore(%run_scoped3A : memref<!tpu.dma_semaphore, #tpu.memory_space<semaphore_mem>>) src(%dma_wait3A_24 : memref<80x128xi32, #tpu.memory_space<hbm>>) dst(%arg6 : memref<80x128xi32, #tpu.memory_space<vmem>>)
      tpu.yield
    }) : () -> ()
    "tpu.region"() ({
      %run_scoped3A = tpu.sem_alloc : memref<!tpu.dma_semaphore, #tpu.memory_space<semaphore_mem>>
      tpu.enqueue_dma source(%arg3 : memref<128x16xf32, #tpu.memory_space<hbm>>) target(%arg7 : memref<128x16xf32, #tpu.memory_space<vmem>>) target_semaphore(%run_scoped3A : memref<!tpu.dma_semaphore, #tpu.memory_space<semaphore_mem>>)
      tpu.wait_dma2 semaphore(%run_scoped3A : memref<!tpu.dma_semaphore, #tpu.memory_space<semaphore_mem>>) src(%arg3 : memref<128x16xf32, #tpu.memory_space<hbm>>) dst(%arg7 : memref<128x16xf32, #tpu.memory_space<vmem>>)
      tpu.yield
    }) : () -> ()
    %barrier3A = arith.constant 0 : index
    tpu.barrier barrier_id(%barrier3A)
    %scan3A = arith.constant 0 : i32
    %scan3A_3 = arith.constant 0 : i32
    %scan3A_4 = arith.constant 10 : i32
    %scan3A_5 = arith.addi %scan3A_3, %scan3A_4 : i32
    %scan3A_6 = arith.constant 1 : i32
    scf.for %scan3A_11 = %scan3A_3 to %scan3A_5 step %scan3A_6  : i32 {
      %mul3A_12 = arith.constant 8 : i32
      %mul3A_13 = arith.muli %scan3A_11, %mul3A_12 : i32
      %add3A_14 = arith.constant 0 : i32
      %add3A_15 = arith.addi %mul3A_13, %add3A_14 : i32
      %dma_start3A = arith.constant 0 : i32
      %dma_start3A_16 = tpu.memref_slice %arg6[%add3A_15, %dma_start3A] : memref<80x128xi32, #tpu.memory_space<vmem>> -> memref<1x128xi32, #tpu.memory_space<vmem>>
      %dma_start3A_17 = tpu.memref_squeeze %dma_start3A_16 : memref<1x128xi32, #tpu.memory_space<vmem>> -> memref<128xi32, #tpu.memory_space<vmem>>
      %dma_start3A_18 = arith.constant 0 : i32
      %dma_start3A_19 = arith.constant 0 : i32
      %dma_start3A_20 = tpu.memref_slice %arg8[%dma_start3A_18, %dma_start3A_19] : memref<10112x16xf32, #tpu.memory_space<vmem_shared>> -> memref<10112x16xf32, #tpu.memory_space<vmem_shared>>
      tpu.enqueue_indirect_dma source(%arg7 : memref<128x16xf32, #tpu.memory_space<vmem>>) target(%dma_start3A_20 : memref<10112x16xf32, #tpu.memory_space<vmem_shared>>) offsets(%dma_start3A_17 : memref<128xi32, #tpu.memory_space<vmem>>) semaphore(%arg9 : memref<!tpu.dma_semaphore, #tpu.memory_space<semaphore_mem>>) {add = true}
      %add3A_21 = arith.constant 1 : i32
      %add3A_22 = arith.addi %mul3A_13, %add3A_21 : i32
      %dma_start3A_23 = arith.constant 0 : i32
      %dma_start3A_24 = tpu.memref_slice %arg6[%add3A_22, %dma_start3A_23] : memref<80x128xi32, #tpu.memory_space<vmem>> -> memref<1x128xi32, #tpu.memory_space<vmem>>
      %dma_start3A_25 = tpu.memref_squeeze %dma_start3A_24 : memref<1x128xi32, #tpu.memory_space<vmem>> -> memref<128xi32, #tpu.memory_space<vmem>>
      %dma_start3A_26 = arith.constant 0 : i32
      %dma_start3A_27 = arith.constant 0 : i32
      %dma_start3A_28 = tpu.memref_slice %arg8[%dma_start3A_26, %dma_start3A_27] : memref<10112x16xf32, #tpu.memory_space<vmem_shared>> -> memref<10112x16xf32, #tpu.memory_space<vmem_shared>>
      tpu.enqueue_indirect_dma source(%arg7 : memref<128x16xf32, #tpu.memory_space<vmem>>) target(%dma_start3A_28 : memref<10112x16xf32, #tpu.memory_space<vmem_shared>>) offsets(%dma_start3A_25 : memref<128xi32, #tpu.memory_space<vmem>>) semaphore(%arg9 : memref<!tpu.dma_semaphore, #tpu.memory_space<semaphore_mem>>) {add = true}
      %add3A_29 = arith.constant 2 : i32
      %add3A_30 = arith.addi %mul3A_13, %add3A_29 : i32
      %dma_start3A_31 = arith.constant 0 : i32
      %dma_start3A_32 = tpu.memref_slice %arg6[%add3A_30, %dma_start3A_31] : memref<80x128xi32, #tpu.memory_space<vmem>> -> memref<1x128xi32, #tpu.memory_space<vmem>>
      %dma_start3A_33 = tpu.memref_squeeze %dma_start3A_32 : memref<1x128xi32, #tpu.memory_space<vmem>> -> memref<128xi32, #tpu.memory_space<vmem>>
      %dma_start3A_34 = arith.constant 0 : i32
      %dma_start3A_35 = arith.constant 0 : i32
      %dma_start3A_36 = tpu.memref_slice %arg8[%dma_start3A_34, %dma_start3A_35] : memref<10112x16xf32, #tpu.memory_space<vmem_shared>> -> memref<10112x16xf32, #tpu.memory_space<vmem_shared>>
      tpu.enqueue_indirect_dma source(%arg7 : memref<128x16xf32, #tpu.memory_space<vmem>>) target(%dma_start3A_36 : memref<10112x16xf32, #tpu.memory_space<vmem_shared>>) offsets(%dma_start3A_33 : memref<128xi32, #tpu.memory_space<vmem>>) semaphore(%arg9 : memref<!tpu.dma_semaphore, #tpu.memory_space<semaphore_mem>>) {add = true}
      %add3A_37 = arith.constant 3 : i32
      %add3A_38 = arith.addi %mul3A_13, %add3A_37 : i32
      %dma_start3A_39 = arith.constant 0 : i32
      %dma_start3A_40 = tpu.memref_slice %arg6[%add3A_38, %dma_start3A_39] : memref<80x128xi32, #tpu.memory_space<vmem>> -> memref<1x128xi32, #tpu.memory_space<vmem>>
      %dma_start3A_41 = tpu.memref_squeeze %dma_start3A_40 : memref<1x128xi32, #tpu.memory_space<vmem>> -> memref<128xi32, #tpu.memory_space<vmem>>
      %dma_start3A_42 = arith.constant 0 : i32
      %dma_start3A_43 = arith.constant 0 : i32
      %dma_start3A_44 = tpu.memref_slice %arg8[%dma_start3A_42, %dma_start3A_43] : memref<10112x16xf32, #tpu.memory_space<vmem_shared>> -> memref<10112x16xf32, #tpu.memory_space<vmem_shared>>
      tpu.enqueue_indirect_dma source(%arg7 : memref<128x16xf32, #tpu.memory_space<vmem>>) target(%dma_start3A_44 : memref<10112x16xf32, #tpu.memory_space<vmem_shared>>) offsets(%dma_start3A_41 : memref<128xi32, #tpu.memory_space<vmem>>) semaphore(%arg9 : memref<!tpu.dma_semaphore, #tpu.memory_space<semaphore_mem>>) {add = true}
      %add3A_45 = arith.constant 4 : i32
      %add3A_46 = arith.addi %mul3A_13, %add3A_45 : i32
      %dma_start3A_47 = arith.constant 0 : i32
      %dma_start3A_48 = tpu.memref_slice %arg6[%add3A_46, %dma_start3A_47] : memref<80x128xi32, #tpu.memory_space<vmem>> -> memref<1x128xi32, #tpu.memory_space<vmem>>
      %dma_start3A_49 = tpu.memref_squeeze %dma_start3A_48 : memref<1x128xi32, #tpu.memory_space<vmem>> -> memref<128xi32, #tpu.memory_space<vmem>>
      %dma_start3A_50 = arith.constant 0 : i32
      %dma_start3A_51 = arith.constant 0 : i32
      %dma_start3A_52 = tpu.memref_slice %arg8[%dma_start3A_50, %dma_start3A_51] : memref<10112x16xf32, #tpu.memory_space<vmem_shared>> -> memref<10112x16xf32, #tpu.memory_space<vmem_shared>>
      tpu.enqueue_indirect_dma source(%arg7 : memref<128x16xf32, #tpu.memory_space<vmem>>) target(%dma_start3A_52 : memref<10112x16xf32, #tpu.memory_space<vmem_shared>>) offsets(%dma_start3A_49 : memref<128xi32, #tpu.memory_space<vmem>>) semaphore(%arg9 : memref<!tpu.dma_semaphore, #tpu.memory_space<semaphore_mem>>) {add = true}
      %add3A_53 = arith.constant 5 : i32
      %add3A_54 = arith.addi %mul3A_13, %add3A_53 : i32
      %dma_start3A_55 = arith.constant 0 : i32
      %dma_start3A_56 = tpu.memref_slice %arg6[%add3A_54, %dma_start3A_55] : memref<80x128xi32, #tpu.memory_space<vmem>> -> memref<1x128xi32, #tpu.memory_space<vmem>>
      %dma_start3A_57 = tpu.memref_squeeze %dma_start3A_56 : memref<1x128xi32, #tpu.memory_space<vmem>> -> memref<128xi32, #tpu.memory_space<vmem>>
      %dma_start3A_58 = arith.constant 0 : i32
      %dma_start3A_59 = arith.constant 0 : i32
      %dma_start3A_60 = tpu.memref_slice %arg8[%dma_start3A_58, %dma_start3A_59] : memref<10112x16xf32, #tpu.memory_space<vmem_shared>> -> memref<10112x16xf32, #tpu.memory_space<vmem_shared>>
      tpu.enqueue_indirect_dma source(%arg7 : memref<128x16xf32, #tpu.memory_space<vmem>>) target(%dma_start3A_60 : memref<10112x16xf32, #tpu.memory_space<vmem_shared>>) offsets(%dma_start3A_57 : memref<128xi32, #tpu.memory_space<vmem>>) semaphore(%arg9 : memref<!tpu.dma_semaphore, #tpu.memory_space<semaphore_mem>>) {add = true}
      %add3A_61 = arith.constant 6 : i32
      %add3A_62 = arith.addi %mul3A_13, %add3A_61 : i32
      %dma_start3A_63 = arith.constant 0 : i32
      %dma_start3A_64 = tpu.memref_slice %arg6[%add3A_62, %dma_start3A_63] : memref<80x128xi32, #tpu.memory_space<vmem>> -> memref<1x128xi32, #tpu.memory_space<vmem>>
      %dma_start3A_65 = tpu.memref_squeeze %dma_start3A_64 : memref<1x128xi32, #tpu.memory_space<vmem>> -> memref<128xi32, #tpu.memory_space<vmem>>
      %dma_start3A_66 = arith.constant 0 : i32
      %dma_start3A_67 = arith.constant 0 : i32
      %dma_start3A_68 = tpu.memref_slice %arg8[%dma_start3A_66, %dma_start3A_67] : memref<10112x16xf32, #tpu.memory_space<vmem_shared>> -> memref<10112x16xf32, #tpu.memory_space<vmem_shared>>
      tpu.enqueue_indirect_dma source(%arg7 : memref<128x16xf32, #tpu.memory_space<vmem>>) target(%dma_start3A_68 : memref<10112x16xf32, #tpu.memory_space<vmem_shared>>) offsets(%dma_start3A_65 : memref<128xi32, #tpu.memory_space<vmem>>) semaphore(%arg9 : memref<!tpu.dma_semaphore, #tpu.memory_space<semaphore_mem>>) {add = true}
      %add3A_69 = arith.constant 7 : i32
      %add3A_70 = arith.addi %mul3A_13, %add3A_69 : i32
      %dma_start3A_71 = arith.constant 0 : i32
      %dma_start3A_72 = tpu.memref_slice %arg6[%add3A_70, %dma_start3A_71] : memref<80x128xi32, #tpu.memory_space<vmem>> -> memref<1x128xi32, #tpu.memory_space<vmem>>
      %dma_start3A_73 = tpu.memref_squeeze %dma_start3A_72 : memref<1x128xi32, #tpu.memory_space<vmem>> -> memref<128xi32, #tpu.memory_space<vmem>>
      %dma_start3A_74 = arith.constant 0 : i32
      %dma_start3A_75 = arith.constant 0 : i32
      %dma_start3A_76 = tpu.memref_slice %arg8[%dma_start3A_74, %dma_start3A_75] : memref<10112x16xf32, #tpu.memory_space<vmem_shared>> -> memref<10112x16xf32, #tpu.memory_space<vmem_shared>>
      tpu.enqueue_indirect_dma source(%arg7 : memref<128x16xf32, #tpu.memory_space<vmem>>) target(%dma_start3A_76 : memref<10112x16xf32, #tpu.memory_space<vmem_shared>>) offsets(%dma_start3A_73 : memref<128xi32, #tpu.memory_space<vmem>>) semaphore(%arg9 : memref<!tpu.dma_semaphore, #tpu.memory_space<semaphore_mem>>) {add = true}
      %dma_wait3A = arith.constant 0 : i32
      %dma_wait3A_77 = tpu.memref_slice %arg6[%add3A_15, %dma_wait3A] : memref<80x128xi32, #tpu.memory_space<vmem>> -> memref<1x128xi32, #tpu.memory_space<vmem>>
      %dma_wait3A_78 = tpu.memref_squeeze %dma_wait3A_77 : memref<1x128xi32, #tpu.memory_space<vmem>> -> memref<128xi32, #tpu.memory_space<vmem>>
      %dma_wait3A_79 = arith.constant 0 : i32
      %dma_wait3A_80 = arith.constant 0 : i32
      %dma_wait3A_81 = tpu.memref_slice %arg8[%dma_wait3A_79, %dma_wait3A_80] : memref<10112x16xf32, #tpu.memory_space<vmem_shared>> -> memref<10112x16xf32, #tpu.memory_space<vmem_shared>>
      tpu.wait_indirect_dma semaphore(%arg9 : memref<!tpu.dma_semaphore, #tpu.memory_space<semaphore_mem>>) src(%arg7 : memref<128x16xf32, #tpu.memory_space<vmem>>) dst(%dma_wait3A_81 : memref<10112x16xf32, #tpu.memory_space<vmem_shared>>)
      %dma_wait3A_82 = arith.constant 0 : i32
      %dma_wait3A_83 = tpu.memref_slice %arg6[%add3A_22, %dma_wait3A_82] : memref<80x128xi32, #tpu.memory_space<vmem>> -> memref<1x128xi32, #tpu.memory_space<vmem>>
      %dma_wait3A_84 = tpu.memref_squeeze %dma_wait3A_83 : memref<1x128xi32, #tpu.memory_space<vmem>> -> memref<128xi32, #tpu.memory_space<vmem>>
      %dma_wait3A_85 = arith.constant 0 : i32
      %dma_wait3A_86 = arith.constant 0 : i32
      %dma_wait3A_87 = tpu.memref_slice %arg8[%dma_wait3A_85, %dma_wait3A_86] : memref<10112x16xf32, #tpu.memory_space<vmem_shared>> -> memref<10112x16xf32, #tpu.memory_space<vmem_shared>>
      tpu.wait_indirect_dma semaphore(%arg9 : memref<!tpu.dma_semaphore, #tpu.memory_space<semaphore_mem>>) src(%arg7 : memref<128x16xf32, #tpu.memory_space<vmem>>) dst(%dma_wait3A_87 : memref<10112x16xf32, #tpu.memory_space<vmem_shared>>)
      %dma_wait3A_88 = arith.constant 0 : i32
      %dma_wait3A_89 = tpu.memref_slice %arg6[%add3A_30, %dma_wait3A_88] : memref<80x128xi32, #tpu.memory_space<vmem>> -> memref<1x128xi32, #tpu.memory_space<vmem>>
      %dma_wait3A_90 = tpu.memref_squeeze %dma_wait3A_89 : memref<1x128xi32, #tpu.memory_space<vmem>> -> memref<128xi32, #tpu.memory_space<vmem>>
      %dma_wait3A_91 = arith.constant 0 : i32
      %dma_wait3A_92 = arith.constant 0 : i32
      %dma_wait3A_93 = tpu.memref_slice %arg8[%dma_wait3A_91, %dma_wait3A_92] : memref<10112x16xf32, #tpu.memory_space<vmem_shared>> -> memref<10112x16xf32, #tpu.memory_space<vmem_shared>>
      tpu.wait_indirect_dma semaphore(%arg9 : memref<!tpu.dma_semaphore, #tpu.memory_space<semaphore_mem>>) src(%arg7 : memref<128x16xf32, #tpu.memory_space<vmem>>) dst(%dma_wait3A_93 : memref<10112x16xf32, #tpu.memory_space<vmem_shared>>)
      %dma_wait3A_94 = arith.constant 0 : i32
      %dma_wait3A_95 = tpu.memref_slice %arg6[%add3A_38, %dma_wait3A_94] : memref<80x128xi32, #tpu.memory_space<vmem>> -> memref<1x128xi32, #tpu.memory_space<vmem>>
      %dma_wait3A_96 = tpu.memref_squeeze %dma_wait3A_95 : memref<1x128xi32, #tpu.memory_space<vmem>> -> memref<128xi32, #tpu.memory_space<vmem>>
      %dma_wait3A_97 = arith.constant 0 : i32
      %dma_wait3A_98 = arith.constant 0 : i32
      %dma_wait3A_99 = tpu.memref_slice %arg8[%dma_wait3A_97, %dma_wait3A_98] : memref<10112x16xf32, #tpu.memory_space<vmem_shared>> -> memref<10112x16xf32, #tpu.memory_space<vmem_shared>>
      tpu.wait_indirect_dma semaphore(%arg9 : memref<!tpu.dma_semaphore, #tpu.memory_space<semaphore_mem>>) src(%arg7 : memref<128x16xf32, #tpu.memory_space<vmem>>) dst(%dma_wait3A_99 : memref<10112x16xf32, #tpu.memory_space<vmem_shared>>)
      %dma_wait3A_100 = arith.constant 0 : i32
      %dma_wait3A_101 = tpu.memref_slice %arg6[%add3A_46, %dma_wait3A_100] : memref<80x128xi32, #tpu.memory_space<vmem>> -> memref<1x128xi32, #tpu.memory_space<vmem>>
      %dma_wait3A_102 = tpu.memref_squeeze %dma_wait3A_101 : memref<1x128xi32, #tpu.memory_space<vmem>> -> memref<128xi32, #tpu.memory_space<vmem>>
      %dma_wait3A_103 = arith.constant 0 : i32
      %dma_wait3A_104 = arith.constant 0 : i32
      %dma_wait3A_105 = tpu.memref_slice %arg8[%dma_wait3A_103, %dma_wait3A_104] : memref<10112x16xf32, #tpu.memory_space<vmem_shared>> -> memref<10112x16xf32, #tpu.memory_space<vmem_shared>>
      tpu.wait_indirect_dma semaphore(%arg9 : memref<!tpu.dma_semaphore, #tpu.memory_space<semaphore_mem>>) src(%arg7 : memref<128x16xf32, #tpu.memory_space<vmem>>) dst(%dma_wait3A_105 : memref<10112x16xf32, #tpu.memory_space<vmem_shared>>)
      %dma_wait3A_106 = arith.constant 0 : i32
      %dma_wait3A_107 = tpu.memref_slice %arg6[%add3A_54, %dma_wait3A_106] : memref<80x128xi32, #tpu.memory_space<vmem>> -> memref<1x128xi32, #tpu.memory_space<vmem>>
      %dma_wait3A_108 = tpu.memref_squeeze %dma_wait3A_107 : memref<1x128xi32, #tpu.memory_space<vmem>> -> memref<128xi32, #tpu.memory_space<vmem>>
      %dma_wait3A_109 = arith.constant 0 : i32
      %dma_wait3A_110 = arith.constant 0 : i32
      %dma_wait3A_111 = tpu.memref_slice %arg8[%dma_wait3A_109, %dma_wait3A_110] : memref<10112x16xf32, #tpu.memory_space<vmem_shared>> -> memref<10112x16xf32, #tpu.memory_space<vmem_shared>>
      tpu.wait_indirect_dma semaphore(%arg9 : memref<!tpu.dma_semaphore, #tpu.memory_space<semaphore_mem>>) src(%arg7 : memref<128x16xf32, #tpu.memory_space<vmem>>) dst(%dma_wait3A_111 : memref<10112x16xf32, #tpu.memory_space<vmem_shared>>)
      %dma_wait3A_112 = arith.constant 0 : i32
      %dma_wait3A_113 = tpu.memref_slice %arg6[%add3A_62, %dma_wait3A_112] : memref<80x128xi32, #tpu.memory_space<vmem>> -> memref<1x128xi32, #tpu.memory_space<vmem>>
      %dma_wait3A_114 = tpu.memref_squeeze %dma_wait3A_113 : memref<1x128xi32, #tpu.memory_space<vmem>> -> memref<128xi32, #tpu.memory_space<vmem>>
      %dma_wait3A_115 = arith.constant 0 : i32
      %dma_wait3A_116 = arith.constant 0 : i32
      %dma_wait3A_117 = tpu.memref_slice %arg8[%dma_wait3A_115, %dma_wait3A_116] : memref<10112x16xf32, #tpu.memory_space<vmem_shared>> -> memref<10112x16xf32, #tpu.memory_space<vmem_shared>>
      tpu.wait_indirect_dma semaphore(%arg9 : memref<!tpu.dma_semaphore, #tpu.memory_space<semaphore_mem>>) src(%arg7 : memref<128x16xf32, #tpu.memory_space<vmem>>) dst(%dma_wait3A_117 : memref<10112x16xf32, #tpu.memory_space<vmem_shared>>)
      %dma_wait3A_118 = arith.constant 0 : i32
      %dma_wait3A_119 = tpu.memref_slice %arg6[%add3A_70, %dma_wait3A_118] : memref<80x128xi32, #tpu.memory_space<vmem>> -> memref<1x128xi32, #tpu.memory_space<vmem>>
      %dma_wait3A_120 = tpu.memref_squeeze %dma_wait3A_119 : memref<1x128xi32, #tpu.memory_space<vmem>> -> memref<128xi32, #tpu.memory_space<vmem>>
      %dma_wait3A_121 = arith.constant 0 : i32
      %dma_wait3A_122 = arith.constant 0 : i32
      %dma_wait3A_123 = tpu.memref_slice %arg8[%dma_wait3A_121, %dma_wait3A_122] : memref<10112x16xf32, #tpu.memory_space<vmem_shared>> -> memref<10112x16xf32, #tpu.memory_space<vmem_shared>>
      tpu.wait_indirect_dma semaphore(%arg9 : memref<!tpu.dma_semaphore, #tpu.memory_space<semaphore_mem>>) src(%arg7 : memref<128x16xf32, #tpu.memory_space<vmem>>) dst(%dma_wait3A_123 : memref<10112x16xf32, #tpu.memory_space<vmem_shared>>)
    }
    %scan3A_7 = arith.constant 10 : i32
    %barrier3A_8 = arith.constant 0 : index
    tpu.barrier barrier_id(%barrier3A_8)
    %mul3A_9 = arith.constant 64 : i32
    %mul3A_10 = arith.muli %arg0, %mul3A_9 : i32
    %multiple_of3A = tpu.assume_multiple %mul3A_10, 64 : i32
    "tpu.region"() ({
      %run_scoped3A = tpu.sem_alloc : memref<!tpu.dma_semaphore, #tpu.memory_space<semaphore_mem>>
      %dma_start3A = tpu.memref_slice %arg5[%mul3A_2, %multiple_of3A] : memref<10112x128xf32, #tpu.memory_space<hbm>> -> memref<632x16xf32, #tpu.memory_space<hbm>>
      %dma_start3A_11 = arith.constant 0 : i32
      %dma_start3A_12 = tpu.memref_slice %arg8[%mul3A_2, %dma_start3A_11] : memref<10112x16xf32, #tpu.memory_space<vmem_shared>> -> memref<632x16xf32, #tpu.memory_space<vmem_shared>>
      tpu.enqueue_dma source(%dma_start3A_12 : memref<632x16xf32, #tpu.memory_space<vmem_shared>>) target(%dma_start3A : memref<632x16xf32, #tpu.memory_space<hbm>>) target_semaphore(%run_scoped3A : memref<!tpu.dma_semaphore, #tpu.memory_space<semaphore_mem>>)
      %dma_wait3A = tpu.memref_slice %arg5[%mul3A_2, %multiple_of3A] : memref<10112x128xf32, #tpu.memory_space<hbm>> -> memref<632x16xf32, #tpu.memory_space<hbm>>
      %dma_wait3A_13 = arith.constant 0 : i32
      %dma_wait3A_14 = tpu.memref_slice %arg8[%mul3A_2, %dma_wait3A_13] : memref<10112x16xf32, #tpu.memory_space<vmem_shared>> -> memref<632x16xf32, #tpu.memory_space<vmem_shared>>
      tpu.wait_dma2 semaphore(%run_scoped3A : memref<!tpu.dma_semaphore, #tpu.memory_space<semaphore_mem>>) src(%dma_wait3A_14 : memref<632x16xf32, #tpu.memory_space<vmem_shared>>) dst(%dma_wait3A : memref<632x16xf32, #tpu.memory_space<hbm>>)
      tpu.yield
    }) : () -> ()
    return
  }
}

#map = affine_map<(d0, d1) -> (0, 0)>
#map1 = affine_map<(d0, d1) -> (0, 0, 0)>
module attributes {stable_mosaic.version = 14 : i64} {
  func.func @prop(%arg0: i32, %arg1: i32, %arg2: memref<20000x64xf32, #tpu.memory_space<hbm>>, %arg3: memref<32x80x128xi32, #tpu.memory_space<hbm>>, %arg4: memref<32x80x128xi32, #tpu.memory_space<hbm>>, %arg5: memref<10112x64xf32, #tpu.memory_space<hbm>>, %arg6: memref<10112x128xf32, #tpu.memory_space<hbm>>, %arg7: memref<80x128xi32, #tpu.memory_space<vmem>>, %arg8: memref<80x128xi32, #tpu.memory_space<vmem>>, %arg9: memref<8x128x64xf32, #tpu.memory_space<vmem>>, %arg10: memref<10112x64xf32, #tpu.memory_space<vmem_shared>>, %arg11: memref<!tpu.dma_semaphore, #tpu.memory_space<semaphore_mem>>, %arg12: memref<!tpu.dma_semaphore, #tpu.memory_space<semaphore_mem>>) attributes {dimension_semantics = [#tpu.dimension_semantics<core_parallel>, #tpu.dimension_semantics<subcore_parallel>], iteration_bounds = array<i64: 2, 16>, scalar_prefetch = 0 : i64, scratch_operands = 6 : i64, tpu.core_type = #tpu.core_type<sc_vector_subcore>, window_params = [{transform_indices = #map}, {transform_indices = #map1}, {transform_indices = #map1}, {transform_indices = #map}, {transform_indices = #map}]} {
    %mul3A = arith.constant 632 : i32
    %mul3A_0 = arith.muli %arg1, %mul3A : i32
    "tpu.region"() ({
      %run_scoped3A = tpu.sem_alloc : memref<!tpu.dma_semaphore, #tpu.memory_space<semaphore_mem>>
      %dma_start3A = arith.constant 0 : i32
      %dma_start3A_11 = tpu.memref_slice %arg10[%mul3A_0, %dma_start3A] : memref<10112x64xf32, #tpu.memory_space<vmem_shared>> -> memref<632x64xf32, #tpu.memory_space<vmem_shared>>
      %dma_start3A_12 = arith.constant 0 : i32
      %dma_start3A_13 = tpu.memref_slice %arg5[%mul3A_0, %dma_start3A_12] : memref<10112x64xf32, #tpu.memory_space<hbm>> -> memref<632x64xf32, #tpu.memory_space<hbm>>
      tpu.enqueue_dma source(%dma_start3A_13 : memref<632x64xf32, #tpu.memory_space<hbm>>) target(%dma_start3A_11 : memref<632x64xf32, #tpu.memory_space<vmem_shared>>) target_semaphore(%run_scoped3A : memref<!tpu.dma_semaphore, #tpu.memory_space<semaphore_mem>>)
      %dma_wait3A = arith.constant 0 : i32
      %dma_wait3A_14 = tpu.memref_slice %arg10[%mul3A_0, %dma_wait3A] : memref<10112x64xf32, #tpu.memory_space<vmem_shared>> -> memref<632x64xf32, #tpu.memory_space<vmem_shared>>
      %dma_wait3A_15 = arith.constant 0 : i32
      %dma_wait3A_16 = tpu.memref_slice %arg5[%mul3A_0, %dma_wait3A_15] : memref<10112x64xf32, #tpu.memory_space<hbm>> -> memref<632x64xf32, #tpu.memory_space<hbm>>
      tpu.wait_dma2 semaphore(%run_scoped3A : memref<!tpu.dma_semaphore, #tpu.memory_space<semaphore_mem>>) src(%dma_wait3A_16 : memref<632x64xf32, #tpu.memory_space<hbm>>) dst(%dma_wait3A_14 : memref<632x64xf32, #tpu.memory_space<vmem_shared>>)
      tpu.yield
    }) : () -> ()
    %mul3A_1 = arith.constant 16 : i32
    %mul3A_2 = arith.muli %arg0, %mul3A_1 : i32
    %add3A = arith.addi %mul3A_2, %arg1 : i32
    "tpu.region"() ({
      %run_scoped3A = tpu.sem_alloc : memref<!tpu.dma_semaphore, #tpu.memory_space<semaphore_mem>>
      %dma_start3A = arith.constant 0 : i32
      %dma_start3A_11 = arith.constant 0 : i32
      %dma_start3A_12 = tpu.memref_slice %arg3[%add3A, %dma_start3A, %dma_start3A_11] : memref<32x80x128xi32, #tpu.memory_space<hbm>> -> memref<1x80x128xi32, #tpu.memory_space<hbm>>
      %dma_start3A_13 = tpu.memref_squeeze %dma_start3A_12 : memref<1x80x128xi32, #tpu.memory_space<hbm>> -> memref<80x128xi32, #tpu.memory_space<hbm>>
      %dma_start3A_14 = arith.constant 0 : i32
      %dma_start3A_15 = arith.constant 0 : i32
      %dma_start3A_16 = tpu.memref_slice %arg3[%add3A, %dma_start3A_14, %dma_start3A_15] : memref<32x80x128xi32, #tpu.memory_space<hbm>> -> memref<1x80x128xi32, #tpu.memory_space<hbm>>
      %dma_start3A_17 = tpu.memref_squeeze %dma_start3A_16 : memref<1x80x128xi32, #tpu.memory_space<hbm>> -> memref<80x128xi32, #tpu.memory_space<hbm>>
      tpu.enqueue_dma source(%dma_start3A_17 : memref<80x128xi32, #tpu.memory_space<hbm>>) target(%arg7 : memref<80x128xi32, #tpu.memory_space<vmem>>) target_semaphore(%run_scoped3A : memref<!tpu.dma_semaphore, #tpu.memory_space<semaphore_mem>>)
      %dma_wait3A = arith.constant 0 : i32
      %dma_wait3A_18 = arith.constant 0 : i32
      %dma_wait3A_19 = tpu.memref_slice %arg3[%add3A, %dma_wait3A, %dma_wait3A_18] : memref<32x80x128xi32, #tpu.memory_space<hbm>> -> memref<1x80x128xi32, #tpu.memory_space<hbm>>
      %dma_wait3A_20 = tpu.memref_squeeze %dma_wait3A_19 : memref<1x80x128xi32, #tpu.memory_space<hbm>> -> memref<80x128xi32, #tpu.memory_space<hbm>>
      %dma_wait3A_21 = arith.constant 0 : i32
      %dma_wait3A_22 = arith.constant 0 : i32
      %dma_wait3A_23 = tpu.memref_slice %arg3[%add3A, %dma_wait3A_21, %dma_wait3A_22] : memref<32x80x128xi32, #tpu.memory_space<hbm>> -> memref<1x80x128xi32, #tpu.memory_space<hbm>>
      %dma_wait3A_24 = tpu.memref_squeeze %dma_wait3A_23 : memref<1x80x128xi32, #tpu.memory_space<hbm>> -> memref<80x128xi32, #tpu.memory_space<hbm>>
      tpu.wait_dma2 semaphore(%run_scoped3A : memref<!tpu.dma_semaphore, #tpu.memory_space<semaphore_mem>>) src(%dma_wait3A_24 : memref<80x128xi32, #tpu.memory_space<hbm>>) dst(%arg7 : memref<80x128xi32, #tpu.memory_space<vmem>>)
      tpu.yield
    }) : () -> ()
    "tpu.region"() ({
      %run_scoped3A = tpu.sem_alloc : memref<!tpu.dma_semaphore, #tpu.memory_space<semaphore_mem>>
      %dma_start3A = arith.constant 0 : i32
      %dma_start3A_11 = arith.constant 0 : i32
      %dma_start3A_12 = tpu.memref_slice %arg4[%add3A, %dma_start3A, %dma_start3A_11] : memref<32x80x128xi32, #tpu.memory_space<hbm>> -> memref<1x80x128xi32, #tpu.memory_space<hbm>>
      %dma_start3A_13 = tpu.memref_squeeze %dma_start3A_12 : memref<1x80x128xi32, #tpu.memory_space<hbm>> -> memref<80x128xi32, #tpu.memory_space<hbm>>
      %dma_start3A_14 = arith.constant 0 : i32
      %dma_start3A_15 = arith.constant 0 : i32
      %dma_start3A_16 = tpu.memref_slice %arg4[%add3A, %dma_start3A_14, %dma_start3A_15] : memref<32x80x128xi32, #tpu.memory_space<hbm>> -> memref<1x80x128xi32, #tpu.memory_space<hbm>>
      %dma_start3A_17 = tpu.memref_squeeze %dma_start3A_16 : memref<1x80x128xi32, #tpu.memory_space<hbm>> -> memref<80x128xi32, #tpu.memory_space<hbm>>
      tpu.enqueue_dma source(%dma_start3A_17 : memref<80x128xi32, #tpu.memory_space<hbm>>) target(%arg8 : memref<80x128xi32, #tpu.memory_space<vmem>>) target_semaphore(%run_scoped3A : memref<!tpu.dma_semaphore, #tpu.memory_space<semaphore_mem>>)
      %dma_wait3A = arith.constant 0 : i32
      %dma_wait3A_18 = arith.constant 0 : i32
      %dma_wait3A_19 = tpu.memref_slice %arg4[%add3A, %dma_wait3A, %dma_wait3A_18] : memref<32x80x128xi32, #tpu.memory_space<hbm>> -> memref<1x80x128xi32, #tpu.memory_space<hbm>>
      %dma_wait3A_20 = tpu.memref_squeeze %dma_wait3A_19 : memref<1x80x128xi32, #tpu.memory_space<hbm>> -> memref<80x128xi32, #tpu.memory_space<hbm>>
      %dma_wait3A_21 = arith.constant 0 : i32
      %dma_wait3A_22 = arith.constant 0 : i32
      %dma_wait3A_23 = tpu.memref_slice %arg4[%add3A, %dma_wait3A_21, %dma_wait3A_22] : memref<32x80x128xi32, #tpu.memory_space<hbm>> -> memref<1x80x128xi32, #tpu.memory_space<hbm>>
      %dma_wait3A_24 = tpu.memref_squeeze %dma_wait3A_23 : memref<1x80x128xi32, #tpu.memory_space<hbm>> -> memref<80x128xi32, #tpu.memory_space<hbm>>
      tpu.wait_dma2 semaphore(%run_scoped3A : memref<!tpu.dma_semaphore, #tpu.memory_space<semaphore_mem>>) src(%dma_wait3A_24 : memref<80x128xi32, #tpu.memory_space<hbm>>) dst(%arg8 : memref<80x128xi32, #tpu.memory_space<vmem>>)
      tpu.yield
    }) : () -> ()
    %barrier3A = arith.constant 0 : index
    tpu.barrier barrier_id(%barrier3A)
    %scan3A = arith.constant 0 : i32
    %scan3A_3 = arith.constant 0 : i32
    %scan3A_4 = arith.constant 10 : i32
    %scan3A_5 = arith.addi %scan3A_3, %scan3A_4 : i32
    %scan3A_6 = arith.constant 1 : i32
    scf.for %scan3A_11 = %scan3A_3 to %scan3A_5 step %scan3A_6  : i32 {
      %mul3A_12 = arith.constant 8 : i32
      %mul3A_13 = arith.muli %scan3A_11, %mul3A_12 : i32
      %add3A_14 = arith.constant 0 : i32
      %add3A_15 = arith.addi %mul3A_13, %add3A_14 : i32
      %dma_start3A = arith.constant 0 : i32
      %dma_start3A_16 = arith.constant 0 : i32
      %dma_start3A_17 = arith.constant 0 : i32
      %dma_start3A_18 = tpu.memref_slice %arg9[%dma_start3A, %dma_start3A_16, %dma_start3A_17] : memref<8x128x64xf32, #tpu.memory_space<vmem>> -> memref<1x128x64xf32, #tpu.memory_space<vmem>>
      %dma_start3A_19 = tpu.memref_squeeze %dma_start3A_18 : memref<1x128x64xf32, #tpu.memory_space<vmem>> -> memref<128x64xf32, #tpu.memory_space<vmem>>
      %dma_start3A_20 = arith.constant 0 : i32
      %dma_start3A_21 = tpu.memref_slice %arg7[%add3A_15, %dma_start3A_20] : memref<80x128xi32, #tpu.memory_space<vmem>> -> memref<1x128xi32, #tpu.memory_space<vmem>>
      %dma_start3A_22 = tpu.memref_squeeze %dma_start3A_21 : memref<1x128xi32, #tpu.memory_space<vmem>> -> memref<128xi32, #tpu.memory_space<vmem>>
      %dma_start3A_23 = arith.constant 0 : i32
      %dma_start3A_24 = arith.constant 0 : i32
      %dma_start3A_25 = tpu.memref_slice %arg2[%dma_start3A_23, %dma_start3A_24] : memref<20000x64xf32, #tpu.memory_space<hbm>> -> memref<20000x64xf32, #tpu.memory_space<hbm>>
      tpu.enqueue_indirect_dma source(%dma_start3A_25 : memref<20000x64xf32, #tpu.memory_space<hbm>>) target(%dma_start3A_19 : memref<128x64xf32, #tpu.memory_space<vmem>>) offsets(%dma_start3A_22 : memref<128xi32, #tpu.memory_space<vmem>>) semaphore(%arg11 : memref<!tpu.dma_semaphore, #tpu.memory_space<semaphore_mem>>)
      %add3A_26 = arith.constant 1 : i32
      %add3A_27 = arith.addi %mul3A_13, %add3A_26 : i32
      %dma_start3A_28 = arith.constant 1 : i32
      %dma_start3A_29 = arith.constant 0 : i32
      %dma_start3A_30 = arith.constant 0 : i32
      %dma_start3A_31 = tpu.memref_slice %arg9[%dma_start3A_28, %dma_start3A_29, %dma_start3A_30] : memref<8x128x64xf32, #tpu.memory_space<vmem>> -> memref<1x128x64xf32, #tpu.memory_space<vmem>>
      %dma_start3A_32 = tpu.memref_squeeze %dma_start3A_31 : memref<1x128x64xf32, #tpu.memory_space<vmem>> -> memref<128x64xf32, #tpu.memory_space<vmem>>
      %dma_start3A_33 = arith.constant 0 : i32
      %dma_start3A_34 = tpu.memref_slice %arg7[%add3A_27, %dma_start3A_33] : memref<80x128xi32, #tpu.memory_space<vmem>> -> memref<1x128xi32, #tpu.memory_space<vmem>>
      %dma_start3A_35 = tpu.memref_squeeze %dma_start3A_34 : memref<1x128xi32, #tpu.memory_space<vmem>> -> memref<128xi32, #tpu.memory_space<vmem>>
      %dma_start3A_36 = arith.constant 0 : i32
      %dma_start3A_37 = arith.constant 0 : i32
      %dma_start3A_38 = tpu.memref_slice %arg2[%dma_start3A_36, %dma_start3A_37] : memref<20000x64xf32, #tpu.memory_space<hbm>> -> memref<20000x64xf32, #tpu.memory_space<hbm>>
      tpu.enqueue_indirect_dma source(%dma_start3A_38 : memref<20000x64xf32, #tpu.memory_space<hbm>>) target(%dma_start3A_32 : memref<128x64xf32, #tpu.memory_space<vmem>>) offsets(%dma_start3A_35 : memref<128xi32, #tpu.memory_space<vmem>>) semaphore(%arg11 : memref<!tpu.dma_semaphore, #tpu.memory_space<semaphore_mem>>)
      %add3A_39 = arith.constant 2 : i32
      %add3A_40 = arith.addi %mul3A_13, %add3A_39 : i32
      %dma_start3A_41 = arith.constant 2 : i32
      %dma_start3A_42 = arith.constant 0 : i32
      %dma_start3A_43 = arith.constant 0 : i32
      %dma_start3A_44 = tpu.memref_slice %arg9[%dma_start3A_41, %dma_start3A_42, %dma_start3A_43] : memref<8x128x64xf32, #tpu.memory_space<vmem>> -> memref<1x128x64xf32, #tpu.memory_space<vmem>>
      %dma_start3A_45 = tpu.memref_squeeze %dma_start3A_44 : memref<1x128x64xf32, #tpu.memory_space<vmem>> -> memref<128x64xf32, #tpu.memory_space<vmem>>
      %dma_start3A_46 = arith.constant 0 : i32
      %dma_start3A_47 = tpu.memref_slice %arg7[%add3A_40, %dma_start3A_46] : memref<80x128xi32, #tpu.memory_space<vmem>> -> memref<1x128xi32, #tpu.memory_space<vmem>>
      %dma_start3A_48 = tpu.memref_squeeze %dma_start3A_47 : memref<1x128xi32, #tpu.memory_space<vmem>> -> memref<128xi32, #tpu.memory_space<vmem>>
      %dma_start3A_49 = arith.constant 0 : i32
      %dma_start3A_50 = arith.constant 0 : i32
      %dma_start3A_51 = tpu.memref_slice %arg2[%dma_start3A_49, %dma_start3A_50] : memref<20000x64xf32, #tpu.memory_space<hbm>> -> memref<20000x64xf32, #tpu.memory_space<hbm>>
      tpu.enqueue_indirect_dma source(%dma_start3A_51 : memref<20000x64xf32, #tpu.memory_space<hbm>>) target(%dma_start3A_45 : memref<128x64xf32, #tpu.memory_space<vmem>>) offsets(%dma_start3A_48 : memref<128xi32, #tpu.memory_space<vmem>>) semaphore(%arg11 : memref<!tpu.dma_semaphore, #tpu.memory_space<semaphore_mem>>)
      %add3A_52 = arith.constant 3 : i32
      %add3A_53 = arith.addi %mul3A_13, %add3A_52 : i32
      %dma_start3A_54 = arith.constant 3 : i32
      %dma_start3A_55 = arith.constant 0 : i32
      %dma_start3A_56 = arith.constant 0 : i32
      %dma_start3A_57 = tpu.memref_slice %arg9[%dma_start3A_54, %dma_start3A_55, %dma_start3A_56] : memref<8x128x64xf32, #tpu.memory_space<vmem>> -> memref<1x128x64xf32, #tpu.memory_space<vmem>>
      %dma_start3A_58 = tpu.memref_squeeze %dma_start3A_57 : memref<1x128x64xf32, #tpu.memory_space<vmem>> -> memref<128x64xf32, #tpu.memory_space<vmem>>
      %dma_start3A_59 = arith.constant 0 : i32
      %dma_start3A_60 = tpu.memref_slice %arg7[%add3A_53, %dma_start3A_59] : memref<80x128xi32, #tpu.memory_space<vmem>> -> memref<1x128xi32, #tpu.memory_space<vmem>>
      %dma_start3A_61 = tpu.memref_squeeze %dma_start3A_60 : memref<1x128xi32, #tpu.memory_space<vmem>> -> memref<128xi32, #tpu.memory_space<vmem>>
      %dma_start3A_62 = arith.constant 0 : i32
      %dma_start3A_63 = arith.constant 0 : i32
      %dma_start3A_64 = tpu.memref_slice %arg2[%dma_start3A_62, %dma_start3A_63] : memref<20000x64xf32, #tpu.memory_space<hbm>> -> memref<20000x64xf32, #tpu.memory_space<hbm>>
      tpu.enqueue_indirect_dma source(%dma_start3A_64 : memref<20000x64xf32, #tpu.memory_space<hbm>>) target(%dma_start3A_58 : memref<128x64xf32, #tpu.memory_space<vmem>>) offsets(%dma_start3A_61 : memref<128xi32, #tpu.memory_space<vmem>>) semaphore(%arg11 : memref<!tpu.dma_semaphore, #tpu.memory_space<semaphore_mem>>)
      %add3A_65 = arith.constant 4 : i32
      %add3A_66 = arith.addi %mul3A_13, %add3A_65 : i32
      %dma_start3A_67 = arith.constant 4 : i32
      %dma_start3A_68 = arith.constant 0 : i32
      %dma_start3A_69 = arith.constant 0 : i32
      %dma_start3A_70 = tpu.memref_slice %arg9[%dma_start3A_67, %dma_start3A_68, %dma_start3A_69] : memref<8x128x64xf32, #tpu.memory_space<vmem>> -> memref<1x128x64xf32, #tpu.memory_space<vmem>>
      %dma_start3A_71 = tpu.memref_squeeze %dma_start3A_70 : memref<1x128x64xf32, #tpu.memory_space<vmem>> -> memref<128x64xf32, #tpu.memory_space<vmem>>
      %dma_start3A_72 = arith.constant 0 : i32
      %dma_start3A_73 = tpu.memref_slice %arg7[%add3A_66, %dma_start3A_72] : memref<80x128xi32, #tpu.memory_space<vmem>> -> memref<1x128xi32, #tpu.memory_space<vmem>>
      %dma_start3A_74 = tpu.memref_squeeze %dma_start3A_73 : memref<1x128xi32, #tpu.memory_space<vmem>> -> memref<128xi32, #tpu.memory_space<vmem>>
      %dma_start3A_75 = arith.constant 0 : i32
      %dma_start3A_76 = arith.constant 0 : i32
      %dma_start3A_77 = tpu.memref_slice %arg2[%dma_start3A_75, %dma_start3A_76] : memref<20000x64xf32, #tpu.memory_space<hbm>> -> memref<20000x64xf32, #tpu.memory_space<hbm>>
      tpu.enqueue_indirect_dma source(%dma_start3A_77 : memref<20000x64xf32, #tpu.memory_space<hbm>>) target(%dma_start3A_71 : memref<128x64xf32, #tpu.memory_space<vmem>>) offsets(%dma_start3A_74 : memref<128xi32, #tpu.memory_space<vmem>>) semaphore(%arg11 : memref<!tpu.dma_semaphore, #tpu.memory_space<semaphore_mem>>)
      %add3A_78 = arith.constant 5 : i32
      %add3A_79 = arith.addi %mul3A_13, %add3A_78 : i32
      %dma_start3A_80 = arith.constant 5 : i32
      %dma_start3A_81 = arith.constant 0 : i32
      %dma_start3A_82 = arith.constant 0 : i32
      %dma_start3A_83 = tpu.memref_slice %arg9[%dma_start3A_80, %dma_start3A_81, %dma_start3A_82] : memref<8x128x64xf32, #tpu.memory_space<vmem>> -> memref<1x128x64xf32, #tpu.memory_space<vmem>>
      %dma_start3A_84 = tpu.memref_squeeze %dma_start3A_83 : memref<1x128x64xf32, #tpu.memory_space<vmem>> -> memref<128x64xf32, #tpu.memory_space<vmem>>
      %dma_start3A_85 = arith.constant 0 : i32
      %dma_start3A_86 = tpu.memref_slice %arg7[%add3A_79, %dma_start3A_85] : memref<80x128xi32, #tpu.memory_space<vmem>> -> memref<1x128xi32, #tpu.memory_space<vmem>>
      %dma_start3A_87 = tpu.memref_squeeze %dma_start3A_86 : memref<1x128xi32, #tpu.memory_space<vmem>> -> memref<128xi32, #tpu.memory_space<vmem>>
      %dma_start3A_88 = arith.constant 0 : i32
      %dma_start3A_89 = arith.constant 0 : i32
      %dma_start3A_90 = tpu.memref_slice %arg2[%dma_start3A_88, %dma_start3A_89] : memref<20000x64xf32, #tpu.memory_space<hbm>> -> memref<20000x64xf32, #tpu.memory_space<hbm>>
      tpu.enqueue_indirect_dma source(%dma_start3A_90 : memref<20000x64xf32, #tpu.memory_space<hbm>>) target(%dma_start3A_84 : memref<128x64xf32, #tpu.memory_space<vmem>>) offsets(%dma_start3A_87 : memref<128xi32, #tpu.memory_space<vmem>>) semaphore(%arg11 : memref<!tpu.dma_semaphore, #tpu.memory_space<semaphore_mem>>)
      %add3A_91 = arith.constant 6 : i32
      %add3A_92 = arith.addi %mul3A_13, %add3A_91 : i32
      %dma_start3A_93 = arith.constant 6 : i32
      %dma_start3A_94 = arith.constant 0 : i32
      %dma_start3A_95 = arith.constant 0 : i32
      %dma_start3A_96 = tpu.memref_slice %arg9[%dma_start3A_93, %dma_start3A_94, %dma_start3A_95] : memref<8x128x64xf32, #tpu.memory_space<vmem>> -> memref<1x128x64xf32, #tpu.memory_space<vmem>>
      %dma_start3A_97 = tpu.memref_squeeze %dma_start3A_96 : memref<1x128x64xf32, #tpu.memory_space<vmem>> -> memref<128x64xf32, #tpu.memory_space<vmem>>
      %dma_start3A_98 = arith.constant 0 : i32
      %dma_start3A_99 = tpu.memref_slice %arg7[%add3A_92, %dma_start3A_98] : memref<80x128xi32, #tpu.memory_space<vmem>> -> memref<1x128xi32, #tpu.memory_space<vmem>>
      %dma_start3A_100 = tpu.memref_squeeze %dma_start3A_99 : memref<1x128xi32, #tpu.memory_space<vmem>> -> memref<128xi32, #tpu.memory_space<vmem>>
      %dma_start3A_101 = arith.constant 0 : i32
      %dma_start3A_102 = arith.constant 0 : i32
      %dma_start3A_103 = tpu.memref_slice %arg2[%dma_start3A_101, %dma_start3A_102] : memref<20000x64xf32, #tpu.memory_space<hbm>> -> memref<20000x64xf32, #tpu.memory_space<hbm>>
      tpu.enqueue_indirect_dma source(%dma_start3A_103 : memref<20000x64xf32, #tpu.memory_space<hbm>>) target(%dma_start3A_97 : memref<128x64xf32, #tpu.memory_space<vmem>>) offsets(%dma_start3A_100 : memref<128xi32, #tpu.memory_space<vmem>>) semaphore(%arg11 : memref<!tpu.dma_semaphore, #tpu.memory_space<semaphore_mem>>)
      %add3A_104 = arith.constant 7 : i32
      %add3A_105 = arith.addi %mul3A_13, %add3A_104 : i32
      %dma_start3A_106 = arith.constant 7 : i32
      %dma_start3A_107 = arith.constant 0 : i32
      %dma_start3A_108 = arith.constant 0 : i32
      %dma_start3A_109 = tpu.memref_slice %arg9[%dma_start3A_106, %dma_start3A_107, %dma_start3A_108] : memref<8x128x64xf32, #tpu.memory_space<vmem>> -> memref<1x128x64xf32, #tpu.memory_space<vmem>>
      %dma_start3A_110 = tpu.memref_squeeze %dma_start3A_109 : memref<1x128x64xf32, #tpu.memory_space<vmem>> -> memref<128x64xf32, #tpu.memory_space<vmem>>
      %dma_start3A_111 = arith.constant 0 : i32
      %dma_start3A_112 = tpu.memref_slice %arg7[%add3A_105, %dma_start3A_111] : memref<80x128xi32, #tpu.memory_space<vmem>> -> memref<1x128xi32, #tpu.memory_space<vmem>>
      %dma_start3A_113 = tpu.memref_squeeze %dma_start3A_112 : memref<1x128xi32, #tpu.memory_space<vmem>> -> memref<128xi32, #tpu.memory_space<vmem>>
      %dma_start3A_114 = arith.constant 0 : i32
      %dma_start3A_115 = arith.constant 0 : i32
      %dma_start3A_116 = tpu.memref_slice %arg2[%dma_start3A_114, %dma_start3A_115] : memref<20000x64xf32, #tpu.memory_space<hbm>> -> memref<20000x64xf32, #tpu.memory_space<hbm>>
      tpu.enqueue_indirect_dma source(%dma_start3A_116 : memref<20000x64xf32, #tpu.memory_space<hbm>>) target(%dma_start3A_110 : memref<128x64xf32, #tpu.memory_space<vmem>>) offsets(%dma_start3A_113 : memref<128xi32, #tpu.memory_space<vmem>>) semaphore(%arg11 : memref<!tpu.dma_semaphore, #tpu.memory_space<semaphore_mem>>)
      %dma_wait3A = arith.constant 0 : i32
      %dma_wait3A_117 = arith.constant 0 : i32
      %dma_wait3A_118 = arith.constant 0 : i32
      %dma_wait3A_119 = tpu.memref_slice %arg9[%dma_wait3A, %dma_wait3A_117, %dma_wait3A_118] : memref<8x128x64xf32, #tpu.memory_space<vmem>> -> memref<1x128x64xf32, #tpu.memory_space<vmem>>
      %dma_wait3A_120 = tpu.memref_squeeze %dma_wait3A_119 : memref<1x128x64xf32, #tpu.memory_space<vmem>> -> memref<128x64xf32, #tpu.memory_space<vmem>>
      %dma_wait3A_121 = arith.constant 0 : i32
      %dma_wait3A_122 = tpu.memref_slice %arg7[%add3A_15, %dma_wait3A_121] : memref<80x128xi32, #tpu.memory_space<vmem>> -> memref<1x128xi32, #tpu.memory_space<vmem>>
      %dma_wait3A_123 = tpu.memref_squeeze %dma_wait3A_122 : memref<1x128xi32, #tpu.memory_space<vmem>> -> memref<128xi32, #tpu.memory_space<vmem>>
      %dma_wait3A_124 = arith.constant 0 : i32
      %dma_wait3A_125 = arith.constant 0 : i32
      %dma_wait3A_126 = tpu.memref_slice %arg2[%dma_wait3A_124, %dma_wait3A_125] : memref<20000x64xf32, #tpu.memory_space<hbm>> -> memref<20000x64xf32, #tpu.memory_space<hbm>>
      tpu.wait_indirect_dma semaphore(%arg11 : memref<!tpu.dma_semaphore, #tpu.memory_space<semaphore_mem>>) src(%dma_wait3A_126 : memref<20000x64xf32, #tpu.memory_space<hbm>>) dst(%dma_wait3A_120 : memref<128x64xf32, #tpu.memory_space<vmem>>)
      %add3A_127 = arith.constant 0 : i32
      %add3A_128 = arith.addi %mul3A_13, %add3A_127 : i32
      %dma_start3A_129 = arith.constant 0 : i32
      %dma_start3A_130 = arith.constant 0 : i32
      %dma_start3A_131 = arith.constant 0 : i32
      %dma_start3A_132 = tpu.memref_slice %arg9[%dma_start3A_129, %dma_start3A_130, %dma_start3A_131] : memref<8x128x64xf32, #tpu.memory_space<vmem>> -> memref<1x128x64xf32, #tpu.memory_space<vmem>>
      %dma_start3A_133 = tpu.memref_squeeze %dma_start3A_132 : memref<1x128x64xf32, #tpu.memory_space<vmem>> -> memref<128x64xf32, #tpu.memory_space<vmem>>
      %dma_start3A_134 = arith.constant 0 : i32
      %dma_start3A_135 = tpu.memref_slice %arg8[%add3A_128, %dma_start3A_134] : memref<80x128xi32, #tpu.memory_space<vmem>> -> memref<1x128xi32, #tpu.memory_space<vmem>>
      %dma_start3A_136 = tpu.memref_squeeze %dma_start3A_135 : memref<1x128xi32, #tpu.memory_space<vmem>> -> memref<128xi32, #tpu.memory_space<vmem>>
      %dma_start3A_137 = arith.constant 0 : i32
      %dma_start3A_138 = arith.constant 0 : i32
      %dma_start3A_139 = tpu.memref_slice %arg10[%dma_start3A_137, %dma_start3A_138] : memref<10112x64xf32, #tpu.memory_space<vmem_shared>> -> memref<10112x64xf32, #tpu.memory_space<vmem_shared>>
      tpu.enqueue_indirect_dma source(%dma_start3A_133 : memref<128x64xf32, #tpu.memory_space<vmem>>) target(%dma_start3A_139 : memref<10112x64xf32, #tpu.memory_space<vmem_shared>>) offsets(%dma_start3A_136 : memref<128xi32, #tpu.memory_space<vmem>>) semaphore(%arg12 : memref<!tpu.dma_semaphore, #tpu.memory_space<semaphore_mem>>) {add = true}
      %dma_wait3A_140 = arith.constant 1 : i32
      %dma_wait3A_141 = arith.constant 0 : i32
      %dma_wait3A_142 = arith.constant 0 : i32
      %dma_wait3A_143 = tpu.memref_slice %arg9[%dma_wait3A_140, %dma_wait3A_141, %dma_wait3A_142] : memref<8x128x64xf32, #tpu.memory_space<vmem>> -> memref<1x128x64xf32, #tpu.memory_space<vmem>>
      %dma_wait3A_144 = tpu.memref_squeeze %dma_wait3A_143 : memref<1x128x64xf32, #tpu.memory_space<vmem>> -> memref<128x64xf32, #tpu.memory_space<vmem>>
      %dma_wait3A_145 = arith.constant 0 : i32
      %dma_wait3A_146 = tpu.memref_slice %arg7[%add3A_27, %dma_wait3A_145] : memref<80x128xi32, #tpu.memory_space<vmem>> -> memref<1x128xi32, #tpu.memory_space<vmem>>
      %dma_wait3A_147 = tpu.memref_squeeze %dma_wait3A_146 : memref<1x128xi32, #tpu.memory_space<vmem>> -> memref<128xi32, #tpu.memory_space<vmem>>
      %dma_wait3A_148 = arith.constant 0 : i32
      %dma_wait3A_149 = arith.constant 0 : i32
      %dma_wait3A_150 = tpu.memref_slice %arg2[%dma_wait3A_148, %dma_wait3A_149] : memref<20000x64xf32, #tpu.memory_space<hbm>> -> memref<20000x64xf32, #tpu.memory_space<hbm>>
      tpu.wait_indirect_dma semaphore(%arg11 : memref<!tpu.dma_semaphore, #tpu.memory_space<semaphore_mem>>) src(%dma_wait3A_150 : memref<20000x64xf32, #tpu.memory_space<hbm>>) dst(%dma_wait3A_144 : memref<128x64xf32, #tpu.memory_space<vmem>>)
      %add3A_151 = arith.constant 1 : i32
      %add3A_152 = arith.addi %mul3A_13, %add3A_151 : i32
      %dma_start3A_153 = arith.constant 1 : i32
      %dma_start3A_154 = arith.constant 0 : i32
      %dma_start3A_155 = arith.constant 0 : i32
      %dma_start3A_156 = tpu.memref_slice %arg9[%dma_start3A_153, %dma_start3A_154, %dma_start3A_155] : memref<8x128x64xf32, #tpu.memory_space<vmem>> -> memref<1x128x64xf32, #tpu.memory_space<vmem>>
      %dma_start3A_157 = tpu.memref_squeeze %dma_start3A_156 : memref<1x128x64xf32, #tpu.memory_space<vmem>> -> memref<128x64xf32, #tpu.memory_space<vmem>>
      %dma_start3A_158 = arith.constant 0 : i32
      %dma_start3A_159 = tpu.memref_slice %arg8[%add3A_152, %dma_start3A_158] : memref<80x128xi32, #tpu.memory_space<vmem>> -> memref<1x128xi32, #tpu.memory_space<vmem>>
      %dma_start3A_160 = tpu.memref_squeeze %dma_start3A_159 : memref<1x128xi32, #tpu.memory_space<vmem>> -> memref<128xi32, #tpu.memory_space<vmem>>
      %dma_start3A_161 = arith.constant 0 : i32
      %dma_start3A_162 = arith.constant 0 : i32
      %dma_start3A_163 = tpu.memref_slice %arg10[%dma_start3A_161, %dma_start3A_162] : memref<10112x64xf32, #tpu.memory_space<vmem_shared>> -> memref<10112x64xf32, #tpu.memory_space<vmem_shared>>
      tpu.enqueue_indirect_dma source(%dma_start3A_157 : memref<128x64xf32, #tpu.memory_space<vmem>>) target(%dma_start3A_163 : memref<10112x64xf32, #tpu.memory_space<vmem_shared>>) offsets(%dma_start3A_160 : memref<128xi32, #tpu.memory_space<vmem>>) semaphore(%arg12 : memref<!tpu.dma_semaphore, #tpu.memory_space<semaphore_mem>>) {add = true}
      %dma_wait3A_164 = arith.constant 2 : i32
      %dma_wait3A_165 = arith.constant 0 : i32
      %dma_wait3A_166 = arith.constant 0 : i32
      %dma_wait3A_167 = tpu.memref_slice %arg9[%dma_wait3A_164, %dma_wait3A_165, %dma_wait3A_166] : memref<8x128x64xf32, #tpu.memory_space<vmem>> -> memref<1x128x64xf32, #tpu.memory_space<vmem>>
      %dma_wait3A_168 = tpu.memref_squeeze %dma_wait3A_167 : memref<1x128x64xf32, #tpu.memory_space<vmem>> -> memref<128x64xf32, #tpu.memory_space<vmem>>
      %dma_wait3A_169 = arith.constant 0 : i32
      %dma_wait3A_170 = tpu.memref_slice %arg7[%add3A_40, %dma_wait3A_169] : memref<80x128xi32, #tpu.memory_space<vmem>> -> memref<1x128xi32, #tpu.memory_space<vmem>>
      %dma_wait3A_171 = tpu.memref_squeeze %dma_wait3A_170 : memref<1x128xi32, #tpu.memory_space<vmem>> -> memref<128xi32, #tpu.memory_space<vmem>>
      %dma_wait3A_172 = arith.constant 0 : i32
      %dma_wait3A_173 = arith.constant 0 : i32
      %dma_wait3A_174 = tpu.memref_slice %arg2[%dma_wait3A_172, %dma_wait3A_173] : memref<20000x64xf32, #tpu.memory_space<hbm>> -> memref<20000x64xf32, #tpu.memory_space<hbm>>
      tpu.wait_indirect_dma semaphore(%arg11 : memref<!tpu.dma_semaphore, #tpu.memory_space<semaphore_mem>>) src(%dma_wait3A_174 : memref<20000x64xf32, #tpu.memory_space<hbm>>) dst(%dma_wait3A_168 : memref<128x64xf32, #tpu.memory_space<vmem>>)
      %add3A_175 = arith.constant 2 : i32
      %add3A_176 = arith.addi %mul3A_13, %add3A_175 : i32
      %dma_start3A_177 = arith.constant 2 : i32
      %dma_start3A_178 = arith.constant 0 : i32
      %dma_start3A_179 = arith.constant 0 : i32
      %dma_start3A_180 = tpu.memref_slice %arg9[%dma_start3A_177, %dma_start3A_178, %dma_start3A_179] : memref<8x128x64xf32, #tpu.memory_space<vmem>> -> memref<1x128x64xf32, #tpu.memory_space<vmem>>
      %dma_start3A_181 = tpu.memref_squeeze %dma_start3A_180 : memref<1x128x64xf32, #tpu.memory_space<vmem>> -> memref<128x64xf32, #tpu.memory_space<vmem>>
      %dma_start3A_182 = arith.constant 0 : i32
      %dma_start3A_183 = tpu.memref_slice %arg8[%add3A_176, %dma_start3A_182] : memref<80x128xi32, #tpu.memory_space<vmem>> -> memref<1x128xi32, #tpu.memory_space<vmem>>
      %dma_start3A_184 = tpu.memref_squeeze %dma_start3A_183 : memref<1x128xi32, #tpu.memory_space<vmem>> -> memref<128xi32, #tpu.memory_space<vmem>>
      %dma_start3A_185 = arith.constant 0 : i32
      %dma_start3A_186 = arith.constant 0 : i32
      %dma_start3A_187 = tpu.memref_slice %arg10[%dma_start3A_185, %dma_start3A_186] : memref<10112x64xf32, #tpu.memory_space<vmem_shared>> -> memref<10112x64xf32, #tpu.memory_space<vmem_shared>>
      tpu.enqueue_indirect_dma source(%dma_start3A_181 : memref<128x64xf32, #tpu.memory_space<vmem>>) target(%dma_start3A_187 : memref<10112x64xf32, #tpu.memory_space<vmem_shared>>) offsets(%dma_start3A_184 : memref<128xi32, #tpu.memory_space<vmem>>) semaphore(%arg12 : memref<!tpu.dma_semaphore, #tpu.memory_space<semaphore_mem>>) {add = true}
      %dma_wait3A_188 = arith.constant 3 : i32
      %dma_wait3A_189 = arith.constant 0 : i32
      %dma_wait3A_190 = arith.constant 0 : i32
      %dma_wait3A_191 = tpu.memref_slice %arg9[%dma_wait3A_188, %dma_wait3A_189, %dma_wait3A_190] : memref<8x128x64xf32, #tpu.memory_space<vmem>> -> memref<1x128x64xf32, #tpu.memory_space<vmem>>
      %dma_wait3A_192 = tpu.memref_squeeze %dma_wait3A_191 : memref<1x128x64xf32, #tpu.memory_space<vmem>> -> memref<128x64xf32, #tpu.memory_space<vmem>>
      %dma_wait3A_193 = arith.constant 0 : i32
      %dma_wait3A_194 = tpu.memref_slice %arg7[%add3A_53, %dma_wait3A_193] : memref<80x128xi32, #tpu.memory_space<vmem>> -> memref<1x128xi32, #tpu.memory_space<vmem>>
      %dma_wait3A_195 = tpu.memref_squeeze %dma_wait3A_194 : memref<1x128xi32, #tpu.memory_space<vmem>> -> memref<128xi32, #tpu.memory_space<vmem>>
      %dma_wait3A_196 = arith.constant 0 : i32
      %dma_wait3A_197 = arith.constant 0 : i32
      %dma_wait3A_198 = tpu.memref_slice %arg2[%dma_wait3A_196, %dma_wait3A_197] : memref<20000x64xf32, #tpu.memory_space<hbm>> -> memref<20000x64xf32, #tpu.memory_space<hbm>>
      tpu.wait_indirect_dma semaphore(%arg11 : memref<!tpu.dma_semaphore, #tpu.memory_space<semaphore_mem>>) src(%dma_wait3A_198 : memref<20000x64xf32, #tpu.memory_space<hbm>>) dst(%dma_wait3A_192 : memref<128x64xf32, #tpu.memory_space<vmem>>)
      %add3A_199 = arith.constant 3 : i32
      %add3A_200 = arith.addi %mul3A_13, %add3A_199 : i32
      %dma_start3A_201 = arith.constant 3 : i32
      %dma_start3A_202 = arith.constant 0 : i32
      %dma_start3A_203 = arith.constant 0 : i32
      %dma_start3A_204 = tpu.memref_slice %arg9[%dma_start3A_201, %dma_start3A_202, %dma_start3A_203] : memref<8x128x64xf32, #tpu.memory_space<vmem>> -> memref<1x128x64xf32, #tpu.memory_space<vmem>>
      %dma_start3A_205 = tpu.memref_squeeze %dma_start3A_204 : memref<1x128x64xf32, #tpu.memory_space<vmem>> -> memref<128x64xf32, #tpu.memory_space<vmem>>
      %dma_start3A_206 = arith.constant 0 : i32
      %dma_start3A_207 = tpu.memref_slice %arg8[%add3A_200, %dma_start3A_206] : memref<80x128xi32, #tpu.memory_space<vmem>> -> memref<1x128xi32, #tpu.memory_space<vmem>>
      %dma_start3A_208 = tpu.memref_squeeze %dma_start3A_207 : memref<1x128xi32, #tpu.memory_space<vmem>> -> memref<128xi32, #tpu.memory_space<vmem>>
      %dma_start3A_209 = arith.constant 0 : i32
      %dma_start3A_210 = arith.constant 0 : i32
      %dma_start3A_211 = tpu.memref_slice %arg10[%dma_start3A_209, %dma_start3A_210] : memref<10112x64xf32, #tpu.memory_space<vmem_shared>> -> memref<10112x64xf32, #tpu.memory_space<vmem_shared>>
      tpu.enqueue_indirect_dma source(%dma_start3A_205 : memref<128x64xf32, #tpu.memory_space<vmem>>) target(%dma_start3A_211 : memref<10112x64xf32, #tpu.memory_space<vmem_shared>>) offsets(%dma_start3A_208 : memref<128xi32, #tpu.memory_space<vmem>>) semaphore(%arg12 : memref<!tpu.dma_semaphore, #tpu.memory_space<semaphore_mem>>) {add = true}
      %dma_wait3A_212 = arith.constant 4 : i32
      %dma_wait3A_213 = arith.constant 0 : i32
      %dma_wait3A_214 = arith.constant 0 : i32
      %dma_wait3A_215 = tpu.memref_slice %arg9[%dma_wait3A_212, %dma_wait3A_213, %dma_wait3A_214] : memref<8x128x64xf32, #tpu.memory_space<vmem>> -> memref<1x128x64xf32, #tpu.memory_space<vmem>>
      %dma_wait3A_216 = tpu.memref_squeeze %dma_wait3A_215 : memref<1x128x64xf32, #tpu.memory_space<vmem>> -> memref<128x64xf32, #tpu.memory_space<vmem>>
      %dma_wait3A_217 = arith.constant 0 : i32
      %dma_wait3A_218 = tpu.memref_slice %arg7[%add3A_66, %dma_wait3A_217] : memref<80x128xi32, #tpu.memory_space<vmem>> -> memref<1x128xi32, #tpu.memory_space<vmem>>
      %dma_wait3A_219 = tpu.memref_squeeze %dma_wait3A_218 : memref<1x128xi32, #tpu.memory_space<vmem>> -> memref<128xi32, #tpu.memory_space<vmem>>
      %dma_wait3A_220 = arith.constant 0 : i32
      %dma_wait3A_221 = arith.constant 0 : i32
      %dma_wait3A_222 = tpu.memref_slice %arg2[%dma_wait3A_220, %dma_wait3A_221] : memref<20000x64xf32, #tpu.memory_space<hbm>> -> memref<20000x64xf32, #tpu.memory_space<hbm>>
      tpu.wait_indirect_dma semaphore(%arg11 : memref<!tpu.dma_semaphore, #tpu.memory_space<semaphore_mem>>) src(%dma_wait3A_222 : memref<20000x64xf32, #tpu.memory_space<hbm>>) dst(%dma_wait3A_216 : memref<128x64xf32, #tpu.memory_space<vmem>>)
      %add3A_223 = arith.constant 4 : i32
      %add3A_224 = arith.addi %mul3A_13, %add3A_223 : i32
      %dma_start3A_225 = arith.constant 4 : i32
      %dma_start3A_226 = arith.constant 0 : i32
      %dma_start3A_227 = arith.constant 0 : i32
      %dma_start3A_228 = tpu.memref_slice %arg9[%dma_start3A_225, %dma_start3A_226, %dma_start3A_227] : memref<8x128x64xf32, #tpu.memory_space<vmem>> -> memref<1x128x64xf32, #tpu.memory_space<vmem>>
      %dma_start3A_229 = tpu.memref_squeeze %dma_start3A_228 : memref<1x128x64xf32, #tpu.memory_space<vmem>> -> memref<128x64xf32, #tpu.memory_space<vmem>>
      %dma_start3A_230 = arith.constant 0 : i32
      %dma_start3A_231 = tpu.memref_slice %arg8[%add3A_224, %dma_start3A_230] : memref<80x128xi32, #tpu.memory_space<vmem>> -> memref<1x128xi32, #tpu.memory_space<vmem>>
      %dma_start3A_232 = tpu.memref_squeeze %dma_start3A_231 : memref<1x128xi32, #tpu.memory_space<vmem>> -> memref<128xi32, #tpu.memory_space<vmem>>
      %dma_start3A_233 = arith.constant 0 : i32
      %dma_start3A_234 = arith.constant 0 : i32
      %dma_start3A_235 = tpu.memref_slice %arg10[%dma_start3A_233, %dma_start3A_234] : memref<10112x64xf32, #tpu.memory_space<vmem_shared>> -> memref<10112x64xf32, #tpu.memory_space<vmem_shared>>
      tpu.enqueue_indirect_dma source(%dma_start3A_229 : memref<128x64xf32, #tpu.memory_space<vmem>>) target(%dma_start3A_235 : memref<10112x64xf32, #tpu.memory_space<vmem_shared>>) offsets(%dma_start3A_232 : memref<128xi32, #tpu.memory_space<vmem>>) semaphore(%arg12 : memref<!tpu.dma_semaphore, #tpu.memory_space<semaphore_mem>>) {add = true}
      %dma_wait3A_236 = arith.constant 5 : i32
      %dma_wait3A_237 = arith.constant 0 : i32
      %dma_wait3A_238 = arith.constant 0 : i32
      %dma_wait3A_239 = tpu.memref_slice %arg9[%dma_wait3A_236, %dma_wait3A_237, %dma_wait3A_238] : memref<8x128x64xf32, #tpu.memory_space<vmem>> -> memref<1x128x64xf32, #tpu.memory_space<vmem>>
      %dma_wait3A_240 = tpu.memref_squeeze %dma_wait3A_239 : memref<1x128x64xf32, #tpu.memory_space<vmem>> -> memref<128x64xf32, #tpu.memory_space<vmem>>
      %dma_wait3A_241 = arith.constant 0 : i32
      %dma_wait3A_242 = tpu.memref_slice %arg7[%add3A_79, %dma_wait3A_241] : memref<80x128xi32, #tpu.memory_space<vmem>> -> memref<1x128xi32, #tpu.memory_space<vmem>>
      %dma_wait3A_243 = tpu.memref_squeeze %dma_wait3A_242 : memref<1x128xi32, #tpu.memory_space<vmem>> -> memref<128xi32, #tpu.memory_space<vmem>>
      %dma_wait3A_244 = arith.constant 0 : i32
      %dma_wait3A_245 = arith.constant 0 : i32
      %dma_wait3A_246 = tpu.memref_slice %arg2[%dma_wait3A_244, %dma_wait3A_245] : memref<20000x64xf32, #tpu.memory_space<hbm>> -> memref<20000x64xf32, #tpu.memory_space<hbm>>
      tpu.wait_indirect_dma semaphore(%arg11 : memref<!tpu.dma_semaphore, #tpu.memory_space<semaphore_mem>>) src(%dma_wait3A_246 : memref<20000x64xf32, #tpu.memory_space<hbm>>) dst(%dma_wait3A_240 : memref<128x64xf32, #tpu.memory_space<vmem>>)
      %add3A_247 = arith.constant 5 : i32
      %add3A_248 = arith.addi %mul3A_13, %add3A_247 : i32
      %dma_start3A_249 = arith.constant 5 : i32
      %dma_start3A_250 = arith.constant 0 : i32
      %dma_start3A_251 = arith.constant 0 : i32
      %dma_start3A_252 = tpu.memref_slice %arg9[%dma_start3A_249, %dma_start3A_250, %dma_start3A_251] : memref<8x128x64xf32, #tpu.memory_space<vmem>> -> memref<1x128x64xf32, #tpu.memory_space<vmem>>
      %dma_start3A_253 = tpu.memref_squeeze %dma_start3A_252 : memref<1x128x64xf32, #tpu.memory_space<vmem>> -> memref<128x64xf32, #tpu.memory_space<vmem>>
      %dma_start3A_254 = arith.constant 0 : i32
      %dma_start3A_255 = tpu.memref_slice %arg8[%add3A_248, %dma_start3A_254] : memref<80x128xi32, #tpu.memory_space<vmem>> -> memref<1x128xi32, #tpu.memory_space<vmem>>
      %dma_start3A_256 = tpu.memref_squeeze %dma_start3A_255 : memref<1x128xi32, #tpu.memory_space<vmem>> -> memref<128xi32, #tpu.memory_space<vmem>>
      %dma_start3A_257 = arith.constant 0 : i32
      %dma_start3A_258 = arith.constant 0 : i32
      %dma_start3A_259 = tpu.memref_slice %arg10[%dma_start3A_257, %dma_start3A_258] : memref<10112x64xf32, #tpu.memory_space<vmem_shared>> -> memref<10112x64xf32, #tpu.memory_space<vmem_shared>>
      tpu.enqueue_indirect_dma source(%dma_start3A_253 : memref<128x64xf32, #tpu.memory_space<vmem>>) target(%dma_start3A_259 : memref<10112x64xf32, #tpu.memory_space<vmem_shared>>) offsets(%dma_start3A_256 : memref<128xi32, #tpu.memory_space<vmem>>) semaphore(%arg12 : memref<!tpu.dma_semaphore, #tpu.memory_space<semaphore_mem>>) {add = true}
      %dma_wait3A_260 = arith.constant 6 : i32
      %dma_wait3A_261 = arith.constant 0 : i32
      %dma_wait3A_262 = arith.constant 0 : i32
      %dma_wait3A_263 = tpu.memref_slice %arg9[%dma_wait3A_260, %dma_wait3A_261, %dma_wait3A_262] : memref<8x128x64xf32, #tpu.memory_space<vmem>> -> memref<1x128x64xf32, #tpu.memory_space<vmem>>
      %dma_wait3A_264 = tpu.memref_squeeze %dma_wait3A_263 : memref<1x128x64xf32, #tpu.memory_space<vmem>> -> memref<128x64xf32, #tpu.memory_space<vmem>>
      %dma_wait3A_265 = arith.constant 0 : i32
      %dma_wait3A_266 = tpu.memref_slice %arg7[%add3A_92, %dma_wait3A_265] : memref<80x128xi32, #tpu.memory_space<vmem>> -> memref<1x128xi32, #tpu.memory_space<vmem>>
      %dma_wait3A_267 = tpu.memref_squeeze %dma_wait3A_266 : memref<1x128xi32, #tpu.memory_space<vmem>> -> memref<128xi32, #tpu.memory_space<vmem>>
      %dma_wait3A_268 = arith.constant 0 : i32
      %dma_wait3A_269 = arith.constant 0 : i32
      %dma_wait3A_270 = tpu.memref_slice %arg2[%dma_wait3A_268, %dma_wait3A_269] : memref<20000x64xf32, #tpu.memory_space<hbm>> -> memref<20000x64xf32, #tpu.memory_space<hbm>>
      tpu.wait_indirect_dma semaphore(%arg11 : memref<!tpu.dma_semaphore, #tpu.memory_space<semaphore_mem>>) src(%dma_wait3A_270 : memref<20000x64xf32, #tpu.memory_space<hbm>>) dst(%dma_wait3A_264 : memref<128x64xf32, #tpu.memory_space<vmem>>)
      %add3A_271 = arith.constant 6 : i32
      %add3A_272 = arith.addi %mul3A_13, %add3A_271 : i32
      %dma_start3A_273 = arith.constant 6 : i32
      %dma_start3A_274 = arith.constant 0 : i32
      %dma_start3A_275 = arith.constant 0 : i32
      %dma_start3A_276 = tpu.memref_slice %arg9[%dma_start3A_273, %dma_start3A_274, %dma_start3A_275] : memref<8x128x64xf32, #tpu.memory_space<vmem>> -> memref<1x128x64xf32, #tpu.memory_space<vmem>>
      %dma_start3A_277 = tpu.memref_squeeze %dma_start3A_276 : memref<1x128x64xf32, #tpu.memory_space<vmem>> -> memref<128x64xf32, #tpu.memory_space<vmem>>
      %dma_start3A_278 = arith.constant 0 : i32
      %dma_start3A_279 = tpu.memref_slice %arg8[%add3A_272, %dma_start3A_278] : memref<80x128xi32, #tpu.memory_space<vmem>> -> memref<1x128xi32, #tpu.memory_space<vmem>>
      %dma_start3A_280 = tpu.memref_squeeze %dma_start3A_279 : memref<1x128xi32, #tpu.memory_space<vmem>> -> memref<128xi32, #tpu.memory_space<vmem>>
      %dma_start3A_281 = arith.constant 0 : i32
      %dma_start3A_282 = arith.constant 0 : i32
      %dma_start3A_283 = tpu.memref_slice %arg10[%dma_start3A_281, %dma_start3A_282] : memref<10112x64xf32, #tpu.memory_space<vmem_shared>> -> memref<10112x64xf32, #tpu.memory_space<vmem_shared>>
      tpu.enqueue_indirect_dma source(%dma_start3A_277 : memref<128x64xf32, #tpu.memory_space<vmem>>) target(%dma_start3A_283 : memref<10112x64xf32, #tpu.memory_space<vmem_shared>>) offsets(%dma_start3A_280 : memref<128xi32, #tpu.memory_space<vmem>>) semaphore(%arg12 : memref<!tpu.dma_semaphore, #tpu.memory_space<semaphore_mem>>) {add = true}
      %dma_wait3A_284 = arith.constant 7 : i32
      %dma_wait3A_285 = arith.constant 0 : i32
      %dma_wait3A_286 = arith.constant 0 : i32
      %dma_wait3A_287 = tpu.memref_slice %arg9[%dma_wait3A_284, %dma_wait3A_285, %dma_wait3A_286] : memref<8x128x64xf32, #tpu.memory_space<vmem>> -> memref<1x128x64xf32, #tpu.memory_space<vmem>>
      %dma_wait3A_288 = tpu.memref_squeeze %dma_wait3A_287 : memref<1x128x64xf32, #tpu.memory_space<vmem>> -> memref<128x64xf32, #tpu.memory_space<vmem>>
      %dma_wait3A_289 = arith.constant 0 : i32
      %dma_wait3A_290 = tpu.memref_slice %arg7[%add3A_105, %dma_wait3A_289] : memref<80x128xi32, #tpu.memory_space<vmem>> -> memref<1x128xi32, #tpu.memory_space<vmem>>
      %dma_wait3A_291 = tpu.memref_squeeze %dma_wait3A_290 : memref<1x128xi32, #tpu.memory_space<vmem>> -> memref<128xi32, #tpu.memory_space<vmem>>
      %dma_wait3A_292 = arith.constant 0 : i32
      %dma_wait3A_293 = arith.constant 0 : i32
      %dma_wait3A_294 = tpu.memref_slice %arg2[%dma_wait3A_292, %dma_wait3A_293] : memref<20000x64xf32, #tpu.memory_space<hbm>> -> memref<20000x64xf32, #tpu.memory_space<hbm>>
      tpu.wait_indirect_dma semaphore(%arg11 : memref<!tpu.dma_semaphore, #tpu.memory_space<semaphore_mem>>) src(%dma_wait3A_294 : memref<20000x64xf32, #tpu.memory_space<hbm>>) dst(%dma_wait3A_288 : memref<128x64xf32, #tpu.memory_space<vmem>>)
      %add3A_295 = arith.constant 7 : i32
      %add3A_296 = arith.addi %mul3A_13, %add3A_295 : i32
      %dma_start3A_297 = arith.constant 7 : i32
      %dma_start3A_298 = arith.constant 0 : i32
      %dma_start3A_299 = arith.constant 0 : i32
      %dma_start3A_300 = tpu.memref_slice %arg9[%dma_start3A_297, %dma_start3A_298, %dma_start3A_299] : memref<8x128x64xf32, #tpu.memory_space<vmem>> -> memref<1x128x64xf32, #tpu.memory_space<vmem>>
      %dma_start3A_301 = tpu.memref_squeeze %dma_start3A_300 : memref<1x128x64xf32, #tpu.memory_space<vmem>> -> memref<128x64xf32, #tpu.memory_space<vmem>>
      %dma_start3A_302 = arith.constant 0 : i32
      %dma_start3A_303 = tpu.memref_slice %arg8[%add3A_296, %dma_start3A_302] : memref<80x128xi32, #tpu.memory_space<vmem>> -> memref<1x128xi32, #tpu.memory_space<vmem>>
      %dma_start3A_304 = tpu.memref_squeeze %dma_start3A_303 : memref<1x128xi32, #tpu.memory_space<vmem>> -> memref<128xi32, #tpu.memory_space<vmem>>
      %dma_start3A_305 = arith.constant 0 : i32
      %dma_start3A_306 = arith.constant 0 : i32
      %dma_start3A_307 = tpu.memref_slice %arg10[%dma_start3A_305, %dma_start3A_306] : memref<10112x64xf32, #tpu.memory_space<vmem_shared>> -> memref<10112x64xf32, #tpu.memory_space<vmem_shared>>
      tpu.enqueue_indirect_dma source(%dma_start3A_301 : memref<128x64xf32, #tpu.memory_space<vmem>>) target(%dma_start3A_307 : memref<10112x64xf32, #tpu.memory_space<vmem_shared>>) offsets(%dma_start3A_304 : memref<128xi32, #tpu.memory_space<vmem>>) semaphore(%arg12 : memref<!tpu.dma_semaphore, #tpu.memory_space<semaphore_mem>>) {add = true}
      %dma_wait3A_308 = arith.constant 0 : i32
      %dma_wait3A_309 = arith.constant 0 : i32
      %dma_wait3A_310 = arith.constant 0 : i32
      %dma_wait3A_311 = tpu.memref_slice %arg9[%dma_wait3A_308, %dma_wait3A_309, %dma_wait3A_310] : memref<8x128x64xf32, #tpu.memory_space<vmem>> -> memref<1x128x64xf32, #tpu.memory_space<vmem>>
      %dma_wait3A_312 = tpu.memref_squeeze %dma_wait3A_311 : memref<1x128x64xf32, #tpu.memory_space<vmem>> -> memref<128x64xf32, #tpu.memory_space<vmem>>
      %dma_wait3A_313 = arith.constant 0 : i32
      %dma_wait3A_314 = tpu.memref_slice %arg8[%add3A_128, %dma_wait3A_313] : memref<80x128xi32, #tpu.memory_space<vmem>> -> memref<1x128xi32, #tpu.memory_space<vmem>>
      %dma_wait3A_315 = tpu.memref_squeeze %dma_wait3A_314 : memref<1x128xi32, #tpu.memory_space<vmem>> -> memref<128xi32, #tpu.memory_space<vmem>>
      %dma_wait3A_316 = arith.constant 0 : i32
      %dma_wait3A_317 = arith.constant 0 : i32
      %dma_wait3A_318 = tpu.memref_slice %arg10[%dma_wait3A_316, %dma_wait3A_317] : memref<10112x64xf32, #tpu.memory_space<vmem_shared>> -> memref<10112x64xf32, #tpu.memory_space<vmem_shared>>
      tpu.wait_indirect_dma semaphore(%arg12 : memref<!tpu.dma_semaphore, #tpu.memory_space<semaphore_mem>>) src(%dma_wait3A_312 : memref<128x64xf32, #tpu.memory_space<vmem>>) dst(%dma_wait3A_318 : memref<10112x64xf32, #tpu.memory_space<vmem_shared>>)
      %dma_wait3A_319 = arith.constant 1 : i32
      %dma_wait3A_320 = arith.constant 0 : i32
      %dma_wait3A_321 = arith.constant 0 : i32
      %dma_wait3A_322 = tpu.memref_slice %arg9[%dma_wait3A_319, %dma_wait3A_320, %dma_wait3A_321] : memref<8x128x64xf32, #tpu.memory_space<vmem>> -> memref<1x128x64xf32, #tpu.memory_space<vmem>>
      %dma_wait3A_323 = tpu.memref_squeeze %dma_wait3A_322 : memref<1x128x64xf32, #tpu.memory_space<vmem>> -> memref<128x64xf32, #tpu.memory_space<vmem>>
      %dma_wait3A_324 = arith.constant 0 : i32
      %dma_wait3A_325 = tpu.memref_slice %arg8[%add3A_152, %dma_wait3A_324] : memref<80x128xi32, #tpu.memory_space<vmem>> -> memref<1x128xi32, #tpu.memory_space<vmem>>
      %dma_wait3A_326 = tpu.memref_squeeze %dma_wait3A_325 : memref<1x128xi32, #tpu.memory_space<vmem>> -> memref<128xi32, #tpu.memory_space<vmem>>
      %dma_wait3A_327 = arith.constant 0 : i32
      %dma_wait3A_328 = arith.constant 0 : i32
      %dma_wait3A_329 = tpu.memref_slice %arg10[%dma_wait3A_327, %dma_wait3A_328] : memref<10112x64xf32, #tpu.memory_space<vmem_shared>> -> memref<10112x64xf32, #tpu.memory_space<vmem_shared>>
      tpu.wait_indirect_dma semaphore(%arg12 : memref<!tpu.dma_semaphore, #tpu.memory_space<semaphore_mem>>) src(%dma_wait3A_323 : memref<128x64xf32, #tpu.memory_space<vmem>>) dst(%dma_wait3A_329 : memref<10112x64xf32, #tpu.memory_space<vmem_shared>>)
      %dma_wait3A_330 = arith.constant 2 : i32
      %dma_wait3A_331 = arith.constant 0 : i32
      %dma_wait3A_332 = arith.constant 0 : i32
      %dma_wait3A_333 = tpu.memref_slice %arg9[%dma_wait3A_330, %dma_wait3A_331, %dma_wait3A_332] : memref<8x128x64xf32, #tpu.memory_space<vmem>> -> memref<1x128x64xf32, #tpu.memory_space<vmem>>
      %dma_wait3A_334 = tpu.memref_squeeze %dma_wait3A_333 : memref<1x128x64xf32, #tpu.memory_space<vmem>> -> memref<128x64xf32, #tpu.memory_space<vmem>>
      %dma_wait3A_335 = arith.constant 0 : i32
      %dma_wait3A_336 = tpu.memref_slice %arg8[%add3A_176, %dma_wait3A_335] : memref<80x128xi32, #tpu.memory_space<vmem>> -> memref<1x128xi32, #tpu.memory_space<vmem>>
      %dma_wait3A_337 = tpu.memref_squeeze %dma_wait3A_336 : memref<1x128xi32, #tpu.memory_space<vmem>> -> memref<128xi32, #tpu.memory_space<vmem>>
      %dma_wait3A_338 = arith.constant 0 : i32
      %dma_wait3A_339 = arith.constant 0 : i32
      %dma_wait3A_340 = tpu.memref_slice %arg10[%dma_wait3A_338, %dma_wait3A_339] : memref<10112x64xf32, #tpu.memory_space<vmem_shared>> -> memref<10112x64xf32, #tpu.memory_space<vmem_shared>>
      tpu.wait_indirect_dma semaphore(%arg12 : memref<!tpu.dma_semaphore, #tpu.memory_space<semaphore_mem>>) src(%dma_wait3A_334 : memref<128x64xf32, #tpu.memory_space<vmem>>) dst(%dma_wait3A_340 : memref<10112x64xf32, #tpu.memory_space<vmem_shared>>)
      %dma_wait3A_341 = arith.constant 3 : i32
      %dma_wait3A_342 = arith.constant 0 : i32
      %dma_wait3A_343 = arith.constant 0 : i32
      %dma_wait3A_344 = tpu.memref_slice %arg9[%dma_wait3A_341, %dma_wait3A_342, %dma_wait3A_343] : memref<8x128x64xf32, #tpu.memory_space<vmem>> -> memref<1x128x64xf32, #tpu.memory_space<vmem>>
      %dma_wait3A_345 = tpu.memref_squeeze %dma_wait3A_344 : memref<1x128x64xf32, #tpu.memory_space<vmem>> -> memref<128x64xf32, #tpu.memory_space<vmem>>
      %dma_wait3A_346 = arith.constant 0 : i32
      %dma_wait3A_347 = tpu.memref_slice %arg8[%add3A_200, %dma_wait3A_346] : memref<80x128xi32, #tpu.memory_space<vmem>> -> memref<1x128xi32, #tpu.memory_space<vmem>>
      %dma_wait3A_348 = tpu.memref_squeeze %dma_wait3A_347 : memref<1x128xi32, #tpu.memory_space<vmem>> -> memref<128xi32, #tpu.memory_space<vmem>>
      %dma_wait3A_349 = arith.constant 0 : i32
      %dma_wait3A_350 = arith.constant 0 : i32
      %dma_wait3A_351 = tpu.memref_slice %arg10[%dma_wait3A_349, %dma_wait3A_350] : memref<10112x64xf32, #tpu.memory_space<vmem_shared>> -> memref<10112x64xf32, #tpu.memory_space<vmem_shared>>
      tpu.wait_indirect_dma semaphore(%arg12 : memref<!tpu.dma_semaphore, #tpu.memory_space<semaphore_mem>>) src(%dma_wait3A_345 : memref<128x64xf32, #tpu.memory_space<vmem>>) dst(%dma_wait3A_351 : memref<10112x64xf32, #tpu.memory_space<vmem_shared>>)
      %dma_wait3A_352 = arith.constant 4 : i32
      %dma_wait3A_353 = arith.constant 0 : i32
      %dma_wait3A_354 = arith.constant 0 : i32
      %dma_wait3A_355 = tpu.memref_slice %arg9[%dma_wait3A_352, %dma_wait3A_353, %dma_wait3A_354] : memref<8x128x64xf32, #tpu.memory_space<vmem>> -> memref<1x128x64xf32, #tpu.memory_space<vmem>>
      %dma_wait3A_356 = tpu.memref_squeeze %dma_wait3A_355 : memref<1x128x64xf32, #tpu.memory_space<vmem>> -> memref<128x64xf32, #tpu.memory_space<vmem>>
      %dma_wait3A_357 = arith.constant 0 : i32
      %dma_wait3A_358 = tpu.memref_slice %arg8[%add3A_224, %dma_wait3A_357] : memref<80x128xi32, #tpu.memory_space<vmem>> -> memref<1x128xi32, #tpu.memory_space<vmem>>
      %dma_wait3A_359 = tpu.memref_squeeze %dma_wait3A_358 : memref<1x128xi32, #tpu.memory_space<vmem>> -> memref<128xi32, #tpu.memory_space<vmem>>
      %dma_wait3A_360 = arith.constant 0 : i32
      %dma_wait3A_361 = arith.constant 0 : i32
      %dma_wait3A_362 = tpu.memref_slice %arg10[%dma_wait3A_360, %dma_wait3A_361] : memref<10112x64xf32, #tpu.memory_space<vmem_shared>> -> memref<10112x64xf32, #tpu.memory_space<vmem_shared>>
      tpu.wait_indirect_dma semaphore(%arg12 : memref<!tpu.dma_semaphore, #tpu.memory_space<semaphore_mem>>) src(%dma_wait3A_356 : memref<128x64xf32, #tpu.memory_space<vmem>>) dst(%dma_wait3A_362 : memref<10112x64xf32, #tpu.memory_space<vmem_shared>>)
      %dma_wait3A_363 = arith.constant 5 : i32
      %dma_wait3A_364 = arith.constant 0 : i32
      %dma_wait3A_365 = arith.constant 0 : i32
      %dma_wait3A_366 = tpu.memref_slice %arg9[%dma_wait3A_363, %dma_wait3A_364, %dma_wait3A_365] : memref<8x128x64xf32, #tpu.memory_space<vmem>> -> memref<1x128x64xf32, #tpu.memory_space<vmem>>
      %dma_wait3A_367 = tpu.memref_squeeze %dma_wait3A_366 : memref<1x128x64xf32, #tpu.memory_space<vmem>> -> memref<128x64xf32, #tpu.memory_space<vmem>>
      %dma_wait3A_368 = arith.constant 0 : i32
      %dma_wait3A_369 = tpu.memref_slice %arg8[%add3A_248, %dma_wait3A_368] : memref<80x128xi32, #tpu.memory_space<vmem>> -> memref<1x128xi32, #tpu.memory_space<vmem>>
      %dma_wait3A_370 = tpu.memref_squeeze %dma_wait3A_369 : memref<1x128xi32, #tpu.memory_space<vmem>> -> memref<128xi32, #tpu.memory_space<vmem>>
      %dma_wait3A_371 = arith.constant 0 : i32
      %dma_wait3A_372 = arith.constant 0 : i32
      %dma_wait3A_373 = tpu.memref_slice %arg10[%dma_wait3A_371, %dma_wait3A_372] : memref<10112x64xf32, #tpu.memory_space<vmem_shared>> -> memref<10112x64xf32, #tpu.memory_space<vmem_shared>>
      tpu.wait_indirect_dma semaphore(%arg12 : memref<!tpu.dma_semaphore, #tpu.memory_space<semaphore_mem>>) src(%dma_wait3A_367 : memref<128x64xf32, #tpu.memory_space<vmem>>) dst(%dma_wait3A_373 : memref<10112x64xf32, #tpu.memory_space<vmem_shared>>)
      %dma_wait3A_374 = arith.constant 6 : i32
      %dma_wait3A_375 = arith.constant 0 : i32
      %dma_wait3A_376 = arith.constant 0 : i32
      %dma_wait3A_377 = tpu.memref_slice %arg9[%dma_wait3A_374, %dma_wait3A_375, %dma_wait3A_376] : memref<8x128x64xf32, #tpu.memory_space<vmem>> -> memref<1x128x64xf32, #tpu.memory_space<vmem>>
      %dma_wait3A_378 = tpu.memref_squeeze %dma_wait3A_377 : memref<1x128x64xf32, #tpu.memory_space<vmem>> -> memref<128x64xf32, #tpu.memory_space<vmem>>
      %dma_wait3A_379 = arith.constant 0 : i32
      %dma_wait3A_380 = tpu.memref_slice %arg8[%add3A_272, %dma_wait3A_379] : memref<80x128xi32, #tpu.memory_space<vmem>> -> memref<1x128xi32, #tpu.memory_space<vmem>>
      %dma_wait3A_381 = tpu.memref_squeeze %dma_wait3A_380 : memref<1x128xi32, #tpu.memory_space<vmem>> -> memref<128xi32, #tpu.memory_space<vmem>>
      %dma_wait3A_382 = arith.constant 0 : i32
      %dma_wait3A_383 = arith.constant 0 : i32
      %dma_wait3A_384 = tpu.memref_slice %arg10[%dma_wait3A_382, %dma_wait3A_383] : memref<10112x64xf32, #tpu.memory_space<vmem_shared>> -> memref<10112x64xf32, #tpu.memory_space<vmem_shared>>
      tpu.wait_indirect_dma semaphore(%arg12 : memref<!tpu.dma_semaphore, #tpu.memory_space<semaphore_mem>>) src(%dma_wait3A_378 : memref<128x64xf32, #tpu.memory_space<vmem>>) dst(%dma_wait3A_384 : memref<10112x64xf32, #tpu.memory_space<vmem_shared>>)
      %dma_wait3A_385 = arith.constant 7 : i32
      %dma_wait3A_386 = arith.constant 0 : i32
      %dma_wait3A_387 = arith.constant 0 : i32
      %dma_wait3A_388 = tpu.memref_slice %arg9[%dma_wait3A_385, %dma_wait3A_386, %dma_wait3A_387] : memref<8x128x64xf32, #tpu.memory_space<vmem>> -> memref<1x128x64xf32, #tpu.memory_space<vmem>>
      %dma_wait3A_389 = tpu.memref_squeeze %dma_wait3A_388 : memref<1x128x64xf32, #tpu.memory_space<vmem>> -> memref<128x64xf32, #tpu.memory_space<vmem>>
      %dma_wait3A_390 = arith.constant 0 : i32
      %dma_wait3A_391 = tpu.memref_slice %arg8[%add3A_296, %dma_wait3A_390] : memref<80x128xi32, #tpu.memory_space<vmem>> -> memref<1x128xi32, #tpu.memory_space<vmem>>
      %dma_wait3A_392 = tpu.memref_squeeze %dma_wait3A_391 : memref<1x128xi32, #tpu.memory_space<vmem>> -> memref<128xi32, #tpu.memory_space<vmem>>
      %dma_wait3A_393 = arith.constant 0 : i32
      %dma_wait3A_394 = arith.constant 0 : i32
      %dma_wait3A_395 = tpu.memref_slice %arg10[%dma_wait3A_393, %dma_wait3A_394] : memref<10112x64xf32, #tpu.memory_space<vmem_shared>> -> memref<10112x64xf32, #tpu.memory_space<vmem_shared>>
      tpu.wait_indirect_dma semaphore(%arg12 : memref<!tpu.dma_semaphore, #tpu.memory_space<semaphore_mem>>) src(%dma_wait3A_389 : memref<128x64xf32, #tpu.memory_space<vmem>>) dst(%dma_wait3A_395 : memref<10112x64xf32, #tpu.memory_space<vmem_shared>>)
    }
    %scan3A_7 = arith.constant 10 : i32
    %barrier3A_8 = arith.constant 0 : index
    tpu.barrier barrier_id(%barrier3A_8)
    %mul3A_9 = arith.constant 64 : i32
    %mul3A_10 = arith.muli %arg0, %mul3A_9 : i32
    %multiple_of3A = tpu.assume_multiple %mul3A_10, 64 : i32
    "tpu.region"() ({
      %run_scoped3A = tpu.sem_alloc : memref<!tpu.dma_semaphore, #tpu.memory_space<semaphore_mem>>
      %dma_start3A = tpu.memref_slice %arg6[%mul3A_0, %multiple_of3A] : memref<10112x128xf32, #tpu.memory_space<hbm>> -> memref<632x64xf32, #tpu.memory_space<hbm>>
      %dma_start3A_11 = arith.constant 0 : i32
      %dma_start3A_12 = tpu.memref_slice %arg10[%mul3A_0, %dma_start3A_11] : memref<10112x64xf32, #tpu.memory_space<vmem_shared>> -> memref<632x64xf32, #tpu.memory_space<vmem_shared>>
      tpu.enqueue_dma source(%dma_start3A_12 : memref<632x64xf32, #tpu.memory_space<vmem_shared>>) target(%dma_start3A : memref<632x64xf32, #tpu.memory_space<hbm>>) target_semaphore(%run_scoped3A : memref<!tpu.dma_semaphore, #tpu.memory_space<semaphore_mem>>)
      %dma_wait3A = tpu.memref_slice %arg6[%mul3A_0, %multiple_of3A] : memref<10112x128xf32, #tpu.memory_space<hbm>> -> memref<632x64xf32, #tpu.memory_space<hbm>>
      %dma_wait3A_13 = arith.constant 0 : i32
      %dma_wait3A_14 = tpu.memref_slice %arg10[%mul3A_0, %dma_wait3A_13] : memref<10112x64xf32, #tpu.memory_space<vmem_shared>> -> memref<632x64xf32, #tpu.memory_space<vmem_shared>>
      tpu.wait_dma2 semaphore(%run_scoped3A : memref<!tpu.dma_semaphore, #tpu.memory_space<semaphore_mem>>) src(%dma_wait3A_14 : memref<632x64xf32, #tpu.memory_space<vmem_shared>>) dst(%dma_wait3A : memref<632x64xf32, #tpu.memory_space<hbm>>)
      tpu.yield
    }) : () -> ()
    return
  }
}

#map = affine_map<(d0, d1) -> (0, 0)>
#map1 = affine_map<(d0, d1) -> (0, 0, 0, 0)>
#map2 = affine_map<(d0, d1) -> (0, 0, 0)>
module attributes {stable_mosaic.version = 14 : i64} {
  func.func @prop(%arg0: i32, %arg1: i32, %arg2: memref<20000x64xf32, #tpu.memory_space<hbm>>, %arg3: memref<2x16x160x128xi32, #tpu.memory_space<hbm>>, %arg4: memref<16x160x128xi32, #tpu.memory_space<hbm>>, %arg5: memref<10112x64xf32, #tpu.memory_space<hbm>>, %arg6: memref<10112x128xf32, #tpu.memory_space<hbm>>, %arg7: memref<160x128xi32, #tpu.memory_space<vmem>>, %arg8: memref<160x128xi32, #tpu.memory_space<vmem>>, %arg9: memref<5x128x64xf32, #tpu.memory_space<vmem>>, %arg10: memref<10112x64xf32, #tpu.memory_space<vmem_shared>>, %arg11: memref<!tpu.dma_semaphore, #tpu.memory_space<semaphore_mem>>, %arg12: memref<!tpu.dma_semaphore, #tpu.memory_space<semaphore_mem>>) attributes {dimension_semantics = [#tpu.dimension_semantics<core_parallel>, #tpu.dimension_semantics<subcore_parallel>], iteration_bounds = array<i64: 2, 16>, scalar_prefetch = 0 : i64, scratch_operands = 6 : i64, tpu.core_type = #tpu.core_type<sc_vector_subcore>, window_params = [{transform_indices = #map}, {transform_indices = #map1}, {transform_indices = #map2}, {transform_indices = #map}, {transform_indices = #map}]} {
    %mul3A = arith.constant 632 : i32
    %mul3A_0 = arith.muli %arg1, %mul3A : i32
    "tpu.region"() ({
      %run_scoped3A = tpu.sem_alloc : memref<!tpu.dma_semaphore, #tpu.memory_space<semaphore_mem>>
      %dma_start3A = arith.constant 0 : i32
      %dma_start3A_9 = tpu.memref_slice %arg10[%mul3A_0, %dma_start3A] : memref<10112x64xf32, #tpu.memory_space<vmem_shared>> -> memref<632x64xf32, #tpu.memory_space<vmem_shared>>
      %dma_start3A_10 = arith.constant 0 : i32
      %dma_start3A_11 = tpu.memref_slice %arg5[%mul3A_0, %dma_start3A_10] : memref<10112x64xf32, #tpu.memory_space<hbm>> -> memref<632x64xf32, #tpu.memory_space<hbm>>
      tpu.enqueue_dma source(%dma_start3A_11 : memref<632x64xf32, #tpu.memory_space<hbm>>) target(%dma_start3A_9 : memref<632x64xf32, #tpu.memory_space<vmem_shared>>) target_semaphore(%run_scoped3A : memref<!tpu.dma_semaphore, #tpu.memory_space<semaphore_mem>>)
      %dma_wait3A = arith.constant 0 : i32
      %dma_wait3A_12 = tpu.memref_slice %arg10[%mul3A_0, %dma_wait3A] : memref<10112x64xf32, #tpu.memory_space<vmem_shared>> -> memref<632x64xf32, #tpu.memory_space<vmem_shared>>
      %dma_wait3A_13 = arith.constant 0 : i32
      %dma_wait3A_14 = tpu.memref_slice %arg5[%mul3A_0, %dma_wait3A_13] : memref<10112x64xf32, #tpu.memory_space<hbm>> -> memref<632x64xf32, #tpu.memory_space<hbm>>
      tpu.wait_dma2 semaphore(%run_scoped3A : memref<!tpu.dma_semaphore, #tpu.memory_space<semaphore_mem>>) src(%dma_wait3A_14 : memref<632x64xf32, #tpu.memory_space<hbm>>) dst(%dma_wait3A_12 : memref<632x64xf32, #tpu.memory_space<vmem_shared>>)
      tpu.yield
    }) : () -> ()
    "tpu.region"() ({
      %run_scoped3A = tpu.sem_alloc : memref<!tpu.dma_semaphore, #tpu.memory_space<semaphore_mem>>
      %dma_start3A = arith.constant 0 : i32
      %dma_start3A_9 = arith.constant 0 : i32
      %dma_start3A_10 = tpu.memref_slice %arg3[%arg0, %arg1, %dma_start3A, %dma_start3A_9] : memref<2x16x160x128xi32, #tpu.memory_space<hbm>> -> memref<1x1x160x128xi32, #tpu.memory_space<hbm>>
      %dma_start3A_11 = tpu.memref_squeeze %dma_start3A_10 : memref<1x1x160x128xi32, #tpu.memory_space<hbm>> -> memref<160x128xi32, #tpu.memory_space<hbm>>
      %dma_start3A_12 = arith.constant 0 : i32
      %dma_start3A_13 = arith.constant 0 : i32
      %dma_start3A_14 = tpu.memref_slice %arg3[%arg0, %arg1, %dma_start3A_12, %dma_start3A_13] : memref<2x16x160x128xi32, #tpu.memory_space<hbm>> -> memref<1x1x160x128xi32, #tpu.memory_space<hbm>>
      %dma_start3A_15 = tpu.memref_squeeze %dma_start3A_14 : memref<1x1x160x128xi32, #tpu.memory_space<hbm>> -> memref<160x128xi32, #tpu.memory_space<hbm>>
      tpu.enqueue_dma source(%dma_start3A_15 : memref<160x128xi32, #tpu.memory_space<hbm>>) target(%arg7 : memref<160x128xi32, #tpu.memory_space<vmem>>) target_semaphore(%run_scoped3A : memref<!tpu.dma_semaphore, #tpu.memory_space<semaphore_mem>>)
      %dma_wait3A = arith.constant 0 : i32
      %dma_wait3A_16 = arith.constant 0 : i32
      %dma_wait3A_17 = tpu.memref_slice %arg3[%arg0, %arg1, %dma_wait3A, %dma_wait3A_16] : memref<2x16x160x128xi32, #tpu.memory_space<hbm>> -> memref<1x1x160x128xi32, #tpu.memory_space<hbm>>
      %dma_wait3A_18 = tpu.memref_squeeze %dma_wait3A_17 : memref<1x1x160x128xi32, #tpu.memory_space<hbm>> -> memref<160x128xi32, #tpu.memory_space<hbm>>
      %dma_wait3A_19 = arith.constant 0 : i32
      %dma_wait3A_20 = arith.constant 0 : i32
      %dma_wait3A_21 = tpu.memref_slice %arg3[%arg0, %arg1, %dma_wait3A_19, %dma_wait3A_20] : memref<2x16x160x128xi32, #tpu.memory_space<hbm>> -> memref<1x1x160x128xi32, #tpu.memory_space<hbm>>
      %dma_wait3A_22 = tpu.memref_squeeze %dma_wait3A_21 : memref<1x1x160x128xi32, #tpu.memory_space<hbm>> -> memref<160x128xi32, #tpu.memory_space<hbm>>
      tpu.wait_dma2 semaphore(%run_scoped3A : memref<!tpu.dma_semaphore, #tpu.memory_space<semaphore_mem>>) src(%dma_wait3A_22 : memref<160x128xi32, #tpu.memory_space<hbm>>) dst(%arg7 : memref<160x128xi32, #tpu.memory_space<vmem>>)
      tpu.yield
    }) : () -> ()
    "tpu.region"() ({
      %run_scoped3A = tpu.sem_alloc : memref<!tpu.dma_semaphore, #tpu.memory_space<semaphore_mem>>
      %dma_start3A = arith.constant 0 : i32
      %dma_start3A_9 = arith.constant 0 : i32
      %dma_start3A_10 = tpu.memref_slice %arg4[%arg1, %dma_start3A, %dma_start3A_9] : memref<16x160x128xi32, #tpu.memory_space<hbm>> -> memref<1x160x128xi32, #tpu.memory_space<hbm>>
      %dma_start3A_11 = tpu.memref_squeeze %dma_start3A_10 : memref<1x160x128xi32, #tpu.memory_space<hbm>> -> memref<160x128xi32, #tpu.memory_space<hbm>>
      %dma_start3A_12 = arith.constant 0 : i32
      %dma_start3A_13 = arith.constant 0 : i32
      %dma_start3A_14 = tpu.memref_slice %arg4[%arg1, %dma_start3A_12, %dma_start3A_13] : memref<16x160x128xi32, #tpu.memory_space<hbm>> -> memref<1x160x128xi32, #tpu.memory_space<hbm>>
      %dma_start3A_15 = tpu.memref_squeeze %dma_start3A_14 : memref<1x160x128xi32, #tpu.memory_space<hbm>> -> memref<160x128xi32, #tpu.memory_space<hbm>>
      tpu.enqueue_dma source(%dma_start3A_15 : memref<160x128xi32, #tpu.memory_space<hbm>>) target(%arg8 : memref<160x128xi32, #tpu.memory_space<vmem>>) target_semaphore(%run_scoped3A : memref<!tpu.dma_semaphore, #tpu.memory_space<semaphore_mem>>)
      %dma_wait3A = arith.constant 0 : i32
      %dma_wait3A_16 = arith.constant 0 : i32
      %dma_wait3A_17 = tpu.memref_slice %arg4[%arg1, %dma_wait3A, %dma_wait3A_16] : memref<16x160x128xi32, #tpu.memory_space<hbm>> -> memref<1x160x128xi32, #tpu.memory_space<hbm>>
      %dma_wait3A_18 = tpu.memref_squeeze %dma_wait3A_17 : memref<1x160x128xi32, #tpu.memory_space<hbm>> -> memref<160x128xi32, #tpu.memory_space<hbm>>
      %dma_wait3A_19 = arith.constant 0 : i32
      %dma_wait3A_20 = arith.constant 0 : i32
      %dma_wait3A_21 = tpu.memref_slice %arg4[%arg1, %dma_wait3A_19, %dma_wait3A_20] : memref<16x160x128xi32, #tpu.memory_space<hbm>> -> memref<1x160x128xi32, #tpu.memory_space<hbm>>
      %dma_wait3A_22 = tpu.memref_squeeze %dma_wait3A_21 : memref<1x160x128xi32, #tpu.memory_space<hbm>> -> memref<160x128xi32, #tpu.memory_space<hbm>>
      tpu.wait_dma2 semaphore(%run_scoped3A : memref<!tpu.dma_semaphore, #tpu.memory_space<semaphore_mem>>) src(%dma_wait3A_22 : memref<160x128xi32, #tpu.memory_space<hbm>>) dst(%arg8 : memref<160x128xi32, #tpu.memory_space<vmem>>)
      tpu.yield
    }) : () -> ()
    %barrier3A = arith.constant 0 : index
    tpu.barrier barrier_id(%barrier3A)
    %scan3A = arith.constant 0 : i32
    %scan3A_1 = arith.constant 0 : i32
    %scan3A_2 = arith.constant 32 : i32
    %scan3A_3 = arith.addi %scan3A_1, %scan3A_2 : i32
    %scan3A_4 = arith.constant 1 : i32
    scf.for %scan3A_9 = %scan3A_1 to %scan3A_3 step %scan3A_4  : i32 {
      %mul3A_10 = arith.constant 5 : i32
      %mul3A_11 = arith.muli %scan3A_9, %mul3A_10 : i32
      %add3A = arith.constant 0 : i32
      %add3A_12 = arith.addi %mul3A_11, %add3A : i32
      %dma_start3A = arith.constant 0 : i32
      %dma_start3A_13 = arith.constant 0 : i32
      %dma_start3A_14 = arith.constant 0 : i32
      %dma_start3A_15 = tpu.memref_slice %arg9[%dma_start3A, %dma_start3A_13, %dma_start3A_14] : memref<5x128x64xf32, #tpu.memory_space<vmem>> -> memref<1x128x64xf32, #tpu.memory_space<vmem>>
      %dma_start3A_16 = tpu.memref_squeeze %dma_start3A_15 : memref<1x128x64xf32, #tpu.memory_space<vmem>> -> memref<128x64xf32, #tpu.memory_space<vmem>>
      %dma_start3A_17 = arith.constant 0 : i32
      %dma_start3A_18 = tpu.memref_slice %arg7[%add3A_12, %dma_start3A_17] : memref<160x128xi32, #tpu.memory_space<vmem>> -> memref<1x128xi32, #tpu.memory_space<vmem>>
      %dma_start3A_19 = tpu.memref_squeeze %dma_start3A_18 : memref<1x128xi32, #tpu.memory_space<vmem>> -> memref<128xi32, #tpu.memory_space<vmem>>
      %dma_start3A_20 = arith.constant 0 : i32
      %dma_start3A_21 = arith.constant 0 : i32
      %dma_start3A_22 = tpu.memref_slice %arg2[%dma_start3A_20, %dma_start3A_21] : memref<20000x64xf32, #tpu.memory_space<hbm>> -> memref<20000x64xf32, #tpu.memory_space<hbm>>
      tpu.enqueue_indirect_dma source(%dma_start3A_22 : memref<20000x64xf32, #tpu.memory_space<hbm>>) target(%dma_start3A_16 : memref<128x64xf32, #tpu.memory_space<vmem>>) offsets(%dma_start3A_19 : memref<128xi32, #tpu.memory_space<vmem>>) semaphore(%arg11 : memref<!tpu.dma_semaphore, #tpu.memory_space<semaphore_mem>>)
      %add3A_23 = arith.constant 1 : i32
      %add3A_24 = arith.addi %mul3A_11, %add3A_23 : i32
      %dma_start3A_25 = arith.constant 1 : i32
      %dma_start3A_26 = arith.constant 0 : i32
      %dma_start3A_27 = arith.constant 0 : i32
      %dma_start3A_28 = tpu.memref_slice %arg9[%dma_start3A_25, %dma_start3A_26, %dma_start3A_27] : memref<5x128x64xf32, #tpu.memory_space<vmem>> -> memref<1x128x64xf32, #tpu.memory_space<vmem>>
      %dma_start3A_29 = tpu.memref_squeeze %dma_start3A_28 : memref<1x128x64xf32, #tpu.memory_space<vmem>> -> memref<128x64xf32, #tpu.memory_space<vmem>>
      %dma_start3A_30 = arith.constant 0 : i32
      %dma_start3A_31 = tpu.memref_slice %arg7[%add3A_24, %dma_start3A_30] : memref<160x128xi32, #tpu.memory_space<vmem>> -> memref<1x128xi32, #tpu.memory_space<vmem>>
      %dma_start3A_32 = tpu.memref_squeeze %dma_start3A_31 : memref<1x128xi32, #tpu.memory_space<vmem>> -> memref<128xi32, #tpu.memory_space<vmem>>
      %dma_start3A_33 = arith.constant 0 : i32
      %dma_start3A_34 = arith.constant 0 : i32
      %dma_start3A_35 = tpu.memref_slice %arg2[%dma_start3A_33, %dma_start3A_34] : memref<20000x64xf32, #tpu.memory_space<hbm>> -> memref<20000x64xf32, #tpu.memory_space<hbm>>
      tpu.enqueue_indirect_dma source(%dma_start3A_35 : memref<20000x64xf32, #tpu.memory_space<hbm>>) target(%dma_start3A_29 : memref<128x64xf32, #tpu.memory_space<vmem>>) offsets(%dma_start3A_32 : memref<128xi32, #tpu.memory_space<vmem>>) semaphore(%arg11 : memref<!tpu.dma_semaphore, #tpu.memory_space<semaphore_mem>>)
      %add3A_36 = arith.constant 2 : i32
      %add3A_37 = arith.addi %mul3A_11, %add3A_36 : i32
      %dma_start3A_38 = arith.constant 2 : i32
      %dma_start3A_39 = arith.constant 0 : i32
      %dma_start3A_40 = arith.constant 0 : i32
      %dma_start3A_41 = tpu.memref_slice %arg9[%dma_start3A_38, %dma_start3A_39, %dma_start3A_40] : memref<5x128x64xf32, #tpu.memory_space<vmem>> -> memref<1x128x64xf32, #tpu.memory_space<vmem>>
      %dma_start3A_42 = tpu.memref_squeeze %dma_start3A_41 : memref<1x128x64xf32, #tpu.memory_space<vmem>> -> memref<128x64xf32, #tpu.memory_space<vmem>>
      %dma_start3A_43 = arith.constant 0 : i32
      %dma_start3A_44 = tpu.memref_slice %arg7[%add3A_37, %dma_start3A_43] : memref<160x128xi32, #tpu.memory_space<vmem>> -> memref<1x128xi32, #tpu.memory_space<vmem>>
      %dma_start3A_45 = tpu.memref_squeeze %dma_start3A_44 : memref<1x128xi32, #tpu.memory_space<vmem>> -> memref<128xi32, #tpu.memory_space<vmem>>
      %dma_start3A_46 = arith.constant 0 : i32
      %dma_start3A_47 = arith.constant 0 : i32
      %dma_start3A_48 = tpu.memref_slice %arg2[%dma_start3A_46, %dma_start3A_47] : memref<20000x64xf32, #tpu.memory_space<hbm>> -> memref<20000x64xf32, #tpu.memory_space<hbm>>
      tpu.enqueue_indirect_dma source(%dma_start3A_48 : memref<20000x64xf32, #tpu.memory_space<hbm>>) target(%dma_start3A_42 : memref<128x64xf32, #tpu.memory_space<vmem>>) offsets(%dma_start3A_45 : memref<128xi32, #tpu.memory_space<vmem>>) semaphore(%arg11 : memref<!tpu.dma_semaphore, #tpu.memory_space<semaphore_mem>>)
      %add3A_49 = arith.constant 3 : i32
      %add3A_50 = arith.addi %mul3A_11, %add3A_49 : i32
      %dma_start3A_51 = arith.constant 3 : i32
      %dma_start3A_52 = arith.constant 0 : i32
      %dma_start3A_53 = arith.constant 0 : i32
      %dma_start3A_54 = tpu.memref_slice %arg9[%dma_start3A_51, %dma_start3A_52, %dma_start3A_53] : memref<5x128x64xf32, #tpu.memory_space<vmem>> -> memref<1x128x64xf32, #tpu.memory_space<vmem>>
      %dma_start3A_55 = tpu.memref_squeeze %dma_start3A_54 : memref<1x128x64xf32, #tpu.memory_space<vmem>> -> memref<128x64xf32, #tpu.memory_space<vmem>>
      %dma_start3A_56 = arith.constant 0 : i32
      %dma_start3A_57 = tpu.memref_slice %arg7[%add3A_50, %dma_start3A_56] : memref<160x128xi32, #tpu.memory_space<vmem>> -> memref<1x128xi32, #tpu.memory_space<vmem>>
      %dma_start3A_58 = tpu.memref_squeeze %dma_start3A_57 : memref<1x128xi32, #tpu.memory_space<vmem>> -> memref<128xi32, #tpu.memory_space<vmem>>
      %dma_start3A_59 = arith.constant 0 : i32
      %dma_start3A_60 = arith.constant 0 : i32
      %dma_start3A_61 = tpu.memref_slice %arg2[%dma_start3A_59, %dma_start3A_60] : memref<20000x64xf32, #tpu.memory_space<hbm>> -> memref<20000x64xf32, #tpu.memory_space<hbm>>
      tpu.enqueue_indirect_dma source(%dma_start3A_61 : memref<20000x64xf32, #tpu.memory_space<hbm>>) target(%dma_start3A_55 : memref<128x64xf32, #tpu.memory_space<vmem>>) offsets(%dma_start3A_58 : memref<128xi32, #tpu.memory_space<vmem>>) semaphore(%arg11 : memref<!tpu.dma_semaphore, #tpu.memory_space<semaphore_mem>>)
      %add3A_62 = arith.constant 4 : i32
      %add3A_63 = arith.addi %mul3A_11, %add3A_62 : i32
      %dma_start3A_64 = arith.constant 4 : i32
      %dma_start3A_65 = arith.constant 0 : i32
      %dma_start3A_66 = arith.constant 0 : i32
      %dma_start3A_67 = tpu.memref_slice %arg9[%dma_start3A_64, %dma_start3A_65, %dma_start3A_66] : memref<5x128x64xf32, #tpu.memory_space<vmem>> -> memref<1x128x64xf32, #tpu.memory_space<vmem>>
      %dma_start3A_68 = tpu.memref_squeeze %dma_start3A_67 : memref<1x128x64xf32, #tpu.memory_space<vmem>> -> memref<128x64xf32, #tpu.memory_space<vmem>>
      %dma_start3A_69 = arith.constant 0 : i32
      %dma_start3A_70 = tpu.memref_slice %arg7[%add3A_63, %dma_start3A_69] : memref<160x128xi32, #tpu.memory_space<vmem>> -> memref<1x128xi32, #tpu.memory_space<vmem>>
      %dma_start3A_71 = tpu.memref_squeeze %dma_start3A_70 : memref<1x128xi32, #tpu.memory_space<vmem>> -> memref<128xi32, #tpu.memory_space<vmem>>
      %dma_start3A_72 = arith.constant 0 : i32
      %dma_start3A_73 = arith.constant 0 : i32
      %dma_start3A_74 = tpu.memref_slice %arg2[%dma_start3A_72, %dma_start3A_73] : memref<20000x64xf32, #tpu.memory_space<hbm>> -> memref<20000x64xf32, #tpu.memory_space<hbm>>
      tpu.enqueue_indirect_dma source(%dma_start3A_74 : memref<20000x64xf32, #tpu.memory_space<hbm>>) target(%dma_start3A_68 : memref<128x64xf32, #tpu.memory_space<vmem>>) offsets(%dma_start3A_71 : memref<128xi32, #tpu.memory_space<vmem>>) semaphore(%arg11 : memref<!tpu.dma_semaphore, #tpu.memory_space<semaphore_mem>>)
      %dma_wait3A = arith.constant 0 : i32
      %dma_wait3A_75 = arith.constant 0 : i32
      %dma_wait3A_76 = arith.constant 0 : i32
      %dma_wait3A_77 = tpu.memref_slice %arg9[%dma_wait3A, %dma_wait3A_75, %dma_wait3A_76] : memref<5x128x64xf32, #tpu.memory_space<vmem>> -> memref<1x128x64xf32, #tpu.memory_space<vmem>>
      %dma_wait3A_78 = tpu.memref_squeeze %dma_wait3A_77 : memref<1x128x64xf32, #tpu.memory_space<vmem>> -> memref<128x64xf32, #tpu.memory_space<vmem>>
      %dma_wait3A_79 = arith.constant 0 : i32
      %dma_wait3A_80 = tpu.memref_slice %arg7[%add3A_12, %dma_wait3A_79] : memref<160x128xi32, #tpu.memory_space<vmem>> -> memref<1x128xi32, #tpu.memory_space<vmem>>
      %dma_wait3A_81 = tpu.memref_squeeze %dma_wait3A_80 : memref<1x128xi32, #tpu.memory_space<vmem>> -> memref<128xi32, #tpu.memory_space<vmem>>
      %dma_wait3A_82 = arith.constant 0 : i32
      %dma_wait3A_83 = arith.constant 0 : i32
      %dma_wait3A_84 = tpu.memref_slice %arg2[%dma_wait3A_82, %dma_wait3A_83] : memref<20000x64xf32, #tpu.memory_space<hbm>> -> memref<20000x64xf32, #tpu.memory_space<hbm>>
      tpu.wait_indirect_dma semaphore(%arg11 : memref<!tpu.dma_semaphore, #tpu.memory_space<semaphore_mem>>) src(%dma_wait3A_84 : memref<20000x64xf32, #tpu.memory_space<hbm>>) dst(%dma_wait3A_78 : memref<128x64xf32, #tpu.memory_space<vmem>>)
      %add3A_85 = arith.constant 0 : i32
      %add3A_86 = arith.addi %mul3A_11, %add3A_85 : i32
      %dma_start3A_87 = arith.constant 0 : i32
      %dma_start3A_88 = arith.constant 0 : i32
      %dma_start3A_89 = arith.constant 0 : i32
      %dma_start3A_90 = tpu.memref_slice %arg9[%dma_start3A_87, %dma_start3A_88, %dma_start3A_89] : memref<5x128x64xf32, #tpu.memory_space<vmem>> -> memref<1x128x64xf32, #tpu.memory_space<vmem>>
      %dma_start3A_91 = tpu.memref_squeeze %dma_start3A_90 : memref<1x128x64xf32, #tpu.memory_space<vmem>> -> memref<128x64xf32, #tpu.memory_space<vmem>>
      %dma_start3A_92 = arith.constant 0 : i32
      %dma_start3A_93 = tpu.memref_slice %arg8[%add3A_86, %dma_start3A_92] : memref<160x128xi32, #tpu.memory_space<vmem>> -> memref<1x128xi32, #tpu.memory_space<vmem>>
      %dma_start3A_94 = tpu.memref_squeeze %dma_start3A_93 : memref<1x128xi32, #tpu.memory_space<vmem>> -> memref<128xi32, #tpu.memory_space<vmem>>
      %dma_start3A_95 = arith.constant 0 : i32
      %dma_start3A_96 = arith.constant 0 : i32
      %dma_start3A_97 = tpu.memref_slice %arg10[%dma_start3A_95, %dma_start3A_96] : memref<10112x64xf32, #tpu.memory_space<vmem_shared>> -> memref<10112x64xf32, #tpu.memory_space<vmem_shared>>
      tpu.enqueue_indirect_dma source(%dma_start3A_91 : memref<128x64xf32, #tpu.memory_space<vmem>>) target(%dma_start3A_97 : memref<10112x64xf32, #tpu.memory_space<vmem_shared>>) offsets(%dma_start3A_94 : memref<128xi32, #tpu.memory_space<vmem>>) semaphore(%arg12 : memref<!tpu.dma_semaphore, #tpu.memory_space<semaphore_mem>>) {add = true}
      %dma_wait3A_98 = arith.constant 1 : i32
      %dma_wait3A_99 = arith.constant 0 : i32
      %dma_wait3A_100 = arith.constant 0 : i32
      %dma_wait3A_101 = tpu.memref_slice %arg9[%dma_wait3A_98, %dma_wait3A_99, %dma_wait3A_100] : memref<5x128x64xf32, #tpu.memory_space<vmem>> -> memref<1x128x64xf32, #tpu.memory_space<vmem>>
      %dma_wait3A_102 = tpu.memref_squeeze %dma_wait3A_101 : memref<1x128x64xf32, #tpu.memory_space<vmem>> -> memref<128x64xf32, #tpu.memory_space<vmem>>
      %dma_wait3A_103 = arith.constant 0 : i32
      %dma_wait3A_104 = tpu.memref_slice %arg7[%add3A_24, %dma_wait3A_103] : memref<160x128xi32, #tpu.memory_space<vmem>> -> memref<1x128xi32, #tpu.memory_space<vmem>>
      %dma_wait3A_105 = tpu.memref_squeeze %dma_wait3A_104 : memref<1x128xi32, #tpu.memory_space<vmem>> -> memref<128xi32, #tpu.memory_space<vmem>>
      %dma_wait3A_106 = arith.constant 0 : i32
      %dma_wait3A_107 = arith.constant 0 : i32
      %dma_wait3A_108 = tpu.memref_slice %arg2[%dma_wait3A_106, %dma_wait3A_107] : memref<20000x64xf32, #tpu.memory_space<hbm>> -> memref<20000x64xf32, #tpu.memory_space<hbm>>
      tpu.wait_indirect_dma semaphore(%arg11 : memref<!tpu.dma_semaphore, #tpu.memory_space<semaphore_mem>>) src(%dma_wait3A_108 : memref<20000x64xf32, #tpu.memory_space<hbm>>) dst(%dma_wait3A_102 : memref<128x64xf32, #tpu.memory_space<vmem>>)
      %add3A_109 = arith.constant 1 : i32
      %add3A_110 = arith.addi %mul3A_11, %add3A_109 : i32
      %dma_start3A_111 = arith.constant 1 : i32
      %dma_start3A_112 = arith.constant 0 : i32
      %dma_start3A_113 = arith.constant 0 : i32
      %dma_start3A_114 = tpu.memref_slice %arg9[%dma_start3A_111, %dma_start3A_112, %dma_start3A_113] : memref<5x128x64xf32, #tpu.memory_space<vmem>> -> memref<1x128x64xf32, #tpu.memory_space<vmem>>
      %dma_start3A_115 = tpu.memref_squeeze %dma_start3A_114 : memref<1x128x64xf32, #tpu.memory_space<vmem>> -> memref<128x64xf32, #tpu.memory_space<vmem>>
      %dma_start3A_116 = arith.constant 0 : i32
      %dma_start3A_117 = tpu.memref_slice %arg8[%add3A_110, %dma_start3A_116] : memref<160x128xi32, #tpu.memory_space<vmem>> -> memref<1x128xi32, #tpu.memory_space<vmem>>
      %dma_start3A_118 = tpu.memref_squeeze %dma_start3A_117 : memref<1x128xi32, #tpu.memory_space<vmem>> -> memref<128xi32, #tpu.memory_space<vmem>>
      %dma_start3A_119 = arith.constant 0 : i32
      %dma_start3A_120 = arith.constant 0 : i32
      %dma_start3A_121 = tpu.memref_slice %arg10[%dma_start3A_119, %dma_start3A_120] : memref<10112x64xf32, #tpu.memory_space<vmem_shared>> -> memref<10112x64xf32, #tpu.memory_space<vmem_shared>>
      tpu.enqueue_indirect_dma source(%dma_start3A_115 : memref<128x64xf32, #tpu.memory_space<vmem>>) target(%dma_start3A_121 : memref<10112x64xf32, #tpu.memory_space<vmem_shared>>) offsets(%dma_start3A_118 : memref<128xi32, #tpu.memory_space<vmem>>) semaphore(%arg12 : memref<!tpu.dma_semaphore, #tpu.memory_space<semaphore_mem>>) {add = true}
      %dma_wait3A_122 = arith.constant 2 : i32
      %dma_wait3A_123 = arith.constant 0 : i32
      %dma_wait3A_124 = arith.constant 0 : i32
      %dma_wait3A_125 = tpu.memref_slice %arg9[%dma_wait3A_122, %dma_wait3A_123, %dma_wait3A_124] : memref<5x128x64xf32, #tpu.memory_space<vmem>> -> memref<1x128x64xf32, #tpu.memory_space<vmem>>
      %dma_wait3A_126 = tpu.memref_squeeze %dma_wait3A_125 : memref<1x128x64xf32, #tpu.memory_space<vmem>> -> memref<128x64xf32, #tpu.memory_space<vmem>>
      %dma_wait3A_127 = arith.constant 0 : i32
      %dma_wait3A_128 = tpu.memref_slice %arg7[%add3A_37, %dma_wait3A_127] : memref<160x128xi32, #tpu.memory_space<vmem>> -> memref<1x128xi32, #tpu.memory_space<vmem>>
      %dma_wait3A_129 = tpu.memref_squeeze %dma_wait3A_128 : memref<1x128xi32, #tpu.memory_space<vmem>> -> memref<128xi32, #tpu.memory_space<vmem>>
      %dma_wait3A_130 = arith.constant 0 : i32
      %dma_wait3A_131 = arith.constant 0 : i32
      %dma_wait3A_132 = tpu.memref_slice %arg2[%dma_wait3A_130, %dma_wait3A_131] : memref<20000x64xf32, #tpu.memory_space<hbm>> -> memref<20000x64xf32, #tpu.memory_space<hbm>>
      tpu.wait_indirect_dma semaphore(%arg11 : memref<!tpu.dma_semaphore, #tpu.memory_space<semaphore_mem>>) src(%dma_wait3A_132 : memref<20000x64xf32, #tpu.memory_space<hbm>>) dst(%dma_wait3A_126 : memref<128x64xf32, #tpu.memory_space<vmem>>)
      %add3A_133 = arith.constant 2 : i32
      %add3A_134 = arith.addi %mul3A_11, %add3A_133 : i32
      %dma_start3A_135 = arith.constant 2 : i32
      %dma_start3A_136 = arith.constant 0 : i32
      %dma_start3A_137 = arith.constant 0 : i32
      %dma_start3A_138 = tpu.memref_slice %arg9[%dma_start3A_135, %dma_start3A_136, %dma_start3A_137] : memref<5x128x64xf32, #tpu.memory_space<vmem>> -> memref<1x128x64xf32, #tpu.memory_space<vmem>>
      %dma_start3A_139 = tpu.memref_squeeze %dma_start3A_138 : memref<1x128x64xf32, #tpu.memory_space<vmem>> -> memref<128x64xf32, #tpu.memory_space<vmem>>
      %dma_start3A_140 = arith.constant 0 : i32
      %dma_start3A_141 = tpu.memref_slice %arg8[%add3A_134, %dma_start3A_140] : memref<160x128xi32, #tpu.memory_space<vmem>> -> memref<1x128xi32, #tpu.memory_space<vmem>>
      %dma_start3A_142 = tpu.memref_squeeze %dma_start3A_141 : memref<1x128xi32, #tpu.memory_space<vmem>> -> memref<128xi32, #tpu.memory_space<vmem>>
      %dma_start3A_143 = arith.constant 0 : i32
      %dma_start3A_144 = arith.constant 0 : i32
      %dma_start3A_145 = tpu.memref_slice %arg10[%dma_start3A_143, %dma_start3A_144] : memref<10112x64xf32, #tpu.memory_space<vmem_shared>> -> memref<10112x64xf32, #tpu.memory_space<vmem_shared>>
      tpu.enqueue_indirect_dma source(%dma_start3A_139 : memref<128x64xf32, #tpu.memory_space<vmem>>) target(%dma_start3A_145 : memref<10112x64xf32, #tpu.memory_space<vmem_shared>>) offsets(%dma_start3A_142 : memref<128xi32, #tpu.memory_space<vmem>>) semaphore(%arg12 : memref<!tpu.dma_semaphore, #tpu.memory_space<semaphore_mem>>) {add = true}
      %dma_wait3A_146 = arith.constant 3 : i32
      %dma_wait3A_147 = arith.constant 0 : i32
      %dma_wait3A_148 = arith.constant 0 : i32
      %dma_wait3A_149 = tpu.memref_slice %arg9[%dma_wait3A_146, %dma_wait3A_147, %dma_wait3A_148] : memref<5x128x64xf32, #tpu.memory_space<vmem>> -> memref<1x128x64xf32, #tpu.memory_space<vmem>>
      %dma_wait3A_150 = tpu.memref_squeeze %dma_wait3A_149 : memref<1x128x64xf32, #tpu.memory_space<vmem>> -> memref<128x64xf32, #tpu.memory_space<vmem>>
      %dma_wait3A_151 = arith.constant 0 : i32
      %dma_wait3A_152 = tpu.memref_slice %arg7[%add3A_50, %dma_wait3A_151] : memref<160x128xi32, #tpu.memory_space<vmem>> -> memref<1x128xi32, #tpu.memory_space<vmem>>
      %dma_wait3A_153 = tpu.memref_squeeze %dma_wait3A_152 : memref<1x128xi32, #tpu.memory_space<vmem>> -> memref<128xi32, #tpu.memory_space<vmem>>
      %dma_wait3A_154 = arith.constant 0 : i32
      %dma_wait3A_155 = arith.constant 0 : i32
      %dma_wait3A_156 = tpu.memref_slice %arg2[%dma_wait3A_154, %dma_wait3A_155] : memref<20000x64xf32, #tpu.memory_space<hbm>> -> memref<20000x64xf32, #tpu.memory_space<hbm>>
      tpu.wait_indirect_dma semaphore(%arg11 : memref<!tpu.dma_semaphore, #tpu.memory_space<semaphore_mem>>) src(%dma_wait3A_156 : memref<20000x64xf32, #tpu.memory_space<hbm>>) dst(%dma_wait3A_150 : memref<128x64xf32, #tpu.memory_space<vmem>>)
      %add3A_157 = arith.constant 3 : i32
      %add3A_158 = arith.addi %mul3A_11, %add3A_157 : i32
      %dma_start3A_159 = arith.constant 3 : i32
      %dma_start3A_160 = arith.constant 0 : i32
      %dma_start3A_161 = arith.constant 0 : i32
      %dma_start3A_162 = tpu.memref_slice %arg9[%dma_start3A_159, %dma_start3A_160, %dma_start3A_161] : memref<5x128x64xf32, #tpu.memory_space<vmem>> -> memref<1x128x64xf32, #tpu.memory_space<vmem>>
      %dma_start3A_163 = tpu.memref_squeeze %dma_start3A_162 : memref<1x128x64xf32, #tpu.memory_space<vmem>> -> memref<128x64xf32, #tpu.memory_space<vmem>>
      %dma_start3A_164 = arith.constant 0 : i32
      %dma_start3A_165 = tpu.memref_slice %arg8[%add3A_158, %dma_start3A_164] : memref<160x128xi32, #tpu.memory_space<vmem>> -> memref<1x128xi32, #tpu.memory_space<vmem>>
      %dma_start3A_166 = tpu.memref_squeeze %dma_start3A_165 : memref<1x128xi32, #tpu.memory_space<vmem>> -> memref<128xi32, #tpu.memory_space<vmem>>
      %dma_start3A_167 = arith.constant 0 : i32
      %dma_start3A_168 = arith.constant 0 : i32
      %dma_start3A_169 = tpu.memref_slice %arg10[%dma_start3A_167, %dma_start3A_168] : memref<10112x64xf32, #tpu.memory_space<vmem_shared>> -> memref<10112x64xf32, #tpu.memory_space<vmem_shared>>
      tpu.enqueue_indirect_dma source(%dma_start3A_163 : memref<128x64xf32, #tpu.memory_space<vmem>>) target(%dma_start3A_169 : memref<10112x64xf32, #tpu.memory_space<vmem_shared>>) offsets(%dma_start3A_166 : memref<128xi32, #tpu.memory_space<vmem>>) semaphore(%arg12 : memref<!tpu.dma_semaphore, #tpu.memory_space<semaphore_mem>>) {add = true}
      %dma_wait3A_170 = arith.constant 4 : i32
      %dma_wait3A_171 = arith.constant 0 : i32
      %dma_wait3A_172 = arith.constant 0 : i32
      %dma_wait3A_173 = tpu.memref_slice %arg9[%dma_wait3A_170, %dma_wait3A_171, %dma_wait3A_172] : memref<5x128x64xf32, #tpu.memory_space<vmem>> -> memref<1x128x64xf32, #tpu.memory_space<vmem>>
      %dma_wait3A_174 = tpu.memref_squeeze %dma_wait3A_173 : memref<1x128x64xf32, #tpu.memory_space<vmem>> -> memref<128x64xf32, #tpu.memory_space<vmem>>
      %dma_wait3A_175 = arith.constant 0 : i32
      %dma_wait3A_176 = tpu.memref_slice %arg7[%add3A_63, %dma_wait3A_175] : memref<160x128xi32, #tpu.memory_space<vmem>> -> memref<1x128xi32, #tpu.memory_space<vmem>>
      %dma_wait3A_177 = tpu.memref_squeeze %dma_wait3A_176 : memref<1x128xi32, #tpu.memory_space<vmem>> -> memref<128xi32, #tpu.memory_space<vmem>>
      %dma_wait3A_178 = arith.constant 0 : i32
      %dma_wait3A_179 = arith.constant 0 : i32
      %dma_wait3A_180 = tpu.memref_slice %arg2[%dma_wait3A_178, %dma_wait3A_179] : memref<20000x64xf32, #tpu.memory_space<hbm>> -> memref<20000x64xf32, #tpu.memory_space<hbm>>
      tpu.wait_indirect_dma semaphore(%arg11 : memref<!tpu.dma_semaphore, #tpu.memory_space<semaphore_mem>>) src(%dma_wait3A_180 : memref<20000x64xf32, #tpu.memory_space<hbm>>) dst(%dma_wait3A_174 : memref<128x64xf32, #tpu.memory_space<vmem>>)
      %add3A_181 = arith.constant 4 : i32
      %add3A_182 = arith.addi %mul3A_11, %add3A_181 : i32
      %dma_start3A_183 = arith.constant 4 : i32
      %dma_start3A_184 = arith.constant 0 : i32
      %dma_start3A_185 = arith.constant 0 : i32
      %dma_start3A_186 = tpu.memref_slice %arg9[%dma_start3A_183, %dma_start3A_184, %dma_start3A_185] : memref<5x128x64xf32, #tpu.memory_space<vmem>> -> memref<1x128x64xf32, #tpu.memory_space<vmem>>
      %dma_start3A_187 = tpu.memref_squeeze %dma_start3A_186 : memref<1x128x64xf32, #tpu.memory_space<vmem>> -> memref<128x64xf32, #tpu.memory_space<vmem>>
      %dma_start3A_188 = arith.constant 0 : i32
      %dma_start3A_189 = tpu.memref_slice %arg8[%add3A_182, %dma_start3A_188] : memref<160x128xi32, #tpu.memory_space<vmem>> -> memref<1x128xi32, #tpu.memory_space<vmem>>
      %dma_start3A_190 = tpu.memref_squeeze %dma_start3A_189 : memref<1x128xi32, #tpu.memory_space<vmem>> -> memref<128xi32, #tpu.memory_space<vmem>>
      %dma_start3A_191 = arith.constant 0 : i32
      %dma_start3A_192 = arith.constant 0 : i32
      %dma_start3A_193 = tpu.memref_slice %arg10[%dma_start3A_191, %dma_start3A_192] : memref<10112x64xf32, #tpu.memory_space<vmem_shared>> -> memref<10112x64xf32, #tpu.memory_space<vmem_shared>>
      tpu.enqueue_indirect_dma source(%dma_start3A_187 : memref<128x64xf32, #tpu.memory_space<vmem>>) target(%dma_start3A_193 : memref<10112x64xf32, #tpu.memory_space<vmem_shared>>) offsets(%dma_start3A_190 : memref<128xi32, #tpu.memory_space<vmem>>) semaphore(%arg12 : memref<!tpu.dma_semaphore, #tpu.memory_space<semaphore_mem>>) {add = true}
      %dma_wait3A_194 = arith.constant 0 : i32
      %dma_wait3A_195 = arith.constant 0 : i32
      %dma_wait3A_196 = arith.constant 0 : i32
      %dma_wait3A_197 = tpu.memref_slice %arg9[%dma_wait3A_194, %dma_wait3A_195, %dma_wait3A_196] : memref<5x128x64xf32, #tpu.memory_space<vmem>> -> memref<1x128x64xf32, #tpu.memory_space<vmem>>
      %dma_wait3A_198 = tpu.memref_squeeze %dma_wait3A_197 : memref<1x128x64xf32, #tpu.memory_space<vmem>> -> memref<128x64xf32, #tpu.memory_space<vmem>>
      %dma_wait3A_199 = arith.constant 0 : i32
      %dma_wait3A_200 = tpu.memref_slice %arg8[%add3A_86, %dma_wait3A_199] : memref<160x128xi32, #tpu.memory_space<vmem>> -> memref<1x128xi32, #tpu.memory_space<vmem>>
      %dma_wait3A_201 = tpu.memref_squeeze %dma_wait3A_200 : memref<1x128xi32, #tpu.memory_space<vmem>> -> memref<128xi32, #tpu.memory_space<vmem>>
      %dma_wait3A_202 = arith.constant 0 : i32
      %dma_wait3A_203 = arith.constant 0 : i32
      %dma_wait3A_204 = tpu.memref_slice %arg10[%dma_wait3A_202, %dma_wait3A_203] : memref<10112x64xf32, #tpu.memory_space<vmem_shared>> -> memref<10112x64xf32, #tpu.memory_space<vmem_shared>>
      tpu.wait_indirect_dma semaphore(%arg12 : memref<!tpu.dma_semaphore, #tpu.memory_space<semaphore_mem>>) src(%dma_wait3A_198 : memref<128x64xf32, #tpu.memory_space<vmem>>) dst(%dma_wait3A_204 : memref<10112x64xf32, #tpu.memory_space<vmem_shared>>)
      %dma_wait3A_205 = arith.constant 1 : i32
      %dma_wait3A_206 = arith.constant 0 : i32
      %dma_wait3A_207 = arith.constant 0 : i32
      %dma_wait3A_208 = tpu.memref_slice %arg9[%dma_wait3A_205, %dma_wait3A_206, %dma_wait3A_207] : memref<5x128x64xf32, #tpu.memory_space<vmem>> -> memref<1x128x64xf32, #tpu.memory_space<vmem>>
      %dma_wait3A_209 = tpu.memref_squeeze %dma_wait3A_208 : memref<1x128x64xf32, #tpu.memory_space<vmem>> -> memref<128x64xf32, #tpu.memory_space<vmem>>
      %dma_wait3A_210 = arith.constant 0 : i32
      %dma_wait3A_211 = tpu.memref_slice %arg8[%add3A_110, %dma_wait3A_210] : memref<160x128xi32, #tpu.memory_space<vmem>> -> memref<1x128xi32, #tpu.memory_space<vmem>>
      %dma_wait3A_212 = tpu.memref_squeeze %dma_wait3A_211 : memref<1x128xi32, #tpu.memory_space<vmem>> -> memref<128xi32, #tpu.memory_space<vmem>>
      %dma_wait3A_213 = arith.constant 0 : i32
      %dma_wait3A_214 = arith.constant 0 : i32
      %dma_wait3A_215 = tpu.memref_slice %arg10[%dma_wait3A_213, %dma_wait3A_214] : memref<10112x64xf32, #tpu.memory_space<vmem_shared>> -> memref<10112x64xf32, #tpu.memory_space<vmem_shared>>
      tpu.wait_indirect_dma semaphore(%arg12 : memref<!tpu.dma_semaphore, #tpu.memory_space<semaphore_mem>>) src(%dma_wait3A_209 : memref<128x64xf32, #tpu.memory_space<vmem>>) dst(%dma_wait3A_215 : memref<10112x64xf32, #tpu.memory_space<vmem_shared>>)
      %dma_wait3A_216 = arith.constant 2 : i32
      %dma_wait3A_217 = arith.constant 0 : i32
      %dma_wait3A_218 = arith.constant 0 : i32
      %dma_wait3A_219 = tpu.memref_slice %arg9[%dma_wait3A_216, %dma_wait3A_217, %dma_wait3A_218] : memref<5x128x64xf32, #tpu.memory_space<vmem>> -> memref<1x128x64xf32, #tpu.memory_space<vmem>>
      %dma_wait3A_220 = tpu.memref_squeeze %dma_wait3A_219 : memref<1x128x64xf32, #tpu.memory_space<vmem>> -> memref<128x64xf32, #tpu.memory_space<vmem>>
      %dma_wait3A_221 = arith.constant 0 : i32
      %dma_wait3A_222 = tpu.memref_slice %arg8[%add3A_134, %dma_wait3A_221] : memref<160x128xi32, #tpu.memory_space<vmem>> -> memref<1x128xi32, #tpu.memory_space<vmem>>
      %dma_wait3A_223 = tpu.memref_squeeze %dma_wait3A_222 : memref<1x128xi32, #tpu.memory_space<vmem>> -> memref<128xi32, #tpu.memory_space<vmem>>
      %dma_wait3A_224 = arith.constant 0 : i32
      %dma_wait3A_225 = arith.constant 0 : i32
      %dma_wait3A_226 = tpu.memref_slice %arg10[%dma_wait3A_224, %dma_wait3A_225] : memref<10112x64xf32, #tpu.memory_space<vmem_shared>> -> memref<10112x64xf32, #tpu.memory_space<vmem_shared>>
      tpu.wait_indirect_dma semaphore(%arg12 : memref<!tpu.dma_semaphore, #tpu.memory_space<semaphore_mem>>) src(%dma_wait3A_220 : memref<128x64xf32, #tpu.memory_space<vmem>>) dst(%dma_wait3A_226 : memref<10112x64xf32, #tpu.memory_space<vmem_shared>>)
      %dma_wait3A_227 = arith.constant 3 : i32
      %dma_wait3A_228 = arith.constant 0 : i32
      %dma_wait3A_229 = arith.constant 0 : i32
      %dma_wait3A_230 = tpu.memref_slice %arg9[%dma_wait3A_227, %dma_wait3A_228, %dma_wait3A_229] : memref<5x128x64xf32, #tpu.memory_space<vmem>> -> memref<1x128x64xf32, #tpu.memory_space<vmem>>
      %dma_wait3A_231 = tpu.memref_squeeze %dma_wait3A_230 : memref<1x128x64xf32, #tpu.memory_space<vmem>> -> memref<128x64xf32, #tpu.memory_space<vmem>>
      %dma_wait3A_232 = arith.constant 0 : i32
      %dma_wait3A_233 = tpu.memref_slice %arg8[%add3A_158, %dma_wait3A_232] : memref<160x128xi32, #tpu.memory_space<vmem>> -> memref<1x128xi32, #tpu.memory_space<vmem>>
      %dma_wait3A_234 = tpu.memref_squeeze %dma_wait3A_233 : memref<1x128xi32, #tpu.memory_space<vmem>> -> memref<128xi32, #tpu.memory_space<vmem>>
      %dma_wait3A_235 = arith.constant 0 : i32
      %dma_wait3A_236 = arith.constant 0 : i32
      %dma_wait3A_237 = tpu.memref_slice %arg10[%dma_wait3A_235, %dma_wait3A_236] : memref<10112x64xf32, #tpu.memory_space<vmem_shared>> -> memref<10112x64xf32, #tpu.memory_space<vmem_shared>>
      tpu.wait_indirect_dma semaphore(%arg12 : memref<!tpu.dma_semaphore, #tpu.memory_space<semaphore_mem>>) src(%dma_wait3A_231 : memref<128x64xf32, #tpu.memory_space<vmem>>) dst(%dma_wait3A_237 : memref<10112x64xf32, #tpu.memory_space<vmem_shared>>)
      %dma_wait3A_238 = arith.constant 4 : i32
      %dma_wait3A_239 = arith.constant 0 : i32
      %dma_wait3A_240 = arith.constant 0 : i32
      %dma_wait3A_241 = tpu.memref_slice %arg9[%dma_wait3A_238, %dma_wait3A_239, %dma_wait3A_240] : memref<5x128x64xf32, #tpu.memory_space<vmem>> -> memref<1x128x64xf32, #tpu.memory_space<vmem>>
      %dma_wait3A_242 = tpu.memref_squeeze %dma_wait3A_241 : memref<1x128x64xf32, #tpu.memory_space<vmem>> -> memref<128x64xf32, #tpu.memory_space<vmem>>
      %dma_wait3A_243 = arith.constant 0 : i32
      %dma_wait3A_244 = tpu.memref_slice %arg8[%add3A_182, %dma_wait3A_243] : memref<160x128xi32, #tpu.memory_space<vmem>> -> memref<1x128xi32, #tpu.memory_space<vmem>>
      %dma_wait3A_245 = tpu.memref_squeeze %dma_wait3A_244 : memref<1x128xi32, #tpu.memory_space<vmem>> -> memref<128xi32, #tpu.memory_space<vmem>>
      %dma_wait3A_246 = arith.constant 0 : i32
      %dma_wait3A_247 = arith.constant 0 : i32
      %dma_wait3A_248 = tpu.memref_slice %arg10[%dma_wait3A_246, %dma_wait3A_247] : memref<10112x64xf32, #tpu.memory_space<vmem_shared>> -> memref<10112x64xf32, #tpu.memory_space<vmem_shared>>
      tpu.wait_indirect_dma semaphore(%arg12 : memref<!tpu.dma_semaphore, #tpu.memory_space<semaphore_mem>>) src(%dma_wait3A_242 : memref<128x64xf32, #tpu.memory_space<vmem>>) dst(%dma_wait3A_248 : memref<10112x64xf32, #tpu.memory_space<vmem_shared>>)
    }
    %scan3A_5 = arith.constant 32 : i32
    %barrier3A_6 = arith.constant 0 : index
    tpu.barrier barrier_id(%barrier3A_6)
    %mul3A_7 = arith.constant 64 : i32
    %mul3A_8 = arith.muli %arg0, %mul3A_7 : i32
    %multiple_of3A = tpu.assume_multiple %mul3A_8, 64 : i32
    "tpu.region"() ({
      %run_scoped3A = tpu.sem_alloc : memref<!tpu.dma_semaphore, #tpu.memory_space<semaphore_mem>>
      %dma_start3A = tpu.memref_slice %arg6[%mul3A_0, %multiple_of3A] : memref<10112x128xf32, #tpu.memory_space<hbm>> -> memref<632x64xf32, #tpu.memory_space<hbm>>
      %dma_start3A_9 = arith.constant 0 : i32
      %dma_start3A_10 = tpu.memref_slice %arg10[%mul3A_0, %dma_start3A_9] : memref<10112x64xf32, #tpu.memory_space<vmem_shared>> -> memref<632x64xf32, #tpu.memory_space<vmem_shared>>
      tpu.enqueue_dma source(%dma_start3A_10 : memref<632x64xf32, #tpu.memory_space<vmem_shared>>) target(%dma_start3A : memref<632x64xf32, #tpu.memory_space<hbm>>) target_semaphore(%run_scoped3A : memref<!tpu.dma_semaphore, #tpu.memory_space<semaphore_mem>>)
      %dma_wait3A = tpu.memref_slice %arg6[%mul3A_0, %multiple_of3A] : memref<10112x128xf32, #tpu.memory_space<hbm>> -> memref<632x64xf32, #tpu.memory_space<hbm>>
      %dma_wait3A_11 = arith.constant 0 : i32
      %dma_wait3A_12 = tpu.memref_slice %arg10[%mul3A_0, %dma_wait3A_11] : memref<10112x64xf32, #tpu.memory_space<vmem_shared>> -> memref<632x64xf32, #tpu.memory_space<vmem_shared>>
      tpu.wait_dma2 semaphore(%run_scoped3A : memref<!tpu.dma_semaphore, #tpu.memory_space<semaphore_mem>>) src(%dma_wait3A_12 : memref<632x64xf32, #tpu.memory_space<vmem_shared>>) dst(%dma_wait3A : memref<632x64xf32, #tpu.memory_space<hbm>>)
      tpu.yield
    }) : () -> ()
    return
  }
}

module attributes {stable_mosaic.version = 14 : i64} {
  func.func @body(%arg0: i32, %arg1: memref<2x320000xi32, #tpu.memory_space<vmem>>, %arg2: memref<32x80x128xi32, #tpu.memory_space<vmem>>, %arg3: memref<2x16x160x128xi32, #tpu.memory_space<vmem>>, %arg4: memref<32x80x128xi32, #tpu.memory_space<vmem>>) attributes {dimension_semantics = [#tpu.dimension_semantics<arbitrary>], iteration_bounds = array<i64: 1>, scalar_prefetch = 0 : i64, scratch_operands = 0 : i64, tpu.core_type = #tpu.core_type<tc>, window_params = [{pipeline_mode = #tpu.pipeline_mode<synchronous>, transform_indices = @transform_0, window_bounds = array<i64: 2, 320000>}, {pipeline_mode = #tpu.pipeline_mode<synchronous>, transform_indices = @transform_1, window_bounds = array<i64: 32, 80, 128>}, {pipeline_mode = #tpu.pipeline_mode<synchronous>, transform_indices = @transform_2, window_bounds = array<i64: 2, 16, 160, 128>}, {pipeline_mode = #tpu.pipeline_mode<synchronous>, transform_indices = @transform_3, window_bounds = array<i64: 32, 80, 128>}]} {
    %get3A = arith.constant 0 : index
    %get3A_0 = arith.constant 0 : index
    %get3A_1 = vector.load %arg1[%get3A, %get3A_0] : memref<2x320000xi32, #tpu.memory_space<vmem>>, vector<2x320000xi32>
    %iota3A = tpu.iota {dimensions = array<i32: 1>} : vector<1x7680xi32>
    %iota3A_2 = vector.shape_cast %iota3A : vector<1x7680xi32> to vector<7680xi32>
    %slice3A = vector.extract_strided_slice %get3A_1 {offsets = [0, 0], sizes = [1, 320000], strides = [1, 1]} : vector<2x320000xi32> to vector<1x320000xi32>
    %squeeze3A = vector.shape_cast %slice3A : vector<1x320000xi32> to vector<320000xi32>
    %jit3A = arith.constant 10000 : i32
    %eq3A = arith.constant 0 : i32
    %eq3A_3 = arith.cmpi eq, %jit3A, %eq3A : i32
    %jit3A_4 = arith.constant 1 : i32
    %select_n3A = arith.select %eq3A_3, %jit3A_4, %jit3A : i32
    %rem3A = vector.broadcast %select_n3A : i32 to vector<7680xi32>
    %rem3A_5 = arith.remsi %iota3A_2, %rem3A : vector<7680xi32>
    %ne3A = arith.constant 0 : i32
    %ne3A_6 = vector.broadcast %ne3A : i32 to vector<7680xi32>
    %ne3A_7 = arith.cmpi ne, %rem3A_5, %ne3A_6 : vector<7680xi32>
    %lt3A = arith.constant 0 : i32
    %lt3A_8 = vector.broadcast %lt3A : i32 to vector<7680xi32>
    %lt3A_9 = arith.cmpi slt, %rem3A_5, %lt3A_8 : vector<7680xi32>
    %lt3A_10 = arith.constant 0 : i32
    %lt3A_11 = arith.cmpi slt, %select_n3A, %lt3A_10 : i32
    %ne3A_12 = vector.broadcast %lt3A_11 : i1 to vector<7680xi1>
    %ne3A_13 = vector.broadcast %ne3A_12 : vector<7680xi1> to vector<7680xi1>
    %ne3A_14 = arith.xori %lt3A_9, %ne3A_13 : vector<7680xi1>
    %and3A = arith.andi %ne3A_14, %ne3A_7 : vector<7680xi1>
    %add3A = vector.broadcast %select_n3A : i32 to vector<7680xi32>
    %add3A_15 = arith.addi %rem3A_5, %add3A : vector<7680xi32>
    %select_n3A_16 = arith.select %and3A, %add3A_15, %rem3A_5 : vector<7680xi1>, vector<7680xi32>
    %concatenate3A = tpu.concatenate %squeeze3A, %select_n3A_16 in 0 : vector<320000xi32>, vector<7680xi32> -> vector<327680xi32>
    %slice3A_17 = vector.extract_strided_slice %get3A_1 {offsets = [1, 0], sizes = [1, 320000], strides = [1, 1]} : vector<2x320000xi32> to vector<1x320000xi32>
    %squeeze3A_18 = vector.shape_cast %slice3A_17 : vector<1x320000xi32> to vector<320000xi32>
    %jit3A_19 = arith.constant 16 : i32
    %eq3A_20 = arith.constant 0 : i32
    %eq3A_21 = arith.cmpi eq, %jit3A_19, %eq3A_20 : i32
    %jit3A_22 = arith.constant 1 : i32
    %select_n3A_23 = arith.select %eq3A_21, %jit3A_22, %jit3A_19 : i32
    %rem3A_24 = vector.broadcast %select_n3A_23 : i32 to vector<7680xi32>
    %rem3A_25 = arith.remsi %iota3A_2, %rem3A_24 : vector<7680xi32>
    %ne3A_26 = arith.constant 0 : i32
    %ne3A_27 = vector.broadcast %ne3A_26 : i32 to vector<7680xi32>
    %ne3A_28 = arith.cmpi ne, %rem3A_25, %ne3A_27 : vector<7680xi32>
    %lt3A_29 = arith.constant 0 : i32
    %lt3A_30 = vector.broadcast %lt3A_29 : i32 to vector<7680xi32>
    %lt3A_31 = arith.cmpi slt, %rem3A_25, %lt3A_30 : vector<7680xi32>
    %lt3A_32 = arith.constant 0 : i32
    %lt3A_33 = arith.cmpi slt, %select_n3A_23, %lt3A_32 : i32
    %ne3A_34 = vector.broadcast %lt3A_33 : i1 to vector<7680xi1>
    %ne3A_35 = vector.broadcast %ne3A_34 : vector<7680xi1> to vector<7680xi1>
    %ne3A_36 = arith.xori %lt3A_31, %ne3A_35 : vector<7680xi1>
    %and3A_37 = arith.andi %ne3A_36, %ne3A_28 : vector<7680xi1>
    %add3A_38 = vector.broadcast %select_n3A_23 : i32 to vector<7680xi32>
    %add3A_39 = arith.addi %rem3A_25, %add3A_38 : vector<7680xi32>
    %select_n3A_40 = arith.select %and3A_37, %add3A_39, %rem3A_25 : vector<7680xi1>, vector<7680xi32>
    %add3A_41 = arith.constant 10000 : i32
    %add3A_42 = vector.broadcast %add3A_41 : i32 to vector<7680xi32>
    %add3A_43 = arith.addi %add3A_42, %select_n3A_40 : vector<7680xi32>
    %concatenate3A_44 = tpu.concatenate %squeeze3A_18, %add3A_43 in 0 : vector<320000xi32>, vector<7680xi32> -> vector<327680xi32>
    %mul3A = arith.constant 2 : i32
    %mul3A_45 = vector.broadcast %mul3A : i32 to vector<327680xi32>
    %mul3A_46 = arith.muli %mul3A_45, %concatenate3A : vector<327680xi32>
    %add3A_47 = arith.constant 1 : i32
    %add3A_48 = vector.broadcast %add3A_47 : i32 to vector<327680xi32>
    %add3A_49 = arith.addi %mul3A_46, %add3A_48 : vector<327680xi32>
    %reshape3A = vector.shape_cast %add3A_49 : vector<327680xi32> to vector<32x80x128xi32>
    %swap3A = arith.constant 0 : index
    %swap3A_50 = arith.constant 0 : index
    %swap3A_51 = arith.constant 0 : index
    %swap3A_52 = vector.load %arg2[%swap3A, %swap3A_50, %swap3A_51] : memref<32x80x128xi32, #tpu.memory_space<vmem>>, vector<32x80x128xi32>
    tpu.vector_store %arg2[%swap3A, %swap3A_50, %swap3A_51], %reshape3A {strides = array<i32>} : memref<32x80x128xi32, #tpu.memory_space<vmem>>, vector<32x80x128xi32>,
    %mul3A_53 = arith.constant 2 : i32
    %mul3A_54 = vector.broadcast %mul3A_53 : i32 to vector<327680xi32>
    %mul3A_55 = arith.muli %mul3A_54, %concatenate3A : vector<327680xi32>
    %reshape3A_56 = vector.shape_cast %mul3A_55 : vector<327680xi32> to vector<16x160x128xi32>
    %reshape3A_57 = vector.shape_cast %add3A_49 : vector<327680xi32> to vector<16x160x128xi32>
    %stack3A = vector.shape_cast %reshape3A_56 : vector<16x160x128xi32> to vector<1x16x160x128xi32>
    %stack3A_58 = vector.shape_cast %reshape3A_57 : vector<16x160x128xi32> to vector<1x16x160x128xi32>
    %stack3A_59 = tpu.concatenate %stack3A, %stack3A_58 in 0 : vector<1x16x160x128xi32>, vector<1x16x160x128xi32> -> vector<2x16x160x128xi32>
    %swap3A_60 = arith.constant 0 : index
    %swap3A_61 = arith.constant 0 : index
    %swap3A_62 = arith.constant 0 : index
    %swap3A_63 = arith.constant 0 : index
    %swap3A_64 = vector.load %arg3[%swap3A_60, %swap3A_61, %swap3A_62, %swap3A_63] : memref<2x16x160x128xi32, #tpu.memory_space<vmem>>, vector<2x16x160x128xi32>
    tpu.vector_store %arg3[%swap3A_60, %swap3A_61, %swap3A_62, %swap3A_63], %stack3A_59 {strides = array<i32>} : memref<2x16x160x128xi32, #tpu.memory_space<vmem>>, vector<2x16x160x128xi32>,
    %reshape3A_65 = vector.shape_cast %concatenate3A_44 : vector<327680xi32> to vector<32x80x128xi32>
    %swap3A_66 = arith.constant 0 : index
    %swap3A_67 = arith.constant 0 : index
    %swap3A_68 = arith.constant 0 : index
    %swap3A_69 = vector.load %arg4[%swap3A_66, %swap3A_67, %swap3A_68] : memref<32x80x128xi32, #tpu.memory_space<vmem>>, vector<32x80x128xi32>
    tpu.vector_store %arg4[%swap3A_66, %swap3A_67, %swap3A_68], %reshape3A_65 {strides = array<i32>} : memref<32x80x128xi32, #tpu.memory_space<vmem>>, vector<32x80x128xi32>,
    return
  }
  func.func @transform_0(%arg0: i32) -> (i32, i32) {
    %c0_i32 = arith.constant 0 : i32
    %c0_i32_0 = arith.constant 0 : i32
    %c0_i32_1 = arith.constant 0 : i32
    return %c0_i32, %c0_i32_0 : i32, i32
  }
  func.func @transform_1(%arg0: i32) -> (i32, i32, i32) {
    %c0_i32 = arith.constant 0 : i32
    %c0_i32_0 = arith.constant 0 : i32
    %c0_i32_1 = arith.constant 0 : i32
    %c0_i32_2 = arith.constant 0 : i32
    return %c0_i32, %c0_i32_0, %c0_i32_1 : i32, i32, i32
  }
  func.func @transform_2(%arg0: i32) -> (i32, i32, i32, i32) {
    %c0_i32 = arith.constant 0 : i32
    %c0_i32_0 = arith.constant 0 : i32
    %c0_i32_1 = arith.constant 0 : i32
    %c0_i32_2 = arith.constant 0 : i32
    %c0_i32_3 = arith.constant 0 : i32
    return %c0_i32, %c0_i32_0, %c0_i32_1, %c0_i32_2 : i32, i32, i32, i32
  }
  func.func @transform_3(%arg0: i32) -> (i32, i32, i32) {
    %c0_i32 = arith.constant 0 : i32
    %c0_i32_0 = arith.constant 0 : i32
    %c0_i32_1 = arith.constant 0 : i32
    %c0_i32_2 = arith.constant 0 : i32
    return %c0_i32, %c0_i32_0, %c0_i32_1 : i32, i32, i32
  }
}

module attributes {stable_mosaic.version = 14 : i64} {
  func.func @_tca_body(%arg0: i32, %arg1: memref<5000x128xf32, #tpu.memory_space<vmem>>, %arg2: memref<128x192xf32, #tpu.memory_space<vmem>>, %arg3: memref<5000x128xf32, #tpu.memory_space<vmem>>, %arg4: memref<5000x64xf32, #tpu.memory_space<vmem>>, %arg5: memref<5000x128xf32, #tpu.memory_space<vmem>>, %arg6: memref<5000x16xf32, #tpu.memory_space<vmem>>) attributes {dimension_semantics = [#tpu.dimension_semantics<arbitrary>], iteration_bounds = array<i64: 2>, scalar_prefetch = 0 : i64, scratch_operands = 0 : i64, tpu.core_type = #tpu.core_type<tc>, window_params = [{transform_indices = @transform_0, window_bounds = array<i64: 5000, 128>}, {pipeline_mode = #tpu.pipeline_mode<synchronous>, transform_indices = @transform_1, window_bounds = array<i64: 128, 192>}, {transform_indices = @transform_2, window_bounds = array<i64: 5000, 128>}, {transform_indices = @transform_3, window_bounds = array<i64: 5000, 64>}, {transform_indices = @transform_4, window_bounds = array<i64: 5000, 128>}, {transform_indices = @transform_5, window_bounds = array<i64: 5000, 16>}]} {
    %get3A = arith.constant 0 : index
    %get3A_0 = arith.constant 0 : index
    %get3A_1 = vector.load %arg1[%get3A, %get3A_0] : memref<5000x128xf32, #tpu.memory_space<vmem>>, vector<5000x128xf32>
    %get3A_2 = arith.constant 0 : index
    %get3A_3 = arith.constant 0 : index
    %get3A_4 = vector.load %arg2[%get3A_2, %get3A_3] : memref<128x192xf32, #tpu.memory_space<vmem>>, vector<128x192xf32>
    %dot_general3A = arith.constant dense<0.000000e+00> : vector<5000x192xf32>
    %dot_general3A_5 = tpu.matmul %get3A_1, %get3A_4, %dot_general3A {dimension_numbers = #tpu.dot_dimension_numbers<[1], [0], [0], [1], [0, 0, 1, 1], [], []>, transpose_lhs_hint = false} : vector<5000x128xf32>, vector<128x192xf32>, vector<5000x192xf32> -> vector<5000x192xf32>
    %get3A_6 = arith.constant 0 : index
    %get3A_7 = arith.constant 0 : index
    %get3A_8 = vector.load %arg3[%get3A_6, %get3A_7] : memref<5000x128xf32, #tpu.memory_space<vmem>>, vector<5000x128xf32>
    %slice3A = vector.extract_strided_slice %get3A_8 {offsets = [0, 0], sizes = [5000, 1], strides = [1, 1]} : vector<5000x128xf32> to vector<5000x1xf32>
    %get3A_9 = arith.constant 0 : index
    %get3A_10 = arith.constant 0 : index
    %get3A_11 = vector.load %arg3[%get3A_9, %get3A_10] : memref<5000x128xf32, #tpu.memory_space<vmem>>, vector<5000x128xf32>
    %slice3A_12 = vector.extract_strided_slice %get3A_11 {offsets = [0, 64], sizes = [5000, 1], strides = [1, 1]} : vector<5000x128xf32> to vector<5000x1xf32>
    %add3A = arith.addf %slice3A, %slice3A_12 : vector<5000x1xf32>
    %add3A_13 = arith.constant 1.000000e+00 : f32
    %add3A_14 = vector.broadcast %add3A_13 : f32 to vector<5000x1xf32>
    %add3A_15 = arith.addf %add3A, %add3A_14 : vector<5000x1xf32>
    %sqrt3A = math.sqrt %add3A_15 : vector<5000x1xf32>
    %div3A = arith.constant 1.000000e+00 : f32
    %div3A_16 = vector.broadcast %div3A : f32 to vector<5000x1xf32>
    %div3A_17 = arith.divf %div3A_16, %sqrt3A : vector<5000x1xf32>
    %slice3A_18 = vector.extract_strided_slice %dot_general3A_5 {offsets = [0, 0], sizes = [5000, 64], strides = [1, 1]} : vector<5000x192xf32> to vector<5000x64xf32>
    %swap3A = arith.constant 0 : index
    %swap3A_19 = arith.constant 0 : index
    %swap3A_20 = vector.load %arg4[%swap3A, %swap3A_19] : memref<5000x64xf32, #tpu.memory_space<vmem>>, vector<5000x64xf32>
    tpu.vector_store %arg4[%swap3A, %swap3A_19], %slice3A_18 {strides = array<i32>} : memref<5000x64xf32, #tpu.memory_space<vmem>>, vector<5000x64xf32>,
    %slice3A_21 = vector.extract_strided_slice %dot_general3A_5 {offsets = [0, 64], sizes = [5000, 128], strides = [1, 1]} : vector<5000x192xf32> to vector<5000x128xf32>
    %mul3A = vector.broadcast %div3A_17 : vector<5000x1xf32> to vector<5000x128xf32>
    %mul3A_22 = arith.mulf %slice3A_21, %mul3A : vector<5000x128xf32>
    %swap3A_23 = arith.constant 0 : index
    %swap3A_24 = arith.constant 0 : index
    %swap3A_25 = vector.load %arg5[%swap3A_23, %swap3A_24] : memref<5000x128xf32, #tpu.memory_space<vmem>>, vector<5000x128xf32>
    tpu.vector_store %arg5[%swap3A_23, %swap3A_24], %mul3A_22 {strides = array<i32>} : memref<5000x128xf32, #tpu.memory_space<vmem>>, vector<5000x128xf32>,
    %broadcast_in_dim3A = vector.shape_cast %div3A_17 : vector<5000x1xf32> to vector<5000x1xf32>
    %broadcast_in_dim3A_26 = vector.broadcast %broadcast_in_dim3A : vector<5000x1xf32> to vector<5000x16xf32>
    %swap3A_27 = arith.constant 0 : index
    %swap3A_28 = arith.constant 0 : index
    %swap3A_29 = vector.load %arg6[%swap3A_27, %swap3A_28] : memref<5000x16xf32, #tpu.memory_space<vmem>>, vector<5000x16xf32>
    tpu.vector_store %arg6[%swap3A_27, %swap3A_28], %broadcast_in_dim3A_26 {strides = array<i32>} : memref<5000x16xf32, #tpu.memory_space<vmem>>, vector<5000x16xf32>,
    return
  }
  func.func @transform_0(%arg0: i32) -> (i32, i32) {
    %c0_i32 = arith.constant 0 : i32
    %c0_i32_0 = arith.constant 0 : i32
    return %arg0, %c0_i32 : i32, i32
  }
  func.func @transform_1(%arg0: i32) -> (i32, i32) {
    %c0_i32 = arith.constant 0 : i32
    %c0_i32_0 = arith.constant 0 : i32
    %c0_i32_1 = arith.constant 0 : i32
    return %c0_i32, %c0_i32_0 : i32, i32
  }
  func.func @transform_2(%arg0: i32) -> (i32, i32) {
    %c0_i32 = arith.constant 0 : i32
    %c0_i32_0 = arith.constant 0 : i32
    return %arg0, %c0_i32 : i32, i32
  }
  func.func @transform_3(%arg0: i32) -> (i32, i32) {
    %c0_i32 = arith.constant 0 : i32
    %c0_i32_0 = arith.constant 0 : i32
    return %arg0, %c0_i32 : i32, i32
  }
  func.func @transform_4(%arg0: i32) -> (i32, i32) {
    %c0_i32 = arith.constant 0 : i32
    %c0_i32_0 = arith.constant 0 : i32
    return %arg0, %c0_i32 : i32, i32
  }
  func.func @transform_5(%arg0: i32) -> (i32, i32) {
    %c0_i32 = arith.constant 0 : i32
    %c0_i32_0 = arith.constant 0 : i32
    return %arg0, %c0_i32 : i32, i32
  }
}

module attributes {stable_mosaic.version = 14 : i64} {
  func.func @_tcc_body(%arg0: i32, %arg1: memref<5000x128xf32, #tpu.memory_space<vmem>>, %arg2: memref<5000x128xf32, #tpu.memory_space<vmem>>, %arg3: memref<5000x64xf32, #tpu.memory_space<vmem>>, %arg4: memref<5000x16xf32, #tpu.memory_space<vmem>>, %arg5: memref<1x192xf32, #tpu.memory_space<vmem>>, %arg6: memref<192x80xf32, #tpu.memory_space<vmem>>, %arg7: memref<5000x128xf32, #tpu.memory_space<vmem>>) attributes {dimension_semantics = [#tpu.dimension_semantics<arbitrary>], iteration_bounds = array<i64: 2>, scalar_prefetch = 0 : i64, scratch_operands = 0 : i64, tpu.core_type = #tpu.core_type<tc>, window_params = [{transform_indices = @transform_0, window_bounds = array<i64: 5000, 128>}, {transform_indices = @transform_1, window_bounds = array<i64: 5000, 128>}, {transform_indices = @transform_2, window_bounds = array<i64: 5000, 64>}, {transform_indices = @transform_3, window_bounds = array<i64: 5000, 16>}, {pipeline_mode = #tpu.pipeline_mode<synchronous>, transform_indices = @transform_4, window_bounds = array<i64: 1, 192>}, {pipeline_mode = #tpu.pipeline_mode<synchronous>, transform_indices = @transform_5, window_bounds = array<i64: 192, 80>}, {transform_indices = @transform_6, window_bounds = array<i64: 5000, 128>}]} {
    %get3A = arith.constant 0 : index
    %get3A_0 = arith.constant 0 : index
    %get3A_1 = vector.load %arg4[%get3A, %get3A_0] : memref<5000x16xf32, #tpu.memory_space<vmem>>, vector<5000x16xf32>
    %slice3A = vector.extract_strided_slice %get3A_1 {offsets = [0, 0], sizes = [5000, 1], strides = [1, 1]} : vector<5000x16xf32> to vector<5000x1xf32>
    %get3A_2 = arith.constant 0 : index
    %get3A_3 = arith.constant 0 : index
    %get3A_4 = vector.load %arg2[%get3A_2, %get3A_3] : memref<5000x128xf32, #tpu.memory_space<vmem>>, vector<5000x128xf32>
    %get3A_5 = arith.constant 0 : index
    %get3A_6 = arith.constant 0 : index
    %get3A_7 = vector.load %arg1[%get3A_5, %get3A_6] : memref<5000x128xf32, #tpu.memory_space<vmem>>, vector<5000x128xf32>
    %slice3A_8 = vector.extract_strided_slice %get3A_7 {offsets = [0, 0], sizes = [5000, 64], strides = [1, 1]} : vector<5000x128xf32> to vector<5000x64xf32>
    %get3A_9 = arith.constant 0 : index
    %get3A_10 = arith.constant 0 : index
    %get3A_11 = vector.load %arg1[%get3A_9, %get3A_10] : memref<5000x128xf32, #tpu.memory_space<vmem>>, vector<5000x128xf32>
    %slice3A_12 = vector.extract_strided_slice %get3A_11 {offsets = [0, 64], sizes = [5000, 64], strides = [1, 1]} : vector<5000x128xf32> to vector<5000x64xf32>
    %add3A = arith.addf %slice3A_8, %slice3A_12 : vector<5000x64xf32>
    %slice3A_13 = vector.extract_strided_slice %get3A_4 {offsets = [0, 64], sizes = [5000, 64], strides = [1, 1]} : vector<5000x128xf32> to vector<5000x64xf32>
    %add3A_14 = arith.addf %add3A, %slice3A_13 : vector<5000x64xf32>
    %mul3A = vector.broadcast %slice3A : vector<5000x1xf32> to vector<5000x64xf32>
    %mul3A_15 = arith.mulf %add3A_14, %mul3A : vector<5000x64xf32>
    %get3A_16 = arith.constant 0 : index
    %get3A_17 = arith.constant 0 : index
    %get3A_18 = vector.load %arg3[%get3A_16, %get3A_17] : memref<5000x64xf32, #tpu.memory_space<vmem>>, vector<5000x64xf32>
    %slice3A_19 = vector.extract_strided_slice %get3A_4 {offsets = [0, 0], sizes = [5000, 64], strides = [1, 1]} : vector<5000x128xf32> to vector<5000x64xf32>
    %concatenate3A = tpu.concatenate %get3A_18, %slice3A_19, %mul3A_15 in 1 : vector<5000x64xf32>, vector<5000x64xf32>, vector<5000x64xf32> -> vector<5000x192xf32>
    %get3A_20 = arith.constant 0 : index
    %get3A_21 = arith.constant 0 : index
    %get3A_22 = vector.load %arg5[%get3A_20, %get3A_21] : memref<1x192xf32, #tpu.memory_space<vmem>>, vector<1x192xf32>
    %add3A_23 = vector.broadcast %get3A_22 : vector<1x192xf32> to vector<5000x192xf32>
    %add3A_24 = arith.addf %concatenate3A, %add3A_23 : vector<5000x192xf32>
    %max3A = arith.constant 0.000000e+00 : f32
    %max3A_25 = vector.broadcast %max3A : f32 to vector<5000x192xf32>
    %max3A_26 = arith.maximumf %add3A_24, %max3A_25 : vector<5000x192xf32>
    %get3A_27 = arith.constant 0 : index
    %get3A_28 = arith.constant 0 : index
    %get3A_29 = vector.load %arg6[%get3A_27, %get3A_28] : memref<192x80xf32, #tpu.memory_space<vmem>>, vector<192x80xf32>
    %dot_general3A = arith.constant dense<0.000000e+00> : vector<5000x80xf32>
    %dot_general3A_30 = tpu.matmul %max3A_26, %get3A_29, %dot_general3A {dimension_numbers = #tpu.dot_dimension_numbers<[1], [0], [0], [1], [0, 0, 1, 1], [], []>, transpose_lhs_hint = false} : vector<5000x192xf32>, vector<192x80xf32>, vector<5000x80xf32> -> vector<5000x80xf32>
    %broadcast_in_dim3A = arith.constant 0.000000e+00 : f32
    %broadcast_in_dim3A_31 = vector.broadcast %broadcast_in_dim3A : f32 to vector<5000x24xf32>
    %slice3A_32 = vector.extract_strided_slice %dot_general3A_30 {offsets = [0, 0], sizes = [5000, 40], strides = [1, 1]} : vector<5000x80xf32> to vector<5000x40xf32>
    %slice3A_33 = vector.extract_strided_slice %dot_general3A_30 {offsets = [0, 40], sizes = [5000, 40], strides = [1, 1]} : vector<5000x80xf32> to vector<5000x40xf32>
    %mul3A_34 = vector.broadcast %slice3A : vector<5000x1xf32> to vector<5000x40xf32>
    %mul3A_35 = arith.mulf %slice3A_33, %mul3A_34 : vector<5000x40xf32>
    %concatenate3A_36 = tpu.concatenate %slice3A_32, %broadcast_in_dim3A_31, %mul3A_35, %broadcast_in_dim3A_31 in 1 : vector<5000x40xf32>, vector<5000x24xf32>, vector<5000x40xf32>, vector<5000x24xf32> -> vector<5000x128xf32>
    %swap3A = arith.constant 0 : index
    %swap3A_37 = arith.constant 0 : index
    %swap3A_38 = vector.load %arg7[%swap3A, %swap3A_37] : memref<5000x128xf32, #tpu.memory_space<vmem>>, vector<5000x128xf32>
    tpu.vector_store %arg7[%swap3A, %swap3A_37], %concatenate3A_36 {strides = array<i32>} : memref<5000x128xf32, #tpu.memory_space<vmem>>, vector<5000x128xf32>,
    return
  }
  func.func @transform_0(%arg0: i32) -> (i32, i32) {
    %c0_i32 = arith.constant 0 : i32
    %c0_i32_0 = arith.constant 0 : i32
    return %arg0, %c0_i32 : i32, i32
  }
  func.func @transform_1(%arg0: i32) -> (i32, i32) {
    %c0_i32 = arith.constant 0 : i32
    %c0_i32_0 = arith.constant 0 : i32
    return %arg0, %c0_i32 : i32, i32
  }
  func.func @transform_2(%arg0: i32) -> (i32, i32) {
    %c0_i32 = arith.constant 0 : i32
    %c0_i32_0 = arith.constant 0 : i32
    return %arg0, %c0_i32 : i32, i32
  }
  func.func @transform_3(%arg0: i32) -> (i32, i32) {
    %c0_i32 = arith.constant 0 : i32
    %c0_i32_0 = arith.constant 0 : i32
    return %arg0, %c0_i32 : i32, i32
  }
  func.func @transform_4(%arg0: i32) -> (i32, i32) {
    %c0_i32 = arith.constant 0 : i32
    %c0_i32_0 = arith.constant 0 : i32
    %c0_i32_1 = arith.constant 0 : i32
    return %c0_i32, %c0_i32_0 : i32, i32
  }
  func.func @transform_5(%arg0: i32) -> (i32, i32) {
    %c0_i32 = arith.constant 0 : i32
    %c0_i32_0 = arith.constant 0 : i32
    %c0_i32_1 = arith.constant 0 : i32
    return %c0_i32, %c0_i32_0 : i32, i32
  }
  func.func @transform_6(%arg0: i32) -> (i32, i32) {
    %c0_i32 = arith.constant 0 : i32
    %c0_i32_0 = arith.constant 0 : i32
    return %arg0, %c0_i32 : i32, i32
  }
}

module attributes {stable_mosaic.version = 14 : i64} {
  func.func @_tcd_body(%arg0: i32, %arg1: memref<5000x128xf32, #tpu.memory_space<vmem>>, %arg2: memref<5000x128xf32, #tpu.memory_space<vmem>>, %arg3: memref<5000x16xf32, #tpu.memory_space<vmem>>, %arg4: memref<1x80xf32, #tpu.memory_space<vmem>>, %arg5: memref<5000x80xf32, #tpu.memory_space<vmem>>) attributes {dimension_semantics = [#tpu.dimension_semantics<arbitrary>], iteration_bounds = array<i64: 2>, scalar_prefetch = 0 : i64, scratch_operands = 0 : i64, tpu.core_type = #tpu.core_type<tc>, window_params = [{transform_indices = @transform_0, window_bounds = array<i64: 5000, 128>}, {transform_indices = @transform_1, window_bounds = array<i64: 5000, 128>}, {transform_indices = @transform_2, window_bounds = array<i64: 5000, 16>}, {pipeline_mode = #tpu.pipeline_mode<synchronous>, transform_indices = @transform_3, window_bounds = array<i64: 1, 80>}, {transform_indices = @transform_4, window_bounds = array<i64: 5000, 80>}]} {
    %get3A = arith.constant 0 : index
    %get3A_0 = arith.constant 0 : index
    %get3A_1 = vector.load %arg3[%get3A, %get3A_0] : memref<5000x16xf32, #tpu.memory_space<vmem>>, vector<5000x16xf32>
    %slice3A = vector.extract_strided_slice %get3A_1 {offsets = [0, 0], sizes = [5000, 1], strides = [1, 1]} : vector<5000x16xf32> to vector<5000x1xf32>
    %get3A_2 = arith.constant 0 : index
    %get3A_3 = arith.constant 0 : index
    %get3A_4 = vector.load %arg2[%get3A_2, %get3A_3] : memref<5000x128xf32, #tpu.memory_space<vmem>>, vector<5000x128xf32>
    %get3A_5 = arith.constant 0 : index
    %get3A_6 = arith.constant 0 : index
    %get3A_7 = vector.load %arg1[%get3A_5, %get3A_6] : memref<5000x128xf32, #tpu.memory_space<vmem>>, vector<5000x128xf32>
    %slice3A_8 = vector.extract_strided_slice %get3A_7 {offsets = [0, 0], sizes = [5000, 40], strides = [1, 1]} : vector<5000x128xf32> to vector<5000x40xf32>
    %get3A_9 = arith.constant 0 : index
    %get3A_10 = arith.constant 0 : index
    %get3A_11 = vector.load %arg1[%get3A_9, %get3A_10] : memref<5000x128xf32, #tpu.memory_space<vmem>>, vector<5000x128xf32>
    %slice3A_12 = vector.extract_strided_slice %get3A_11 {offsets = [0, 64], sizes = [5000, 40], strides = [1, 1]} : vector<5000x128xf32> to vector<5000x40xf32>
    %add3A = arith.addf %slice3A_8, %slice3A_12 : vector<5000x40xf32>
    %slice3A_13 = vector.extract_strided_slice %get3A_4 {offsets = [0, 64], sizes = [5000, 40], strides = [1, 1]} : vector<5000x128xf32> to vector<5000x40xf32>
    %add3A_14 = arith.addf %add3A, %slice3A_13 : vector<5000x40xf32>
    %mul3A = vector.broadcast %slice3A : vector<5000x1xf32> to vector<5000x40xf32>
    %mul3A_15 = arith.mulf %add3A_14, %mul3A : vector<5000x40xf32>
    %slice3A_16 = vector.extract_strided_slice %get3A_4 {offsets = [0, 0], sizes = [5000, 40], strides = [1, 1]} : vector<5000x128xf32> to vector<5000x40xf32>
    %concatenate3A = tpu.concatenate %slice3A_16, %mul3A_15 in 1 : vector<5000x40xf32>, vector<5000x40xf32> -> vector<5000x80xf32>
    %get3A_17 = arith.constant 0 : index
    %get3A_18 = arith.constant 0 : index
    %get3A_19 = vector.load %arg4[%get3A_17, %get3A_18] : memref<1x80xf32, #tpu.memory_space<vmem>>, vector<1x80xf32>
    %add3A_20 = vector.broadcast %get3A_19 : vector<1x80xf32> to vector<5000x80xf32>
    %add3A_21 = arith.addf %concatenate3A, %add3A_20 : vector<5000x80xf32>
    %reduce_max3A = arith.constant dense<0xFF800000> : vector<5000xf32>
    %reduce_max3A_22 = vector.multi_reduction <maximumf>, %add3A_21, %reduce_max3A [1] : vector<5000x80xf32> to vector<5000xf32>
    %broadcast_in_dim3A = vector.shape_cast %reduce_max3A_22 : vector<5000xf32> to vector<5000x1xf32>
    %sub3A = vector.broadcast %broadcast_in_dim3A : vector<5000x1xf32> to vector<5000x80xf32>
    %sub3A_23 = arith.subf %add3A_21, %sub3A : vector<5000x80xf32>
    %exp3A = math.exp %sub3A_23 : vector<5000x80xf32>
    %reduce_sum3A = arith.constant dense<0.000000e+00> : vector<5000xf32>
    %reduce_sum3A_24 = vector.multi_reduction <add>, %exp3A, %reduce_sum3A [1] : vector<5000x80xf32> to vector<5000xf32>
    %broadcast_in_dim3A_25 = vector.shape_cast %reduce_sum3A_24 : vector<5000xf32> to vector<5000x1xf32>
    %log3A = math.log %broadcast_in_dim3A_25 : vector<5000x1xf32>
    %sub3A_26 = vector.broadcast %broadcast_in_dim3A : vector<5000x1xf32> to vector<5000x80xf32>
    %sub3A_27 = arith.subf %add3A_21, %sub3A_26 : vector<5000x80xf32>
    %sub3A_28 = vector.broadcast %log3A : vector<5000x1xf32> to vector<5000x80xf32>
    %sub3A_29 = arith.subf %sub3A_27, %sub3A_28 : vector<5000x80xf32>
    %swap3A = arith.constant 0 : index
    %swap3A_30 = arith.constant 0 : index
    %swap3A_31 = vector.load %arg5[%swap3A, %swap3A_30] : memref<5000x80xf32, #tpu.memory_space<vmem>>, vector<5000x80xf32>
    tpu.vector_store %arg5[%swap3A, %swap3A_30], %sub3A_29 {strides = array<i32>} : memref<5000x80xf32, #tpu.memory_space<vmem>>, vector<5000x80xf32>,
    return
  }
  func.func @transform_0(%arg0: i32) -> (i32, i32) {
    %c0_i32 = arith.constant 0 : i32
    %c0_i32_0 = arith.constant 0 : i32
    return %arg0, %c0_i32 : i32, i32
  }
  func.func @transform_1(%arg0: i32) -> (i32, i32) {
    %c0_i32 = arith.constant 0 : i32
    %c0_i32_0 = arith.constant 0 : i32
    return %arg0, %c0_i32 : i32, i32
  }
  func.func @transform_2(%arg0: i32) -> (i32, i32) {
    %c0_i32 = arith.constant 0 : i32
    %c0_i32_0 = arith.constant 0 : i32
    return %arg0, %c0_i32 : i32, i32
  }
  func.func @transform_3(%arg0: i32) -> (i32, i32) {
    %c0_i32 = arith.constant 0 : i32
    %c0_i32_0 = arith.constant 0 : i32
    %c0_i32_1 = arith.constant 0 : i32
    return %c0_i32, %c0_i32_0 : i32, i32
  }
  func.func @transform_4(%arg0: i32) -> (i32, i32) {
    %c0_i32 = arith.constant 0 : i32
    %c0_i32_0 = arith.constant 0 : i32
    return %arg0, %c0_i32 : i32, i32
  }
}

</mosaic_0001>

<sc_bundles>
// kernel: kernel.10.cloned.1.call-start
scs
__scs_entry_jumppad:
0x0: {  	(pc) =	sbr.rel $0x88, $3  }
0x1: {  	(tag) =	ssettag $0x0;
	lr =	simm.s32 $0x1  }
0x2: {  	[smem:$0x3F98] =	sst lr;
	_ =	strace $0xD0000000  }
0x3: {  	_ = 	snop  }
0x4: {  	_ = 	snop  }
0x5: {  	_ = 	snop  }
0x6: {  	_ = 	snop  }
0x7: {  	_ = 	snop  }
__scs_overlays_trampoline_lowered:
0x8: {  	[smem:$0x3FA7] =	sst s0  }
0x9: {  	[smem:$0x3FA8] =	sst s1  }
0xa: {  	[smem:$0x3FA9] =	sst s2  }
0xb: {  	[smem:$0x3FAA] =	sst s3  }
0xc: {  	[smem:$0x3FAB] =	sst s4  }
0xd: {  	[smem:$0x3FAC] =	sst s5  }
0xe: {  	[smem:$0x3FAD] =	sst s6  }
0xf: {  	[smem:$0x3FAE] =	sst s7  }
0x10: {  	[smem:$0x3FAF] =	sst s8  }
0x11: {  	[smem:$0x3FB0] =	sst s9;
	s0 =	simm.s32 @!p0 $0x0  }
0x12: {  	s1 =	sld [smem:$0x3F96];
	s0 =	simm.s32 @p0 $0x1  }
0x13: {  	[smem:$0x3FB1] =	sst s0;
	s0 =	simm.s32 @!p1 $0x0  }
0x14: {  	s2 =	sld [smem:$0x3F95];
	s0 =	simm.s32 @p1 $0x1  }
0x15: {  	[smem:$0x3FB2] =	sst s0;
	s0 =	simm.s32 @!p2 $0x0  }
0x16: {  	s3 =	sld [smem:$0x3FDB];
	s0 =	simm.s32 @p2 $0x1  }
0x17: {  	s4 =	simm.s32 $0x1BF5;
	[smem:$0x3FB4] =	sst s0  }
0x18: {  	s0 =	sld [smem:$0x3F97];
	_ =	swait.ge [sflag:s4], $0x0  }
0x19: {  	s7 =	sld [smem:$0x3F98]  }
0x1a: {  	s8 =	sadd.s32 $0xFFFFE003, lr  }
0x1b: {  	s9 =	sadd.s32 $0xFFFFFEF7, lr;
	s5 =	simm.s32 $0xFFFFFFFF;
	p2 =	slt.u32 s8, $0xFFFFF086  }
0x1c: {  	p1 =	slt.u32 s9, $0xF7A;
	s5 =	simm.s32 @!p2 $0x0  }
0x1d: {  	s5 =	simm.s32 @p1 $0x1;
	p0 =	seq.s32 s7, s2  }
0x1e: {  	s7 =	smul.u32 @!p0 $0xF7A, s2;
	p2 =	seq.s32 @!p0 s5, $0x0  }
0x1f: {  	s9 =	smul.u32 $0xF7A, s1;
	s8 =	simm.s32 @!p0 $0x1BF5;
	p2 =	por !p2, p0  }
0x20: {  	[sflag:s8] =	ssyncset.s32 @!p0 $0xFFFFF086;
	s6 =	sadd.s32 @!p0 s3, s7;
	s7 =	simm.s32 @!p0 $0x108  }
0x21: {  	s3 =	sadd.s32 s3, s9;
	s6 =	sadd.s32 @!p0 $0x88, s6;
	s7 =	simm.s32 @p2 $0x1082  }
0x22: {  	[simem:s7], [sflag:s8] =	dma.local @!p0 [hbm:s6], $0xF7A  }
0x23: {  	s9 =	sor.u32 $0xD0000000, s2;
	s6 =	simm.s32 $0x108;
	_ =	swait.ge @!p0 [sflag:s8], $0x0  }
0x24: {  	s3 =	sadd.s32 $0x88, s3;
	s6 =	simm.s32 @!p1 $0x1082;
	[sflag:s4] =	ssyncset.s32 $0xFFFFF086  }
0x25: {  	[simem:s6], [sflag:s4] =	dma.local [hbm:s3], $0xF7A  }
0x26: {  	[smem:$0x3F98] =	sst s1;
	(tag) =	ssettag s2;
	_ =	strace s9  }
0x27: {  	s1 =	sld [smem:$0x3FA8]  }
0x28: {  	s2 =	sld [smem:$0x3FA9]  }
0x29: {  	s4 =	sld [smem:$0x3FAB]  }
0x2a: {  	p0 =	seq.s32 s5, $0x0;
	s5 =	sld [smem:$0x3FAC]  }
0x2b: {  	s6 =	sld [smem:$0x3FAD]  }
0x2c: {  	s7 =	sld [smem:$0x3FAE]  }
0x2d: {  	s3 =	simm.s32 $0x108;
	s8 =	sld [smem:$0x3FAF]  }
0x2e: {  	s3 =	simm.s32 @!p0 $0x1082;
	s9 =	sld [smem:$0x3FB0]  }
0x2f: {  	lr =	sadd.s32 s0, s3;
	s0 =	sld [smem:$0x3FA7]  }
0x30: {  	s3 =	sld [smem:$0x3FAA]  }
0x31: {  	[smem:$0x3FB3] =	sst s10  }
0x32: {  	s10 =	sld [smem:$0x3FB1];
	_ =	sdelay $0x3  }
0x33: {  	p0 =	seq.s32 s10, $0x1;
	s10 =	sld [smem:$0x3FB3];
	_ =	sdelay $0x3  }
0x34: {  	[smem:$0x3FB3] =	sst s10  }
0x35: {  	s10 =	sld [smem:$0x3FB2];
	_ =	sdelay $0x3  }
0x36: {  	p1 =	seq.s32 s10, $0x1;
	s10 =	sld [smem:$0x3FB3];
	_ =	sdelay $0x3  }
0x37: {  	[smem:$0x3FB3] =	sst s10  }
0x38: {  	s10 =	sld [smem:$0x3FB4]  }
0x39: {  	_ = 	snop;
	(pc) =	sbr.ind lr, $3  }
0x3a: {  	_ = 	snop  }
0x3b: {  	_ = 	snop  }
0x3c: {  	p2 =	seq.s32 s10, $0x1;
	s10 =	sld [smem:$0x3FB3]  }
0x3d: {  	_ =	shalt  }
0x3e: {  	_ =	shalt  }
0x3f: {  	_ =	shalt  }
0x40: {  	_ =	shalt  }
0x41: {  	_ =	shalt  }
0x42: {  	_ =	shalt  }
0x43: {  	_ =	shalt  }
0x44: {  	_ =	shalt  }
0x45: {  	_ =	shalt  }
0x46: {  	_ =	shalt  }
0x47: {  	_ =	shalt  }
0x48: {  	_ =	shalt  }
0x49: {  	_ =	shalt  }
0x4a: {  	_ =	shalt  }
0x4b: {  	_ =	shalt  }
0x4c: {  	_ =	shalt  }
0x4d: {  	_ =	shalt  }
0x4e: {  	_ =	shalt  }
0x4f: {  	_ =	shalt  }
0x50: {  	_ =	shalt  }
0x51: {  	_ =	shalt  }
0x52: {  	_ =	shalt  }
0x53: {  	_ =	shalt  }
0x54: {  	_ =	shalt  }
0x55: {  	_ =	shalt  }
0x56: {  	_ =	shalt  }
0x57: {  	_ =	shalt  }
0x58: {  	_ =	shalt  }
0x59: {  	_ =	shalt  }
0x5a: {  	_ =	shalt  }
0x5b: {  	_ =	shalt  }
0x5c: {  	_ =	shalt  }
0x5d: {  	_ =	shalt  }
0x5e: {  	_ =	shalt  }
0x5f: {  	_ =	shalt  }
0x60: {  	_ =	shalt  }
0x61: {  	_ =	shalt  }
0x62: {  	_ =	shalt  }
0x63: {  	_ =	shalt  }
0x64: {  	_ =	shalt  }
0x65: {  	_ =	shalt  }
0x66: {  	_ =	shalt  }
0x67: {  	_ =	shalt  }
0x68: {  	_ =	shalt  }
0x69: {  	_ =	shalt  }
0x6a: {  	_ =	shalt  }
0x6b: {  	_ =	shalt  }
0x6c: {  	_ =	shalt  }
0x6d: {  	_ =	shalt  }
0x6e: {  	_ =	shalt  }
0x6f: {  	_ =	shalt  }
0x70: {  	_ =	shalt  }
0x71: {  	_ =	shalt  }
0x72: {  	_ =	shalt  }
0x73: {  	_ =	shalt  }
0x74: {  	_ =	shalt  }
0x75: {  	_ =	shalt  }
0x76: {  	_ =	shalt  }
0x77: {  	_ =	shalt  }
0x78: {  	_ =	shalt  }
0x79: {  	_ =	shalt  }
0x7a: {  	_ =	shalt  }
0x7b: {  	_ =	shalt  }
0x7c: {  	_ =	shalt  }
0x7d: {  	_ =	shalt  }
0x7e: {  	_ =	shalt  }
0x7f: {  	_ =	shalt  }
0x80: {  	_ =	shalt  }
0x81: {  	_ =	shalt  }
0x82: {  	_ =	shalt  }
0x83: {  	_ =	shalt  }
0x84: {  	_ =	shalt  }
0x85: {  	_ =	shalt  }
0x86: {  	_ =	shalt  }
0x87: {  	_ =	shalt  }
.Lfunc_end0:
.L_simem_size_0:
called_computation_lowered:
.L_overlay_start_0:
0x88: {  	s2 =	sld [smem:$0x3FD9]  }
0x89: {  	s3 =	sld [smem:$0x3FFE];
	_ =	sdelay $0x1  }
0x8a: {  	s1 =	srdreg.scid  }
0x8b: {  	s0 =	sand.u32 $0x1, s1  }
0x8c: {  	s16 =	sshll.u32 s0, $0xA;
	s2 =	sadd.s32 s3, s2  }
0x8d: {  	s2 =	sadd.s32 s2, s16  }
0x8e: {  	[smem:$0x3FBF] =	sst s2  }
0x8f: {  	_ = 	snop  }
0x90: {  	(tm) =	ssettm $0x1  }
0x91: {  	s17 =	sld [smem:$0x3FFB];
	_ =	sdelay $0x3  }
0x92: {  	_ =	strace s17  }
0x93: {  	s2 =	sld [smem:$0x3FFC];
	_ =	sdelay $0x3  }
0x94: {  	_ =	strace s2  }
0x95: {  	s2 =	sld [smem:$0x3FFD];
	_ =	sdelay $0x3  }
0x96: {  	_ =	strace s2  }
0x97: {  	_ =	strace $0x8FFFFFFF  }
0x98: {  	s18 =	sld [smem:$0x3FDB];
	_ =	sdelay $0x1  }
0x99: {  	s19 =	simm.s32 $_scs_section_size  }
0x9a: {  	s4 =	simm.s32 $_size__tile_overlayer_lowered;
	s5 =	simm.s32 $_tile_overlayer_lowered  }
0x9b: {  	s22 =	simm.s32 $0x1BFF;
	s21 =	sshll.u32 s5, $0x1;
	s2 =	sadd.s32 s19, s18  }
0x9c: {  	s6 =	simm.s32 $0x0;
	s20 =	sshll.u32 s4, $0x1;
	s4 =	sadd.s32 s21, s2  }
0x9d: {  	[timem:s6], [sflag:s22] =	dma.local [hbm:s4], s20  }
0x9e: {  	_ =	swait.ge [sflag:s22], s20  }
0x9f: {  	s3 =	ssub.s32 $0x0, s20;
	[sflag:s22] =	ssyncset.done $0x0  }
0xa0: {  	[sflag:s22] =	ssyncadd.s32 s3;
	_ =	sdelay $0x1  }
0xa1: {  	s23 =	simm.s32 $0x1B8B  }
0xa2: {  	_ =	swait.ge [sflag:s23], $0x1  }
0xa3: {  	[sflag:s23] =	ssyncset.done $0x0  }
0xa4: {  	s25 =	simm.s32 $0x1B8E;
	s24 =	sld [smem:$0x3FFE];
	[sflag:s23] =	ssyncadd.s32 $0xFFFFFFFF  }
0xa5: {  	s26 =	simm.s32 $execute0_lowered;
	[smem:$0x3FD2] =	sst s25  }
0xa6: {  	s4 =	sshll.u32 s26, $0x1;
	_ =	strace $0x80000046;
	[dreg:$0x1] =	wrdreg $0xFFFFFFFF  }
0xa7: {  	s28 =	simm.s32 $_size_execute0_lowered;
	s2 =	sadd.s32 s2, s4;
	[dreg:$0x0] =	wrdreg $0x0  }
0xa8: {  	s4 =	sshll.u32 s28, $0x1;
	[dreg:$0x2] =	wrdreg s2  }
0xa9: {  	[dreg:$0x3] =	wrdreg s4  }
0xaa: {  	[dreg:$0x4] =	wrdreg $0xC0  }
0xab: {  	_ =	task [dreg:s6], $0x5FFFF  }
0xac: {  	[dreg:$0x1] =	wrdreg $0xFFFFFFFF  }
0xad: {  	[dreg:$0x0] =	wrdreg $0x60  }
0xae: {  	[dreg:$0x2] =	wrdreg s24  }
0xaf: {  	[dreg:$0x3] =	wrdreg $0x30000  }
0xb0: {  	[dreg:$0x4] =	wrdreg $0x9  }
0xb1: {  	_ =	task.clear_ibuf [dreg:s6], $0x5FFFF;
	_ =	strace $0x90000046  }
0xb2: {  	s29 =	simm.s32 $0x9;
	_ =	strace $0x80000048  }
0xb3: {  	_ =	swait.ge [sflag:s29], $0x1  }
0xb4: {  	[sflag:s29] =	ssyncadd.s32 $0xFFFFFFFF  }
0xb5: {  	_ =	strace $0x90000048  }
0xb6: {  	_ =	sfence  }
0xb7: {  	s30 =	sld [smem:$0x0];
	_ =	sdelay $0x2  }
0xb8: {  	s31 =	sshll.u32 s1, $0xD;
	s1 =	sshrl.u32 s1, $0x2  }
0xb9: {  	s3 =	sand.u32 $0x4000, s31;
	s1 =	sadd.s32 s1, s30  }
0xba: {  	s0 =	sor.u32 s3, s0;
	s1 =	sshll.u32 s1, $0x11  }
0xbb: {  	s0 =	sor.u32 s1, s0  }
0xbc: {  	s0 =	sadd.s32 $0x8F2B, s0  }
0xbd: {  	[sflag:s0] =	ssyncadd.remote.s32 $0x1  }
0xbe: {  	_ =	sfence.sel $0xFFFF  }
0xbf: {  	[dreg:$0x0] =	wrdreg $0xFFFFFFFF;
	(pc) =	sbr.abs _section_cstart, $3  }
0xc0: {  	[dreg:$0x1] =	wrdreg $0xFFFFFFFF  }
0xc1: {  	_ =	task.clear_ibuf [dreg:s6], $0x2FFFF;
	_ =	strace $0x9FFFFFFF  }
0xc2: {  	(tm) =	ssettm $0x7FFFFFFF  }
0xc3: {  	_ =	shalt  }
tec
execute0_lowered:
.L_overlay_start_1:
0x0: {  	(tag) =	ssettag $0x1  }
0x1: {  	s6 =	rddreg [dreg:$0x0]  }
0x2: {  	s0 =	srdreg.scid;
	s2 =	rddreg [dreg:$0x1]  }
0x3: {  	s3 =	simm.s32 $0x0;
	s14 =	simm.s32 $0x1;
	s15 =	simm.s32 $0x10  }
0x4: {  	s16 =	simm.s32 $0x0;
	s5 =	sand.u32 $0x1, s0;
	s0 =	stileid.u32  }
0x5: {  	[smem:$0x7FF] =	sst s3;
	s1 =	sshll.u32 s5, $0x4;
	s7 =	smul.u32 $0x13C00, s0  }
0x6: {  	s8 =	smul.u32 $0x2780, s0;
	s9 =	sshll.u32 s5, $0x6;
	s5 =	ssub.s32 $0x2, s5  }
0x7: {  	s31 =	sshll.u32 s0, $0x6;
	s4 =	sor.u32 s0, s1;
	s1 =	rddreg [dreg:$0x2]  }
0x8: {  	_ =	strace $0x80000047;
	s30 =	sshrl.u32 s5, $0x1;
	s4 =	smul.u32 $0x500, s4  }
0x9: {  	s7 =	sor.u32 s9, s7;
	s29 =	sshrl.u32 s8, $0x3;
	s12 =	ssub.s32 s5, s30  }
0xa: {  	s13 =	sadd.s32 s8, s2;
	s7 =	sshrl.u32 s7, $0x3;
	s9 =	sadd.s32 s29, s6  }
0xb: {  	s10 =	sadd.s32 s4, s6;
	s4 =	sadd.s32 $0x1CE00, s6;
	s11 =	sadd.s32 s7, s6  }
0xc: {  	s5 =	sadd.s32 $0x17E00, s9;
	s6 =	sor.u32 $0x1C02, s31;
	s9 =	smax.u32 s12, $0x1  }
0xd: {  	s12 =	simm.s32 $0x2800;
	s7 =	sadd.s32 $0x3E00, s10;
	s8 =	sadd.s32 $0x1D000, s11  }
0xe: {  	s10 =	sshrl.u32 s13, $0x3;
	s11 =	simm.s32 $0x2;
	s13 =	simm.s32 $0x80  }
.LBB2_1:
0xf: {  	[spmem:s10], [sflag:s6] =	dma.local [hbm:s5], $0x4F0  }
0x10: {  	_ =	swait.ge [sflag:s11], $0x4F0  }
0x11: {  	[sflag:s11] =	ssyncset.done $0x0  }
0x12: {  	[sflag:s11] =	ssyncadd.s32 $0xFFFFFB10  }
0x13: {  	[tilespmem:s3], [sflag:$0x2] =	stream.linear.gather [hbm4b:s7+s3], $0x2800, $0x38;
	[tilespmem:$0x5780] =	vst v63  }
0x14: {  	_ =	swait.ge [sflag:s11], $0x2800  }
0x15: {  	[sflag:s11] =	ssyncset.done $0x0  }
0x16: {  	[sflag:s11] =	ssyncadd.s32 $0xFFFFD800  }
0x17: {  	[tilespmem:s12], [sflag:$0x2] =	stream.linear.gather [hbm4b:s4+s3], $0x800, $0x38;
	[tilespmem:$0x5780] =	vst v63  }
0x18: {  	_ =	swait.ge [sflag:s11], $0x800  }
0x19: {  	[sflag:s11] =	ssyncset.done $0x0  }
0x1a: {  	[sflag:s11] =	ssyncadd.s32 $0xFFFFF800  }
0x1b: {  	s17 =	simm.s32 $0x0;
	[bflag:$0x0] =	sbarrier.arrive $0xFFFF  }
0x1c: {  	[spmem:s2] =	stream.indirect.scatter.add.f32 [tilespmem:s12], [sflag:$0x1], $0x10, s17, s13, $0xb8;
	[tilespmem:$0x5780] =	vst v63  }
0x1d: {  	s24 =	simm.s32 $0x80  }
0x1e: {  	[spmem:s2] =	stream.indirect.scatter.add.f32 [tilespmem:s12], [sflag:$0x1], $0x10, s24, s13, $0xb8;
	[tilespmem:$0x5780] =	vst v63  }
0x1f: {  	s25 =	simm.s32 $0x100  }
0x20: {  	[spmem:s2] =	stream.indirect.scatter.add.f32 [tilespmem:s12], [sflag:$0x1], $0x10, s25, s13, $0xb8;
	[tilespmem:$0x5780] =	vst v63  }
0x21: {  	s26 =	simm.s32 $0x180  }
0x22: {  	[spmem:s2] =	stream.indirect.scatter.add.f32 [tilespmem:s12], [sflag:$0x1], $0x10, s26, s13, $0xb8;
	[tilespmem:$0x5780] =	vst v63  }
0x23: {  	s28 =	simm.s32 $0x200  }
0x24: {  	[spmem:s2] =	stream.indirect.scatter.add.f32 [tilespmem:s12], [sflag:$0x1], $0x10, s28, s13, $0xb8;
	[tilespmem:$0x5780] =	vst v63  }
0x25: {  	s29 =	simm.s32 $0x280  }
0x26: {  	[spmem:s2] =	stream.indirect.scatter.add.f32 [tilespmem:s12], [sflag:$0x1], $0x10, s29, s13, $0xb8;
	[tilespmem:$0x5780] =	vst v63  }
0x27: {  	s30 =	simm.s32 $0x300  }
0x28: {  	[spmem:s2] =	stream.indirect.scatter.add.f32 [tilespmem:s12], [sflag:$0x1], $0x10, s30, s13, $0xb8;
	[tilespmem:$0x5780] =	vst v63  }
0x29: {  	s31 =	simm.s32 $0x380  }
0x2a: {  	[spmem:s2] =	stream.indirect.scatter.add.f32 [tilespmem:s12], [sflag:$0x1], $0x10, s31, s13, $0xb8;
	[tilespmem:$0x5780] =	vst v63  }
0x2b: {  	_ =	swait.ge [sflag:s14], $0x800  }
0x2c: {  	[sflag:s14] =	ssyncset.done $0x0  }
0x2d: {  	[sflag:s14] =	ssyncadd.s32 $0xFFFFF800  }
0x2e: {  	_ =	swait.ge [sflag:s14], $0x800  }
0x2f: {  	[sflag:s14] =	ssyncset.done $0x0  }
0x30: {  	[sflag:s14] =	ssyncadd.s32 $0xFFFFF800  }
0x31: {  	_ =	swait.ge [sflag:s14], $0x800  }
0x32: {  	[sflag:s14] =	ssyncset.done $0x0  }
0x33: {  	[sflag:s14] =	ssyncadd.s32 $0xFFFFF800  }
0x34: {  	_ =	swait.ge [sflag:s14], $0x800  }
0x35: {  	[sflag:s14] =	ssyncset.done $0x0  }
0x36: {  	[sflag:s14] =	ssyncadd.s32 $0xFFFFF800  }
0x37: {  	_ =	swait.ge [sflag:s14], $0x800  }
0x38: {  	[sflag:s14] =	ssyncset.done $0x0  }
0x39: {  	[sflag:s14] =	ssyncadd.s32 $0xFFFFF800  }
0x3a: {  	_ =	swait.ge [sflag:s14], $0x800  }
0x3b: {  	[sflag:s14] =	ssyncset.done $0x0  }
0x3c: {  	[sflag:s14] =	ssyncadd.s32 $0xFFFFF800  }
0x3d: {  	_ =	swait.ge [sflag:s14], $0x800  }
0x3e: {  	[sflag:s14] =	ssyncset.done $0x0  }
0x3f: {  	[sflag:s14] =	ssyncadd.s32 $0xFFFFF800  }
0x40: {  	_ =	swait.ge [sflag:s14], $0x800  }
0x41: {  	s19 =	simm.s32 $0x2000;
	s17 =	simm.s32 $0x1000;
	[sflag:s14] =	ssyncset.done $0x0  }
.LBB2_2:
0x42: {  	s20 =	sshra.s32 s17, $0x2  }
0x43: {  	[sflag:s14] =	ssyncadd.s32 $0xFFFFF800;
	s17 =	smov.u32 s19;
	s18 =	sadd.s32 $0x1000, s19  }
0x44: {  	[spmem:s2] =	stream.indirect.scatter.add.f32 [tilespmem:s12], [sflag:$0x1], $0x10, s20, s13, $0xb8;
	[tilespmem:$0x5780] =	vst v63  }
0x45: {  	p0 =	sne.s32 s19, $0x9000;
	s19 =	sadd.s32 $0x80, s20  }
0x46: {  	[spmem:s2] =	stream.indirect.scatter.add.f32 [tilespmem:s12], [sflag:$0x1], $0x10, s19, s13, $0xb8;
	[tilespmem:$0x5780] =	vst v63  }
0x47: {  	s19 =	sadd.s32 $0x100, s20  }
0x48: {  	[spmem:s2] =	stream.indirect.scatter.add.f32 [tilespmem:s12], [sflag:$0x1], $0x10, s19, s13, $0xb8;
	[tilespmem:$0x5780] =	vst v63  }
0x49: {  	s19 =	sadd.s32 $0x180, s20  }
0x4a: {  	[spmem:s2] =	stream.indirect.scatter.add.f32 [tilespmem:s12], [sflag:$0x1], $0x10, s19, s13, $0xb8;
	[tilespmem:$0x5780] =	vst v63  }
0x4b: {  	s19 =	sadd.s32 $0x200, s20  }
0x4c: {  	[spmem:s2] =	stream.indirect.scatter.add.f32 [tilespmem:s12], [sflag:$0x1], $0x10, s19, s13, $0xb8;
	[tilespmem:$0x5780] =	vst v63  }
0x4d: {  	s19 =	sadd.s32 $0x280, s20  }
0x4e: {  	[spmem:s2] =	stream.indirect.scatter.add.f32 [tilespmem:s12], [sflag:$0x1], $0x10, s19, s13, $0xb8;
	[tilespmem:$0x5780] =	vst v63  }
0x4f: {  	s19 =	sadd.s32 $0x300, s20  }
0x50: {  	[spmem:s2] =	stream.indirect.scatter.add.f32 [tilespmem:s12], [sflag:$0x1], $0x10, s19, s13, $0xb8;
	[tilespmem:$0x5780] =	vst v63  }
0x51: {  	s19 =	sadd.s32 $0x380, s20  }
0x52: {  	[spmem:s2] =	stream.indirect.scatter.add.f32 [tilespmem:s12], [sflag:$0x1], $0x10, s19, s13, $0xb8;
	[tilespmem:$0x5780] =	vst v63  }
0x53: {  	_ =	swait.ge [sflag:s14], $0x800  }
0x54: {  	[sflag:s14] =	ssyncset.done $0x0  }
0x55: {  	[sflag:s14] =	ssyncadd.s32 $0xFFFFF800  }
0x56: {  	_ =	swait.ge [sflag:s14], $0x800  }
0x57: {  	[sflag:s14] =	ssyncset.done $0x0  }
0x58: {  	[sflag:s14] =	ssyncadd.s32 $0xFFFFF800  }
0x59: {  	_ =	swait.ge [sflag:s14], $0x800  }
0x5a: {  	[sflag:s14] =	ssyncset.done $0x0  }
0x5b: {  	[sflag:s14] =	ssyncadd.s32 $0xFFFFF800  }
0x5c: {  	_ =	swait.ge [sflag:s14], $0x800  }
0x5d: {  	[sflag:s14] =	ssyncset.done $0x0  }
0x5e: {  	[sflag:s14] =	ssyncadd.s32 $0xFFFFF800  }
0x5f: {  	_ =	swait.ge [sflag:s14], $0x800  }
0x60: {  	[sflag:s14] =	ssyncset.done $0x0  }
0x61: {  	[sflag:s14] =	ssyncadd.s32 $0xFFFFF800  }
0x62: {  	_ =	swait.ge [sflag:s14], $0x800  }
0x63: {  	[sflag:s14] =	ssyncset.done $0x0  }
0x64: {  	[sflag:s14] =	ssyncadd.s32 $0xFFFFF800  }
.Ltmp0:
0x65: {  	_ =	swait.ge [sflag:s14], $0x800;
	(pc) =	sbr.rel @p0 .LBB2_2-.Ltmp0, $4  }
0x66: {  	[sflag:s14] =	ssyncset.done $0x0  }
0x67: {  	[sflag:s14] =	ssyncadd.s32 $0xFFFFF800  }
0x68: {  	_ =	swait.ge [sflag:s14], $0x800  }
0x69: {  	s19 =	smov.u32 s18;
	[sflag:s14] =	ssyncset.done $0x0  }
0x6a: {  	s17 =	sshra.s32 s17, $0x2;
	[sflag:s14] =	ssyncadd.s32 $0xFFFFF800  }
0x6b: {  	[spmem:s2] =	stream.indirect.scatter.add.f32 [tilespmem:s12], [sflag:$0x1], $0x10, s17, s13, $0xb8;
	[tilespmem:$0x5780] =	vst v63  }
0x6c: {  	s18 =	sadd.s32 $0x80, s17  }
0x6d: {  	[spmem:s2] =	stream.indirect.scatter.add.f32 [tilespmem:s12], [sflag:$0x1], $0x10, s18, s13, $0xb8;
	[tilespmem:$0x5780] =	vst v63  }
0x6e: {  	s26 =	sadd.s32 $0x100, s17  }
0x6f: {  	[spmem:s2] =	stream.indirect.scatter.add.f32 [tilespmem:s12], [sflag:$0x1], $0x10, s26, s13, $0xb8;
	[tilespmem:$0x5780] =	vst v63  }
0x70: {  	s28 =	sadd.s32 $0x180, s17  }
0x71: {  	[spmem:s2] =	stream.indirect.scatter.add.f32 [tilespmem:s12], [sflag:$0x1], $0x10, s28, s13, $0xb8;
	[tilespmem:$0x5780] =	vst v63  }
0x72: {  	s29 =	sadd.s32 $0x200, s17  }
0x73: {  	[spmem:s2] =	stream.indirect.scatter.add.f32 [tilespmem:s12], [sflag:$0x1], $0x10, s29, s13, $0xb8;
	[tilespmem:$0x5780] =	vst v63  }
0x74: {  	s30 =	sadd.s32 $0x280, s17  }
0x75: {  	[spmem:s2] =	stream.indirect.scatter.add.f32 [tilespmem:s12], [sflag:$0x1], $0x10, s30, s13, $0xb8;
	[tilespmem:$0x5780] =	vst v63  }
0x76: {  	s31 =	sadd.s32 $0x300, s17  }
0x77: {  	[spmem:s2] =	stream.indirect.scatter.add.f32 [tilespmem:s12], [sflag:$0x1], $0x10, s31, s13, $0xb8;
	[tilespmem:$0x5780] =	vst v63  }
0x78: {  	s17 =	sadd.s32 $0x380, s17  }
0x79: {  	[spmem:s2] =	stream.indirect.scatter.add.f32 [tilespmem:s12], [sflag:$0x1], $0x10, s17, s13, $0xb8;
	[tilespmem:$0x5780] =	vst v63  }
0x7a: {  	_ =	swait.ge [sflag:s14], $0x800  }
0x7b: {  	[sflag:s14] =	ssyncset.done $0x0  }
0x7c: {  	[sflag:s14] =	ssyncadd.s32 $0xFFFFF800  }
0x7d: {  	_ =	swait.ge [sflag:s14], $0x800  }
0x7e: {  	[sflag:s14] =	ssyncset.done $0x0  }
0x7f: {  	[sflag:s14] =	ssyncadd.s32 $0xFFFFF800  }
0x80: {  	_ =	swait.ge [sflag:s14], $0x800  }
0x81: {  	[sflag:s14] =	ssyncset.done $0x0  }
0x82: {  	[sflag:s14] =	ssyncadd.s32 $0xFFFFF800  }
0x83: {  	_ =	swait.ge [sflag:s14], $0x800  }
0x84: {  	[sflag:s14] =	ssyncset.done $0x0  }
0x85: {  	[sflag:s14] =	ssyncadd.s32 $0xFFFFF800  }
0x86: {  	_ =	swait.ge [sflag:s14], $0x800  }
0x87: {  	[sflag:s14] =	ssyncset.done $0x0  }
0x88: {  	[sflag:s14] =	ssyncadd.s32 $0xFFFFF800  }
0x89: {  	_ =	swait.ge [sflag:s14], $0x800  }
0x8a: {  	[sflag:s14] =	ssyncset.done $0x0  }
0x8b: {  	[sflag:s14] =	ssyncadd.s32 $0xFFFFF800  }
0x8c: {  	_ =	swait.ge [sflag:s14], $0x800  }
0x8d: {  	[sflag:s14] =	ssyncset.done $0x0  }
0x8e: {  	[sflag:s14] =	ssyncadd.s32 $0xFFFFF800  }
0x8f: {  	_ =	swait.ge [sflag:s14], $0x800  }
0x90: {  	s16 =	sadd.s32 $0x1, s16;
	[sflag:s14] =	ssyncset.done $0x0  }
0x91: {  	p0 =	sne.s32 s16, s9;
	[sflag:s14] =	ssyncadd.s32 $0xFFFFF800  }
.Ltmp1:
0x92: {  	[bflag:$0x0] =	sbarrier.arrive $0xFFFF;
	(pc) =	sbr.rel @p0 .LBB2_1-.Ltmp1, $4  }
0x93: {  	[hbm:s8@s15], [sflag:s6] =	dma.strided [spmem:s10@s11], $0x4F0, s14, $0x2   }
0x94: {  	_ =	swait.ge [sflag:s11], $0x4F0  }
0x95: {  	[sflag:s11] =	ssyncset.done $0x0  }
0x96: {  	[sflag:s11] =	ssyncadd.s32 $0xFFFFFB10  }
0x97: {  	_ =	sfence.sel $0x180000  }
0x98: {  	[bflag:$0x0] =	sbarrier.arrive $0xFFFF  }
0x99: {  	p0 =	sne.s32 s0, $0x0;
	_ =	strace $0x90000047  }
0x9a: {  	s0 =	sadd.s32 @!p0 $0x100000, s1;
	[bflag:$0x2] =	sbarrier.arrive $0xFFFF  }
0x9b: {  	[sflag:s0] =	ssyncadd.tile.s32 @!p0 $0x1;
	_ =	shalt  }
.Lfunc_end2:
_tile_overlayer_lowered:
.L_overlay_start_2:
0x9c: {  	(tag) =	ssettag $0x2  }
0x9d: {  	s0 =	rddreg [dreg:$0x0];
	s2 =	stileid.u32  }
0x9e: {  	s1 =	rddreg [dreg:$0x1];
	p0 =	sne.s32 s2, $0x0  }
0x9f: {  	s3 =	rddreg [dreg:$0x2];
	[bflag:$0x3] =	sbarrier.arrive $0xFFFF;
	s2 =	simm.s32 @!p0 $0x1C02  }
0xa0: {  	[timem:s3], [sflag:s2] =	dma.local @!p0 [hbm:s0], s1  }
0xa1: {  	s0 =	simm.s32 @!p0 $0x2  }
0xa2: {  	_ =	swait.ge @!p0 [sflag:s0], s1  }
0xa3: {  	s1 =	ssub.s32 @!p0 $0x0, s1;
	[sflag:s0] =	ssyncset.done @!p0 $0x0  }
0xa4: {  	[sflag:s0] =	ssyncadd.s32 @!p0 s1  }
0xa5: {  	[bflag:$0x3] =	sbarrier.arrive $0xFFFF  }
0xa6: {  	_ =	shalt  }

// kernel: kernel.13.cloned.1.call-start
scs
__scs_entry_jumppad:
0x0: {  	(pc) =	sbr.rel $0x88, $3  }
0x1: {  	(tag) =	ssettag $0x0;
	lr =	simm.s32 $0x1  }
0x2: {  	[smem:$0x3F98] =	sst lr;
	_ =	strace $0xD0000000  }
0x3: {  	_ = 	snop  }
0x4: {  	_ = 	snop  }
0x5: {  	_ = 	snop  }
0x6: {  	_ = 	snop  }
0x7: {  	_ = 	snop  }
__scs_overlays_trampoline_lowered:
0x8: {  	[smem:$0x3FA7] =	sst s0  }
0x9: {  	[smem:$0x3FA8] =	sst s1  }
0xa: {  	[smem:$0x3FA9] =	sst s2  }
0xb: {  	[smem:$0x3FAA] =	sst s3  }
0xc: {  	[smem:$0x3FAB] =	sst s4  }
0xd: {  	[smem:$0x3FAC] =	sst s5  }
0xe: {  	[smem:$0x3FAD] =	sst s6  }
0xf: {  	[smem:$0x3FAE] =	sst s7  }
0x10: {  	[smem:$0x3FAF] =	sst s8  }
0x11: {  	[smem:$0x3FB0] =	sst s9;
	s0 =	simm.s32 @!p0 $0x0  }
0x12: {  	s1 =	sld [smem:$0x3F96];
	s0 =	simm.s32 @p0 $0x1  }
0x13: {  	[smem:$0x3FB1] =	sst s0;
	s0 =	simm.s32 @!p1 $0x0  }
0x14: {  	s2 =	sld [smem:$0x3F95];
	s0 =	simm.s32 @p1 $0x1  }
0x15: {  	[smem:$0x3FB2] =	sst s0;
	s0 =	simm.s32 @!p2 $0x0  }
0x16: {  	s3 =	sld [smem:$0x3FDB];
	s0 =	simm.s32 @p2 $0x1  }
0x17: {  	s4 =	simm.s32 $0x1BF5;
	[smem:$0x3FB4] =	sst s0  }
0x18: {  	s0 =	sld [smem:$0x3F97];
	_ =	swait.ge [sflag:s4], $0x0  }
0x19: {  	s7 =	sld [smem:$0x3F98]  }
0x1a: {  	s8 =	sadd.s32 $0xFFFFE003, lr  }
0x1b: {  	s9 =	sadd.s32 $0xFFFFFEF7, lr;
	s5 =	simm.s32 $0xFFFFFFFF;
	p2 =	slt.u32 s8, $0xFFFFF086  }
0x1c: {  	p1 =	slt.u32 s9, $0xF7A;
	s5 =	simm.s32 @!p2 $0x0  }
0x1d: {  	s5 =	simm.s32 @p1 $0x1;
	p0 =	seq.s32 s7, s2  }
0x1e: {  	s7 =	smul.u32 @!p0 $0xF7A, s2;
	p2 =	seq.s32 @!p0 s5, $0x0  }
0x1f: {  	s9 =	smul.u32 $0xF7A, s1;
	s8 =	simm.s32 @!p0 $0x1BF5;
	p2 =	por !p2, p0  }
0x20: {  	[sflag:s8] =	ssyncset.s32 @!p0 $0xFFFFF086;
	s6 =	sadd.s32 @!p0 s3, s7;
	s7 =	simm.s32 @!p0 $0x108  }
0x21: {  	s3 =	sadd.s32 s3, s9;
	s6 =	sadd.s32 @!p0 $0x88, s6;
	s7 =	simm.s32 @p2 $0x1082  }
0x22: {  	[simem:s7], [sflag:s8] =	dma.local @!p0 [hbm:s6], $0xF7A  }
0x23: {  	s9 =	sor.u32 $0xD0000000, s2;
	s6 =	simm.s32 $0x108;
	_ =	swait.ge @!p0 [sflag:s8], $0x0  }
0x24: {  	s3 =	sadd.s32 $0x88, s3;
	s6 =	simm.s32 @!p1 $0x1082;
	[sflag:s4] =	ssyncset.s32 $0xFFFFF086  }
0x25: {  	[simem:s6], [sflag:s4] =	dma.local [hbm:s3], $0xF7A  }
0x26: {  	[smem:$0x3F98] =	sst s1;
	(tag) =	ssettag s2;
	_ =	strace s9  }
0x27: {  	s1 =	sld [smem:$0x3FA8]  }
0x28: {  	s2 =	sld [smem:$0x3FA9]  }
0x29: {  	s4 =	sld [smem:$0x3FAB]  }
0x2a: {  	p0 =	seq.s32 s5, $0x0;
	s5 =	sld [smem:$0x3FAC]  }
0x2b: {  	s6 =	sld [smem:$0x3FAD]  }
0x2c: {  	s7 =	sld [smem:$0x3FAE]  }
0x2d: {  	s3 =	simm.s32 $0x108;
	s8 =	sld [smem:$0x3FAF]  }
0x2e: {  	s3 =	simm.s32 @!p0 $0x1082;
	s9 =	sld [smem:$0x3FB0]  }
0x2f: {  	lr =	sadd.s32 s0, s3;
	s0 =	sld [smem:$0x3FA7]  }
0x30: {  	s3 =	sld [smem:$0x3FAA]  }
0x31: {  	[smem:$0x3FB3] =	sst s10  }
0x32: {  	s10 =	sld [smem:$0x3FB1];
	_ =	sdelay $0x3  }
0x33: {  	p0 =	seq.s32 s10, $0x1;
	s10 =	sld [smem:$0x3FB3];
	_ =	sdelay $0x3  }
0x34: {  	[smem:$0x3FB3] =	sst s10  }
0x35: {  	s10 =	sld [smem:$0x3FB2];
	_ =	sdelay $0x3  }
0x36: {  	p1 =	seq.s32 s10, $0x1;
	s10 =	sld [smem:$0x3FB3];
	_ =	sdelay $0x3  }
0x37: {  	[smem:$0x3FB3] =	sst s10  }
0x38: {  	s10 =	sld [smem:$0x3FB4]  }
0x39: {  	_ = 	snop;
	(pc) =	sbr.ind lr, $3  }
0x3a: {  	_ = 	snop  }
0x3b: {  	_ = 	snop  }
0x3c: {  	p2 =	seq.s32 s10, $0x1;
	s10 =	sld [smem:$0x3FB3]  }
0x3d: {  	_ =	shalt  }
0x3e: {  	_ =	shalt  }
0x3f: {  	_ =	shalt  }
0x40: {  	_ =	shalt  }
0x41: {  	_ =	shalt  }
0x42: {  	_ =	shalt  }
0x43: {  	_ =	shalt  }
0x44: {  	_ =	shalt  }
0x45: {  	_ =	shalt  }
0x46: {  	_ =	shalt  }
0x47: {  	_ =	shalt  }
0x48: {  	_ =	shalt  }
0x49: {  	_ =	shalt  }
0x4a: {  	_ =	shalt  }
0x4b: {  	_ =	shalt  }
0x4c: {  	_ =	shalt  }
0x4d: {  	_ =	shalt  }
0x4e: {  	_ =	shalt  }
0x4f: {  	_ =	shalt  }
0x50: {  	_ =	shalt  }
0x51: {  	_ =	shalt  }
0x52: {  	_ =	shalt  }
0x53: {  	_ =	shalt  }
0x54: {  	_ =	shalt  }
0x55: {  	_ =	shalt  }
0x56: {  	_ =	shalt  }
0x57: {  	_ =	shalt  }
0x58: {  	_ =	shalt  }
0x59: {  	_ =	shalt  }
0x5a: {  	_ =	shalt  }
0x5b: {  	_ =	shalt  }
0x5c: {  	_ =	shalt  }
0x5d: {  	_ =	shalt  }
0x5e: {  	_ =	shalt  }
0x5f: {  	_ =	shalt  }
0x60: {  	_ =	shalt  }
0x61: {  	_ =	shalt  }
0x62: {  	_ =	shalt  }
0x63: {  	_ =	shalt  }
0x64: {  	_ =	shalt  }
0x65: {  	_ =	shalt  }
0x66: {  	_ =	shalt  }
0x67: {  	_ =	shalt  }
0x68: {  	_ =	shalt  }
0x69: {  	_ =	shalt  }
0x6a: {  	_ =	shalt  }
0x6b: {  	_ =	shalt  }
0x6c: {  	_ =	shalt  }
0x6d: {  	_ =	shalt  }
0x6e: {  	_ =	shalt  }
0x6f: {  	_ =	shalt  }
0x70: {  	_ =	shalt  }
0x71: {  	_ =	shalt  }
0x72: {  	_ =	shalt  }
0x73: {  	_ =	shalt  }
0x74: {  	_ =	shalt  }
0x75: {  	_ =	shalt  }
0x76: {  	_ =	shalt  }
0x77: {  	_ =	shalt  }
0x78: {  	_ =	shalt  }
0x79: {  	_ =	shalt  }
0x7a: {  	_ =	shalt  }
0x7b: {  	_ =	shalt  }
0x7c: {  	_ =	shalt  }
0x7d: {  	_ =	shalt  }
0x7e: {  	_ =	shalt  }
0x7f: {  	_ =	shalt  }
0x80: {  	_ =	shalt  }
0x81: {  	_ =	shalt  }
0x82: {  	_ =	shalt  }
0x83: {  	_ =	shalt  }
0x84: {  	_ =	shalt  }
0x85: {  	_ =	shalt  }
0x86: {  	_ =	shalt  }
0x87: {  	_ =	shalt  }
.Lfunc_end0:
.L_simem_size_0:
called_computation.1_lowered:
.L_overlay_start_0:
0x88: {  	s2 =	sld [smem:$0x3FD9]  }
0x89: {  	s3 =	sld [smem:$0x3FFE];
	_ =	sdelay $0x1  }
0x8a: {  	s1 =	srdreg.scid  }
0x8b: {  	s0 =	sand.u32 $0x1, s1  }
0x8c: {  	s17 =	sshll.u32 s0, $0xA;
	s2 =	sadd.s32 s3, s2  }
0x8d: {  	s2 =	sadd.s32 s2, s17  }
0x8e: {  	[smem:$0x3FBF] =	sst s2  }
0x8f: {  	_ = 	snop  }
0x90: {  	s2 =	sld [smem:$0x3FD0];
	(tm) =	ssettm $0x1  }
0x91: {  	s18 =	sld [smem:$0x3FFB];
	_ =	sdelay $0x3  }
0x92: {  	_ =	strace s18  }
0x93: {  	s3 =	sld [smem:$0x3FFC];
	_ =	sdelay $0x3  }
0x94: {  	_ =	strace s3  }
0x95: {  	s3 =	sld [smem:$0x3FFD];
	_ =	sdelay $0x3  }
0x96: {  	_ =	strace s3  }
0x97: {  	_ =	strace $0x8FFFFFFF  }
0x98: {  	s19 =	sld [smem:$0x3FDB];
	_ =	sdelay $0x1  }
0x99: {  	s4 =	simm.s32 $_scs_section_size  }
0x9a: {  	s5 =	simm.s32 $_size__tile_overlayer_lowered;
	s6 =	simm.s32 $_tile_overlayer_lowered  }
0x9b: {  	s22 =	simm.s32 $0x1BFF;
	s21 =	sshll.u32 s6, $0x1;
	s3 =	sadd.s32 s4, s19  }
0x9c: {  	s7 =	simm.s32 $0x0;
	s20 =	sshll.u32 s5, $0x1;
	s5 =	sadd.s32 s21, s3  }
0x9d: {  	[timem:s7], [sflag:s22] =	dma.local [hbm:s5], s20  }
0x9e: {  	_ =	swait.ge [sflag:s22], s20  }
0x9f: {  	s4 =	ssub.s32 $0x0, s20;
	[sflag:s22] =	ssyncset.done $0x0  }
0xa0: {  	[sflag:s22] =	ssyncadd.s32 s4;
	_ =	sdelay $0x1  }
0xa1: {  	s23 =	simm.s32 $0x1B8B  }
0xa2: {  	_ =	swait.ge [sflag:s23], $0x1  }
0xa3: {  	[sflag:s23] =	ssyncset.done $0x0  }
0xa4: {  	s25 =	simm.s32 $0x1B8E;
	s24 =	sld [smem:$0x3FFE];
	[sflag:s23] =	ssyncadd.s32 $0xFFFFFFFF  }
0xa5: {  	s26 =	simm.s32 $execute0_lowered;
	[smem:$0x3FD2] =	sst s25  }
0xa6: {  	s5 =	sshll.u32 s26, $0x1;
	_ =	strace $0x80000049;
	[dreg:$0x1] =	wrdreg $0xFFFFFFFF  }
0xa7: {  	s28 =	simm.s32 $_size_execute0_lowered;
	s3 =	sadd.s32 s3, s5;
	[dreg:$0x0] =	wrdreg $0x0  }
0xa8: {  	s5 =	sshll.u32 s28, $0x1;
	[dreg:$0x2] =	wrdreg s3  }
0xa9: {  	[dreg:$0x3] =	wrdreg s5  }
0xaa: {  	[dreg:$0x4] =	wrdreg $0xC0  }
0xab: {  	_ =	task [dreg:s7], $0x5FFFF  }
0xac: {  	[dreg:$0x1] =	wrdreg $0xFFFFFFFF  }
0xad: {  	[dreg:$0x0] =	wrdreg $0x60  }
0xae: {  	[dreg:$0x2] =	wrdreg s24  }
0xaf: {  	[dreg:$0x3] =	wrdreg s2  }
0xb0: {  	[dreg:$0x4] =	wrdreg $0x140000  }
0xb1: {  	[dreg:$0x5] =	wrdreg $0x9  }
0xb2: {  	_ =	task.clear_ibuf [dreg:s7], $0x6FFFF;
	_ =	strace $0x90000049  }
0xb3: {  	s29 =	simm.s32 $0x9;
	_ =	strace $0x8000004B  }
0xb4: {  	_ =	swait.ge [sflag:s29], $0x1  }
0xb5: {  	[sflag:s29] =	ssyncadd.s32 $0xFFFFFFFF  }
0xb6: {  	_ =	strace $0x9000004B  }
0xb7: {  	_ =	sfence  }
0xb8: {  	s30 =	sld [smem:$0x0];
	_ =	sdelay $0x2  }
0xb9: {  	s31 =	sshll.u32 s1, $0xD;
	s1 =	sshrl.u32 s1, $0x2  }
0xba: {  	s3 =	sand.u32 $0x4000, s31;
	s1 =	sadd.s32 s1, s30  }
0xbb: {  	s0 =	sor.u32 s3, s0;
	s1 =	sshll.u32 s1, $0x11  }
0xbc: {  	s0 =	sor.u32 s1, s0  }
0xbd: {  	s0 =	sadd.s32 $0x8F2B, s0  }
0xbe: {  	[sflag:s0] =	ssyncadd.remote.s32 $0x1  }
0xbf: {  	_ =	sfence.sel $0xFFFF  }
0xc0: {  	[dreg:$0x0] =	wrdreg $0xFFFFFFFF;
	(pc) =	sbr.abs _section_cstart, $3  }
0xc1: {  	[dreg:$0x1] =	wrdreg $0xFFFFFFFF  }
0xc2: {  	_ =	task.clear_ibuf [dreg:s7], $0x2FFFF;
	_ =	strace $0x9FFFFFFF  }
0xc3: {  	(tm) =	ssettm $0x7FFFFFFF  }
tec
execute0_lowered:
.L_overlay_start_1:
0x0: {  	(tag) =	ssettag $0x1  }
0x1: {  	s5 =	rddreg [dreg:$0x0]  }
0x2: {  	s7 =	rddreg [dreg:$0x1]  }
0x3: {  	s2 =	rddreg [dreg:$0x2]  }
0x4: {  	s0 =	rddreg [dreg:$0x3];
	s3 =	simm.s32 $0x0  }
0x5: {  	s1 =	stileid.u32;
	s4 =	srdreg.scid;
	s15 =	simm.s32 $0xA000  }
0x6: {  	s16 =	simm.s32 $0xC000;
	s17 =	simm.s32 $0xE000;
	s18 =	simm.s32 $0x10000  }
0x7: {  	s19 =	simm.s32 $0x12000;
	s20 =	simm.s32 $0x1;
	s21 =	simm.s32 $0x2  }
0x8: {  	s22 =	simm.s32 $0x10;
	s23 =	simm.s32 $0x8;
	s6 =	smul.u32 $0x5000, s1  }
0x9: {  	s24 =	simm.s32 $0x0;
	[smem:$0x7FF] =	sst s3;
	s8 =	smul.u32 $0x9E00, s1  }
0xa: {  	s10 =	sand.u32 $0x1, s4;
	s11 =	smul.u32 $0x13C00, s1;
	s4 =	sadd.s32 $0x17E00, s5  }
0xb: {  	s30 =	sshll.u32 s1, $0x6;
	_ =	strace $0x8000004A;
	s12 =	sshll.u32 s10, $0x6  }
0xc: {  	s28 =	ssub.s32 $0x2, s10;
	s10 =	smul.u32 $0x50000, s10;
	s9 =	sshrl.u32 s6, $0x3  }
0xd: {  	s13 =	sshrl.u32 s8, $0x3;
	s11 =	sor.u32 s12, s11;
	s14 =	sshrl.u32 s28, $0x1  }
0xe: {  	s29 =	sadd.s32 s8, s2;
	s9 =	sadd.s32 s9, s5;
	s11 =	sshrl.u32 s11, $0x3  }
0xf: {  	s13 =	sadd.s32 s13, s5;
	s12 =	ssub.s32 s28, s14;
	s10 =	sadd.s32 s6, s10  }
0x10: {  	s6 =	sor.u32 $0x1C03, s30;
	s14 =	simm.s32 $0x80;
	s11 =	sadd.s32 s11, s5  }
0x11: {  	s5 =	sadd.s32 $0x3F000, s13;
	s31 =	sshrl.u32 s10, $0x3;
	s8 =	sadd.s32 $0x3E00, s9  }
0x12: {  	s10 =	smax.u32 s12, $0x1;
	s12 =	simm.s32 $0x3;
	s13 =	simm.s32 $0x5000  }
0x13: {  	s7 =	sadd.s32 s7, s31;
	s9 =	sadd.s32 $0x52C00, s11;
	s11 =	sshrl.u32 s29, $0x3  }
.LBB2_1:
0x14: {  	[spmem:s11], [sflag:s6] =	dma.local [hbm:s5], $0x13C0  }
0x15: {  	_ =	swait.ge [sflag:s12], $0x13C0  }
0x16: {  	[sflag:s12] =	ssyncset.done $0x0  }
0x17: {  	[sflag:s12] =	ssyncadd.s32 $0xFFFFEC40  }
0x18: {  	[tilespmem:s3], [sflag:$0x3] =	stream.linear.gather [hbm4b:s7+s3], $0x5000, $0x38;
	[tilespmem:$0x1DE00] =	vst v63  }
0x19: {  	_ =	swait.ge [sflag:s12], $0x5000  }
0x1a: {  	[sflag:s12] =	ssyncset.done $0x0  }
0x1b: {  	[sflag:s12] =	ssyncadd.s32 $0xFFFFB000  }
0x1c: {  	[tilespmem:s13], [sflag:$0x3] =	stream.linear.gather [hbm4b:s8+s3], $0x5000, $0x38;
	[tilespmem:$0x1DE00] =	vst v63  }
0x1d: {  	_ =	swait.ge [sflag:s12], $0x5000  }
0x1e: {  	[sflag:s12] =	ssyncset.done $0x0  }
0x1f: {  	[sflag:s12] =	ssyncadd.s32 $0xFFFFB000  }
0x20: {  	s25 =	simm.s32 $0x0;
	[bflag:$0x0] =	sbarrier.arrive $0xFFFF  }
0x21: {  	[tilespmem:s15], [sflag:$0x1] =	stream.indirect.gather [hbm4b:s4+s14], $0x40, s25, s14, $0xb8;
	[tilespmem:$0x1DE00] =	vst v63  }
0x22: {  	s31 =	simm.s32 $0x80  }
0x23: {  	[tilespmem:s16], [sflag:$0x1] =	stream.indirect.gather [hbm4b:s4+s14], $0x40, s31, s14, $0xb8;
	[tilespmem:$0x1DE00] =	vst v63  }
0x24: {  	s26 =	simm.s32 $0x100  }
0x25: {  	[tilespmem:s17], [sflag:$0x1] =	stream.indirect.gather [hbm4b:s4+s14], $0x40, s26, s14, $0xb8;
	[tilespmem:$0x1DE00] =	vst v63  }
0x26: {  	s28 =	simm.s32 $0x180  }
0x27: {  	[tilespmem:s18], [sflag:$0x1] =	stream.indirect.gather [hbm4b:s4+s14], $0x40, s28, s14, $0xb8;
	[tilespmem:$0x1DE00] =	vst v63  }
0x28: {  	s30 =	simm.s32 $0x200  }
0x29: {  	[tilespmem:s19], [sflag:$0x1] =	stream.indirect.gather [hbm4b:s4+s14], $0x40, s30, s14, $0xb8;
	[tilespmem:$0x1DE00] =	vst v63  }
0x2a: {  	_ =	swait.ge [sflag:s20], $0x2000  }
0x2b: {  	[sflag:s20] =	ssyncset.done $0x0  }
0x2c: {  	s31 =	simm.s32 $0x5000;
	[sflag:s20] =	ssyncadd.s32 $0xFFFFE000  }
0x2d: {  	[spmem:s2] =	stream.indirect.scatter.add.f32 [tilespmem:s15], [sflag:$0x2], $0x40, s31, s14, $0xb8;
	[tilespmem:$0x1DE00] =	vst v63  }
0x2e: {  	_ =	swait.ge [sflag:s20], $0x2000  }
0x2f: {  	[sflag:s20] =	ssyncset.done $0x0  }
0x30: {  	s26 =	simm.s32 $0x5080;
	[sflag:s20] =	ssyncadd.s32 $0xFFFFE000  }
0x31: {  	[spmem:s2] =	stream.indirect.scatter.add.f32 [tilespmem:s16], [sflag:$0x2], $0x40, s26, s14, $0xb8;
	[tilespmem:$0x1DE00] =	vst v63  }
0x32: {  	_ =	swait.ge [sflag:s20], $0x2000  }
0x33: {  	[sflag:s20] =	ssyncset.done $0x0  }
0x34: {  	s28 =	simm.s32 $0x5100;
	[sflag:s20] =	ssyncadd.s32 $0xFFFFE000  }
0x35: {  	[spmem:s2] =	stream.indirect.scatter.add.f32 [tilespmem:s17], [sflag:$0x2], $0x40, s28, s14, $0xb8;
	[tilespmem:$0x1DE00] =	vst v63  }
0x36: {  	_ =	swait.ge [sflag:s20], $0x2000  }
0x37: {  	[sflag:s20] =	ssyncset.done $0x0  }
0x38: {  	s30 =	simm.s32 $0x5180;
	[sflag:s20] =	ssyncadd.s32 $0xFFFFE000  }
0x39: {  	[spmem:s2] =	stream.indirect.scatter.add.f32 [tilespmem:s18], [sflag:$0x2], $0x40, s30, s14, $0xb8;
	[tilespmem:$0x1DE00] =	vst v63  }
0x3a: {  	_ =	swait.ge [sflag:s20], $0x2000  }
0x3b: {  	[sflag:s20] =	ssyncset.done $0x0  }
0x3c: {  	s31 =	simm.s32 $0x5200;
	[sflag:s20] =	ssyncadd.s32 $0xFFFFE000  }
0x3d: {  	[spmem:s2] =	stream.indirect.scatter.add.f32 [tilespmem:s19], [sflag:$0x2], $0x40, s31, s14, $0xb8;
	[tilespmem:$0x1DE00] =	vst v63  }
0x3e: {  	_ =	swait.ge [sflag:s21], $0x2000  }
0x3f: {  	[sflag:s21] =	ssyncset.done $0x0  }
0x40: {  	[sflag:s21] =	ssyncadd.s32 $0xFFFFE000  }
0x41: {  	_ =	swait.ge [sflag:s21], $0x2000  }
0x42: {  	[sflag:s21] =	ssyncset.done $0x0  }
0x43: {  	[sflag:s21] =	ssyncadd.s32 $0xFFFFE000  }
0x44: {  	_ =	swait.ge [sflag:s21], $0x2000  }
0x45: {  	[sflag:s21] =	ssyncset.done $0x0  }
0x46: {  	[sflag:s21] =	ssyncadd.s32 $0xFFFFE000  }
0x47: {  	_ =	swait.ge [sflag:s21], $0x2000  }
0x48: {  	[sflag:s21] =	ssyncset.done $0x0  }
0x49: {  	[sflag:s21] =	ssyncadd.s32 $0xFFFFE000  }
0x4a: {  	_ =	swait.ge [sflag:s21], $0x2000  }
0x4b: {  	s29 =	simm.s32 $0x1400;
	s25 =	simm.s32 $0xA00;
	[sflag:s21] =	ssyncset.done $0x0  }
.LBB2_2:
0x4c: {  	s28 =	sshra.s32 s25, $0x2  }
0x4d: {  	[sflag:s21] =	ssyncadd.s32 $0xFFFFE000;
	s25 =	smov.u32 s29;
	s26 =	sadd.s32 $0xA00, s29  }
0x4e: {  	[tilespmem:s15], [sflag:$0x1] =	stream.indirect.gather [hbm4b:s4+s14], $0x40, s28, s14, $0xb8;
	[tilespmem:$0x1DE00] =	vst v63  }
0x4f: {  	p0 =	sne.s32 s29, $0x13600;
	s29 =	sadd.s32 $0x80, s28  }
0x50: {  	[tilespmem:s16], [sflag:$0x1] =	stream.indirect.gather [hbm4b:s4+s14], $0x40, s29, s14, $0xb8;
	[tilespmem:$0x1DE00] =	vst v63  }
0x51: {  	s29 =	sadd.s32 $0x100, s28  }
0x52: {  	[tilespmem:s17], [sflag:$0x1] =	stream.indirect.gather [hbm4b:s4+s14], $0x40, s29, s14, $0xb8;
	[tilespmem:$0x1DE00] =	vst v63  }
0x53: {  	s29 =	sadd.s32 $0x180, s28  }
0x54: {  	[tilespmem:s18], [sflag:$0x1] =	stream.indirect.gather [hbm4b:s4+s14], $0x40, s29, s14, $0xb8;
	[tilespmem:$0x1DE00] =	vst v63  }
0x55: {  	s29 =	sadd.s32 $0x200, s28  }
0x56: {  	[tilespmem:s19], [sflag:$0x1] =	stream.indirect.gather [hbm4b:s4+s14], $0x40, s29, s14, $0xb8;
	[tilespmem:$0x1DE00] =	vst v63  }
0x57: {  	_ =	swait.ge [sflag:s20], $0x2000  }
0x58: {  	[sflag:s20] =	ssyncset.done $0x0  }
0x59: {  	s29 =	sadd.s32 $0x5000, s28;
	[sflag:s20] =	ssyncadd.s32 $0xFFFFE000  }
0x5a: {  	[spmem:s2] =	stream.indirect.scatter.add.f32 [tilespmem:s15], [sflag:$0x2], $0x40, s29, s14, $0xb8;
	[tilespmem:$0x1DE00] =	vst v63  }
0x5b: {  	_ =	swait.ge [sflag:s20], $0x2000  }
0x5c: {  	[sflag:s20] =	ssyncset.done $0x0  }
0x5d: {  	s29 =	sadd.s32 $0x5080, s28;
	[sflag:s20] =	ssyncadd.s32 $0xFFFFE000  }
0x5e: {  	[spmem:s2] =	stream.indirect.scatter.add.f32 [tilespmem:s16], [sflag:$0x2], $0x40, s29, s14, $0xb8;
	[tilespmem:$0x1DE00] =	vst v63  }
0x5f: {  	_ =	swait.ge [sflag:s20], $0x2000  }
0x60: {  	[sflag:s20] =	ssyncset.done $0x0  }
0x61: {  	s29 =	sadd.s32 $0x5100, s28;
	[sflag:s20] =	ssyncadd.s32 $0xFFFFE000  }
0x62: {  	[spmem:s2] =	stream.indirect.scatter.add.f32 [tilespmem:s17], [sflag:$0x2], $0x40, s29, s14, $0xb8;
	[tilespmem:$0x1DE00] =	vst v63  }
0x63: {  	_ =	swait.ge [sflag:s20], $0x2000  }
0x64: {  	[sflag:s20] =	ssyncset.done $0x0  }
0x65: {  	s29 =	sadd.s32 $0x5180, s28;
	[sflag:s20] =	ssyncadd.s32 $0xFFFFE000  }
0x66: {  	[spmem:s2] =	stream.indirect.scatter.add.f32 [tilespmem:s18], [sflag:$0x2], $0x40, s29, s14, $0xb8;
	[tilespmem:$0x1DE00] =	vst v63  }
0x67: {  	_ =	swait.ge [sflag:s20], $0x2000  }
0x68: {  	[sflag:s20] =	ssyncset.done $0x0  }
0x69: {  	s28 =	sadd.s32 $0x5200, s28;
	[sflag:s20] =	ssyncadd.s32 $0xFFFFE000  }
0x6a: {  	[spmem:s2] =	stream.indirect.scatter.add.f32 [tilespmem:s19], [sflag:$0x2], $0x40, s28, s14, $0xb8;
	[tilespmem:$0x1DE00] =	vst v63  }
0x6b: {  	_ =	swait.ge [sflag:s21], $0x2000  }
0x6c: {  	[sflag:s21] =	ssyncset.done $0x0  }
0x6d: {  	[sflag:s21] =	ssyncadd.s32 $0xFFFFE000  }
0x6e: {  	_ =	swait.ge [sflag:s21], $0x2000  }
0x6f: {  	[sflag:s21] =	ssyncset.done $0x0  }
0x70: {  	[sflag:s21] =	ssyncadd.s32 $0xFFFFE000  }
0x71: {  	_ =	swait.ge [sflag:s21], $0x2000  }
0x72: {  	[sflag:s21] =	ssyncset.done $0x0  }
0x73: {  	[sflag:s21] =	ssyncadd.s32 $0xFFFFE000  }
.Ltmp0:
0x74: {  	_ =	swait.ge [sflag:s21], $0x2000;
	(pc) =	sbr.rel @p0 .LBB2_2-.Ltmp0, $4  }
0x75: {  	[sflag:s21] =	ssyncset.done $0x0  }
0x76: {  	[sflag:s21] =	ssyncadd.s32 $0xFFFFE000  }
0x77: {  	_ =	swait.ge [sflag:s21], $0x2000  }
0x78: {  	s29 =	smov.u32 s26;
	[sflag:s21] =	ssyncset.done $0x0  }
0x79: {  	s25 =	sshra.s32 s25, $0x2;
	[sflag:s21] =	ssyncadd.s32 $0xFFFFE000  }
0x7a: {  	[tilespmem:s15], [sflag:$0x1] =	stream.indirect.gather [hbm4b:s4+s14], $0x40, s25, s14, $0xb8;
	[tilespmem:$0x1DE00] =	vst v63  }
0x7b: {  	s26 =	sadd.s32 $0x80, s25  }
0x7c: {  	[tilespmem:s16], [sflag:$0x1] =	stream.indirect.gather [hbm4b:s4+s14], $0x40, s26, s14, $0xb8;
	[tilespmem:$0x1DE00] =	vst v63  }
0x7d: {  	s29 =	sadd.s32 $0x100, s25  }
0x7e: {  	[tilespmem:s17], [sflag:$0x1] =	stream.indirect.gather [hbm4b:s4+s14], $0x40, s29, s14, $0xb8;
	[tilespmem:$0x1DE00] =	vst v63  }
0x7f: {  	s30 =	sadd.s32 $0x180, s25  }
0x80: {  	[tilespmem:s18], [sflag:$0x1] =	stream.indirect.gather [hbm4b:s4+s14], $0x40, s30, s14, $0xb8;
	[tilespmem:$0x1DE00] =	vst v63  }
0x81: {  	s31 =	sadd.s32 $0x200, s25  }
0x82: {  	[tilespmem:s19], [sflag:$0x1] =	stream.indirect.gather [hbm4b:s4+s14], $0x40, s31, s14, $0xb8;
	[tilespmem:$0x1DE00] =	vst v63  }
0x83: {  	_ =	swait.ge [sflag:s20], $0x2000  }
0x84: {  	[sflag:s20] =	ssyncset.done $0x0  }
0x85: {  	s28 =	sadd.s32 $0x5000, s25;
	[sflag:s20] =	ssyncadd.s32 $0xFFFFE000  }
0x86: {  	[spmem:s2] =	stream.indirect.scatter.add.f32 [tilespmem:s15], [sflag:$0x2], $0x40, s28, s14, $0xb8;
	[tilespmem:$0x1DE00] =	vst v63  }
0x87: {  	_ =	swait.ge [sflag:s20], $0x2000  }
0x88: {  	[sflag:s20] =	ssyncset.done $0x0  }
0x89: {  	s29 =	sadd.s32 $0x5080, s25;
	[sflag:s20] =	ssyncadd.s32 $0xFFFFE000  }
0x8a: {  	[spmem:s2] =	stream.indirect.scatter.add.f32 [tilespmem:s16], [sflag:$0x2], $0x40, s29, s14, $0xb8;
	[tilespmem:$0x1DE00] =	vst v63  }
0x8b: {  	_ =	swait.ge [sflag:s20], $0x2000  }
0x8c: {  	[sflag:s20] =	ssyncset.done $0x0  }
0x8d: {  	s30 =	sadd.s32 $0x5100, s25;
	[sflag:s20] =	ssyncadd.s32 $0xFFFFE000  }
0x8e: {  	[spmem:s2] =	stream.indirect.scatter.add.f32 [tilespmem:s17], [sflag:$0x2], $0x40, s30, s14, $0xb8;
	[tilespmem:$0x1DE00] =	vst v63  }
0x8f: {  	_ =	swait.ge [sflag:s20], $0x2000  }
0x90: {  	[sflag:s20] =	ssyncset.done $0x0  }
0x91: {  	s31 =	sadd.s32 $0x5180, s25;
	[sflag:s20] =	ssyncadd.s32 $0xFFFFE000  }
0x92: {  	[spmem:s2] =	stream.indirect.scatter.add.f32 [tilespmem:s18], [sflag:$0x2], $0x40, s31, s14, $0xb8;
	[tilespmem:$0x1DE00] =	vst v63  }
0x93: {  	_ =	swait.ge [sflag:s20], $0x2000  }
0x94: {  	[sflag:s20] =	ssyncset.done $0x0  }
0x95: {  	s25 =	sadd.s32 $0x5200, s25;
	[sflag:s20] =	ssyncadd.s32 $0xFFFFE000  }
0x96: {  	[spmem:s2] =	stream.indirect.scatter.add.f32 [tilespmem:s19], [sflag:$0x2], $0x40, s25, s14, $0xb8;
	[tilespmem:$0x1DE00] =	vst v63  }
0x97: {  	_ =	swait.ge [sflag:s21], $0x2000  }
0x98: {  	[sflag:s21] =	ssyncset.done $0x0  }
0x99: {  	[sflag:s21] =	ssyncadd.s32 $0xFFFFE000  }
0x9a: {  	_ =	swait.ge [sflag:s21], $0x2000  }
0x9b: {  	[sflag:s21] =	ssyncset.done $0x0  }
0x9c: {  	[sflag:s21] =	ssyncadd.s32 $0xFFFFE000  }
0x9d: {  	_ =	swait.ge [sflag:s21], $0x2000  }
0x9e: {  	[sflag:s21] =	ssyncset.done $0x0  }
0x9f: {  	[sflag:s21] =	ssyncadd.s32 $0xFFFFE000  }
0xa0: {  	_ =	swait.ge [sflag:s21], $0x2000  }
0xa1: {  	[sflag:s21] =	ssyncset.done $0x0  }
0xa2: {  	[sflag:s21] =	ssyncadd.s32 $0xFFFFE000  }
0xa3: {  	_ =	swait.ge [sflag:s21], $0x2000  }
0xa4: {  	s24 =	sadd.s32 $0x1, s24;
	[sflag:s21] =	ssyncset.done $0x0  }
0xa5: {  	p0 =	sne.s32 s24, s10;
	[sflag:s21] =	ssyncadd.s32 $0xFFFFE000  }
.Ltmp1:
0xa6: {  	[bflag:$0x0] =	sbarrier.arrive $0xFFFF;
	(pc) =	sbr.rel @p0 .LBB2_1-.Ltmp1, $4  }
0xa7: {  	[hbm:s9@s22], [sflag:s6] =	dma.strided [spmem:s11@s23], $0x13C0, s20, $0x8   }
0xa8: {  	_ =	swait.ge [sflag:s12], $0x13C0  }
0xa9: {  	[sflag:s12] =	ssyncset.done $0x0  }
0xaa: {  	[sflag:s12] =	ssyncadd.s32 $0xFFFFEC40  }
0xab: {  	_ =	sfence.sel $0x180000  }
0xac: {  	[bflag:$0x0] =	sbarrier.arrive $0xFFFF  }
0xad: {  	p0 =	sne.s32 s1, $0x0;
	_ =	strace $0x9000004A  }
0xae: {  	s0 =	sadd.s32 @!p0 $0x100000, s0;
	[bflag:$0x2] =	sbarrier.arrive $0xFFFF  }
0xaf: {  	[sflag:s0] =	ssyncadd.tile.s32 @!p0 $0x1;
	_ =	shalt  }
.Lfunc_end2:
_tile_overlayer_lowered:
.L_overlay_start_2:
0xb0: {  	(tag) =	ssettag $0x2  }
0xb1: {  	s0 =	rddreg [dreg:$0x0];
	s2 =	stileid.u32  }
0xb2: {  	s1 =	rddreg [dreg:$0x1];
	p0 =	sne.s32 s2, $0x0  }
0xb3: {  	s3 =	rddreg [dreg:$0x2];
	[bflag:$0x3] =	sbarrier.arrive $0xFFFF;
	s2 =	simm.s32 @!p0 $0x1C03  }
0xb4: {  	[timem:s3], [sflag:s2] =	dma.local @!p0 [hbm:s0], s1  }
0xb5: {  	s0 =	simm.s32 @!p0 $0x3  }
0xb6: {  	_ =	swait.ge @!p0 [sflag:s0], s1  }
0xb7: {  	s1 =	ssub.s32 @!p0 $0x0, s1;
	[sflag:s0] =	ssyncset.done @!p0 $0x0  }
0xb8: {  	[sflag:s0] =	ssyncadd.s32 @!p0 s1  }
0xb9: {  	[bflag:$0x3] =	sbarrier.arrive $0xFFFF  }
0xba: {  	_ =	shalt  }

// kernel: kernel.16.cloned.1.call-start
scs
__scs_entry_jumppad:
0x0: {  	(pc) =	sbr.rel $0x88, $3  }
0x1: {  	(tag) =	ssettag $0x0;
	lr =	simm.s32 $0x1  }
0x2: {  	[smem:$0x3F98] =	sst lr;
	_ =	strace $0xD0000000  }
0x3: {  	_ = 	snop  }
0x4: {  	_ = 	snop  }
0x5: {  	_ = 	snop  }
0x6: {  	_ = 	snop  }
0x7: {  	_ = 	snop  }
__scs_overlays_trampoline_lowered:
0x8: {  	[smem:$0x3FA7] =	sst s0  }
0x9: {  	[smem:$0x3FA8] =	sst s1  }
0xa: {  	[smem:$0x3FA9] =	sst s2  }
0xb: {  	[smem:$0x3FAA] =	sst s3  }
0xc: {  	[smem:$0x3FAB] =	sst s4  }
0xd: {  	[smem:$0x3FAC] =	sst s5  }
0xe: {  	[smem:$0x3FAD] =	sst s6  }
0xf: {  	[smem:$0x3FAE] =	sst s7  }
0x10: {  	[smem:$0x3FAF] =	sst s8  }
0x11: {  	[smem:$0x3FB0] =	sst s9;
	s0 =	simm.s32 @!p0 $0x0  }
0x12: {  	s1 =	sld [smem:$0x3F96];
	s0 =	simm.s32 @p0 $0x1  }
0x13: {  	[smem:$0x3FB1] =	sst s0;
	s0 =	simm.s32 @!p1 $0x0  }
0x14: {  	s2 =	sld [smem:$0x3F95];
	s0 =	simm.s32 @p1 $0x1  }
0x15: {  	[smem:$0x3FB2] =	sst s0;
	s0 =	simm.s32 @!p2 $0x0  }
0x16: {  	s3 =	sld [smem:$0x3FDB];
	s0 =	simm.s32 @p2 $0x1  }
0x17: {  	s4 =	simm.s32 $0x1BF5;
	[smem:$0x3FB4] =	sst s0  }
0x18: {  	s0 =	sld [smem:$0x3F97];
	_ =	swait.ge [sflag:s4], $0x0  }
0x19: {  	s7 =	sld [smem:$0x3F98]  }
0x1a: {  	s8 =	sadd.s32 $0xFFFFE003, lr  }
0x1b: {  	s9 =	sadd.s32 $0xFFFFFEF7, lr;
	s5 =	simm.s32 $0xFFFFFFFF;
	p2 =	slt.u32 s8, $0xFFFFF086  }
0x1c: {  	p1 =	slt.u32 s9, $0xF7A;
	s5 =	simm.s32 @!p2 $0x0  }
0x1d: {  	s5 =	simm.s32 @p1 $0x1;
	p0 =	seq.s32 s7, s2  }
0x1e: {  	s7 =	smul.u32 @!p0 $0xF7A, s2;
	p2 =	seq.s32 @!p0 s5, $0x0  }
0x1f: {  	s9 =	smul.u32 $0xF7A, s1;
	s8 =	simm.s32 @!p0 $0x1BF5;
	p2 =	por !p2, p0  }
0x20: {  	[sflag:s8] =	ssyncset.s32 @!p0 $0xFFFFF086;
	s6 =	sadd.s32 @!p0 s3, s7;
	s7 =	simm.s32 @!p0 $0x108  }
0x21: {  	s3 =	sadd.s32 s3, s9;
	s6 =	sadd.s32 @!p0 $0x88, s6;
	s7 =	simm.s32 @p2 $0x1082  }
0x22: {  	[simem:s7], [sflag:s8] =	dma.local @!p0 [hbm:s6], $0xF7A  }
0x23: {  	s9 =	sor.u32 $0xD0000000, s2;
	s6 =	simm.s32 $0x108;
	_ =	swait.ge @!p0 [sflag:s8], $0x0  }
0x24: {  	s3 =	sadd.s32 $0x88, s3;
	s6 =	simm.s32 @!p1 $0x1082;
	[sflag:s4] =	ssyncset.s32 $0xFFFFF086  }
0x25: {  	[simem:s6], [sflag:s4] =	dma.local [hbm:s3], $0xF7A  }
0x26: {  	[smem:$0x3F98] =	sst s1;
	(tag) =	ssettag s2;
	_ =	strace s9  }
0x27: {  	s1 =	sld [smem:$0x3FA8]  }
0x28: {  	s2 =	sld [smem:$0x3FA9]  }
0x29: {  	s4 =	sld [smem:$0x3FAB]  }
0x2a: {  	p0 =	seq.s32 s5, $0x0;
	s5 =	sld [smem:$0x3FAC]  }
0x2b: {  	s6 =	sld [smem:$0x3FAD]  }
0x2c: {  	s7 =	sld [smem:$0x3FAE]  }
0x2d: {  	s3 =	simm.s32 $0x108;
	s8 =	sld [smem:$0x3FAF]  }
0x2e: {  	s3 =	simm.s32 @!p0 $0x1082;
	s9 =	sld [smem:$0x3FB0]  }
0x2f: {  	lr =	sadd.s32 s0, s3;
	s0 =	sld [smem:$0x3FA7]  }
0x30: {  	s3 =	sld [smem:$0x3FAA]  }
0x31: {  	[smem:$0x3FB3] =	sst s10  }
0x32: {  	s10 =	sld [smem:$0x3FB1];
	_ =	sdelay $0x3  }
0x33: {  	p0 =	seq.s32 s10, $0x1;
	s10 =	sld [smem:$0x3FB3];
	_ =	sdelay $0x3  }
0x34: {  	[smem:$0x3FB3] =	sst s10  }
0x35: {  	s10 =	sld [smem:$0x3FB2];
	_ =	sdelay $0x3  }
0x36: {  	p1 =	seq.s32 s10, $0x1;
	s10 =	sld [smem:$0x3FB3];
	_ =	sdelay $0x3  }
0x37: {  	[smem:$0x3FB3] =	sst s10  }
0x38: {  	s10 =	sld [smem:$0x3FB4]  }
0x39: {  	_ = 	snop;
	(pc) =	sbr.ind lr, $3  }
0x3a: {  	_ = 	snop  }
0x3b: {  	_ = 	snop  }
0x3c: {  	p2 =	seq.s32 s10, $0x1;
	s10 =	sld [smem:$0x3FB3]  }
0x3d: {  	_ =	shalt  }
0x3e: {  	_ =	shalt  }
0x3f: {  	_ =	shalt  }
0x40: {  	_ =	shalt  }
0x41: {  	_ =	shalt  }
0x42: {  	_ =	shalt  }
0x43: {  	_ =	shalt  }
0x44: {  	_ =	shalt  }
0x45: {  	_ =	shalt  }
0x46: {  	_ =	shalt  }
0x47: {  	_ =	shalt  }
0x48: {  	_ =	shalt  }
0x49: {  	_ =	shalt  }
0x4a: {  	_ =	shalt  }
0x4b: {  	_ =	shalt  }
0x4c: {  	_ =	shalt  }
0x4d: {  	_ =	shalt  }
0x4e: {  	_ =	shalt  }
0x4f: {  	_ =	shalt  }
0x50: {  	_ =	shalt  }
0x51: {  	_ =	shalt  }
0x52: {  	_ =	shalt  }
0x53: {  	_ =	shalt  }
0x54: {  	_ =	shalt  }
0x55: {  	_ =	shalt  }
0x56: {  	_ =	shalt  }
0x57: {  	_ =	shalt  }
0x58: {  	_ =	shalt  }
0x59: {  	_ =	shalt  }
0x5a: {  	_ =	shalt  }
0x5b: {  	_ =	shalt  }
0x5c: {  	_ =	shalt  }
0x5d: {  	_ =	shalt  }
0x5e: {  	_ =	shalt  }
0x5f: {  	_ =	shalt  }
0x60: {  	_ =	shalt  }
0x61: {  	_ =	shalt  }
0x62: {  	_ =	shalt  }
0x63: {  	_ =	shalt  }
0x64: {  	_ =	shalt  }
0x65: {  	_ =	shalt  }
0x66: {  	_ =	shalt  }
0x67: {  	_ =	shalt  }
0x68: {  	_ =	shalt  }
0x69: {  	_ =	shalt  }
0x6a: {  	_ =	shalt  }
0x6b: {  	_ =	shalt  }
0x6c: {  	_ =	shalt  }
0x6d: {  	_ =	shalt  }
0x6e: {  	_ =	shalt  }
0x6f: {  	_ =	shalt  }
0x70: {  	_ =	shalt  }
0x71: {  	_ =	shalt  }
0x72: {  	_ =	shalt  }
0x73: {  	_ =	shalt  }
0x74: {  	_ =	shalt  }
0x75: {  	_ =	shalt  }
0x76: {  	_ =	shalt  }
0x77: {  	_ =	shalt  }
0x78: {  	_ =	shalt  }
0x79: {  	_ =	shalt  }
0x7a: {  	_ =	shalt  }
0x7b: {  	_ =	shalt  }
0x7c: {  	_ =	shalt  }
0x7d: {  	_ =	shalt  }
0x7e: {  	_ =	shalt  }
0x7f: {  	_ =	shalt  }
0x80: {  	_ =	shalt  }
0x81: {  	_ =	shalt  }
0x82: {  	_ =	shalt  }
0x83: {  	_ =	shalt  }
0x84: {  	_ =	shalt  }
0x85: {  	_ =	shalt  }
0x86: {  	_ =	shalt  }
0x87: {  	_ =	shalt  }
.Lfunc_end0:
.L_simem_size_0:
called_computation.2_lowered:
.L_overlay_start_0:
0x88: {  	s2 =	sld [smem:$0x3FD9]  }
0x89: {  	s3 =	sld [smem:$0x3FFE];
	_ =	sdelay $0x1  }
0x8a: {  	s1 =	srdreg.scid  }
0x8b: {  	s0 =	sand.u32 $0x1, s1  }
0x8c: {  	s16 =	sshll.u32 s0, $0xA;
	s2 =	sadd.s32 s3, s2  }
0x8d: {  	s2 =	sadd.s32 s2, s16  }
0x8e: {  	[smem:$0x3FBF] =	sst s2  }
0x8f: {  	_ = 	snop  }
0x90: {  	(tm) =	ssettm $0x1  }
0x91: {  	s17 =	sld [smem:$0x3FFB];
	_ =	sdelay $0x3  }
0x92: {  	_ =	strace s17  }
0x93: {  	s2 =	sld [smem:$0x3FFC];
	_ =	sdelay $0x3  }
0x94: {  	_ =	strace s2  }
0x95: {  	s2 =	sld [smem:$0x3FFD];
	_ =	sdelay $0x3  }
0x96: {  	_ =	strace s2  }
0x97: {  	_ =	strace $0x8FFFFFFF  }
0x98: {  	s18 =	sld [smem:$0x3FDB];
	_ =	sdelay $0x1  }
0x99: {  	s19 =	simm.s32 $_scs_section_size  }
0x9a: {  	s4 =	simm.s32 $_size__tile_overlayer_lowered;
	s5 =	simm.s32 $_tile_overlayer_lowered  }
0x9b: {  	s22 =	simm.s32 $0x1BFF;
	s21 =	sshll.u32 s5, $0x1;
	s2 =	sadd.s32 s19, s18  }
0x9c: {  	s6 =	simm.s32 $0x0;
	s20 =	sshll.u32 s4, $0x1;
	s4 =	sadd.s32 s21, s2  }
0x9d: {  	[timem:s6], [sflag:s22] =	dma.local [hbm:s4], s20  }
0x9e: {  	_ =	swait.ge [sflag:s22], s20  }
0x9f: {  	s3 =	ssub.s32 $0x0, s20;
	[sflag:s22] =	ssyncset.done $0x0  }
0xa0: {  	[sflag:s22] =	ssyncadd.s32 s3;
	_ =	sdelay $0x1  }
0xa1: {  	s23 =	simm.s32 $0x1B8B  }
0xa2: {  	_ =	swait.ge [sflag:s23], $0x1  }
0xa3: {  	[sflag:s23] =	ssyncset.done $0x0  }
0xa4: {  	s25 =	simm.s32 $0x1B8E;
	s24 =	sld [smem:$0x3FFE];
	[sflag:s23] =	ssyncadd.s32 $0xFFFFFFFF  }
0xa5: {  	s26 =	simm.s32 $execute0_lowered;
	[smem:$0x3FD2] =	sst s25  }
0xa6: {  	s4 =	sshll.u32 s26, $0x1;
	_ =	strace $0x8000004C;
	[dreg:$0x1] =	wrdreg $0xFFFFFFFF  }
0xa7: {  	s28 =	simm.s32 $_size_execute0_lowered;
	s2 =	sadd.s32 s2, s4;
	[dreg:$0x0] =	wrdreg $0x0  }
0xa8: {  	s4 =	sshll.u32 s28, $0x1;
	[dreg:$0x2] =	wrdreg s2  }
0xa9: {  	[dreg:$0x3] =	wrdreg s4  }
0xaa: {  	[dreg:$0x4] =	wrdreg $0xC0  }
0xab: {  	_ =	task [dreg:s6], $0x5FFFF  }
0xac: {  	[dreg:$0x1] =	wrdreg $0xFFFFFFFF  }
0xad: {  	[dreg:$0x0] =	wrdreg $0x60  }
0xae: {  	[dreg:$0x2] =	wrdreg s24  }
0xaf: {  	[dreg:$0x3] =	wrdreg $0x150000  }
0xb0: {  	[dreg:$0x4] =	wrdreg $0x9  }
0xb1: {  	_ =	task.clear_ibuf [dreg:s6], $0x5FFFF;
	_ =	strace $0x9000004C  }
0xb2: {  	s29 =	simm.s32 $0x9;
	_ =	strace $0x8000004E  }
0xb3: {  	_ =	swait.ge [sflag:s29], $0x1  }
0xb4: {  	[sflag:s29] =	ssyncadd.s32 $0xFFFFFFFF  }
0xb5: {  	_ =	strace $0x9000004E  }
0xb6: {  	_ =	sfence  }
0xb7: {  	s30 =	sld [smem:$0x0];
	_ =	sdelay $0x2  }
0xb8: {  	s31 =	sshll.u32 s1, $0xD;
	s1 =	sshrl.u32 s1, $0x2  }
0xb9: {  	s3 =	sand.u32 $0x4000, s31;
	s1 =	sadd.s32 s1, s30  }
0xba: {  	s0 =	sor.u32 s3, s0;
	s1 =	sshll.u32 s1, $0x11  }
0xbb: {  	s0 =	sor.u32 s1, s0  }
0xbc: {  	s0 =	sadd.s32 $0x8F2B, s0  }
0xbd: {  	[sflag:s0] =	ssyncadd.remote.s32 $0x1  }
0xbe: {  	_ =	sfence.sel $0xFFFF  }
0xbf: {  	[dreg:$0x0] =	wrdreg $0xFFFFFFFF;
	(pc) =	sbr.abs _section_cstart, $3  }
0xc0: {  	[dreg:$0x1] =	wrdreg $0xFFFFFFFF  }
0xc1: {  	_ =	task.clear_ibuf [dreg:s6], $0x2FFFF;
	_ =	strace $0x9FFFFFFF  }
0xc2: {  	(tm) =	ssettm $0x7FFFFFFF  }
0xc3: {  	_ =	shalt  }
tec
execute0_lowered:
.L_overlay_start_1:
0x0: {  	(tag) =	ssettag $0x1  }
0x1: {  	s5 =	rddreg [dreg:$0x0]  }
0x2: {  	s0 =	srdreg.scid;
	s2 =	rddreg [dreg:$0x1];
	s13 =	simm.s32 $0x2800  }
0x3: {  	s14 =	simm.s32 $0x80;
	s15 =	simm.s32 $0x5000;
	s16 =	simm.s32 $0x7000  }
0x4: {  	s17 =	simm.s32 $0x9000;
	s18 =	simm.s32 $0xB000;
	s19 =	simm.s32 $0xD000  }
0x5: {  	s20 =	simm.s32 $0xF000;
	s21 =	simm.s32 $0x11000;
	s22 =	simm.s32 $0x13000  }
0x6: {  	s23 =	simm.s32 $0x1;
	s1 =	sand.u32 $0x1, s0;
	s0 =	stileid.u32  }
0x7: {  	s24 =	simm.s32 $0x2;
	s25 =	simm.s32 $0x10;
	s7 =	smul.u32 $0x9E00, s0  }
0x8: {  	s28 =	simm.s32 $0x0;
	s3 =	sshll.u32 s1, $0x4;
	s8 =	smul.u32 $0x13C00, s0  }
0x9: {  	s26 =	sshll.u32 s1, $0x6;
	s1 =	ssub.s32 $0x2, s1;
	s31 =	sshll.u32 s0, $0x6  }
0xa: {  	s4 =	sor.u32 s0, s3;
	s3 =	simm.s32 $0x0;
	s30 =	sshrl.u32 s1, $0x1  }
0xb: {  	s6 =	smul.u32 $0x500, s4;
	[smem:$0x7FF] =	sst s3;
	s4 =	sadd.s32 $0x17E00, s5  }
0xc: {  	s10 =	sshrl.u32 s7, $0x3;
	s1 =	ssub.s32 s1, s30;
	s12 =	sadd.s32 s7, s2  }
0xd: {  	_ =	strace $0x8000004D;
	s29 =	sadd.s32 s10, s5;
	s10 =	smax.u32 s1, $0x1  }
0xe: {  	s9 =	sadd.s32 s6, s5;
	s6 =	sor.u32 s26, s8;
	s26 =	simm.s32 $0x8  }
0xf: {  	s6 =	sshrl.u32 s6, $0x3;
	s7 =	sadd.s32 $0xDE00, s9;
	s8 =	sadd.s32 $0x3E00, s9  }
0x10: {  	s11 =	sadd.s32 s6, s5;
	s5 =	sadd.s32 $0x3F000, s29;
	s6 =	sor.u32 $0x1C03, s31  }
0x11: {  	s9 =	sadd.s32 $0x52C00, s11;
	s11 =	sshrl.u32 s12, $0x3;
	s12 =	simm.s32 $0x3  }
.LBB2_1:
0x12: {  	[spmem:s11], [sflag:s6] =	dma.local [hbm:s5], $0x13C0  }
0x13: {  	_ =	swait.ge [sflag:s12], $0x13C0  }
0x14: {  	[sflag:s12] =	ssyncset.done $0x0  }
0x15: {  	[sflag:s12] =	ssyncadd.s32 $0xFFFFEC40  }
0x16: {  	[tilespmem:s3], [sflag:$0x3] =	stream.linear.gather [hbm4b:s7+s3], $0x2800, $0x38;
	[tilespmem:$0x1EE00] =	vst v63  }
0x17: {  	_ =	swait.ge [sflag:s12], $0x2800  }
0x18: {  	[sflag:s12] =	ssyncset.done $0x0  }
0x19: {  	[sflag:s12] =	ssyncadd.s32 $0xFFFFD800  }
0x1a: {  	[tilespmem:s13], [sflag:$0x3] =	stream.linear.gather [hbm4b:s8+s3], $0x2800, $0x38;
	[tilespmem:$0x1EE00] =	vst v63  }
0x1b: {  	_ =	swait.ge [sflag:s12], $0x2800  }
0x1c: {  	[sflag:s12] =	ssyncset.done $0x0  }
0x1d: {  	[sflag:s12] =	ssyncadd.s32 $0xFFFFD800  }
0x1e: {  	s1 =	simm.s32 $0x0;
	[bflag:$0x0] =	sbarrier.arrive $0xFFFF  }
0x1f: {  	[tilespmem:s15], [sflag:$0x1] =	stream.indirect.gather [hbm4b:s4+s14], $0x40, s1, s14, $0xb8;
	[tilespmem:$0x1EE00] =	vst v63  }
0x20: {  	s31 =	simm.s32 $0x80  }
0x21: {  	[tilespmem:s16], [sflag:$0x1] =	stream.indirect.gather [hbm4b:s4+s14], $0x40, s31, s14, $0xb8;
	[tilespmem:$0x1EE00] =	vst v63  }
0x22: {  	s31 =	simm.s32 $0x100  }
0x23: {  	[tilespmem:s17], [sflag:$0x1] =	stream.indirect.gather [hbm4b:s4+s14], $0x40, s31, s14, $0xb8;
	[tilespmem:$0x1EE00] =	vst v63  }
0x24: {  	s31 =	simm.s32 $0x180  }
0x25: {  	[tilespmem:s18], [sflag:$0x1] =	stream.indirect.gather [hbm4b:s4+s14], $0x40, s31, s14, $0xb8;
	[tilespmem:$0x1EE00] =	vst v63  }
0x26: {  	s31 =	simm.s32 $0x200  }
0x27: {  	[tilespmem:s19], [sflag:$0x1] =	stream.indirect.gather [hbm4b:s4+s14], $0x40, s31, s14, $0xb8;
	[tilespmem:$0x1EE00] =	vst v63  }
0x28: {  	s31 =	simm.s32 $0x280  }
0x29: {  	[tilespmem:s20], [sflag:$0x1] =	stream.indirect.gather [hbm4b:s4+s14], $0x40, s31, s14, $0xb8;
	[tilespmem:$0x1EE00] =	vst v63  }
0x2a: {  	s31 =	simm.s32 $0x300  }
0x2b: {  	[tilespmem:s21], [sflag:$0x1] =	stream.indirect.gather [hbm4b:s4+s14], $0x40, s31, s14, $0xb8;
	[tilespmem:$0x1EE00] =	vst v63  }
0x2c: {  	s31 =	simm.s32 $0x380  }
0x2d: {  	[tilespmem:s22], [sflag:$0x1] =	stream.indirect.gather [hbm4b:s4+s14], $0x40, s31, s14, $0xb8;
	[tilespmem:$0x1EE00] =	vst v63  }
0x2e: {  	_ =	swait.ge [sflag:s23], $0x2000  }
0x2f: {  	[sflag:s23] =	ssyncset.done $0x0  }
0x30: {  	s31 =	simm.s32 $0x2800;
	[sflag:s23] =	ssyncadd.s32 $0xFFFFE000  }
0x31: {  	[spmem:s2] =	stream.indirect.scatter.add.f32 [tilespmem:s15], [sflag:$0x2], $0x40, s31, s14, $0xb8;
	[tilespmem:$0x1EE00] =	vst v63  }
0x32: {  	_ =	swait.ge [sflag:s23], $0x2000  }
0x33: {  	[sflag:s23] =	ssyncset.done $0x0  }
0x34: {  	s31 =	simm.s32 $0x2880;
	[sflag:s23] =	ssyncadd.s32 $0xFFFFE000  }
0x35: {  	[spmem:s2] =	stream.indirect.scatter.add.f32 [tilespmem:s16], [sflag:$0x2], $0x40, s31, s14, $0xb8;
	[tilespmem:$0x1EE00] =	vst v63  }
0x36: {  	_ =	swait.ge [sflag:s23], $0x2000  }
0x37: {  	[sflag:s23] =	ssyncset.done $0x0  }
0x38: {  	s31 =	simm.s32 $0x2900;
	[sflag:s23] =	ssyncadd.s32 $0xFFFFE000  }
0x39: {  	[spmem:s2] =	stream.indirect.scatter.add.f32 [tilespmem:s17], [sflag:$0x2], $0x40, s31, s14, $0xb8;
	[tilespmem:$0x1EE00] =	vst v63  }
0x3a: {  	_ =	swait.ge [sflag:s23], $0x2000  }
0x3b: {  	[sflag:s23] =	ssyncset.done $0x0  }
0x3c: {  	s31 =	simm.s32 $0x2980;
	[sflag:s23] =	ssyncadd.s32 $0xFFFFE000  }
0x3d: {  	[spmem:s2] =	stream.indirect.scatter.add.f32 [tilespmem:s18], [sflag:$0x2], $0x40, s31, s14, $0xb8;
	[tilespmem:$0x1EE00] =	vst v63  }
0x3e: {  	_ =	swait.ge [sflag:s23], $0x2000  }
0x3f: {  	[sflag:s23] =	ssyncset.done $0x0  }
0x40: {  	s31 =	simm.s32 $0x2A00;
	[sflag:s23] =	ssyncadd.s32 $0xFFFFE000  }
0x41: {  	[spmem:s2] =	stream.indirect.scatter.add.f32 [tilespmem:s19], [sflag:$0x2], $0x40, s31, s14, $0xb8;
	[tilespmem:$0x1EE00] =	vst v63  }
0x42: {  	_ =	swait.ge [sflag:s23], $0x2000  }
0x43: {  	[sflag:s23] =	ssyncset.done $0x0  }
0x44: {  	s31 =	simm.s32 $0x2A80;
	[sflag:s23] =	ssyncadd.s32 $0xFFFFE000  }
0x45: {  	[spmem:s2] =	stream.indirect.scatter.add.f32 [tilespmem:s20], [sflag:$0x2], $0x40, s31, s14, $0xb8;
	[tilespmem:$0x1EE00] =	vst v63  }
0x46: {  	_ =	swait.ge [sflag:s23], $0x2000  }
0x47: {  	[sflag:s23] =	ssyncset.done $0x0  }
0x48: {  	s31 =	simm.s32 $0x2B00;
	[sflag:s23] =	ssyncadd.s32 $0xFFFFE000  }
0x49: {  	[spmem:s2] =	stream.indirect.scatter.add.f32 [tilespmem:s21], [sflag:$0x2], $0x40, s31, s14, $0xb8;
	[tilespmem:$0x1EE00] =	vst v63  }
0x4a: {  	_ =	swait.ge [sflag:s23], $0x2000  }
0x4b: {  	[sflag:s23] =	ssyncset.done $0x0  }
0x4c: {  	s31 =	simm.s32 $0x2B80;
	[sflag:s23] =	ssyncadd.s32 $0xFFFFE000  }
0x4d: {  	[spmem:s2] =	stream.indirect.scatter.add.f32 [tilespmem:s22], [sflag:$0x2], $0x40, s31, s14, $0xb8;
	[tilespmem:$0x1EE00] =	vst v63  }
0x4e: {  	_ =	swait.ge [sflag:s24], $0x2000  }
0x4f: {  	[sflag:s24] =	ssyncset.done $0x0  }
0x50: {  	[sflag:s24] =	ssyncadd.s32 $0xFFFFE000  }
0x51: {  	_ =	swait.ge [sflag:s24], $0x2000  }
0x52: {  	[sflag:s24] =	ssyncset.done $0x0  }
0x53: {  	[sflag:s24] =	ssyncadd.s32 $0xFFFFE000  }
0x54: {  	_ =	swait.ge [sflag:s24], $0x2000  }
0x55: {  	[sflag:s24] =	ssyncset.done $0x0  }
0x56: {  	[sflag:s24] =	ssyncadd.s32 $0xFFFFE000  }
0x57: {  	_ =	swait.ge [sflag:s24], $0x2000  }
0x58: {  	[sflag:s24] =	ssyncset.done $0x0  }
0x59: {  	[sflag:s24] =	ssyncadd.s32 $0xFFFFE000  }
0x5a: {  	_ =	swait.ge [sflag:s24], $0x2000  }
0x5b: {  	[sflag:s24] =	ssyncset.done $0x0  }
0x5c: {  	[sflag:s24] =	ssyncadd.s32 $0xFFFFE000  }
0x5d: {  	_ =	swait.ge [sflag:s24], $0x2000  }
0x5e: {  	[sflag:s24] =	ssyncset.done $0x0  }
0x5f: {  	[sflag:s24] =	ssyncadd.s32 $0xFFFFE000  }
0x60: {  	_ =	swait.ge [sflag:s24], $0x2000  }
0x61: {  	[sflag:s24] =	ssyncset.done $0x0  }
0x62: {  	[sflag:s24] =	ssyncadd.s32 $0xFFFFE000  }
0x63: {  	_ =	swait.ge [sflag:s24], $0x2000  }
0x64: {  	s29 =	simm.s32 $0x1000;
	s30 =	simm.s32 $0x2000;
	[sflag:s24] =	ssyncset.done $0x0  }
.LBB2_2:
0x65: {  	s31 =	sshra.s32 s29, $0x2  }
0x66: {  	[sflag:s24] =	ssyncadd.s32 $0xFFFFE000;
	s29 =	smov.u32 s30;
	s1 =	sadd.s32 $0x1000, s30  }
0x67: {  	[tilespmem:s15], [sflag:$0x1] =	stream.indirect.gather [hbm4b:s4+s14], $0x40, s31, s14, $0xb8;
	[tilespmem:$0x1EE00] =	vst v63  }
0x68: {  	p0 =	sne.s32 s30, $0x9000;
	s30 =	sadd.s32 $0x80, s31  }
0x69: {  	[tilespmem:s16], [sflag:$0x1] =	stream.indirect.gather [hbm4b:s4+s14], $0x40, s30, s14, $0xb8;
	[tilespmem:$0x1EE00] =	vst v63  }
0x6a: {  	s30 =	sadd.s32 $0x100, s31  }
0x6b: {  	[tilespmem:s17], [sflag:$0x1] =	stream.indirect.gather [hbm4b:s4+s14], $0x40, s30, s14, $0xb8;
	[tilespmem:$0x1EE00] =	vst v63  }
0x6c: {  	s30 =	sadd.s32 $0x180, s31  }
0x6d: {  	[tilespmem:s18], [sflag:$0x1] =	stream.indirect.gather [hbm4b:s4+s14], $0x40, s30, s14, $0xb8;
	[tilespmem:$0x1EE00] =	vst v63  }
0x6e: {  	s30 =	sadd.s32 $0x200, s31  }
0x6f: {  	[tilespmem:s19], [sflag:$0x1] =	stream.indirect.gather [hbm4b:s4+s14], $0x40, s30, s14, $0xb8;
	[tilespmem:$0x1EE00] =	vst v63  }
0x70: {  	s30 =	sadd.s32 $0x280, s31  }
0x71: {  	[tilespmem:s20], [sflag:$0x1] =	stream.indirect.gather [hbm4b:s4+s14], $0x40, s30, s14, $0xb8;
	[tilespmem:$0x1EE00] =	vst v63  }
0x72: {  	s30 =	sadd.s32 $0x300, s31  }
0x73: {  	[tilespmem:s21], [sflag:$0x1] =	stream.indirect.gather [hbm4b:s4+s14], $0x40, s30, s14, $0xb8;
	[tilespmem:$0x1EE00] =	vst v63  }
0x74: {  	s30 =	sadd.s32 $0x380, s31  }
0x75: {  	[tilespmem:s22], [sflag:$0x1] =	stream.indirect.gather [hbm4b:s4+s14], $0x40, s30, s14, $0xb8;
	[tilespmem:$0x1EE00] =	vst v63  }
0x76: {  	_ =	swait.ge [sflag:s23], $0x2000  }
0x77: {  	[sflag:s23] =	ssyncset.done $0x0  }
0x78: {  	s30 =	sadd.s32 $0x2800, s31;
	[sflag:s23] =	ssyncadd.s32 $0xFFFFE000  }
0x79: {  	[spmem:s2] =	stream.indirect.scatter.add.f32 [tilespmem:s15], [sflag:$0x2], $0x40, s30, s14, $0xb8;
	[tilespmem:$0x1EE00] =	vst v63  }
0x7a: {  	_ =	swait.ge [sflag:s23], $0x2000  }
0x7b: {  	[sflag:s23] =	ssyncset.done $0x0  }
0x7c: {  	s30 =	sadd.s32 $0x2880, s31;
	[sflag:s23] =	ssyncadd.s32 $0xFFFFE000  }
0x7d: {  	[spmem:s2] =	stream.indirect.scatter.add.f32 [tilespmem:s16], [sflag:$0x2], $0x40, s30, s14, $0xb8;
	[tilespmem:$0x1EE00] =	vst v63  }
0x7e: {  	_ =	swait.ge [sflag:s23], $0x2000  }
0x7f: {  	[sflag:s23] =	ssyncset.done $0x0  }
0x80: {  	s30 =	sadd.s32 $0x2900, s31;
	[sflag:s23] =	ssyncadd.s32 $0xFFFFE000  }
0x81: {  	[spmem:s2] =	stream.indirect.scatter.add.f32 [tilespmem:s17], [sflag:$0x2], $0x40, s30, s14, $0xb8;
	[tilespmem:$0x1EE00] =	vst v63  }
0x82: {  	_ =	swait.ge [sflag:s23], $0x2000  }
0x83: {  	[sflag:s23] =	ssyncset.done $0x0  }
0x84: {  	s30 =	sadd.s32 $0x2980, s31;
	[sflag:s23] =	ssyncadd.s32 $0xFFFFE000  }
0x85: {  	[spmem:s2] =	stream.indirect.scatter.add.f32 [tilespmem:s18], [sflag:$0x2], $0x40, s30, s14, $0xb8;
	[tilespmem:$0x1EE00] =	vst v63  }
0x86: {  	_ =	swait.ge [sflag:s23], $0x2000  }
0x87: {  	[sflag:s23] =	ssyncset.done $0x0  }
0x88: {  	s30 =	sadd.s32 $0x2A00, s31;
	[sflag:s23] =	ssyncadd.s32 $0xFFFFE000  }
0x89: {  	[spmem:s2] =	stream.indirect.scatter.add.f32 [tilespmem:s19], [sflag:$0x2], $0x40, s30, s14, $0xb8;
	[tilespmem:$0x1EE00] =	vst v63  }
0x8a: {  	_ =	swait.ge [sflag:s23], $0x2000  }
0x8b: {  	[sflag:s23] =	ssyncset.done $0x0  }
0x8c: {  	s30 =	sadd.s32 $0x2A80, s31;
	[sflag:s23] =	ssyncadd.s32 $0xFFFFE000  }
0x8d: {  	[spmem:s2] =	stream.indirect.scatter.add.f32 [tilespmem:s20], [sflag:$0x2], $0x40, s30, s14, $0xb8;
	[tilespmem:$0x1EE00] =	vst v63  }
0x8e: {  	_ =	swait.ge [sflag:s23], $0x2000  }
0x8f: {  	[sflag:s23] =	ssyncset.done $0x0  }
0x90: {  	s30 =	sadd.s32 $0x2B00, s31;
	[sflag:s23] =	ssyncadd.s32 $0xFFFFE000  }
0x91: {  	[spmem:s2] =	stream.indirect.scatter.add.f32 [tilespmem:s21], [sflag:$0x2], $0x40, s30, s14, $0xb8;
	[tilespmem:$0x1EE00] =	vst v63  }
0x92: {  	_ =	swait.ge [sflag:s23], $0x2000  }
0x93: {  	[sflag:s23] =	ssyncset.done $0x0  }
0x94: {  	s30 =	sadd.s32 $0x2B80, s31;
	[sflag:s23] =	ssyncadd.s32 $0xFFFFE000  }
0x95: {  	[spmem:s2] =	stream.indirect.scatter.add.f32 [tilespmem:s22], [sflag:$0x2], $0x40, s30, s14, $0xb8;
	[tilespmem:$0x1EE00] =	vst v63  }
0x96: {  	_ =	swait.ge [sflag:s24], $0x2000  }
0x97: {  	[sflag:s24] =	ssyncset.done $0x0  }
0x98: {  	[sflag:s24] =	ssyncadd.s32 $0xFFFFE000  }
0x99: {  	_ =	swait.ge [sflag:s24], $0x2000  }
0x9a: {  	[sflag:s24] =	ssyncset.done $0x0  }
0x9b: {  	[sflag:s24] =	ssyncadd.s32 $0xFFFFE000  }
0x9c: {  	_ =	swait.ge [sflag:s24], $0x2000  }
0x9d: {  	[sflag:s24] =	ssyncset.done $0x0  }
0x9e: {  	[sflag:s24] =	ssyncadd.s32 $0xFFFFE000  }
0x9f: {  	_ =	swait.ge [sflag:s24], $0x2000  }
0xa0: {  	[sflag:s24] =	ssyncset.done $0x0  }
0xa1: {  	[sflag:s24] =	ssyncadd.s32 $0xFFFFE000  }
0xa2: {  	_ =	swait.ge [sflag:s24], $0x2000  }
0xa3: {  	[sflag:s24] =	ssyncset.done $0x0  }
0xa4: {  	[sflag:s24] =	ssyncadd.s32 $0xFFFFE000  }
0xa5: {  	_ =	swait.ge [sflag:s24], $0x2000  }
0xa6: {  	[sflag:s24] =	ssyncset.done $0x0  }
0xa7: {  	[sflag:s24] =	ssyncadd.s32 $0xFFFFE000  }
.Ltmp0:
0xa8: {  	_ =	swait.ge [sflag:s24], $0x2000;
	(pc) =	sbr.rel @p0 .LBB2_2-.Ltmp0, $4  }
0xa9: {  	[sflag:s24] =	ssyncset.done $0x0  }
0xaa: {  	[sflag:s24] =	ssyncadd.s32 $0xFFFFE000  }
0xab: {  	_ =	swait.ge [sflag:s24], $0x2000  }
0xac: {  	s30 =	smov.u32 s1;
	[sflag:s24] =	ssyncset.done $0x0  }
0xad: {  	s1 =	sshra.s32 s29, $0x2;
	[sflag:s24] =	ssyncadd.s32 $0xFFFFE000  }
0xae: {  	[tilespmem:s15], [sflag:$0x1] =	stream.indirect.gather [hbm4b:s4+s14], $0x40, s1, s14, $0xb8;
	[tilespmem:$0x1EE00] =	vst v63  }
0xaf: {  	s29 =	sadd.s32 $0x80, s1  }
0xb0: {  	[tilespmem:s16], [sflag:$0x1] =	stream.indirect.gather [hbm4b:s4+s14], $0x40, s29, s14, $0xb8;
	[tilespmem:$0x1EE00] =	vst v63  }
0xb1: {  	s31 =	sadd.s32 $0x100, s1  }
0xb2: {  	[tilespmem:s17], [sflag:$0x1] =	stream.indirect.gather [hbm4b:s4+s14], $0x40, s31, s14, $0xb8;
	[tilespmem:$0x1EE00] =	vst v63  }
0xb3: {  	s30 =	sadd.s32 $0x180, s1  }
0xb4: {  	[tilespmem:s18], [sflag:$0x1] =	stream.indirect.gather [hbm4b:s4+s14], $0x40, s30, s14, $0xb8;
	[tilespmem:$0x1EE00] =	vst v63  }
0xb5: {  	s31 =	sadd.s32 $0x200, s1  }
0xb6: {  	[tilespmem:s19], [sflag:$0x1] =	stream.indirect.gather [hbm4b:s4+s14], $0x40, s31, s14, $0xb8;
	[tilespmem:$0x1EE00] =	vst v63  }
0xb7: {  	s30 =	sadd.s32 $0x280, s1  }
0xb8: {  	[tilespmem:s20], [sflag:$0x1] =	stream.indirect.gather [hbm4b:s4+s14], $0x40, s30, s14, $0xb8;
	[tilespmem:$0x1EE00] =	vst v63  }
0xb9: {  	s31 =	sadd.s32 $0x300, s1  }
0xba: {  	[tilespmem:s21], [sflag:$0x1] =	stream.indirect.gather [hbm4b:s4+s14], $0x40, s31, s14, $0xb8;
	[tilespmem:$0x1EE00] =	vst v63  }
0xbb: {  	s30 =	sadd.s32 $0x380, s1  }
0xbc: {  	[tilespmem:s22], [sflag:$0x1] =	stream.indirect.gather [hbm4b:s4+s14], $0x40, s30, s14, $0xb8;
	[tilespmem:$0x1EE00] =	vst v63  }
0xbd: {  	_ =	swait.ge [sflag:s23], $0x2000  }
0xbe: {  	[sflag:s23] =	ssyncset.done $0x0  }
0xbf: {  	s31 =	sadd.s32 $0x2800, s1;
	[sflag:s23] =	ssyncadd.s32 $0xFFFFE000  }
0xc0: {  	[spmem:s2] =	stream.indirect.scatter.add.f32 [tilespmem:s15], [sflag:$0x2], $0x40, s31, s14, $0xb8;
	[tilespmem:$0x1EE00] =	vst v63  }
0xc1: {  	_ =	swait.ge [sflag:s23], $0x2000  }
0xc2: {  	[sflag:s23] =	ssyncset.done $0x0  }
0xc3: {  	s30 =	sadd.s32 $0x2880, s1;
	[sflag:s23] =	ssyncadd.s32 $0xFFFFE000  }
0xc4: {  	[spmem:s2] =	stream.indirect.scatter.add.f32 [tilespmem:s16], [sflag:$0x2], $0x40, s30, s14, $0xb8;
	[tilespmem:$0x1EE00] =	vst v63  }
0xc5: {  	_ =	swait.ge [sflag:s23], $0x2000  }
0xc6: {  	[sflag:s23] =	ssyncset.done $0x0  }
0xc7: {  	s31 =	sadd.s32 $0x2900, s1;
	[sflag:s23] =	ssyncadd.s32 $0xFFFFE000  }
0xc8: {  	[spmem:s2] =	stream.indirect.scatter.add.f32 [tilespmem:s17], [sflag:$0x2], $0x40, s31, s14, $0xb8;
	[tilespmem:$0x1EE00] =	vst v63  }
0xc9: {  	_ =	swait.ge [sflag:s23], $0x2000  }
0xca: {  	[sflag:s23] =	ssyncset.done $0x0  }
0xcb: {  	s30 =	sadd.s32 $0x2980, s1;
	[sflag:s23] =	ssyncadd.s32 $0xFFFFE000  }
0xcc: {  	[spmem:s2] =	stream.indirect.scatter.add.f32 [tilespmem:s18], [sflag:$0x2], $0x40, s30, s14, $0xb8;
	[tilespmem:$0x1EE00] =	vst v63  }
0xcd: {  	_ =	swait.ge [sflag:s23], $0x2000  }
0xce: {  	[sflag:s23] =	ssyncset.done $0x0  }
0xcf: {  	s31 =	sadd.s32 $0x2A00, s1;
	[sflag:s23] =	ssyncadd.s32 $0xFFFFE000  }
0xd0: {  	[spmem:s2] =	stream.indirect.scatter.add.f32 [tilespmem:s19], [sflag:$0x2], $0x40, s31, s14, $0xb8;
	[tilespmem:$0x1EE00] =	vst v63  }
0xd1: {  	_ =	swait.ge [sflag:s23], $0x2000  }
0xd2: {  	[sflag:s23] =	ssyncset.done $0x0  }
0xd3: {  	s30 =	sadd.s32 $0x2A80, s1;
	[sflag:s23] =	ssyncadd.s32 $0xFFFFE000  }
0xd4: {  	[spmem:s2] =	stream.indirect.scatter.add.f32 [tilespmem:s20], [sflag:$0x2], $0x40, s30, s14, $0xb8;
	[tilespmem:$0x1EE00] =	vst v63  }
0xd5: {  	_ =	swait.ge [sflag:s23], $0x2000  }
0xd6: {  	[sflag:s23] =	ssyncset.done $0x0  }
0xd7: {  	s31 =	sadd.s32 $0x2B00, s1;
	[sflag:s23] =	ssyncadd.s32 $0xFFFFE000  }
0xd8: {  	[spmem:s2] =	stream.indirect.scatter.add.f32 [tilespmem:s21], [sflag:$0x2], $0x40, s31, s14, $0xb8;
	[tilespmem:$0x1EE00] =	vst v63  }
0xd9: {  	_ =	swait.ge [sflag:s23], $0x2000  }
0xda: {  	[sflag:s23] =	ssyncset.done $0x0  }
0xdb: {  	s1 =	sadd.s32 $0x2B80, s1;
	[sflag:s23] =	ssyncadd.s32 $0xFFFFE000  }
0xdc: {  	[spmem:s2] =	stream.indirect.scatter.add.f32 [tilespmem:s22], [sflag:$0x2], $0x40, s1, s14, $0xb8;
	[tilespmem:$0x1EE00] =	vst v63  }
0xdd: {  	_ =	swait.ge [sflag:s24], $0x2000  }
0xde: {  	[sflag:s24] =	ssyncset.done $0x0  }
0xdf: {  	[sflag:s24] =	ssyncadd.s32 $0xFFFFE000  }
0xe0: {  	_ =	swait.ge [sflag:s24], $0x2000  }
0xe1: {  	[sflag:s24] =	ssyncset.done $0x0  }
0xe2: {  	[sflag:s24] =	ssyncadd.s32 $0xFFFFE000  }
0xe3: {  	_ =	swait.ge [sflag:s24], $0x2000  }
0xe4: {  	[sflag:s24] =	ssyncset.done $0x0  }
0xe5: {  	[sflag:s24] =	ssyncadd.s32 $0xFFFFE000  }
0xe6: {  	_ =	swait.ge [sflag:s24], $0x2000  }
0xe7: {  	[sflag:s24] =	ssyncset.done $0x0  }
0xe8: {  	[sflag:s24] =	ssyncadd.s32 $0xFFFFE000  }
0xe9: {  	_ =	swait.ge [sflag:s24], $0x2000  }
0xea: {  	[sflag:s24] =	ssyncset.done $0x0  }
0xeb: {  	[sflag:s24] =	ssyncadd.s32 $0xFFFFE000  }
0xec: {  	_ =	swait.ge [sflag:s24], $0x2000  }
0xed: {  	[sflag:s24] =	ssyncset.done $0x0  }
0xee: {  	[sflag:s24] =	ssyncadd.s32 $0xFFFFE000  }
0xef: {  	_ =	swait.ge [sflag:s24], $0x2000  }
0xf0: {  	[sflag:s24] =	ssyncset.done $0x0  }
0xf1: {  	[sflag:s24] =	ssyncadd.s32 $0xFFFFE000  }
0xf2: {  	_ =	swait.ge [sflag:s24], $0x2000  }
0xf3: {  	s28 =	sadd.s32 $0x1, s28;
	[sflag:s24] =	ssyncset.done $0x0  }
0xf4: {  	p0 =	sne.s32 s28, s10;
	[sflag:s24] =	ssyncadd.s32 $0xFFFFE000  }
.Ltmp1:
0xf5: {  	[bflag:$0x0] =	sbarrier.arrive $0xFFFF;
	(pc) =	sbr.rel @p0 .LBB2_1-.Ltmp1, $4  }
0xf6: {  	[hbm:s9@s25], [sflag:s6] =	dma.strided [spmem:s11@s26], $0x13C0, s23, $0x8   }
0xf7: {  	_ =	swait.ge [sflag:s12], $0x13C0  }
0xf8: {  	[sflag:s12] =	ssyncset.done $0x0  }
0xf9: {  	[sflag:s12] =	ssyncadd.s32 $0xFFFFEC40  }
0xfa: {  	_ =	sfence.sel $0x180000  }
0xfb: {  	[bflag:$0x0] =	sbarrier.arrive $0xFFFF  }
0xfc: {  	_ =	strace $0x9000004D  }
0xfd: {  	[bflag:$0x2] =	sbarrier.arrive $0xFFFF  }
0xfe: {  	p0 =	sne.s32 s0, $0x0;
	s0 =	rddreg [dreg:$0x2]  }
0xff: {  	s0 =	sadd.s32 @!p0 $0x100000, s0  }
0x100: {  	[sflag:s0] =	ssyncadd.tile.s32 @!p0 $0x1;
	_ =	shalt  }
.Lfunc_end2:
_tile_overlayer_lowered:
.L_overlay_start_2:
0x101: {  	(tag) =	ssettag $0x2  }
0x102: {  	s0 =	rddreg [dreg:$0x0];
	s2 =	stileid.u32  }
0x103: {  	s1 =	rddreg [dreg:$0x1];
	p0 =	sne.s32 s2, $0x0  }
0x104: {  	s3 =	rddreg [dreg:$0x2];
	[bflag:$0x3] =	sbarrier.arrive $0xFFFF;
	s2 =	simm.s32 @!p0 $0x1C03  }
0x105: {  	[timem:s3], [sflag:s2] =	dma.local @!p0 [hbm:s0], s1  }
0x106: {  	s0 =	simm.s32 @!p0 $0x3  }
0x107: {  	_ =	swait.ge @!p0 [sflag:s0], s1  }
0x108: {  	s1 =	ssub.s32 @!p0 $0x0, s1;
	[sflag:s0] =	ssyncset.done @!p0 $0x0  }
0x109: {  	[sflag:s0] =	ssyncadd.s32 @!p0 s1  }
0x10a: {  	[bflag:$0x3] =	sbarrier.arrive $0xFFFF  }
0x10b: {  	_ =	shalt  }

// kernel: kernel.19.cloned.1.call-start
scs
__scs_entry_jumppad:
0x0: {  	(pc) =	sbr.rel $0x88, $3  }
0x1: {  	(tag) =	ssettag $0x0;
	lr =	simm.s32 $0x1  }
0x2: {  	[smem:$0x3F98] =	sst lr;
	_ =	strace $0xD0000000  }
0x3: {  	_ = 	snop  }
0x4: {  	_ = 	snop  }
0x5: {  	_ = 	snop  }
0x6: {  	_ = 	snop  }
0x7: {  	_ = 	snop  }
__scs_overlays_trampoline_lowered:
0x8: {  	[smem:$0x3FA7] =	sst s0  }
0x9: {  	[smem:$0x3FA8] =	sst s1  }
0xa: {  	[smem:$0x3FA9] =	sst s2  }
0xb: {  	[smem:$0x3FAA] =	sst s3  }
0xc: {  	[smem:$0x3FAB] =	sst s4  }
0xd: {  	[smem:$0x3FAC] =	sst s5  }
0xe: {  	[smem:$0x3FAD] =	sst s6  }
0xf: {  	[smem:$0x3FAE] =	sst s7  }
0x10: {  	[smem:$0x3FAF] =	sst s8  }
0x11: {  	[smem:$0x3FB0] =	sst s9;
	s0 =	simm.s32 @!p0 $0x0  }
0x12: {  	s1 =	sld [smem:$0x3F96];
	s0 =	simm.s32 @p0 $0x1  }
0x13: {  	[smem:$0x3FB1] =	sst s0;
	s0 =	simm.s32 @!p1 $0x0  }
0x14: {  	s2 =	sld [smem:$0x3F95];
	s0 =	simm.s32 @p1 $0x1  }
0x15: {  	[smem:$0x3FB2] =	sst s0;
	s0 =	simm.s32 @!p2 $0x0  }
0x16: {  	s3 =	sld [smem:$0x3FDB];
	s0 =	simm.s32 @p2 $0x1  }
0x17: {  	s4 =	simm.s32 $0x1BF5;
	[smem:$0x3FB4] =	sst s0  }
0x18: {  	s0 =	sld [smem:$0x3F97];
	_ =	swait.ge [sflag:s4], $0x0  }
0x19: {  	s7 =	sld [smem:$0x3F98]  }
0x1a: {  	s8 =	sadd.s32 $0xFFFFE003, lr  }
0x1b: {  	s9 =	sadd.s32 $0xFFFFFEF7, lr;
	s5 =	simm.s32 $0xFFFFFFFF;
	p2 =	slt.u32 s8, $0xFFFFF086  }
0x1c: {  	p1 =	slt.u32 s9, $0xF7A;
	s5 =	simm.s32 @!p2 $0x0  }
0x1d: {  	s5 =	simm.s32 @p1 $0x1;
	p0 =	seq.s32 s7, s2  }
0x1e: {  	s7 =	smul.u32 @!p0 $0xF7A, s2;
	p2 =	seq.s32 @!p0 s5, $0x0  }
0x1f: {  	s9 =	smul.u32 $0xF7A, s1;
	s8 =	simm.s32 @!p0 $0x1BF5;
	p2 =	por !p2, p0  }
0x20: {  	[sflag:s8] =	ssyncset.s32 @!p0 $0xFFFFF086;
	s6 =	sadd.s32 @!p0 s3, s7;
	s7 =	simm.s32 @!p0 $0x108  }
0x21: {  	s3 =	sadd.s32 s3, s9;
	s6 =	sadd.s32 @!p0 $0x88, s6;
	s7 =	simm.s32 @p2 $0x1082  }
0x22: {  	[simem:s7], [sflag:s8] =	dma.local @!p0 [hbm:s6], $0xF7A  }
0x23: {  	s9 =	sor.u32 $0xD0000000, s2;
	s6 =	simm.s32 $0x108;
	_ =	swait.ge @!p0 [sflag:s8], $0x0  }
0x24: {  	s3 =	sadd.s32 $0x88, s3;
	s6 =	simm.s32 @!p1 $0x1082;
	[sflag:s4] =	ssyncset.s32 $0xFFFFF086  }
0x25: {  	[simem:s6], [sflag:s4] =	dma.local [hbm:s3], $0xF7A  }
0x26: {  	[smem:$0x3F98] =	sst s1;
	(tag) =	ssettag s2;
	_ =	strace s9  }
0x27: {  	s1 =	sld [smem:$0x3FA8]  }
0x28: {  	s2 =	sld [smem:$0x3FA9]  }
0x29: {  	s4 =	sld [smem:$0x3FAB]  }
0x2a: {  	p0 =	seq.s32 s5, $0x0;
	s5 =	sld [smem:$0x3FAC]  }
0x2b: {  	s6 =	sld [smem:$0x3FAD]  }
0x2c: {  	s7 =	sld [smem:$0x3FAE]  }
0x2d: {  	s3 =	simm.s32 $0x108;
	s8 =	sld [smem:$0x3FAF]  }
0x2e: {  	s3 =	simm.s32 @!p0 $0x1082;
	s9 =	sld [smem:$0x3FB0]  }
0x2f: {  	lr =	sadd.s32 s0, s3;
	s0 =	sld [smem:$0x3FA7]  }
0x30: {  	s3 =	sld [smem:$0x3FAA]  }
0x31: {  	[smem:$0x3FB3] =	sst s10  }
0x32: {  	s10 =	sld [smem:$0x3FB1];
	_ =	sdelay $0x3  }
0x33: {  	p0 =	seq.s32 s10, $0x1;
	s10 =	sld [smem:$0x3FB3];
	_ =	sdelay $0x3  }
0x34: {  	[smem:$0x3FB3] =	sst s10  }
0x35: {  	s10 =	sld [smem:$0x3FB2];
	_ =	sdelay $0x3  }
0x36: {  	p1 =	seq.s32 s10, $0x1;
	s10 =	sld [smem:$0x3FB3];
	_ =	sdelay $0x3  }
0x37: {  	[smem:$0x3FB3] =	sst s10  }
0x38: {  	s10 =	sld [smem:$0x3FB4]  }
0x39: {  	_ = 	snop;
	(pc) =	sbr.ind lr, $3  }
0x3a: {  	_ = 	snop  }
0x3b: {  	_ = 	snop  }
0x3c: {  	p2 =	seq.s32 s10, $0x1;
	s10 =	sld [smem:$0x3FB3]  }
0x3d: {  	_ =	shalt  }
0x3e: {  	_ =	shalt  }
0x3f: {  	_ =	shalt  }
0x40: {  	_ =	shalt  }
0x41: {  	_ =	shalt  }
0x42: {  	_ =	shalt  }
0x43: {  	_ =	shalt  }
0x44: {  	_ =	shalt  }
0x45: {  	_ =	shalt  }
0x46: {  	_ =	shalt  }
0x47: {  	_ =	shalt  }
0x48: {  	_ =	shalt  }
0x49: {  	_ =	shalt  }
0x4a: {  	_ =	shalt  }
0x4b: {  	_ =	shalt  }
0x4c: {  	_ =	shalt  }
0x4d: {  	_ =	shalt  }
0x4e: {  	_ =	shalt  }
0x4f: {  	_ =	shalt  }
0x50: {  	_ =	shalt  }
0x51: {  	_ =	shalt  }
0x52: {  	_ =	shalt  }
0x53: {  	_ =	shalt  }
0x54: {  	_ =	shalt  }
0x55: {  	_ =	shalt  }
0x56: {  	_ =	shalt  }
0x57: {  	_ =	shalt  }
0x58: {  	_ =	shalt  }
0x59: {  	_ =	shalt  }
0x5a: {  	_ =	shalt  }
0x5b: {  	_ =	shalt  }
0x5c: {  	_ =	shalt  }
0x5d: {  	_ =	shalt  }
0x5e: {  	_ =	shalt  }
0x5f: {  	_ =	shalt  }
0x60: {  	_ =	shalt  }
0x61: {  	_ =	shalt  }
0x62: {  	_ =	shalt  }
0x63: {  	_ =	shalt  }
0x64: {  	_ =	shalt  }
0x65: {  	_ =	shalt  }
0x66: {  	_ =	shalt  }
0x67: {  	_ =	shalt  }
0x68: {  	_ =	shalt  }
0x69: {  	_ =	shalt  }
0x6a: {  	_ =	shalt  }
0x6b: {  	_ =	shalt  }
0x6c: {  	_ =	shalt  }
0x6d: {  	_ =	shalt  }
0x6e: {  	_ =	shalt  }
0x6f: {  	_ =	shalt  }
0x70: {  	_ =	shalt  }
0x71: {  	_ =	shalt  }
0x72: {  	_ =	shalt  }
0x73: {  	_ =	shalt  }
0x74: {  	_ =	shalt  }
0x75: {  	_ =	shalt  }
0x76: {  	_ =	shalt  }
0x77: {  	_ =	shalt  }
0x78: {  	_ =	shalt  }
0x79: {  	_ =	shalt  }
0x7a: {  	_ =	shalt  }
0x7b: {  	_ =	shalt  }
0x7c: {  	_ =	shalt  }
0x7d: {  	_ =	shalt  }
0x7e: {  	_ =	shalt  }
0x7f: {  	_ =	shalt  }
0x80: {  	_ =	shalt  }
0x81: {  	_ =	shalt  }
0x82: {  	_ =	shalt  }
0x83: {  	_ =	shalt  }
0x84: {  	_ =	shalt  }
0x85: {  	_ =	shalt  }
0x86: {  	_ =	shalt  }
0x87: {  	_ =	shalt  }
.Lfunc_end0:
.L_simem_size_0:
called_computation.3_lowered:
.L_overlay_start_0:
0x88: {  	s2 =	sld [smem:$0x3FD9]  }
0x89: {  	s3 =	sld [smem:$0x3FFE];
	_ =	sdelay $0x1  }
0x8a: {  	s1 =	srdreg.scid  }
0x8b: {  	s0 =	sand.u32 $0x1, s1  }
0x8c: {  	s16 =	sshll.u32 s0, $0xA;
	s2 =	sadd.s32 s3, s2  }
0x8d: {  	s2 =	sadd.s32 s2, s16  }
0x8e: {  	[smem:$0x3FBF] =	sst s2  }
0x8f: {  	_ = 	snop  }
0x90: {  	(tm) =	ssettm $0x1  }
0x91: {  	s17 =	sld [smem:$0x3FFB];
	_ =	sdelay $0x3  }
0x92: {  	_ =	strace s17  }
0x93: {  	s2 =	sld [smem:$0x3FFC];
	_ =	sdelay $0x3  }
0x94: {  	_ =	strace s2  }
0x95: {  	s2 =	sld [smem:$0x3FFD];
	_ =	sdelay $0x3  }
0x96: {  	_ =	strace s2  }
0x97: {  	_ =	strace $0x8FFFFFFF  }
0x98: {  	s18 =	sld [smem:$0x3FDB];
	_ =	sdelay $0x1  }
0x99: {  	s19 =	simm.s32 $_scs_section_size  }
0x9a: {  	s4 =	simm.s32 $_size__tile_overlayer_lowered;
	s5 =	simm.s32 $_tile_overlayer_lowered  }
0x9b: {  	s22 =	simm.s32 $0x1BFF;
	s21 =	sshll.u32 s5, $0x1;
	s2 =	sadd.s32 s19, s18  }
0x9c: {  	s6 =	simm.s32 $0x0;
	s20 =	sshll.u32 s4, $0x1;
	s4 =	sadd.s32 s21, s2  }
0x9d: {  	[timem:s6], [sflag:s22] =	dma.local [hbm:s4], s20  }
0x9e: {  	_ =	swait.ge [sflag:s22], s20  }
0x9f: {  	s3 =	ssub.s32 $0x0, s20;
	[sflag:s22] =	ssyncset.done $0x0  }
0xa0: {  	[sflag:s22] =	ssyncadd.s32 s3;
	_ =	sdelay $0x1  }
0xa1: {  	s23 =	simm.s32 $0x1B8B  }
0xa2: {  	_ =	swait.ge [sflag:s23], $0x1  }
0xa3: {  	[sflag:s23] =	ssyncset.done $0x0  }
0xa4: {  	s25 =	simm.s32 $0x1B8E;
	s24 =	sld [smem:$0x3FFE];
	[sflag:s23] =	ssyncadd.s32 $0xFFFFFFFF  }
0xa5: {  	s26 =	simm.s32 $execute0_lowered;
	[smem:$0x3FD2] =	sst s25  }
0xa6: {  	s4 =	sshll.u32 s26, $0x1;
	_ =	strace $0x8000004F;
	[dreg:$0x1] =	wrdreg $0xFFFFFFFF  }
0xa7: {  	s28 =	simm.s32 $_size_execute0_lowered;
	s2 =	sadd.s32 s2, s4;
	[dreg:$0x0] =	wrdreg $0x0  }
0xa8: {  	s4 =	sshll.u32 s28, $0x1;
	[dreg:$0x2] =	wrdreg s2  }
0xa9: {  	[dreg:$0x3] =	wrdreg s4  }
0xaa: {  	[dreg:$0x4] =	wrdreg $0xC0  }
0xab: {  	_ =	task [dreg:s6], $0x5FFFF  }
0xac: {  	[dreg:$0x1] =	wrdreg $0xFFFFFFFF  }
0xad: {  	[dreg:$0x0] =	wrdreg $0x60  }
0xae: {  	[dreg:$0x2] =	wrdreg s24  }
0xaf: {  	[dreg:$0x3] =	wrdreg $0x150000  }
0xb0: {  	[dreg:$0x4] =	wrdreg $0x9  }
0xb1: {  	_ =	task.clear_ibuf [dreg:s6], $0x5FFFF;
	_ =	strace $0x9000004F  }
0xb2: {  	s29 =	simm.s32 $0x9;
	_ =	strace $0x80000051  }
0xb3: {  	_ =	swait.ge [sflag:s29], $0x1  }
0xb4: {  	[sflag:s29] =	ssyncadd.s32 $0xFFFFFFFF  }
0xb5: {  	_ =	strace $0x90000051  }
0xb6: {  	_ =	sfence  }
0xb7: {  	s30 =	sld [smem:$0x0];
	_ =	sdelay $0x2  }
0xb8: {  	s31 =	sshll.u32 s1, $0xD;
	s1 =	sshrl.u32 s1, $0x2  }
0xb9: {  	s3 =	sand.u32 $0x4000, s31;
	s1 =	sadd.s32 s1, s30  }
0xba: {  	s0 =	sor.u32 s3, s0;
	s1 =	sshll.u32 s1, $0x11  }
0xbb: {  	s0 =	sor.u32 s1, s0  }
0xbc: {  	s0 =	sadd.s32 $0x8F2B, s0  }
0xbd: {  	[sflag:s0] =	ssyncadd.remote.s32 $0x1  }
0xbe: {  	_ =	sfence.sel $0xFFFF  }
0xbf: {  	[dreg:$0x0] =	wrdreg $0xFFFFFFFF;
	(pc) =	sbr.abs _section_cstart, $3  }
0xc0: {  	[dreg:$0x1] =	wrdreg $0xFFFFFFFF  }
0xc1: {  	_ =	task.clear_ibuf [dreg:s6], $0x2FFFF;
	_ =	strace $0x9FFFFFFF  }
0xc2: {  	(tm) =	ssettm $0x7FFFFFFF  }
0xc3: {  	_ =	shalt  }
tec
execute0_lowered:
.L_overlay_start_1:
0x0: {  	(tag) =	ssettag $0x1  }
0x1: {  	s5 =	rddreg [dreg:$0x0]  }
0x2: {  	s0 =	srdreg.scid;
	s2 =	rddreg [dreg:$0x1];
	s13 =	simm.s32 $0x2800  }
0x3: {  	s14 =	simm.s32 $0x80;
	s15 =	simm.s32 $0x5000;
	s16 =	simm.s32 $0x7000  }
0x4: {  	s17 =	simm.s32 $0x9000;
	s18 =	simm.s32 $0xB000;
	s19 =	simm.s32 $0xD000  }
0x5: {  	s20 =	simm.s32 $0xF000;
	s21 =	simm.s32 $0x11000;
	s22 =	simm.s32 $0x13000  }
0x6: {  	s23 =	simm.s32 $0x1;
	s1 =	sand.u32 $0x1, s0;
	s0 =	stileid.u32  }
0x7: {  	s24 =	simm.s32 $0x2;
	s25 =	simm.s32 $0x10;
	s7 =	smul.u32 $0x9E00, s0  }
0x8: {  	s28 =	simm.s32 $0x0;
	s3 =	sshll.u32 s1, $0x4;
	s8 =	smul.u32 $0x13C00, s0  }
0x9: {  	s26 =	sshll.u32 s1, $0x6;
	s1 =	ssub.s32 $0x2, s1;
	s31 =	sshll.u32 s0, $0x6  }
0xa: {  	s4 =	sor.u32 s0, s3;
	s3 =	simm.s32 $0x0;
	s30 =	sshrl.u32 s1, $0x1  }
0xb: {  	s6 =	smul.u32 $0x500, s4;
	[smem:$0x7FF] =	sst s3;
	s4 =	sadd.s32 $0x17E00, s5  }
0xc: {  	s10 =	sshrl.u32 s7, $0x3;
	s1 =	ssub.s32 s1, s30;
	s12 =	sadd.s32 s7, s2  }
0xd: {  	_ =	strace $0x80000050;
	s29 =	sadd.s32 s10, s5;
	s10 =	smax.u32 s1, $0x1  }
0xe: {  	s9 =	sadd.s32 s6, s5;
	s6 =	sor.u32 s26, s8;
	s26 =	simm.s32 $0x8  }
0xf: {  	s6 =	sshrl.u32 s6, $0x3;
	s7 =	sadd.s32 $0xDE00, s9;
	s8 =	sadd.s32 $0x3E00, s9  }
0x10: {  	s11 =	sadd.s32 s6, s5;
	s5 =	sadd.s32 $0x3F000, s29;
	s6 =	sor.u32 $0x1C03, s31  }
0x11: {  	s9 =	sadd.s32 $0x52C00, s11;
	s11 =	sshrl.u32 s12, $0x3;
	s12 =	simm.s32 $0x3  }
.LBB2_1:
0x12: {  	[spmem:s11], [sflag:s6] =	dma.local [hbm:s5], $0x13C0  }
0x13: {  	_ =	swait.ge [sflag:s12], $0x13C0  }
0x14: {  	[sflag:s12] =	ssyncset.done $0x0  }
0x15: {  	[sflag:s12] =	ssyncadd.s32 $0xFFFFEC40  }
0x16: {  	[tilespmem:s3], [sflag:$0x3] =	stream.linear.gather [hbm4b:s7+s3], $0x2800, $0x38;
	[tilespmem:$0x1EE00] =	vst v63  }
0x17: {  	_ =	swait.ge [sflag:s12], $0x2800  }
0x18: {  	[sflag:s12] =	ssyncset.done $0x0  }
0x19: {  	[sflag:s12] =	ssyncadd.s32 $0xFFFFD800  }
0x1a: {  	[tilespmem:s13], [sflag:$0x3] =	stream.linear.gather [hbm4b:s8+s3], $0x2800, $0x38;
	[tilespmem:$0x1EE00] =	vst v63  }
0x1b: {  	_ =	swait.ge [sflag:s12], $0x2800  }
0x1c: {  	[sflag:s12] =	ssyncset.done $0x0  }
0x1d: {  	[sflag:s12] =	ssyncadd.s32 $0xFFFFD800  }
0x1e: {  	s1 =	simm.s32 $0x0;
	[bflag:$0x0] =	sbarrier.arrive $0xFFFF  }
0x1f: {  	[tilespmem:s15], [sflag:$0x1] =	stream.indirect.gather [hbm4b:s4+s14], $0x40, s1, s14, $0xb8;
	[tilespmem:$0x1EE00] =	vst v63  }
0x20: {  	s31 =	simm.s32 $0x80  }
0x21: {  	[tilespmem:s16], [sflag:$0x1] =	stream.indirect.gather [hbm4b:s4+s14], $0x40, s31, s14, $0xb8;
	[tilespmem:$0x1EE00] =	vst v63  }
0x22: {  	s31 =	simm.s32 $0x100  }
0x23: {  	[tilespmem:s17], [sflag:$0x1] =	stream.indirect.gather [hbm4b:s4+s14], $0x40, s31, s14, $0xb8;
	[tilespmem:$0x1EE00] =	vst v63  }
0x24: {  	s31 =	simm.s32 $0x180  }
0x25: {  	[tilespmem:s18], [sflag:$0x1] =	stream.indirect.gather [hbm4b:s4+s14], $0x40, s31, s14, $0xb8;
	[tilespmem:$0x1EE00] =	vst v63  }
0x26: {  	s31 =	simm.s32 $0x200  }
0x27: {  	[tilespmem:s19], [sflag:$0x1] =	stream.indirect.gather [hbm4b:s4+s14], $0x40, s31, s14, $0xb8;
	[tilespmem:$0x1EE00] =	vst v63  }
0x28: {  	s31 =	simm.s32 $0x280  }
0x29: {  	[tilespmem:s20], [sflag:$0x1] =	stream.indirect.gather [hbm4b:s4+s14], $0x40, s31, s14, $0xb8;
	[tilespmem:$0x1EE00] =	vst v63  }
0x2a: {  	s31 =	simm.s32 $0x300  }
0x2b: {  	[tilespmem:s21], [sflag:$0x1] =	stream.indirect.gather [hbm4b:s4+s14], $0x40, s31, s14, $0xb8;
	[tilespmem:$0x1EE00] =	vst v63  }
0x2c: {  	s31 =	simm.s32 $0x380  }
0x2d: {  	[tilespmem:s22], [sflag:$0x1] =	stream.indirect.gather [hbm4b:s4+s14], $0x40, s31, s14, $0xb8;
	[tilespmem:$0x1EE00] =	vst v63  }
0x2e: {  	_ =	swait.ge [sflag:s23], $0x2000  }
0x2f: {  	[sflag:s23] =	ssyncset.done $0x0  }
0x30: {  	s31 =	simm.s32 $0x2800;
	[sflag:s23] =	ssyncadd.s32 $0xFFFFE000  }
0x31: {  	[spmem:s2] =	stream.indirect.scatter.add.f32 [tilespmem:s15], [sflag:$0x2], $0x40, s31, s14, $0xb8;
	[tilespmem:$0x1EE00] =	vst v63  }
0x32: {  	_ =	swait.ge [sflag:s23], $0x2000  }
0x33: {  	[sflag:s23] =	ssyncset.done $0x0  }
0x34: {  	s31 =	simm.s32 $0x2880;
	[sflag:s23] =	ssyncadd.s32 $0xFFFFE000  }
0x35: {  	[spmem:s2] =	stream.indirect.scatter.add.f32 [tilespmem:s16], [sflag:$0x2], $0x40, s31, s14, $0xb8;
	[tilespmem:$0x1EE00] =	vst v63  }
0x36: {  	_ =	swait.ge [sflag:s23], $0x2000  }
0x37: {  	[sflag:s23] =	ssyncset.done $0x0  }
0x38: {  	s31 =	simm.s32 $0x2900;
	[sflag:s23] =	ssyncadd.s32 $0xFFFFE000  }
0x39: {  	[spmem:s2] =	stream.indirect.scatter.add.f32 [tilespmem:s17], [sflag:$0x2], $0x40, s31, s14, $0xb8;
	[tilespmem:$0x1EE00] =	vst v63  }
0x3a: {  	_ =	swait.ge [sflag:s23], $0x2000  }
0x3b: {  	[sflag:s23] =	ssyncset.done $0x0  }
0x3c: {  	s31 =	simm.s32 $0x2980;
	[sflag:s23] =	ssyncadd.s32 $0xFFFFE000  }
0x3d: {  	[spmem:s2] =	stream.indirect.scatter.add.f32 [tilespmem:s18], [sflag:$0x2], $0x40, s31, s14, $0xb8;
	[tilespmem:$0x1EE00] =	vst v63  }
0x3e: {  	_ =	swait.ge [sflag:s23], $0x2000  }
0x3f: {  	[sflag:s23] =	ssyncset.done $0x0  }
0x40: {  	s31 =	simm.s32 $0x2A00;
	[sflag:s23] =	ssyncadd.s32 $0xFFFFE000  }
0x41: {  	[spmem:s2] =	stream.indirect.scatter.add.f32 [tilespmem:s19], [sflag:$0x2], $0x40, s31, s14, $0xb8;
	[tilespmem:$0x1EE00] =	vst v63  }
0x42: {  	_ =	swait.ge [sflag:s23], $0x2000  }
0x43: {  	[sflag:s23] =	ssyncset.done $0x0  }
0x44: {  	s31 =	simm.s32 $0x2A80;
	[sflag:s23] =	ssyncadd.s32 $0xFFFFE000  }
0x45: {  	[spmem:s2] =	stream.indirect.scatter.add.f32 [tilespmem:s20], [sflag:$0x2], $0x40, s31, s14, $0xb8;
	[tilespmem:$0x1EE00] =	vst v63  }
0x46: {  	_ =	swait.ge [sflag:s23], $0x2000  }
0x47: {  	[sflag:s23] =	ssyncset.done $0x0  }
0x48: {  	s31 =	simm.s32 $0x2B00;
	[sflag:s23] =	ssyncadd.s32 $0xFFFFE000  }
0x49: {  	[spmem:s2] =	stream.indirect.scatter.add.f32 [tilespmem:s21], [sflag:$0x2], $0x40, s31, s14, $0xb8;
	[tilespmem:$0x1EE00] =	vst v63  }
0x4a: {  	_ =	swait.ge [sflag:s23], $0x2000  }
0x4b: {  	[sflag:s23] =	ssyncset.done $0x0  }
0x4c: {  	s31 =	simm.s32 $0x2B80;
	[sflag:s23] =	ssyncadd.s32 $0xFFFFE000  }
0x4d: {  	[spmem:s2] =	stream.indirect.scatter.add.f32 [tilespmem:s22], [sflag:$0x2], $0x40, s31, s14, $0xb8;
	[tilespmem:$0x1EE00] =	vst v63  }
0x4e: {  	_ =	swait.ge [sflag:s24], $0x2000  }
0x4f: {  	[sflag:s24] =	ssyncset.done $0x0  }
0x50: {  	[sflag:s24] =	ssyncadd.s32 $0xFFFFE000  }
0x51: {  	_ =	swait.ge [sflag:s24], $0x2000  }
0x52: {  	[sflag:s24] =	ssyncset.done $0x0  }
0x53: {  	[sflag:s24] =	ssyncadd.s32 $0xFFFFE000  }
0x54: {  	_ =	swait.ge [sflag:s24], $0x2000  }
0x55: {  	[sflag:s24] =	ssyncset.done $0x0  }
0x56: {  	[sflag:s24] =	ssyncadd.s32 $0xFFFFE000  }
0x57: {  	_ =	swait.ge [sflag:s24], $0x2000  }
0x58: {  	[sflag:s24] =	ssyncset.done $0x0  }
0x59: {  	[sflag:s24] =	ssyncadd.s32 $0xFFFFE000  }
0x5a: {  	_ =	swait.ge [sflag:s24], $0x2000  }
0x5b: {  	[sflag:s24] =	ssyncset.done $0x0  }
0x5c: {  	[sflag:s24] =	ssyncadd.s32 $0xFFFFE000  }
0x5d: {  	_ =	swait.ge [sflag:s24], $0x2000  }
0x5e: {  	[sflag:s24] =	ssyncset.done $0x0  }
0x5f: {  	[sflag:s24] =	ssyncadd.s32 $0xFFFFE000  }
0x60: {  	_ =	swait.ge [sflag:s24], $0x2000  }
0x61: {  	[sflag:s24] =	ssyncset.done $0x0  }
0x62: {  	[sflag:s24] =	ssyncadd.s32 $0xFFFFE000  }
0x63: {  	_ =	swait.ge [sflag:s24], $0x2000  }
0x64: {  	s29 =	simm.s32 $0x1000;
	s30 =	simm.s32 $0x2000;
	[sflag:s24] =	ssyncset.done $0x0  }
.LBB2_2:
0x65: {  	s31 =	sshra.s32 s29, $0x2  }
0x66: {  	[sflag:s24] =	ssyncadd.s32 $0xFFFFE000;
	s29 =	smov.u32 s30;
	s1 =	sadd.s32 $0x1000, s30  }
0x67: {  	[tilespmem:s15], [sflag:$0x1] =	stream.indirect.gather [hbm4b:s4+s14], $0x40, s31, s14, $0xb8;
	[tilespmem:$0x1EE00] =	vst v63  }
0x68: {  	p0 =	sne.s32 s30, $0x9000;
	s30 =	sadd.s32 $0x80, s31  }
0x69: {  	[tilespmem:s16], [sflag:$0x1] =	stream.indirect.gather [hbm4b:s4+s14], $0x40, s30, s14, $0xb8;
	[tilespmem:$0x1EE00] =	vst v63  }
0x6a: {  	s30 =	sadd.s32 $0x100, s31  }
0x6b: {  	[tilespmem:s17], [sflag:$0x1] =	stream.indirect.gather [hbm4b:s4+s14], $0x40, s30, s14, $0xb8;
	[tilespmem:$0x1EE00] =	vst v63  }
0x6c: {  	s30 =	sadd.s32 $0x180, s31  }
0x6d: {  	[tilespmem:s18], [sflag:$0x1] =	stream.indirect.gather [hbm4b:s4+s14], $0x40, s30, s14, $0xb8;
	[tilespmem:$0x1EE00] =	vst v63  }
0x6e: {  	s30 =	sadd.s32 $0x200, s31  }
0x6f: {  	[tilespmem:s19], [sflag:$0x1] =	stream.indirect.gather [hbm4b:s4+s14], $0x40, s30, s14, $0xb8;
	[tilespmem:$0x1EE00] =	vst v63  }
0x70: {  	s30 =	sadd.s32 $0x280, s31  }
0x71: {  	[tilespmem:s20], [sflag:$0x1] =	stream.indirect.gather [hbm4b:s4+s14], $0x40, s30, s14, $0xb8;
	[tilespmem:$0x1EE00] =	vst v63  }
0x72: {  	s30 =	sadd.s32 $0x300, s31  }
0x73: {  	[tilespmem:s21], [sflag:$0x1] =	stream.indirect.gather [hbm4b:s4+s14], $0x40, s30, s14, $0xb8;
	[tilespmem:$0x1EE00] =	vst v63  }
0x74: {  	s30 =	sadd.s32 $0x380, s31  }
0x75: {  	[tilespmem:s22], [sflag:$0x1] =	stream.indirect.gather [hbm4b:s4+s14], $0x40, s30, s14, $0xb8;
	[tilespmem:$0x1EE00] =	vst v63  }
0x76: {  	_ =	swait.ge [sflag:s23], $0x2000  }
0x77: {  	[sflag:s23] =	ssyncset.done $0x0  }
0x78: {  	s30 =	sadd.s32 $0x2800, s31;
	[sflag:s23] =	ssyncadd.s32 $0xFFFFE000  }
0x79: {  	[spmem:s2] =	stream.indirect.scatter.add.f32 [tilespmem:s15], [sflag:$0x2], $0x40, s30, s14, $0xb8;
	[tilespmem:$0x1EE00] =	vst v63  }
0x7a: {  	_ =	swait.ge [sflag:s23], $0x2000  }
0x7b: {  	[sflag:s23] =	ssyncset.done $0x0  }
0x7c: {  	s30 =	sadd.s32 $0x2880, s31;
	[sflag:s23] =	ssyncadd.s32 $0xFFFFE000  }
0x7d: {  	[spmem:s2] =	stream.indirect.scatter.add.f32 [tilespmem:s16], [sflag:$0x2], $0x40, s30, s14, $0xb8;
	[tilespmem:$0x1EE00] =	vst v63  }
0x7e: {  	_ =	swait.ge [sflag:s23], $0x2000  }
0x7f: {  	[sflag:s23] =	ssyncset.done $0x0  }
0x80: {  	s30 =	sadd.s32 $0x2900, s31;
	[sflag:s23] =	ssyncadd.s32 $0xFFFFE000  }
0x81: {  	[spmem:s2] =	stream.indirect.scatter.add.f32 [tilespmem:s17], [sflag:$0x2], $0x40, s30, s14, $0xb8;
	[tilespmem:$0x1EE00] =	vst v63  }
0x82: {  	_ =	swait.ge [sflag:s23], $0x2000  }
0x83: {  	[sflag:s23] =	ssyncset.done $0x0  }
0x84: {  	s30 =	sadd.s32 $0x2980, s31;
	[sflag:s23] =	ssyncadd.s32 $0xFFFFE000  }
0x85: {  	[spmem:s2] =	stream.indirect.scatter.add.f32 [tilespmem:s18], [sflag:$0x2], $0x40, s30, s14, $0xb8;
	[tilespmem:$0x1EE00] =	vst v63  }
0x86: {  	_ =	swait.ge [sflag:s23], $0x2000  }
0x87: {  	[sflag:s23] =	ssyncset.done $0x0  }
0x88: {  	s30 =	sadd.s32 $0x2A00, s31;
	[sflag:s23] =	ssyncadd.s32 $0xFFFFE000  }
0x89: {  	[spmem:s2] =	stream.indirect.scatter.add.f32 [tilespmem:s19], [sflag:$0x2], $0x40, s30, s14, $0xb8;
	[tilespmem:$0x1EE00] =	vst v63  }
0x8a: {  	_ =	swait.ge [sflag:s23], $0x2000  }
0x8b: {  	[sflag:s23] =	ssyncset.done $0x0  }
0x8c: {  	s30 =	sadd.s32 $0x2A80, s31;
	[sflag:s23] =	ssyncadd.s32 $0xFFFFE000  }
0x8d: {  	[spmem:s2] =	stream.indirect.scatter.add.f32 [tilespmem:s20], [sflag:$0x2], $0x40, s30, s14, $0xb8;
	[tilespmem:$0x1EE00] =	vst v63  }
0x8e: {  	_ =	swait.ge [sflag:s23], $0x2000  }
0x8f: {  	[sflag:s23] =	ssyncset.done $0x0  }
0x90: {  	s30 =	sadd.s32 $0x2B00, s31;
	[sflag:s23] =	ssyncadd.s32 $0xFFFFE000  }
0x91: {  	[spmem:s2] =	stream.indirect.scatter.add.f32 [tilespmem:s21], [sflag:$0x2], $0x40, s30, s14, $0xb8;
	[tilespmem:$0x1EE00] =	vst v63  }
0x92: {  	_ =	swait.ge [sflag:s23], $0x2000  }
0x93: {  	[sflag:s23] =	ssyncset.done $0x0  }
0x94: {  	s30 =	sadd.s32 $0x2B80, s31;
	[sflag:s23] =	ssyncadd.s32 $0xFFFFE000  }
0x95: {  	[spmem:s2] =	stream.indirect.scatter.add.f32 [tilespmem:s22], [sflag:$0x2], $0x40, s30, s14, $0xb8;
	[tilespmem:$0x1EE00] =	vst v63  }
0x96: {  	_ =	swait.ge [sflag:s24], $0x2000  }
0x97: {  	[sflag:s24] =	ssyncset.done $0x0  }
0x98: {  	[sflag:s24] =	ssyncadd.s32 $0xFFFFE000  }
0x99: {  	_ =	swait.ge [sflag:s24], $0x2000  }
0x9a: {  	[sflag:s24] =	ssyncset.done $0x0  }
0x9b: {  	[sflag:s24] =	ssyncadd.s32 $0xFFFFE000  }
0x9c: {  	_ =	swait.ge [sflag:s24], $0x2000  }
0x9d: {  	[sflag:s24] =	ssyncset.done $0x0  }
0x9e: {  	[sflag:s24] =	ssyncadd.s32 $0xFFFFE000  }
0x9f: {  	_ =	swait.ge [sflag:s24], $0x2000  }
0xa0: {  	[sflag:s24] =	ssyncset.done $0x0  }
0xa1: {  	[sflag:s24] =	ssyncadd.s32 $0xFFFFE000  }
0xa2: {  	_ =	swait.ge [sflag:s24], $0x2000  }
0xa3: {  	[sflag:s24] =	ssyncset.done $0x0  }
0xa4: {  	[sflag:s24] =	ssyncadd.s32 $0xFFFFE000  }
0xa5: {  	_ =	swait.ge [sflag:s24], $0x2000  }
0xa6: {  	[sflag:s24] =	ssyncset.done $0x0  }
0xa7: {  	[sflag:s24] =	ssyncadd.s32 $0xFFFFE000  }
.Ltmp0:
0xa8: {  	_ =	swait.ge [sflag:s24], $0x2000;
	(pc) =	sbr.rel @p0 .LBB2_2-.Ltmp0, $4  }
0xa9: {  	[sflag:s24] =	ssyncset.done $0x0  }
0xaa: {  	[sflag:s24] =	ssyncadd.s32 $0xFFFFE000  }
0xab: {  	_ =	swait.ge [sflag:s24], $0x2000  }
0xac: {  	s30 =	smov.u32 s1;
	[sflag:s24] =	ssyncset.done $0x0  }
0xad: {  	s1 =	sshra.s32 s29, $0x2;
	[sflag:s24] =	ssyncadd.s32 $0xFFFFE000  }
0xae: {  	[tilespmem:s15], [sflag:$0x1] =	stream.indirect.gather [hbm4b:s4+s14], $0x40, s1, s14, $0xb8;
	[tilespmem:$0x1EE00] =	vst v63  }
0xaf: {  	s29 =	sadd.s32 $0x80, s1  }
0xb0: {  	[tilespmem:s16], [sflag:$0x1] =	stream.indirect.gather [hbm4b:s4+s14], $0x40, s29, s14, $0xb8;
	[tilespmem:$0x1EE00] =	vst v63  }
0xb1: {  	s31 =	sadd.s32 $0x100, s1  }
0xb2: {  	[tilespmem:s17], [sflag:$0x1] =	stream.indirect.gather [hbm4b:s4+s14], $0x40, s31, s14, $0xb8;
	[tilespmem:$0x1EE00] =	vst v63  }
0xb3: {  	s30 =	sadd.s32 $0x180, s1  }
0xb4: {  	[tilespmem:s18], [sflag:$0x1] =	stream.indirect.gather [hbm4b:s4+s14], $0x40, s30, s14, $0xb8;
	[tilespmem:$0x1EE00] =	vst v63  }
0xb5: {  	s31 =	sadd.s32 $0x200, s1  }
0xb6: {  	[tilespmem:s19], [sflag:$0x1] =	stream.indirect.gather [hbm4b:s4+s14], $0x40, s31, s14, $0xb8;
	[tilespmem:$0x1EE00] =	vst v63  }
0xb7: {  	s30 =	sadd.s32 $0x280, s1  }
0xb8: {  	[tilespmem:s20], [sflag:$0x1] =	stream.indirect.gather [hbm4b:s4+s14], $0x40, s30, s14, $0xb8;
	[tilespmem:$0x1EE00] =	vst v63  }
0xb9: {  	s31 =	sadd.s32 $0x300, s1  }
0xba: {  	[tilespmem:s21], [sflag:$0x1] =	stream.indirect.gather [hbm4b:s4+s14], $0x40, s31, s14, $0xb8;
	[tilespmem:$0x1EE00] =	vst v63  }
0xbb: {  	s30 =	sadd.s32 $0x380, s1  }
0xbc: {  	[tilespmem:s22], [sflag:$0x1] =	stream.indirect.gather [hbm4b:s4+s14], $0x40, s30, s14, $0xb8;
	[tilespmem:$0x1EE00] =	vst v63  }
0xbd: {  	_ =	swait.ge [sflag:s23], $0x2000  }
0xbe: {  	[sflag:s23] =	ssyncset.done $0x0  }
0xbf: {  	s31 =	sadd.s32 $0x2800, s1;
	[sflag:s23] =	ssyncadd.s32 $0xFFFFE000  }
0xc0: {  	[spmem:s2] =	stream.indirect.scatter.add.f32 [tilespmem:s15], [sflag:$0x2], $0x40, s31, s14, $0xb8;
	[tilespmem:$0x1EE00] =	vst v63  }
0xc1: {  	_ =	swait.ge [sflag:s23], $0x2000  }
0xc2: {  	[sflag:s23] =	ssyncset.done $0x0  }
0xc3: {  	s30 =	sadd.s32 $0x2880, s1;
	[sflag:s23] =	ssyncadd.s32 $0xFFFFE000  }
0xc4: {  	[spmem:s2] =	stream.indirect.scatter.add.f32 [tilespmem:s16], [sflag:$0x2], $0x40, s30, s14, $0xb8;
	[tilespmem:$0x1EE00] =	vst v63  }
0xc5: {  	_ =	swait.ge [sflag:s23], $0x2000  }
0xc6: {  	[sflag:s23] =	ssyncset.done $0x0  }
0xc7: {  	s31 =	sadd.s32 $0x2900, s1;
	[sflag:s23] =	ssyncadd.s32 $0xFFFFE000  }
0xc8: {  	[spmem:s2] =	stream.indirect.scatter.add.f32 [tilespmem:s17], [sflag:$0x2], $0x40, s31, s14, $0xb8;
	[tilespmem:$0x1EE00] =	vst v63  }
0xc9: {  	_ =	swait.ge [sflag:s23], $0x2000  }
0xca: {  	[sflag:s23] =	ssyncset.done $0x0  }
0xcb: {  	s30 =	sadd.s32 $0x2980, s1;
	[sflag:s23] =	ssyncadd.s32 $0xFFFFE000  }
0xcc: {  	[spmem:s2] =	stream.indirect.scatter.add.f32 [tilespmem:s18], [sflag:$0x2], $0x40, s30, s14, $0xb8;
	[tilespmem:$0x1EE00] =	vst v63  }
0xcd: {  	_ =	swait.ge [sflag:s23], $0x2000  }
0xce: {  	[sflag:s23] =	ssyncset.done $0x0  }
0xcf: {  	s31 =	sadd.s32 $0x2A00, s1;
	[sflag:s23] =	ssyncadd.s32 $0xFFFFE000  }
0xd0: {  	[spmem:s2] =	stream.indirect.scatter.add.f32 [tilespmem:s19], [sflag:$0x2], $0x40, s31, s14, $0xb8;
	[tilespmem:$0x1EE00] =	vst v63  }
0xd1: {  	_ =	swait.ge [sflag:s23], $0x2000  }
0xd2: {  	[sflag:s23] =	ssyncset.done $0x0  }
0xd3: {  	s30 =	sadd.s32 $0x2A80, s1;
	[sflag:s23] =	ssyncadd.s32 $0xFFFFE000  }
0xd4: {  	[spmem:s2] =	stream.indirect.scatter.add.f32 [tilespmem:s20], [sflag:$0x2], $0x40, s30, s14, $0xb8;
	[tilespmem:$0x1EE00] =	vst v63  }
0xd5: {  	_ =	swait.ge [sflag:s23], $0x2000  }
0xd6: {  	[sflag:s23] =	ssyncset.done $0x0  }
0xd7: {  	s31 =	sadd.s32 $0x2B00, s1;
	[sflag:s23] =	ssyncadd.s32 $0xFFFFE000  }
0xd8: {  	[spmem:s2] =	stream.indirect.scatter.add.f32 [tilespmem:s21], [sflag:$0x2], $0x40, s31, s14, $0xb8;
	[tilespmem:$0x1EE00] =	vst v63  }
0xd9: {  	_ =	swait.ge [sflag:s23], $0x2000  }
0xda: {  	[sflag:s23] =	ssyncset.done $0x0  }
0xdb: {  	s1 =	sadd.s32 $0x2B80, s1;
	[sflag:s23] =	ssyncadd.s32 $0xFFFFE000  }
0xdc: {  	[spmem:s2] =	stream.indirect.scatter.add.f32 [tilespmem:s22], [sflag:$0x2], $0x40, s1, s14, $0xb8;
	[tilespmem:$0x1EE00] =	vst v63  }
0xdd: {  	_ =	swait.ge [sflag:s24], $0x2000  }
0xde: {  	[sflag:s24] =	ssyncset.done $0x0  }
0xdf: {  	[sflag:s24] =	ssyncadd.s32 $0xFFFFE000  }
0xe0: {  	_ =	swait.ge [sflag:s24], $0x2000  }
0xe1: {  	[sflag:s24] =	ssyncset.done $0x0  }
0xe2: {  	[sflag:s24] =	ssyncadd.s32 $0xFFFFE000  }
0xe3: {  	_ =	swait.ge [sflag:s24], $0x2000  }
0xe4: {  	[sflag:s24] =	ssyncset.done $0x0  }
0xe5: {  	[sflag:s24] =	ssyncadd.s32 $0xFFFFE000  }
0xe6: {  	_ =	swait.ge [sflag:s24], $0x2000  }
0xe7: {  	[sflag:s24] =	ssyncset.done $0x0  }
0xe8: {  	[sflag:s24] =	ssyncadd.s32 $0xFFFFE000  }
0xe9: {  	_ =	swait.ge [sflag:s24], $0x2000  }
0xea: {  	[sflag:s24] =	ssyncset.done $0x0  }
0xeb: {  	[sflag:s24] =	ssyncadd.s32 $0xFFFFE000  }
0xec: {  	_ =	swait.ge [sflag:s24], $0x2000  }
0xed: {  	[sflag:s24] =	ssyncset.done $0x0  }
0xee: {  	[sflag:s24] =	ssyncadd.s32 $0xFFFFE000  }
0xef: {  	_ =	swait.ge [sflag:s24], $0x2000  }
0xf0: {  	[sflag:s24] =	ssyncset.done $0x0  }
0xf1: {  	[sflag:s24] =	ssyncadd.s32 $0xFFFFE000  }
0xf2: {  	_ =	swait.ge [sflag:s24], $0x2000  }
0xf3: {  	s28 =	sadd.s32 $0x1, s28;
	[sflag:s24] =	ssyncset.done $0x0  }
0xf4: {  	p0 =	sne.s32 s28, s10;
	[sflag:s24] =	ssyncadd.s32 $0xFFFFE000  }
.Ltmp1:
0xf5: {  	[bflag:$0x0] =	sbarrier.arrive $0xFFFF;
	(pc) =	sbr.rel @p0 .LBB2_1-.Ltmp1, $4  }
0xf6: {  	[hbm:s9@s25], [sflag:s6] =	dma.strided [spmem:s11@s26], $0x13C0, s23, $0x8   }
0xf7: {  	_ =	swait.ge [sflag:s12], $0x13C0  }
0xf8: {  	[sflag:s12] =	ssyncset.done $0x0  }
0xf9: {  	[sflag:s12] =	ssyncadd.s32 $0xFFFFEC40  }
0xfa: {  	_ =	sfence.sel $0x180000  }
0xfb: {  	[bflag:$0x0] =	sbarrier.arrive $0xFFFF  }
0xfc: {  	_ =	strace $0x90000050  }
0xfd: {  	[bflag:$0x2] =	sbarrier.arrive $0xFFFF  }
0xfe: {  	p0 =	sne.s32 s0, $0x0;
	s0 =	rddreg [dreg:$0x2]  }
0xff: {  	s0 =	sadd.s32 @!p0 $0x100000, s0  }
0x100: {  	[sflag:s0] =	ssyncadd.tile.s32 @!p0 $0x1;
	_ =	shalt  }
.Lfunc_end2:
_tile_overlayer_lowered:
.L_overlay_start_2:
0x101: {  	(tag) =	ssettag $0x2  }
0x102: {  	s0 =	rddreg [dreg:$0x0];
	s2 =	stileid.u32  }
0x103: {  	s1 =	rddreg [dreg:$0x1];
	p0 =	sne.s32 s2, $0x0  }
0x104: {  	s3 =	rddreg [dreg:$0x2];
	[bflag:$0x3] =	sbarrier.arrive $0xFFFF;
	s2 =	simm.s32 @!p0 $0x1C03  }
0x105: {  	[timem:s3], [sflag:s2] =	dma.local @!p0 [hbm:s0], s1  }
0x106: {  	s0 =	simm.s32 @!p0 $0x3  }
0x107: {  	_ =	swait.ge @!p0 [sflag:s0], s1  }
0x108: {  	s1 =	ssub.s32 @!p0 $0x0, s1;
	[sflag:s0] =	ssyncset.done @!p0 $0x0  }
0x109: {  	[sflag:s0] =	ssyncadd.s32 @!p0 s1  }
0x10a: {  	[bflag:$0x3] =	sbarrier.arrive $0xFFFF  }
0x10b: {  	_ =	shalt  }

</sc_bundles>
